<compile_context>
chip_gen: v7x
topology: tpu7x:2x2x1
jax: 0.10.2.dev20260603
libtpu: 0.0.44.dev20260713+nightly
codegen_flags: <defaults>
</compile_context>

<pallas_src>
import functools
import jax
import jax.numpy as jnp
from jax import lax
from jax.experimental import pallas as pl
from jax.experimental.pallas import tpu as pltpu
from jax.experimental.pallas import tpu_sc as plsc

N = 10000
E = 160000
L = 3
D_IN = 128
H = 8
D_OUT = 64
HD = H * D_OUT
SLOPE = 0.01

EB = 1280
NSTEPS = E // EB

NC = 2
NS = 16
LANES = 16
HH = H // NC

E_PAD = 163840
TCHUNK = E_PAD // NS
SUB = TCHUNK // 2
SGROUPS = SUB // LANES
NP = N + 112

EH_A = 80640
EH_B = E - EH_A
AGG_B = 80
CCOL = HD // NC
PCOL = 128
AGG_STRIPE = 626
ACC_ROWS = NS * AGG_STRIPE
ZROWS = 48
WB = 624


def _enc_body(em_ref, v_ref, elT_ref, elmax_ref):
    em = em_ref[...]
    el = jnp.dot(em, v_ref[...], preferred_element_type=jnp.float32)
    elT_ref[...] = el.T
    cur = jnp.max(el, axis=0, keepdims=True)
    elmax_ref[...] = jnp.where(pl.program_id(0) == 0, cur,
                               jnp.maximum(elmax_ref[...], cur))


def _er_body(nf_ref, wr_ref, wenc_ref, attnl_ref, erT_ref, ermax_ref, v_ref):
    er = jnp.dot(nf_ref[...], wr_ref[...].T, preferred_element_type=jnp.float32)
    erT_ref[...] = er.T
    ermax_ref[...] = jnp.max(er, axis=0, keepdims=True)
    w = wenc_ref[...] * attnl_ref[...]
    cols = []
    for h in range(H):
        cols.append(jnp.sum(w[:, h * D_OUT:(h + 1) * D_OUT], axis=1, keepdims=True))
    v_ref[...] = jnp.concatenate(cols, axis=1)


def _msg_body(em_ref, aT_ref, wenc_ref, msg_ref):
    ef = jnp.dot(em_ref[...], wenc_ref[...], preferred_element_type=jnp.float32)
    a = aT_ref[...].T
    for h in range(H):
        msg_ref[h // 2, :, (h % 2) * D_OUT:(h % 2 + 1) * D_OUT] = (
            ef[:, h * D_OUT:(h + 1) * D_OUT] * a[:, h:h + 1])


_MESH = plsc.VectorSubcoreMesh(
    core_axis_name="c", subcore_axis_name="s", num_cores=NC, num_subcores=NS)
_SC_PARAMS = pltpu.CompilerParams(use_tc_tiling_on_sc=False,
                                  needs_layout_passes=False)


@functools.partial(
    pl.kernel,
    out_type=jax.ShapeDtypeStruct((NC, HH, E_PAD), jnp.float32),
    mesh=_MESH,
    scratch_types=[
        pltpu.VMEM((TCHUNK,), jnp.int32),
        pltpu.VMEM((HH, SUB), jnp.float32),
        pltpu.VMEM((HH, NP), jnp.float32),
        pltpu.VMEM((HH, NP), jnp.float32),
        pltpu.VMEM((HH, LANES), jnp.float32),
        pltpu.VMEM((HH,), jnp.int32),
        pltpu.VMEM_SHARED((HH, NP), jnp.float32),
    ],
    compiler_params=_SC_PARAMS,
)
def _sc_softmax(elT_hbm, dst_hbm, erT_hbm, cs_hbm, zeros4_hbm, rowidx_hbm,
                aT_hbm, dst_v, buf_v, er_v, part_v, c_v, rowidx_v, acc_sh):
    c = lax.axis_index("c")
    s = lax.axis_index("s")
    chunk = s * TCHUNK

    pltpu.sync_copy(dst_hbm.at[pl.ds(chunk, TCHUNK)], dst_v)
    pltpu.sync_copy(erT_hbm.at[c], er_v)
    pltpu.sync_copy(cs_hbm.at[c], c_v)
    pltpu.sync_copy(rowidx_hbm, rowidx_v)
    pltpu.sync_copy(zeros4_hbm, part_v)

    @pl.when(s == 0)
    def _():
        pltpu.sync_copy(zeros4_hbm, acc_sh)
    plsc.subcore_barrier()

    for sub in range(2):
        pltpu.sync_copy(
            elT_hbm.at[c, :, pl.ds(chunk + sub * SUB, SUB)], buf_v)

        def p1(g, carry):
            off = pl.multiple_of(g * LANES, LANES)
            idx = dst_v[pl.ds(sub * SUB + off, LANES)]
            for h in range(HH):
                hv = jnp.full((LANES,), h, jnp.int32)
                l = buf_v[h, pl.ds(off, LANES)]
                r = plsc.load_gather(er_v, [hv, idx])
                e = l + r
                e = jnp.where(e > 0, e, SLOPE * e)
                ex = jnp.exp(e - c_v[h, :])
                buf_v[h, pl.ds(off, LANES)] = ex
                plsc.addupdate_scatter(part_v, [hv, idx], ex)
            return carry

        lax.fori_loop(0, SGROUPS, p1, 0)
        pltpu.sync_copy(
            buf_v, aT_hbm.at[c, :, pl.ds(chunk + sub * SUB, SUB)])

    pltpu.sync_copy(part_v, acc_sh.at[rowidx_v], add=True)
    plsc.subcore_barrier()
    pltpu.sync_copy(acc_sh, er_v)

    for sub in range(2):
        pltpu.sync_copy(
            aT_hbm.at[c, :, pl.ds(chunk + sub * SUB, SUB)], buf_v)

        def p3(g, carry):
            off = pl.multiple_of(g * LANES, LANES)
            idx = dst_v[pl.ds(sub * SUB + off, LANES)]
            for h in range(HH):
                hv = jnp.full((LANES,), h, jnp.int32)
                d = plsc.load_gather(er_v, [hv, idx])
                buf_v[h, pl.ds(off, LANES)] = buf_v[h, pl.ds(off, LANES)] / d
            return carry

        lax.fori_loop(0, SGROUPS, p3, 0)
        pltpu.sync_copy(
            buf_v, aT_hbm.at[c, :, pl.ds(chunk + sub * SUB, SUB)])


def _make_sc_aggregate(eh, with_init):
  agg_t = eh // NS
  agg_nb = agg_t // AGG_B

  @functools.partial(
      pl.kernel,
      out_type=jax.ShapeDtypeStruct((N, HD), jnp.float32),
      mesh=_MESH,
      scratch_types=(
          [pltpu.VMEM((agg_t,), jnp.int32)]
          + [pltpu.VMEM((AGG_B, PCOL), jnp.float32) for _ in range(3)]
          + [pltpu.VMEM((ZROWS, PCOL), jnp.float32)]
          + [pltpu.VMEM((AGG_B,), jnp.int32) for _ in range(3)]
          + [pltpu.SemaphoreType.DMA for _ in range(6)]
          + [pltpu.VMEM_SHARED((ACC_ROWS, PCOL), jnp.float32)]
      ),
      compiler_params=_SC_PARAMS,
  )
  def _sc_aggregate(msg_hbm, dst_hbm, *rest):
    if with_init:
        init_hbm, out_hbm = rest[0], rest[1]
        rest = rest[2:]
    else:
        out_hbm = rest[0]
        rest = rest[1:]
    (dst_v, b0, b1, b2, zbuf, i0, i1, i2,
     g0, g1, g2, s0, s1, s2, acc_sh) = rest
    AGG_NB = agg_nb
    c = lax.axis_index("c")
    s = lax.axis_index("s")
    estart = s * agg_t
    bufs, idxs = (b0, b1, b2), (i0, i1, i2)
    gsems, ssems = (g0, g1, g2), (s0, s1, s2)

    pltpu.sync_copy(dst_hbm.at[pl.ds(estart, agg_t)], dst_v)

    zv = jnp.zeros((LANES,), jnp.float32)

    def zb(i, carry):
        r = i // (PCOL // LANES)
        k = lax.rem(i, PCOL // LANES)
        zbuf[r, pl.ds(pl.multiple_of(k * LANES, LANES), LANES)] = zv
        return carry

    lax.fori_loop(0, ZROWS * PCOL // LANES, zb, 0)

    for cp in range(CCOL // PCOL):
        colbase = c * CCOL + cp * PCOL
        cg = c * (CCOL // PCOL) + cp

        def _slab(b):
            boff = pl.multiple_of(b * AGG_B, 8)
            return msg_hbm.at[cg, pl.ds(estart + boff, AGG_B), :]

        if with_init:
            @pl.when(s < NS - 1)
            def _():
                pltpu.sync_copy(
                    init_hbm.at[pl.ds(s * AGG_STRIPE, AGG_STRIPE),
                                pl.ds(colbase, PCOL)],
                    acc_sh.at[pl.ds(s * AGG_STRIPE, AGG_STRIPE)])

            @pl.when(s == NS - 1)
            def _():
                pltpu.sync_copy(
                    init_hbm.at[pl.ds((NS - 1) * AGG_STRIPE,
                                      N - (NS - 1) * AGG_STRIPE),
                                pl.ds(colbase, PCOL)],
                    acc_sh.at[pl.ds((NS - 1) * AGG_STRIPE,
                                    N - (NS - 1) * AGG_STRIPE)])
        else:
            for z8 in range(AGG_STRIPE // ZROWS):
                pltpu.sync_copy(
                    zbuf, acc_sh.at[pl.ds(s * AGG_STRIPE + z8 * ZROWS, ZROWS)])
            pltpu.sync_copy(
                zbuf.at[pl.ds(0, AGG_STRIPE - ZROWS * (AGG_STRIPE // ZROWS))],
                acc_sh.at[pl.ds(
                    s * AGG_STRIPE + ZROWS * (AGG_STRIPE // ZROWS),
                    AGG_STRIPE - ZROWS * (AGG_STRIPE // ZROWS))])
        plsc.subcore_barrier()

        pltpu.async_copy(_slab(0), bufs[0], gsems[0])
        pltpu.async_copy(_slab(1), bufs[1], gsems[1])

        def blk(b, carry):
            for slot in range(3):
                @pl.when(lax.rem(b, 3) == slot)
                def _():
                    buf, idxv = bufs[slot], idxs[slot]

                    def grp(j, carry2):
                        joff = pl.multiple_of(j * LANES, LANES)
                        boff = pl.multiple_of(b * AGG_B, 8)
                        idxv[pl.ds(joff, LANES)] = dst_v[pl.ds(boff + joff, LANES)]
                        return carry2

                    lax.fori_loop(0, AGG_B // LANES, grp, 0)
                    pltpu.make_async_copy(_slab(b), buf, gsems[slot]).wait()
                    pltpu.async_copy(buf, acc_sh.at[idxv], ssems[slot], add=True)

                    pre = (slot + 2) % 3

                    @pl.when(b + 2 < AGG_NB)
                    def _():
                        @pl.when(b >= 1)
                        def _():
                            pltpu.make_async_copy(
                                bufs[pre], acc_sh.at[idxs[pre]], ssems[pre]).wait()
                        pltpu.async_copy(_slab(b + 2), bufs[pre], gsems[pre])
            return carry

        lax.fori_loop(0, AGG_NB, blk, 0)

        for k in range(max(0, agg_nb - 3), agg_nb):
            slot = k % 3
            pltpu.make_async_copy(
                bufs[slot], acc_sh.at[idxs[slot]], ssems[slot]).wait()
        plsc.subcore_barrier()

        pltpu.sync_copy(
            acc_sh.at[pl.ds(s * WB, WB)],
            out_hbm.at[pl.ds(s * WB, WB), pl.ds(colbase, PCOL)])

        @pl.when(s == 0)
        def _():
            pltpu.sync_copy(
                acc_sh.at[pl.ds(NS * WB, N - NS * WB)],
                out_hbm.at[pl.ds(NS * WB, N - NS * WB), pl.ds(colbase, PCOL)])
        plsc.subcore_barrier()

  return _sc_aggregate


_SC_AGG_A = _make_sc_aggregate(EH_A, False)
_SC_AGG_B = _make_sc_aggregate(EH_B, True)


def _msg_call(em, aT, wenc, eh, offb):
    nsteps = eh // EB
    return pl.pallas_call(
        _msg_body,
        grid=(nsteps,),
        in_specs=[
            pl.BlockSpec((EB, D_IN), lambda i: (i + offb, 0)),
            pl.BlockSpec((H, EB), lambda i: (0, i + offb)),
            pl.BlockSpec((D_IN, HD), lambda i: (0, 0)),
        ],
        out_specs=pl.BlockSpec((HD // PCOL, EB, PCOL), lambda i: (0, i, 0)),
        out_shape=jax.ShapeDtypeStruct((HD // PCOL, eh, PCOL), jnp.float32),
    )(em, aT, wenc)


def kernel(node_feat, edge_feat, edge_index, W_enc, attn_l, W_r):
    dst = edge_index[1]
    attnl_flat = attn_l.reshape(1, HD)
    em = (edge_feat[:, 0, :] + edge_feat[:, 1, :] + edge_feat[:, 2, :]) * (
        jnp.float32(1.0 / L))
    W_enc_l = W_enc

    erT, ermax, V = pl.pallas_call(
        _er_body,
        out_shape=[
            jax.ShapeDtypeStruct((H, N), jnp.float32),
            jax.ShapeDtypeStruct((1, H), jnp.float32),
            jax.ShapeDtypeStruct((D_IN, H), jnp.float32),
        ],
    )(node_feat, W_r, W_enc, attnl_flat)

    elT, elmax = pl.pallas_call(
        _enc_body,
        grid=(NSTEPS,),
        in_specs=[
            pl.BlockSpec((EB, D_IN), lambda i: (i, 0)),
            pl.BlockSpec((D_IN, H), lambda i: (0, 0)),
        ],
        out_specs=[
            pl.BlockSpec((H, EB), lambda i: (0, i)),
            pl.BlockSpec((1, H), lambda i: (0, 0)),
        ],
        out_shape=[
            jax.ShapeDtypeStruct((H, E), jnp.float32),
            jax.ShapeDtypeStruct((1, H), jnp.float32),
        ],
    )(em, V)

    C = jax.nn.relu(elmax[0] + ermax[0])

    elT_pad = jnp.pad(elT, ((0, 0), (0, E_PAD - E))).reshape(NC, HH, E_PAD)
    dst_pad = jnp.concatenate([dst, jnp.full((E_PAD - E,), N, jnp.int32)])
    erT_pad = jnp.pad(erT, ((0, 0), (0, NP - N))).reshape(NC, HH, NP)
    cs = jnp.broadcast_to(C[:, None], (H, LANES)).reshape(NC, HH, LANES)
    zeros4 = jnp.zeros((HH, NP), jnp.float32)
    rowidx = jnp.arange(HH, dtype=jnp.int32)

    aT_full = _sc_softmax(elT_pad, dst_pad, erT_pad, cs, zeros4, rowidx)
    aT = aT_full.reshape(H, E_PAD)[:, :E]

    msg_a = _msg_call(em, aT, W_enc_l, EH_A, 0)
    out_a = _SC_AGG_A(msg_a, dst[:EH_A])
    msg_b = _msg_call(em, aT, W_enc_l, EH_B, EH_A // EB)
    out = _SC_AGG_B(msg_b, dst[EH_A:], out_a)
    return out.reshape(N, H, D_OUT)

# --- scband reference (transcript-rebuilt; emitter-appended) ---
"""Pipeline reference for scband-intra-metapath-aggregation-86706799772308 (READ-ONLY COPY).

The authoritative reference and input builder live on the scoring server;
editing this copy changes nothing except your own understanding.
"""

import jax, jax.numpy as jnp
import numpy as np

N = 10000
E = 160000
L = 3
D_IN = 128
H = 8
D_OUT = 64
SLOPE = 0.01


def setup_inputs(seed: int = 0) -> dict:
    key = jax.random.key(seed)
    ks = jax.random.split(key, 6)
    node_feat = jax.random.normal(ks[0], (N, D_IN), dtype=jnp.float32)
    edge_feat = jax.random.normal(ks[1], (E, L, D_IN), dtype=jnp.float32)
    edge_index = jax.random.randint(ks[2], (2, E), 0, N, dtype=jnp.int32)
    # learned params
    W_enc = jax.random.normal(ks[3], (D_IN, H * D_OUT), dtype=jnp.float32) / np.sqrt(D_IN)
    attn_l = jax.random.normal(ks[4], (1, H, D_OUT), dtype=jnp.float32) * 0.1
    W_r = jax.random.normal(ks[5], (H, D_IN), dtype=jnp.float32) / np.sqrt(D_IN)
    return {"node_feat": node_feat, "edge_feat": edge_feat, "edge_index": edge_index,
            "W_enc": W_enc, "attn_l": attn_l, "W_r": W_r}


def reference(node_feat, edge_feat, edge_index, W_enc, attn_l, W_r):
    dst = edge_index[1]
    # 'linear' metapath-instance encoder: mean over intermediate nodes + linear proj
    ef = (jnp.mean(edge_feat, axis=1) @ W_enc).reshape(E, H, D_OUT)  # (E,H,D_out)
    el = jnp.sum(ef * attn_l, axis=-1)              # (E,H)
    er = node_feat @ W_r.T                          # (N,H)  attn_r linear, no bias
    e = el + er[dst]                                # e_add_v
    e = jnp.where(e > 0, e, SLOPE * e)              # LeakyReLU
    # edge_softmax grouped by dst node
    m = jax.ops.segment_max(e, dst, num_segments=N)
    m = jnp.where(jnp.isfinite(m), m, 0.0)
    ex = jnp.exp(e - m[dst])
    denom = jax.ops.segment_sum(ex, dst, num_segments=N)
    a = ex / denom[dst]                             # (E,H)  attn_drop p=0 -> identity
    msg = ef * a[:, :, None]                        # (E,H,D_out)
    out = jax.ops.segment_sum(msg, dst, num_segments=N)  # (N,H,D_out)
    return out

if __name__ == "__main__":
    import jax
    _d = setup_inputs()
    print(jax.jit(kernel)(*tuple(_d.values())))

</pallas_src>

<mosaic_0001>
#map = affine_map<(d0, d1) -> (0, 0, 0)>
#map1 = affine_map<(d0, d1) -> (0)>
#map2 = affine_map<(d0, d1) -> (0, 0)>
module attributes {stable_mosaic.version = 14 : i64} {
  func.func @_sc_aggregate(%arg0: i32, %arg1: i32, %arg2: memref<4x79360x128xf32, #tpu.memory_space<hbm>>, %arg3: memref<79360xi32, #tpu.memory_space<hbm>>, %arg4: memref<10000x512xf32, #tpu.memory_space<hbm>>, %arg5: memref<10000x512xf32, #tpu.memory_space<hbm>>, %arg6: memref<4960xi32, #tpu.memory_space<vmem>>, %arg7: memref<80x128xf32, #tpu.memory_space<vmem>>, %arg8: memref<80x128xf32, #tpu.memory_space<vmem>>, %arg9: memref<80x128xf32, #tpu.memory_space<vmem>>, %arg10: memref<48x128xf32, #tpu.memory_space<vmem>>, %arg11: memref<80xi32, #tpu.memory_space<vmem>>, %arg12: memref<80xi32, #tpu.memory_space<vmem>>, %arg13: memref<80xi32, #tpu.memory_space<vmem>>, %arg14: memref<!tpu.dma_semaphore, #tpu.memory_space<semaphore_mem>>, %arg15: memref<!tpu.dma_semaphore, #tpu.memory_space<semaphore_mem>>, %arg16: memref<!tpu.dma_semaphore, #tpu.memory_space<semaphore_mem>>, %arg17: memref<!tpu.dma_semaphore, #tpu.memory_space<semaphore_mem>>, %arg18: memref<!tpu.dma_semaphore, #tpu.memory_space<semaphore_mem>>, %arg19: memref<!tpu.dma_semaphore, #tpu.memory_space<semaphore_mem>>, %arg20: memref<10016x128xf32, #tpu.memory_space<vmem_shared>>) attributes {dimension_semantics = [#tpu.dimension_semantics<core_parallel>, #tpu.dimension_semantics<subcore_parallel>], iteration_bounds = array<i64: 2, 16>, scalar_prefetch = 0 : i64, scratch_operands = 15 : i64, tpu.core_type = #tpu.core_type<sc_vector_subcore>, window_params = [{transform_indices = #map}, {transform_indices = #map1}, {transform_indices = #map2}, {transform_indices = #map2}]} {
    %mul3A = arith.constant 4960 : i32
    %mul3A_0 = arith.muli %arg1, %mul3A : i32
    "tpu.region"() ({
      %run_scoped3A = tpu.sem_alloc : memref<!tpu.dma_semaphore, #tpu.memory_space<semaphore_mem>>
      %dma_start3A_124 = tpu.memref_slice %arg3[%mul3A_0] : memref<79360xi32, #tpu.memory_space<hbm>> -> memref<4960xi32, #tpu.memory_space<hbm>>
      %dma_start3A_125 = tpu.memref_slice %arg3[%mul3A_0] : memref<79360xi32, #tpu.memory_space<hbm>> -> memref<4960xi32, #tpu.memory_space<hbm>>
      tpu.enqueue_dma source(%dma_start3A_125 : memref<4960xi32, #tpu.memory_space<hbm>>) target(%arg6 : memref<4960xi32, #tpu.memory_space<vmem>>) target_semaphore(%run_scoped3A : memref<!tpu.dma_semaphore, #tpu.memory_space<semaphore_mem>>)
      %dma_wait3A_126 = tpu.memref_slice %arg3[%mul3A_0] : memref<79360xi32, #tpu.memory_space<hbm>> -> memref<4960xi32, #tpu.memory_space<hbm>>
      %dma_wait3A_127 = tpu.memref_slice %arg3[%mul3A_0] : memref<79360xi32, #tpu.memory_space<hbm>> -> memref<4960xi32, #tpu.memory_space<hbm>>
      tpu.wait_dma2 semaphore(%run_scoped3A : memref<!tpu.dma_semaphore, #tpu.memory_space<semaphore_mem>>) src(%dma_wait3A_127 : memref<4960xi32, #tpu.memory_space<hbm>>) dst(%arg6 : memref<4960xi32, #tpu.memory_space<vmem>>)
      tpu.yield
    }) : () -> ()
    %broadcast_in_dim3A = arith.constant 0.000000e+00 : f32
    %broadcast_in_dim3A_1 = vector.broadcast %broadcast_in_dim3A : f32 to vector<16xf32>
    %scan3A = arith.constant 0 : i32
    %scan3A_2 = arith.constant 0 : i32
    %scan3A_3 = arith.constant 384 : i32
    %scan3A_4 = arith.addi %scan3A_2, %scan3A_3 : i32
    %scan3A_5 = arith.constant 1 : i32
    scf.for %scan3A_124 = %scan3A_2 to %scan3A_4 step %scan3A_5  : i32 {
      %jit3A = arith.constant 8 : i32
      %div3A = arith.divsi %scan3A_124, %jit3A : i32
      %sign3A = arith.constant 0 : i32
      %sign3A_125 = arith.cmpi sgt, %scan3A_124, %sign3A : i32
      %sign3A_126 = arith.extui %sign3A_125 : i1 to i32
      %sign3A_127 = arith.constant 0 : i32
      %sign3A_128 = arith.cmpi slt, %scan3A_124, %sign3A_127 : i32
      %sign3A_129 = arith.extui %sign3A_128 : i1 to i32
      %sign3A_130 = arith.subi %sign3A_126, %sign3A_129 : i32
      %sign3A_131 = arith.constant 0 : i32
      %sign3A_132 = arith.cmpi sgt, %jit3A, %sign3A_131 : i32
      %sign3A_133 = arith.extui %sign3A_132 : i1 to i32
      %sign3A_134 = arith.constant 0 : i32
      %sign3A_135 = arith.cmpi slt, %jit3A, %sign3A_134 : i32
      %sign3A_136 = arith.extui %sign3A_135 : i1 to i32
      %sign3A_137 = arith.subi %sign3A_133, %sign3A_136 : i32
      %ne3A = arith.cmpi ne, %sign3A_130, %sign3A_137 : i32
      %rem3A = arith.remsi %scan3A_124, %jit3A : i32
      %ne3A_138 = arith.constant 0 : i32
      %ne3A_139 = arith.cmpi ne, %rem3A, %ne3A_138 : i32
      %and3A = arith.andi %ne3A, %ne3A_139 : i1
      %sub3A = arith.constant 1 : i32
      %sub3A_140 = arith.subi %div3A, %sub3A : i32
      %select_n3A = arith.select %and3A, %sub3A_140, %div3A : i32
      %rem3A_141 = arith.constant 8 : i32
      %rem3A_142 = arith.remsi %scan3A_124, %rem3A_141 : i32
      %mul3A_143 = arith.constant 16 : i32
      %mul3A_144 = arith.muli %rem3A_142, %mul3A_143 : i32
      %multiple_of3A_145 = tpu.assume_multiple %mul3A_144, 16 : i32
      %swap3A = arith.index_cast %select_n3A : i32 to index
      %swap3A_146 = arith.index_cast %multiple_of3A_145 : i32 to index
      %swap3A_147 = tpu.vector_load %arg10[%swap3A, %swap3A_146] {strides = array<i32>} : memref<48x128xf32, #tpu.memory_space<vmem>>, vector<16xf32>,
      tpu.vector_store %arg10[%swap3A, %swap3A_146], %broadcast_in_dim3A_1 {strides = array<i32>} : memref<48x128xf32, #tpu.memory_space<vmem>>, vector<16xf32>,
    }
    %scan3A_6 = arith.constant 384 : i32
    %mul3A_7 = arith.constant 256 : i32
    %mul3A_8 = arith.muli %arg0, %mul3A_7 : i32
    %add3A = arith.constant 0 : i32
    %add3A_9 = arith.addi %mul3A_8, %add3A : i32
    %mul3A_10 = arith.constant 2 : i32
    %mul3A_11 = arith.muli %arg0, %mul3A_10 : i32
    %add3A_12 = arith.constant 0 : i32
    %add3A_13 = arith.addi %mul3A_11, %add3A_12 : i32
    %lt3A = arith.constant 15 : i32
    %lt3A_14 = arith.cmpi slt, %arg1, %lt3A : i32
    %convert_element_type3A = arith.extui %lt3A_14 : i1 to i32
    %cond3A = arith.constant 0 : i32
    %cond3A_15 = arith.cmpi ne, %convert_element_type3A, %cond3A : i32
    scf.if %cond3A_15 {
      %mul3A_124 = arith.constant 626 : i32
      %mul3A_125 = arith.muli %arg1, %mul3A_124 : i32
      %mul3A_126 = arith.constant 626 : i32
      %mul3A_127 = arith.muli %arg1, %mul3A_126 : i32
      "tpu.region"() ({
        %run_scoped3A = tpu.sem_alloc : memref<!tpu.dma_semaphore, #tpu.memory_space<semaphore_mem>>
        %dma_start3A_128 = arith.constant 0 : i32
        %dma_start3A_129 = tpu.memref_slice %arg20[%mul3A_127, %dma_start3A_128] : memref<10016x128xf32, #tpu.memory_space<vmem_shared>> -> memref<626x128xf32, #tpu.memory_space<vmem_shared>>
        %dma_start3A_130 = tpu.memref_slice %arg4[%mul3A_125, %add3A_9] : memref<10000x512xf32, #tpu.memory_space<hbm>> -> memref<626x128xf32, #tpu.memory_space<hbm>>
        tpu.enqueue_dma source(%dma_start3A_130 : memref<626x128xf32, #tpu.memory_space<hbm>>) target(%dma_start3A_129 : memref<626x128xf32, #tpu.memory_space<vmem_shared>>) target_semaphore(%run_scoped3A : memref<!tpu.dma_semaphore, #tpu.memory_space<semaphore_mem>>)
        %dma_wait3A_131 = arith.constant 0 : i32
        %dma_wait3A_132 = tpu.memref_slice %arg20[%mul3A_127, %dma_wait3A_131] : memref<10016x128xf32, #tpu.memory_space<vmem_shared>> -> memref<626x128xf32, #tpu.memory_space<vmem_shared>>
        %dma_wait3A_133 = tpu.memref_slice %arg4[%mul3A_125, %add3A_9] : memref<10000x512xf32, #tpu.memory_space<hbm>> -> memref<626x128xf32, #tpu.memory_space<hbm>>
        tpu.wait_dma2 semaphore(%run_scoped3A : memref<!tpu.dma_semaphore, #tpu.memory_space<semaphore_mem>>) src(%dma_wait3A_133 : memref<626x128xf32, #tpu.memory_space<hbm>>) dst(%dma_wait3A_132 : memref<626x128xf32, #tpu.memory_space<vmem_shared>>)
        tpu.yield
      }) : () -> ()
    } else {
    }
    %eq3A = arith.constant 15 : i32
    %eq3A_16 = arith.cmpi eq, %arg1, %eq3A : i32
    %convert_element_type3A_17 = arith.extui %eq3A_16 : i1 to i32
    %cond3A_18 = arith.constant 0 : i32
    %cond3A_19 = arith.cmpi ne, %convert_element_type3A_17, %cond3A_18 : i32
    scf.if %cond3A_19 {
      "tpu.region"() ({
        %run_scoped3A = tpu.sem_alloc : memref<!tpu.dma_semaphore, #tpu.memory_space<semaphore_mem>>
        %dma_start3A_124 = arith.constant 9390 : i32
        %dma_start3A_125 = arith.constant 0 : i32
        %dma_start3A_126 = tpu.memref_slice %arg20[%dma_start3A_124, %dma_start3A_125] : memref<10016x128xf32, #tpu.memory_space<vmem_shared>> -> memref<610x128xf32, #tpu.memory_space<vmem_shared>>
        %dma_start3A_127 = arith.constant 9390 : i32
        %dma_start3A_128 = tpu.memref_slice %arg4[%dma_start3A_127, %add3A_9] : memref<10000x512xf32, #tpu.memory_space<hbm>> -> memref<610x128xf32, #tpu.memory_space<hbm>>
        tpu.enqueue_dma source(%dma_start3A_128 : memref<610x128xf32, #tpu.memory_space<hbm>>) target(%dma_start3A_126 : memref<610x128xf32, #tpu.memory_space<vmem_shared>>) target_semaphore(%run_scoped3A : memref<!tpu.dma_semaphore, #tpu.memory_space<semaphore_mem>>)
        %dma_wait3A_129 = arith.constant 9390 : i32
        %dma_wait3A_130 = arith.constant 0 : i32
        %dma_wait3A_131 = tpu.memref_slice %arg20[%dma_wait3A_129, %dma_wait3A_130] : memref<10016x128xf32, #tpu.memory_space<vmem_shared>> -> memref<610x128xf32, #tpu.memory_space<vmem_shared>>
        %dma_wait3A_132 = arith.constant 9390 : i32
        %dma_wait3A_133 = tpu.memref_slice %arg4[%dma_wait3A_132, %add3A_9] : memref<10000x512xf32, #tpu.memory_space<hbm>> -> memref<610x128xf32, #tpu.memory_space<hbm>>
        tpu.wait_dma2 semaphore(%run_scoped3A : memref<!tpu.dma_semaphore, #tpu.memory_space<semaphore_mem>>) src(%dma_wait3A_133 : memref<610x128xf32, #tpu.memory_space<hbm>>) dst(%dma_wait3A_131 : memref<610x128xf32, #tpu.memory_space<vmem_shared>>)
        tpu.yield
      }) : () -> ()
    } else {
    }
    %barrier3A = arith.constant 0 : index
    tpu.barrier barrier_id(%barrier3A)
    %multiple_of3A = arith.constant 0 : i32
    %multiple_of3A_20 = tpu.assume_multiple %multiple_of3A, 8 : i32
    %add3A_21 = arith.addi %mul3A_0, %multiple_of3A_20 : i32
    %dma_start3A = arith.constant 0 : i32
    %dma_start3A_22 = tpu.memref_slice %arg2[%add3A_13, %add3A_21, %dma_start3A] : memref<4x79360x128xf32, #tpu.memory_space<hbm>> -> memref<1x80x128xf32, #tpu.memory_space<hbm>>
    %dma_start3A_23 = tpu.memref_squeeze %dma_start3A_22 : memref<1x80x128xf32, #tpu.memory_space<hbm>> -> memref<80x128xf32, #tpu.memory_space<hbm>>
    %dma_start3A_24 = arith.constant 0 : i32
    %dma_start3A_25 = tpu.memref_slice %arg2[%add3A_13, %add3A_21, %dma_start3A_24] : memref<4x79360x128xf32, #tpu.memory_space<hbm>> -> memref<1x80x128xf32, #tpu.memory_space<hbm>>
    %dma_start3A_26 = tpu.memref_squeeze %dma_start3A_25 : memref<1x80x128xf32, #tpu.memory_space<hbm>> -> memref<80x128xf32, #tpu.memory_space<hbm>>
    tpu.enqueue_dma source(%dma_start3A_26 : memref<80x128xf32, #tpu.memory_space<hbm>>) target(%arg7 : memref<80x128xf32, #tpu.memory_space<vmem>>) target_semaphore(%arg14 : memref<!tpu.dma_semaphore, #tpu.memory_space<semaphore_mem>>)
    %multiple_of3A_27 = arith.constant 80 : i32
    %multiple_of3A_28 = tpu.assume_multiple %multiple_of3A_27, 8 : i32
    %add3A_29 = arith.addi %mul3A_0, %multiple_of3A_28 : i32
    %dma_start3A_30 = arith.constant 0 : i32
    %dma_start3A_31 = tpu.memref_slice %arg2[%add3A_13, %add3A_29, %dma_start3A_30] : memref<4x79360x128xf32, #tpu.memory_space<hbm>> -> memref<1x80x128xf32, #tpu.memory_space<hbm>>
    %dma_start3A_32 = tpu.memref_squeeze %dma_start3A_31 : memref<1x80x128xf32, #tpu.memory_space<hbm>> -> memref<80x128xf32, #tpu.memory_space<hbm>>
    %dma_start3A_33 = arith.constant 0 : i32
    %dma_start3A_34 = tpu.memref_slice %arg2[%add3A_13, %add3A_29, %dma_start3A_33] : memref<4x79360x128xf32, #tpu.memory_space<hbm>> -> memref<1x80x128xf32, #tpu.memory_space<hbm>>
    %dma_start3A_35 = tpu.memref_squeeze %dma_start3A_34 : memref<1x80x128xf32, #tpu.memory_space<hbm>> -> memref<80x128xf32, #tpu.memory_space<hbm>>
    tpu.enqueue_dma source(%dma_start3A_35 : memref<80x128xf32, #tpu.memory_space<hbm>>) target(%arg8 : memref<80x128xf32, #tpu.memory_space<vmem>>) target_semaphore(%arg15 : memref<!tpu.dma_semaphore, #tpu.memory_space<semaphore_mem>>)
    %scan3A_36 = arith.constant 0 : i32
    %scan3A_37 = arith.constant 0 : i32
    %scan3A_38 = arith.constant 62 : i32
    %scan3A_39 = arith.addi %scan3A_37, %scan3A_38 : i32
    %scan3A_40 = arith.constant 1 : i32
    scf.for %scan3A_124 = %scan3A_37 to %scan3A_39 step %scan3A_40  : i32 {
      %rem3A = arith.constant 3 : i32
      %rem3A_125 = arith.remsi %scan3A_124, %rem3A : i32
      %eq3A_126 = arith.constant 0 : i32
      %eq3A_127 = arith.cmpi eq, %rem3A_125, %eq3A_126 : i32
      %convert_element_type3A_128 = arith.extui %eq3A_127 : i1 to i32
      %cond3A_129 = arith.constant 0 : i32
      %cond3A_130 = arith.cmpi ne, %convert_element_type3A_128, %cond3A_129 : i32
      scf.if %cond3A_130 {
        %scan3A_145 = arith.constant 0 : i32
        %scan3A_146 = arith.constant 0 : i32
        %scan3A_147 = arith.constant 5 : i32
        %scan3A_148 = arith.addi %scan3A_146, %scan3A_147 : i32
        %scan3A_149 = arith.constant 1 : i32
        scf.for %scan3A_171 = %scan3A_146 to %scan3A_148 step %scan3A_149  : i32 {
          %mul3A_172 = arith.constant 16 : i32
          %mul3A_173 = arith.muli %scan3A_171, %mul3A_172 : i32
          %multiple_of3A_174 = tpu.assume_multiple %mul3A_173, 16 : i32
          %mul3A_175 = arith.constant 80 : i32
          %mul3A_176 = arith.muli %scan3A_124, %mul3A_175 : i32
          %multiple_of3A_177 = tpu.assume_multiple %mul3A_176, 8 : i32
          %add3A_178 = arith.addi %multiple_of3A_177, %multiple_of3A_174 : i32
          %get3A = arith.index_cast %add3A_178 : i32 to index
          %get3A_179 = tpu.vector_load %arg6[%get3A] {strides = array<i32>} : memref<4960xi32, #tpu.memory_space<vmem>>, vector<16xi32>,
          %swap3A = arith.index_cast %multiple_of3A_174 : i32 to index
          %swap3A_180 = tpu.vector_load %arg11[%swap3A] {strides = array<i32>} : memref<80xi32, #tpu.memory_space<vmem>>, vector<16xi32>,
          tpu.vector_store %arg11[%swap3A], %get3A_179 {strides = array<i32>} : memref<80xi32, #tpu.memory_space<vmem>>, vector<16xi32>,
        }
        %scan3A_150 = arith.constant 5 : i32
        %mul3A_151 = arith.constant 80 : i32
        %mul3A_152 = arith.muli %scan3A_124, %mul3A_151 : i32
        %multiple_of3A_153 = tpu.assume_multiple %mul3A_152, 8 : i32
        %add3A_154 = arith.addi %mul3A_0, %multiple_of3A_153 : i32
        %dma_wait3A_155 = arith.constant 0 : i32
        %dma_wait3A_156 = tpu.memref_slice %arg2[%add3A_13, %add3A_154, %dma_wait3A_155] : memref<4x79360x128xf32, #tpu.memory_space<hbm>> -> memref<1x80x128xf32, #tpu.memory_space<hbm>>
        %dma_wait3A_157 = tpu.memref_squeeze %dma_wait3A_156 : memref<1x80x128xf32, #tpu.memory_space<hbm>> -> memref<80x128xf32, #tpu.memory_space<hbm>>
        %dma_wait3A_158 = arith.constant 0 : i32
        %dma_wait3A_159 = tpu.memref_slice %arg2[%add3A_13, %add3A_154, %dma_wait3A_158] : memref<4x79360x128xf32, #tpu.memory_space<hbm>> -> memref<1x80x128xf32, #tpu.memory_space<hbm>>
        %dma_wait3A_160 = tpu.memref_squeeze %dma_wait3A_159 : memref<1x80x128xf32, #tpu.memory_space<hbm>> -> memref<80x128xf32, #tpu.memory_space<hbm>>
        tpu.wait_dma2 semaphore(%arg14 : memref<!tpu.dma_semaphore, #tpu.memory_space<semaphore_mem>>) src(%dma_wait3A_160 : memref<80x128xf32, #tpu.memory_space<hbm>>) dst(%arg7 : memref<80x128xf32, #tpu.memory_space<vmem>>)
        %dma_start3A_161 = arith.constant 0 : i32
        %dma_start3A_162 = arith.constant 0 : i32
        %dma_start3A_163 = tpu.memref_slice %arg20[%dma_start3A_161, %dma_start3A_162] : memref<10016x128xf32, #tpu.memory_space<vmem_shared>> -> memref<10016x128xf32, #tpu.memory_space<vmem_shared>>
        tpu.enqueue_indirect_dma source(%arg7 : memref<80x128xf32, #tpu.memory_space<vmem>>) target(%dma_start3A_163 : memref<10016x128xf32, #tpu.memory_space<vmem_shared>>) offsets(%arg11 : memref<80xi32, #tpu.memory_space<vmem>>) semaphore(%arg17 : memref<!tpu.dma_semaphore, #tpu.memory_space<semaphore_mem>>) {add = true}
        %add3A_164 = arith.constant 2 : i32
        %add3A_165 = arith.addi %scan3A_124, %add3A_164 : i32
        %lt3A_166 = arith.constant 62 : i32
        %lt3A_167 = arith.cmpi slt, %add3A_165, %lt3A_166 : i32
        %convert_element_type3A_168 = arith.extui %lt3A_167 : i1 to i32
        %cond3A_169 = arith.constant 0 : i32
        %cond3A_170 = arith.cmpi ne, %convert_element_type3A_168, %cond3A_169 : i32
        scf.if %cond3A_170 {
          %ge3A = arith.constant 1 : i32
          %ge3A_171 = arith.cmpi sge, %scan3A_124, %ge3A : i32
          %convert_element_type3A_172 = arith.extui %ge3A_171 : i1 to i32
          %cond3A_173 = arith.constant 0 : i32
          %cond3A_174 = arith.cmpi ne, %convert_element_type3A_172, %cond3A_173 : i32
          scf.if %cond3A_174 {
            %dma_wait3A_187 = arith.constant 0 : i32
            %dma_wait3A_188 = arith.constant 0 : i32
            %dma_wait3A_189 = tpu.memref_slice %arg20[%dma_wait3A_187, %dma_wait3A_188] : memref<10016x128xf32, #tpu.memory_space<vmem_shared>> -> memref<10016x128xf32, #tpu.memory_space<vmem_shared>>
            tpu.wait_indirect_dma semaphore(%arg19 : memref<!tpu.dma_semaphore, #tpu.memory_space<semaphore_mem>>) src(%arg9 : memref<80x128xf32, #tpu.memory_space<vmem>>) dst(%dma_wait3A_189 : memref<10016x128xf32, #tpu.memory_space<vmem_shared>>)
          } else {
          }
          %add3A_175 = arith.constant 2 : i32
          %add3A_176 = arith.addi %scan3A_124, %add3A_175 : i32
          %mul3A_177 = arith.constant 80 : i32
          %mul3A_178 = arith.muli %add3A_176, %mul3A_177 : i32
          %multiple_of3A_179 = tpu.assume_multiple %mul3A_178, 8 : i32
          %add3A_180 = arith.addi %mul3A_0, %multiple_of3A_179 : i32
          %dma_start3A_181 = arith.constant 0 : i32
          %dma_start3A_182 = tpu.memref_slice %arg2[%add3A_13, %add3A_180, %dma_start3A_181] : memref<4x79360x128xf32, #tpu.memory_space<hbm>> -> memref<1x80x128xf32, #tpu.memory_space<hbm>>
          %dma_start3A_183 = tpu.memref_squeeze %dma_start3A_182 : memref<1x80x128xf32, #tpu.memory_space<hbm>> -> memref<80x128xf32, #tpu.memory_space<hbm>>
          %dma_start3A_184 = arith.constant 0 : i32
          %dma_start3A_185 = tpu.memref_slice %arg2[%add3A_13, %add3A_180, %dma_start3A_184] : memref<4x79360x128xf32, #tpu.memory_space<hbm>> -> memref<1x80x128xf32, #tpu.memory_space<hbm>>
          %dma_start3A_186 = tpu.memref_squeeze %dma_start3A_185 : memref<1x80x128xf32, #tpu.memory_space<hbm>> -> memref<80x128xf32, #tpu.memory_space<hbm>>
          tpu.enqueue_dma source(%dma_start3A_186 : memref<80x128xf32, #tpu.memory_space<hbm>>) target(%arg9 : memref<80x128xf32, #tpu.memory_space<vmem>>) target_semaphore(%arg16 : memref<!tpu.dma_semaphore, #tpu.memory_space<semaphore_mem>>)
        } else {
        }
      } else {
      }
      %rem3A_131 = arith.constant 3 : i32
      %rem3A_132 = arith.remsi %scan3A_124, %rem3A_131 : i32
      %eq3A_133 = arith.constant 1 : i32
      %eq3A_134 = arith.cmpi eq, %rem3A_132, %eq3A_133 : i32
      %convert_element_type3A_135 = arith.extui %eq3A_134 : i1 to i32
      %cond3A_136 = arith.constant 0 : i32
      %cond3A_137 = arith.cmpi ne, %convert_element_type3A_135, %cond3A_136 : i32
      scf.if %cond3A_137 {
        %scan3A_145 = arith.constant 0 : i32
        %scan3A_146 = arith.constant 0 : i32
        %scan3A_147 = arith.constant 5 : i32
        %scan3A_148 = arith.addi %scan3A_146, %scan3A_147 : i32
        %scan3A_149 = arith.constant 1 : i32
        scf.for %scan3A_171 = %scan3A_146 to %scan3A_148 step %scan3A_149  : i32 {
          %mul3A_172 = arith.constant 16 : i32
          %mul3A_173 = arith.muli %scan3A_171, %mul3A_172 : i32
          %multiple_of3A_174 = tpu.assume_multiple %mul3A_173, 16 : i32
          %mul3A_175 = arith.constant 80 : i32
          %mul3A_176 = arith.muli %scan3A_124, %mul3A_175 : i32
          %multiple_of3A_177 = tpu.assume_multiple %mul3A_176, 8 : i32
          %add3A_178 = arith.addi %multiple_of3A_177, %multiple_of3A_174 : i32
          %get3A = arith.index_cast %add3A_178 : i32 to index
          %get3A_179 = tpu.vector_load %arg6[%get3A] {strides = array<i32>} : memref<4960xi32, #tpu.memory_space<vmem>>, vector<16xi32>,
          %swap3A = arith.index_cast %multiple_of3A_174 : i32 to index
          %swap3A_180 = tpu.vector_load %arg12[%swap3A] {strides = array<i32>} : memref<80xi32, #tpu.memory_space<vmem>>, vector<16xi32>,
          tpu.vector_store %arg12[%swap3A], %get3A_179 {strides = array<i32>} : memref<80xi32, #tpu.memory_space<vmem>>, vector<16xi32>,
        }
        %scan3A_150 = arith.constant 5 : i32
        %mul3A_151 = arith.constant 80 : i32
        %mul3A_152 = arith.muli %scan3A_124, %mul3A_151 : i32
        %multiple_of3A_153 = tpu.assume_multiple %mul3A_152, 8 : i32
        %add3A_154 = arith.addi %mul3A_0, %multiple_of3A_153 : i32
        %dma_wait3A_155 = arith.constant 0 : i32
        %dma_wait3A_156 = tpu.memref_slice %arg2[%add3A_13, %add3A_154, %dma_wait3A_155] : memref<4x79360x128xf32, #tpu.memory_space<hbm>> -> memref<1x80x128xf32, #tpu.memory_space<hbm>>
        %dma_wait3A_157 = tpu.memref_squeeze %dma_wait3A_156 : memref<1x80x128xf32, #tpu.memory_space<hbm>> -> memref<80x128xf32, #tpu.memory_space<hbm>>
        %dma_wait3A_158 = arith.constant 0 : i32
        %dma_wait3A_159 = tpu.memref_slice %arg2[%add3A_13, %add3A_154, %dma_wait3A_158] : memref<4x79360x128xf32, #tpu.memory_space<hbm>> -> memref<1x80x128xf32, #tpu.memory_space<hbm>>
        %dma_wait3A_160 = tpu.memref_squeeze %dma_wait3A_159 : memref<1x80x128xf32, #tpu.memory_space<hbm>> -> memref<80x128xf32, #tpu.memory_space<hbm>>
        tpu.wait_dma2 semaphore(%arg15 : memref<!tpu.dma_semaphore, #tpu.memory_space<semaphore_mem>>) src(%dma_wait3A_160 : memref<80x128xf32, #tpu.memory_space<hbm>>) dst(%arg8 : memref<80x128xf32, #tpu.memory_space<vmem>>)
        %dma_start3A_161 = arith.constant 0 : i32
        %dma_start3A_162 = arith.constant 0 : i32
        %dma_start3A_163 = tpu.memref_slice %arg20[%dma_start3A_161, %dma_start3A_162] : memref<10016x128xf32, #tpu.memory_space<vmem_shared>> -> memref<10016x128xf32, #tpu.memory_space<vmem_shared>>
        tpu.enqueue_indirect_dma source(%arg8 : memref<80x128xf32, #tpu.memory_space<vmem>>) target(%dma_start3A_163 : memref<10016x128xf32, #tpu.memory_space<vmem_shared>>) offsets(%arg12 : memref<80xi32, #tpu.memory_space<vmem>>) semaphore(%arg18 : memref<!tpu.dma_semaphore, #tpu.memory_space<semaphore_mem>>) {add = true}
        %add3A_164 = arith.constant 2 : i32
        %add3A_165 = arith.addi %scan3A_124, %add3A_164 : i32
        %lt3A_166 = arith.constant 62 : i32
        %lt3A_167 = arith.cmpi slt, %add3A_165, %lt3A_166 : i32
        %convert_element_type3A_168 = arith.extui %lt3A_167 : i1 to i32
        %cond3A_169 = arith.constant 0 : i32
        %cond3A_170 = arith.cmpi ne, %convert_element_type3A_168, %cond3A_169 : i32
        scf.if %cond3A_170 {
          %ge3A = arith.constant 1 : i32
          %ge3A_171 = arith.cmpi sge, %scan3A_124, %ge3A : i32
          %convert_element_type3A_172 = arith.extui %ge3A_171 : i1 to i32
          %cond3A_173 = arith.constant 0 : i32
          %cond3A_174 = arith.cmpi ne, %convert_element_type3A_172, %cond3A_173 : i32
          scf.if %cond3A_174 {
            %dma_wait3A_187 = arith.constant 0 : i32
            %dma_wait3A_188 = arith.constant 0 : i32
            %dma_wait3A_189 = tpu.memref_slice %arg20[%dma_wait3A_187, %dma_wait3A_188] : memref<10016x128xf32, #tpu.memory_space<vmem_shared>> -> memref<10016x128xf32, #tpu.memory_space<vmem_shared>>
            tpu.wait_indirect_dma semaphore(%arg17 : memref<!tpu.dma_semaphore, #tpu.memory_space<semaphore_mem>>) src(%arg7 : memref<80x128xf32, #tpu.memory_space<vmem>>) dst(%dma_wait3A_189 : memref<10016x128xf32, #tpu.memory_space<vmem_shared>>)
          } else {
          }
          %add3A_175 = arith.constant 2 : i32
          %add3A_176 = arith.addi %scan3A_124, %add3A_175 : i32
          %mul3A_177 = arith.constant 80 : i32
          %mul3A_178 = arith.muli %add3A_176, %mul3A_177 : i32
          %multiple_of3A_179 = tpu.assume_multiple %mul3A_178, 8 : i32
          %add3A_180 = arith.addi %mul3A_0, %multiple_of3A_179 : i32
          %dma_start3A_181 = arith.constant 0 : i32
          %dma_start3A_182 = tpu.memref_slice %arg2[%add3A_13, %add3A_180, %dma_start3A_181] : memref<4x79360x128xf32, #tpu.memory_space<hbm>> -> memref<1x80x128xf32, #tpu.memory_space<hbm>>
          %dma_start3A_183 = tpu.memref_squeeze %dma_start3A_182 : memref<1x80x128xf32, #tpu.memory_space<hbm>> -> memref<80x128xf32, #tpu.memory_space<hbm>>
          %dma_start3A_184 = arith.constant 0 : i32
          %dma_start3A_185 = tpu.memref_slice %arg2[%add3A_13, %add3A_180, %dma_start3A_184] : memref<4x79360x128xf32, #tpu.memory_space<hbm>> -> memref<1x80x128xf32, #tpu.memory_space<hbm>>
          %dma_start3A_186 = tpu.memref_squeeze %dma_start3A_185 : memref<1x80x128xf32, #tpu.memory_space<hbm>> -> memref<80x128xf32, #tpu.memory_space<hbm>>
          tpu.enqueue_dma source(%dma_start3A_186 : memref<80x128xf32, #tpu.memory_space<hbm>>) target(%arg7 : memref<80x128xf32, #tpu.memory_space<vmem>>) target_semaphore(%arg14 : memref<!tpu.dma_semaphore, #tpu.memory_space<semaphore_mem>>)
        } else {
        }
      } else {
      }
      %rem3A_138 = arith.constant 3 : i32
      %rem3A_139 = arith.remsi %scan3A_124, %rem3A_138 : i32
      %eq3A_140 = arith.constant 2 : i32
      %eq3A_141 = arith.cmpi eq, %rem3A_139, %eq3A_140 : i32
      %convert_element_type3A_142 = arith.extui %eq3A_141 : i1 to i32
      %cond3A_143 = arith.constant 0 : i32
      %cond3A_144 = arith.cmpi ne, %convert_element_type3A_142, %cond3A_143 : i32
      scf.if %cond3A_144 {
        %scan3A_145 = arith.constant 0 : i32
        %scan3A_146 = arith.constant 0 : i32
        %scan3A_147 = arith.constant 5 : i32
        %scan3A_148 = arith.addi %scan3A_146, %scan3A_147 : i32
        %scan3A_149 = arith.constant 1 : i32
        scf.for %scan3A_171 = %scan3A_146 to %scan3A_148 step %scan3A_149  : i32 {
          %mul3A_172 = arith.constant 16 : i32
          %mul3A_173 = arith.muli %scan3A_171, %mul3A_172 : i32
          %multiple_of3A_174 = tpu.assume_multiple %mul3A_173, 16 : i32
          %mul3A_175 = arith.constant 80 : i32
          %mul3A_176 = arith.muli %scan3A_124, %mul3A_175 : i32
          %multiple_of3A_177 = tpu.assume_multiple %mul3A_176, 8 : i32
          %add3A_178 = arith.addi %multiple_of3A_177, %multiple_of3A_174 : i32
          %get3A = arith.index_cast %add3A_178 : i32 to index
          %get3A_179 = tpu.vector_load %arg6[%get3A] {strides = array<i32>} : memref<4960xi32, #tpu.memory_space<vmem>>, vector<16xi32>,
          %swap3A = arith.index_cast %multiple_of3A_174 : i32 to index
          %swap3A_180 = tpu.vector_load %arg13[%swap3A] {strides = array<i32>} : memref<80xi32, #tpu.memory_space<vmem>>, vector<16xi32>,
          tpu.vector_store %arg13[%swap3A], %get3A_179 {strides = array<i32>} : memref<80xi32, #tpu.memory_space<vmem>>, vector<16xi32>,
        }
        %scan3A_150 = arith.constant 5 : i32
        %mul3A_151 = arith.constant 80 : i32
        %mul3A_152 = arith.muli %scan3A_124, %mul3A_151 : i32
        %multiple_of3A_153 = tpu.assume_multiple %mul3A_152, 8 : i32
        %add3A_154 = arith.addi %mul3A_0, %multiple_of3A_153 : i32
        %dma_wait3A_155 = arith.constant 0 : i32
        %dma_wait3A_156 = tpu.memref_slice %arg2[%add3A_13, %add3A_154, %dma_wait3A_155] : memref<4x79360x128xf32, #tpu.memory_space<hbm>> -> memref<1x80x128xf32, #tpu.memory_space<hbm>>
        %dma_wait3A_157 = tpu.memref_squeeze %dma_wait3A_156 : memref<1x80x128xf32, #tpu.memory_space<hbm>> -> memref<80x128xf32, #tpu.memory_space<hbm>>
        %dma_wait3A_158 = arith.constant 0 : i32
        %dma_wait3A_159 = tpu.memref_slice %arg2[%add3A_13, %add3A_154, %dma_wait3A_158] : memref<4x79360x128xf32, #tpu.memory_space<hbm>> -> memref<1x80x128xf32, #tpu.memory_space<hbm>>
        %dma_wait3A_160 = tpu.memref_squeeze %dma_wait3A_159 : memref<1x80x128xf32, #tpu.memory_space<hbm>> -> memref<80x128xf32, #tpu.memory_space<hbm>>
        tpu.wait_dma2 semaphore(%arg16 : memref<!tpu.dma_semaphore, #tpu.memory_space<semaphore_mem>>) src(%dma_wait3A_160 : memref<80x128xf32, #tpu.memory_space<hbm>>) dst(%arg9 : memref<80x128xf32, #tpu.memory_space<vmem>>)
        %dma_start3A_161 = arith.constant 0 : i32
        %dma_start3A_162 = arith.constant 0 : i32
        %dma_start3A_163 = tpu.memref_slice %arg20[%dma_start3A_161, %dma_start3A_162] : memref<10016x128xf32, #tpu.memory_space<vmem_shared>> -> memref<10016x128xf32, #tpu.memory_space<vmem_shared>>
        tpu.enqueue_indirect_dma source(%arg9 : memref<80x128xf32, #tpu.memory_space<vmem>>) target(%dma_start3A_163 : memref<10016x128xf32, #tpu.memory_space<vmem_shared>>) offsets(%arg13 : memref<80xi32, #tpu.memory_space<vmem>>) semaphore(%arg19 : memref<!tpu.dma_semaphore, #tpu.memory_space<semaphore_mem>>) {add = true}
        %add3A_164 = arith.constant 2 : i32
        %add3A_165 = arith.addi %scan3A_124, %add3A_164 : i32
        %lt3A_166 = arith.constant 62 : i32
        %lt3A_167 = arith.cmpi slt, %add3A_165, %lt3A_166 : i32
        %convert_element_type3A_168 = arith.extui %lt3A_167 : i1 to i32
        %cond3A_169 = arith.constant 0 : i32
        %cond3A_170 = arith.cmpi ne, %convert_element_type3A_168, %cond3A_169 : i32
        scf.if %cond3A_170 {
          %ge3A = arith.constant 1 : i32
          %ge3A_171 = arith.cmpi sge, %scan3A_124, %ge3A : i32
          %convert_element_type3A_172 = arith.extui %ge3A_171 : i1 to i32
          %cond3A_173 = arith.constant 0 : i32
          %cond3A_174 = arith.cmpi ne, %convert_element_type3A_172, %cond3A_173 : i32
          scf.if %cond3A_174 {
            %dma_wait3A_187 = arith.constant 0 : i32
            %dma_wait3A_188 = arith.constant 0 : i32
            %dma_wait3A_189 = tpu.memref_slice %arg20[%dma_wait3A_187, %dma_wait3A_188] : memref<10016x128xf32, #tpu.memory_space<vmem_shared>> -> memref<10016x128xf32, #tpu.memory_space<vmem_shared>>
            tpu.wait_indirect_dma semaphore(%arg18 : memref<!tpu.dma_semaphore, #tpu.memory_space<semaphore_mem>>) src(%arg8 : memref<80x128xf32, #tpu.memory_space<vmem>>) dst(%dma_wait3A_189 : memref<10016x128xf32, #tpu.memory_space<vmem_shared>>)
          } else {
          }
          %add3A_175 = arith.constant 2 : i32
          %add3A_176 = arith.addi %scan3A_124, %add3A_175 : i32
          %mul3A_177 = arith.constant 80 : i32
          %mul3A_178 = arith.muli %add3A_176, %mul3A_177 : i32
          %multiple_of3A_179 = tpu.assume_multiple %mul3A_178, 8 : i32
          %add3A_180 = arith.addi %mul3A_0, %multiple_of3A_179 : i32
          %dma_start3A_181 = arith.constant 0 : i32
          %dma_start3A_182 = tpu.memref_slice %arg2[%add3A_13, %add3A_180, %dma_start3A_181] : memref<4x79360x128xf32, #tpu.memory_space<hbm>> -> memref<1x80x128xf32, #tpu.memory_space<hbm>>
          %dma_start3A_183 = tpu.memref_squeeze %dma_start3A_182 : memref<1x80x128xf32, #tpu.memory_space<hbm>> -> memref<80x128xf32, #tpu.memory_space<hbm>>
          %dma_start3A_184 = arith.constant 0 : i32
          %dma_start3A_185 = tpu.memref_slice %arg2[%add3A_13, %add3A_180, %dma_start3A_184] : memref<4x79360x128xf32, #tpu.memory_space<hbm>> -> memref<1x80x128xf32, #tpu.memory_space<hbm>>
          %dma_start3A_186 = tpu.memref_squeeze %dma_start3A_185 : memref<1x80x128xf32, #tpu.memory_space<hbm>> -> memref<80x128xf32, #tpu.memory_space<hbm>>
          tpu.enqueue_dma source(%dma_start3A_186 : memref<80x128xf32, #tpu.memory_space<hbm>>) target(%arg8 : memref<80x128xf32, #tpu.memory_space<vmem>>) target_semaphore(%arg15 : memref<!tpu.dma_semaphore, #tpu.memory_space<semaphore_mem>>)
        } else {
        }
      } else {
      }
    }
    %scan3A_41 = arith.constant 62 : i32
    %dma_wait3A = arith.constant 0 : i32
    %dma_wait3A_42 = arith.constant 0 : i32
    %dma_wait3A_43 = tpu.memref_slice %arg20[%dma_wait3A, %dma_wait3A_42] : memref<10016x128xf32, #tpu.memory_space<vmem_shared>> -> memref<10016x128xf32, #tpu.memory_space<vmem_shared>>
    tpu.wait_indirect_dma semaphore(%arg19 : memref<!tpu.dma_semaphore, #tpu.memory_space<semaphore_mem>>) src(%arg9 : memref<80x128xf32, #tpu.memory_space<vmem>>) dst(%dma_wait3A_43 : memref<10016x128xf32, #tpu.memory_space<vmem_shared>>)
    %dma_wait3A_44 = arith.constant 0 : i32
    %dma_wait3A_45 = arith.constant 0 : i32
    %dma_wait3A_46 = tpu.memref_slice %arg20[%dma_wait3A_44, %dma_wait3A_45] : memref<10016x128xf32, #tpu.memory_space<vmem_shared>> -> memref<10016x128xf32, #tpu.memory_space<vmem_shared>>
    tpu.wait_indirect_dma semaphore(%arg17 : memref<!tpu.dma_semaphore, #tpu.memory_space<semaphore_mem>>) src(%arg7 : memref<80x128xf32, #tpu.memory_space<vmem>>) dst(%dma_wait3A_46 : memref<10016x128xf32, #tpu.memory_space<vmem_shared>>)
    %dma_wait3A_47 = arith.constant 0 : i32
    %dma_wait3A_48 = arith.constant 0 : i32
    %dma_wait3A_49 = tpu.memref_slice %arg20[%dma_wait3A_47, %dma_wait3A_48] : memref<10016x128xf32, #tpu.memory_space<vmem_shared>> -> memref<10016x128xf32, #tpu.memory_space<vmem_shared>>
    tpu.wait_indirect_dma semaphore(%arg18 : memref<!tpu.dma_semaphore, #tpu.memory_space<semaphore_mem>>) src(%arg8 : memref<80x128xf32, #tpu.memory_space<vmem>>) dst(%dma_wait3A_49 : memref<10016x128xf32, #tpu.memory_space<vmem_shared>>)
    %barrier3A_50 = arith.constant 0 : index
    tpu.barrier barrier_id(%barrier3A_50)
    %mul3A_51 = arith.constant 624 : i32
    %mul3A_52 = arith.muli %arg1, %mul3A_51 : i32
    %mul3A_53 = arith.constant 624 : i32
    %mul3A_54 = arith.muli %arg1, %mul3A_53 : i32
    "tpu.region"() ({
      %run_scoped3A = tpu.sem_alloc : memref<!tpu.dma_semaphore, #tpu.memory_space<semaphore_mem>>
      %dma_start3A_124 = tpu.memref_slice %arg5[%mul3A_54, %add3A_9] : memref<10000x512xf32, #tpu.memory_space<hbm>> -> memref<624x128xf32, #tpu.memory_space<hbm>>
      %dma_start3A_125 = arith.constant 0 : i32
      %dma_start3A_126 = tpu.memref_slice %arg20[%mul3A_52, %dma_start3A_125] : memref<10016x128xf32, #tpu.memory_space<vmem_shared>> -> memref<624x128xf32, #tpu.memory_space<vmem_shared>>
      tpu.enqueue_dma source(%dma_start3A_126 : memref<624x128xf32, #tpu.memory_space<vmem_shared>>) target(%dma_start3A_124 : memref<624x128xf32, #tpu.memory_space<hbm>>) target_semaphore(%run_scoped3A : memref<!tpu.dma_semaphore, #tpu.memory_space<semaphore_mem>>)
      %dma_wait3A_127 = tpu.memref_slice %arg5[%mul3A_54, %add3A_9] : memref<10000x512xf32, #tpu.memory_space<hbm>> -> memref<624x128xf32, #tpu.memory_space<hbm>>
      %dma_wait3A_128 = arith.constant 0 : i32
      %dma_wait3A_129 = tpu.memref_slice %arg20[%mul3A_52, %dma_wait3A_128] : memref<10016x128xf32, #tpu.memory_space<vmem_shared>> -> memref<624x128xf32, #tpu.memory_space<vmem_shared>>
      tpu.wait_dma2 semaphore(%run_scoped3A : memref<!tpu.dma_semaphore, #tpu.memory_space<semaphore_mem>>) src(%dma_wait3A_129 : memref<624x128xf32, #tpu.memory_space<vmem_shared>>) dst(%dma_wait3A_127 : memref<624x128xf32, #tpu.memory_space<hbm>>)
      tpu.yield
    }) : () -> ()
    %eq3A_55 = arith.constant 0 : i32
    %eq3A_56 = arith.cmpi eq, %arg1, %eq3A_55 : i32
    %convert_element_type3A_57 = arith.extui %eq3A_56 : i1 to i32
    %cond3A_58 = arith.constant 0 : i32
    %cond3A_59 = arith.cmpi ne, %convert_element_type3A_57, %cond3A_58 : i32
    scf.if %cond3A_59 {
      "tpu.region"() ({
        %run_scoped3A = tpu.sem_alloc : memref<!tpu.dma_semaphore, #tpu.memory_space<semaphore_mem>>
        %dma_start3A_124 = arith.constant 9984 : i32
        %dma_start3A_125 = tpu.memref_slice %arg5[%dma_start3A_124, %add3A_9] : memref<10000x512xf32, #tpu.memory_space<hbm>> -> memref<16x128xf32, #tpu.memory_space<hbm>>
        %dma_start3A_126 = arith.constant 9984 : i32
        %dma_start3A_127 = arith.constant 0 : i32
        %dma_start3A_128 = tpu.memref_slice %arg20[%dma_start3A_126, %dma_start3A_127] : memref<10016x128xf32, #tpu.memory_space<vmem_shared>> -> memref<16x128xf32, #tpu.memory_space<vmem_shared>>
        tpu.enqueue_dma source(%dma_start3A_128 : memref<16x128xf32, #tpu.memory_space<vmem_shared>>) target(%dma_start3A_125 : memref<16x128xf32, #tpu.memory_space<hbm>>) target_semaphore(%run_scoped3A : memref<!tpu.dma_semaphore, #tpu.memory_space<semaphore_mem>>)
        %dma_wait3A_129 = arith.constant 9984 : i32
        %dma_wait3A_130 = tpu.memref_slice %arg5[%dma_wait3A_129, %add3A_9] : memref<10000x512xf32, #tpu.memory_space<hbm>> -> memref<16x128xf32, #tpu.memory_space<hbm>>
        %dma_wait3A_131 = arith.constant 9984 : i32
        %dma_wait3A_132 = arith.constant 0 : i32
        %dma_wait3A_133 = tpu.memref_slice %arg20[%dma_wait3A_131, %dma_wait3A_132] : memref<10016x128xf32, #tpu.memory_space<vmem_shared>> -> memref<16x128xf32, #tpu.memory_space<vmem_shared>>
        tpu.wait_dma2 semaphore(%run_scoped3A : memref<!tpu.dma_semaphore, #tpu.memory_space<semaphore_mem>>) src(%dma_wait3A_133 : memref<16x128xf32, #tpu.memory_space<vmem_shared>>) dst(%dma_wait3A_130 : memref<16x128xf32, #tpu.memory_space<hbm>>)
        tpu.yield
      }) : () -> ()
    } else {
    }
    %barrier3A_60 = arith.constant 0 : index
    tpu.barrier barrier_id(%barrier3A_60)
    %mul3A_61 = arith.constant 256 : i32
    %mul3A_62 = arith.muli %arg0, %mul3A_61 : i32
    %add3A_63 = arith.constant 128 : i32
    %add3A_64 = arith.addi %mul3A_62, %add3A_63 : i32
    %mul3A_65 = arith.constant 2 : i32
    %mul3A_66 = arith.muli %arg0, %mul3A_65 : i32
    %add3A_67 = arith.constant 1 : i32
    %add3A_68 = arith.addi %mul3A_66, %add3A_67 : i32
    %lt3A_69 = arith.constant 15 : i32
    %lt3A_70 = arith.cmpi slt, %arg1, %lt3A_69 : i32
    %convert_element_type3A_71 = arith.extui %lt3A_70 : i1 to i32
    %cond3A_72 = arith.constant 0 : i32
    %cond3A_73 = arith.cmpi ne, %convert_element_type3A_71, %cond3A_72 : i32
    scf.if %cond3A_73 {
      %mul3A_124 = arith.constant 626 : i32
      %mul3A_125 = arith.muli %arg1, %mul3A_124 : i32
      %mul3A_126 = arith.constant 626 : i32
      %mul3A_127 = arith.muli %arg1, %mul3A_126 : i32
      "tpu.region"() ({
        %run_scoped3A = tpu.sem_alloc : memref<!tpu.dma_semaphore, #tpu.memory_space<semaphore_mem>>
        %dma_start3A_128 = arith.constant 0 : i32
        %dma_start3A_129 = tpu.memref_slice %arg20[%mul3A_127, %dma_start3A_128] : memref<10016x128xf32, #tpu.memory_space<vmem_shared>> -> memref<626x128xf32, #tpu.memory_space<vmem_shared>>
        %dma_start3A_130 = tpu.memref_slice %arg4[%mul3A_125, %add3A_64] : memref<10000x512xf32, #tpu.memory_space<hbm>> -> memref<626x128xf32, #tpu.memory_space<hbm>>
        tpu.enqueue_dma source(%dma_start3A_130 : memref<626x128xf32, #tpu.memory_space<hbm>>) target(%dma_start3A_129 : memref<626x128xf32, #tpu.memory_space<vmem_shared>>) target_semaphore(%run_scoped3A : memref<!tpu.dma_semaphore, #tpu.memory_space<semaphore_mem>>)
        %dma_wait3A_131 = arith.constant 0 : i32
        %dma_wait3A_132 = tpu.memref_slice %arg20[%mul3A_127, %dma_wait3A_131] : memref<10016x128xf32, #tpu.memory_space<vmem_shared>> -> memref<626x128xf32, #tpu.memory_space<vmem_shared>>
        %dma_wait3A_133 = tpu.memref_slice %arg4[%mul3A_125, %add3A_64] : memref<10000x512xf32, #tpu.memory_space<hbm>> -> memref<626x128xf32, #tpu.memory_space<hbm>>
        tpu.wait_dma2 semaphore(%run_scoped3A : memref<!tpu.dma_semaphore, #tpu.memory_space<semaphore_mem>>) src(%dma_wait3A_133 : memref<626x128xf32, #tpu.memory_space<hbm>>) dst(%dma_wait3A_132 : memref<626x128xf32, #tpu.memory_space<vmem_shared>>)
        tpu.yield
      }) : () -> ()
    } else {
    }
    %eq3A_74 = arith.constant 15 : i32
    %eq3A_75 = arith.cmpi eq, %arg1, %eq3A_74 : i32
    %convert_element_type3A_76 = arith.extui %eq3A_75 : i1 to i32
    %cond3A_77 = arith.constant 0 : i32
    %cond3A_78 = arith.cmpi ne, %convert_element_type3A_76, %cond3A_77 : i32
    scf.if %cond3A_78 {
      "tpu.region"() ({
        %run_scoped3A = tpu.sem_alloc : memref<!tpu.dma_semaphore, #tpu.memory_space<semaphore_mem>>
        %dma_start3A_124 = arith.constant 9390 : i32
        %dma_start3A_125 = arith.constant 0 : i32
        %dma_start3A_126 = tpu.memref_slice %arg20[%dma_start3A_124, %dma_start3A_125] : memref<10016x128xf32, #tpu.memory_space<vmem_shared>> -> memref<610x128xf32, #tpu.memory_space<vmem_shared>>
        %dma_start3A_127 = arith.constant 9390 : i32
        %dma_start3A_128 = tpu.memref_slice %arg4[%dma_start3A_127, %add3A_64] : memref<10000x512xf32, #tpu.memory_space<hbm>> -> memref<610x128xf32, #tpu.memory_space<hbm>>
        tpu.enqueue_dma source(%dma_start3A_128 : memref<610x128xf32, #tpu.memory_space<hbm>>) target(%dma_start3A_126 : memref<610x128xf32, #tpu.memory_space<vmem_shared>>) target_semaphore(%run_scoped3A : memref<!tpu.dma_semaphore, #tpu.memory_space<semaphore_mem>>)
        %dma_wait3A_129 = arith.constant 9390 : i32
        %dma_wait3A_130 = arith.constant 0 : i32
        %dma_wait3A_131 = tpu.memref_slice %arg20[%dma_wait3A_129, %dma_wait3A_130] : memref<10016x128xf32, #tpu.memory_space<vmem_shared>> -> memref<610x128xf32, #tpu.memory_space<vmem_shared>>
        %dma_wait3A_132 = arith.constant 9390 : i32
        %dma_wait3A_133 = tpu.memref_slice %arg4[%dma_wait3A_132, %add3A_64] : memref<10000x512xf32, #tpu.memory_space<hbm>> -> memref<610x128xf32, #tpu.memory_space<hbm>>
        tpu.wait_dma2 semaphore(%run_scoped3A : memref<!tpu.dma_semaphore, #tpu.memory_space<semaphore_mem>>) src(%dma_wait3A_133 : memref<610x128xf32, #tpu.memory_space<hbm>>) dst(%dma_wait3A_131 : memref<610x128xf32, #tpu.memory_space<vmem_shared>>)
        tpu.yield
      }) : () -> ()
    } else {
    }
    %barrier3A_79 = arith.constant 0 : index
    tpu.barrier barrier_id(%barrier3A_79)
    %multiple_of3A_80 = arith.constant 0 : i32
    %multiple_of3A_81 = tpu.assume_multiple %multiple_of3A_80, 8 : i32
    %add3A_82 = arith.addi %mul3A_0, %multiple_of3A_81 : i32
    %dma_start3A_83 = arith.constant 0 : i32
    %dma_start3A_84 = tpu.memref_slice %arg2[%add3A_68, %add3A_82, %dma_start3A_83] : memref<4x79360x128xf32, #tpu.memory_space<hbm>> -> memref<1x80x128xf32, #tpu.memory_space<hbm>>
    %dma_start3A_85 = tpu.memref_squeeze %dma_start3A_84 : memref<1x80x128xf32, #tpu.memory_space<hbm>> -> memref<80x128xf32, #tpu.memory_space<hbm>>
    %dma_start3A_86 = arith.constant 0 : i32
    %dma_start3A_87 = tpu.memref_slice %arg2[%add3A_68, %add3A_82, %dma_start3A_86] : memref<4x79360x128xf32, #tpu.memory_space<hbm>> -> memref<1x80x128xf32, #tpu.memory_space<hbm>>
    %dma_start3A_88 = tpu.memref_squeeze %dma_start3A_87 : memref<1x80x128xf32, #tpu.memory_space<hbm>> -> memref<80x128xf32, #tpu.memory_space<hbm>>
    tpu.enqueue_dma source(%dma_start3A_88 : memref<80x128xf32, #tpu.memory_space<hbm>>) target(%arg7 : memref<80x128xf32, #tpu.memory_space<vmem>>) target_semaphore(%arg14 : memref<!tpu.dma_semaphore, #tpu.memory_space<semaphore_mem>>)
    %multiple_of3A_89 = arith.constant 80 : i32
    %multiple_of3A_90 = tpu.assume_multiple %multiple_of3A_89, 8 : i32
    %add3A_91 = arith.addi %mul3A_0, %multiple_of3A_90 : i32
    %dma_start3A_92 = arith.constant 0 : i32
    %dma_start3A_93 = tpu.memref_slice %arg2[%add3A_68, %add3A_91, %dma_start3A_92] : memref<4x79360x128xf32, #tpu.memory_space<hbm>> -> memref<1x80x128xf32, #tpu.memory_space<hbm>>
    %dma_start3A_94 = tpu.memref_squeeze %dma_start3A_93 : memref<1x80x128xf32, #tpu.memory_space<hbm>> -> memref<80x128xf32, #tpu.memory_space<hbm>>
    %dma_start3A_95 = arith.constant 0 : i32
    %dma_start3A_96 = tpu.memref_slice %arg2[%add3A_68, %add3A_91, %dma_start3A_95] : memref<4x79360x128xf32, #tpu.memory_space<hbm>> -> memref<1x80x128xf32, #tpu.memory_space<hbm>>
    %dma_start3A_97 = tpu.memref_squeeze %dma_start3A_96 : memref<1x80x128xf32, #tpu.memory_space<hbm>> -> memref<80x128xf32, #tpu.memory_space<hbm>>
    tpu.enqueue_dma source(%dma_start3A_97 : memref<80x128xf32, #tpu.memory_space<hbm>>) target(%arg8 : memref<80x128xf32, #tpu.memory_space<vmem>>) target_semaphore(%arg15 : memref<!tpu.dma_semaphore, #tpu.memory_space<semaphore_mem>>)
    %scan3A_98 = arith.constant 0 : i32
    %scan3A_99 = arith.constant 0 : i32
    %scan3A_100 = arith.constant 62 : i32
    %scan3A_101 = arith.addi %scan3A_99, %scan3A_100 : i32
    %scan3A_102 = arith.constant 1 : i32
    scf.for %scan3A_124 = %scan3A_99 to %scan3A_101 step %scan3A_102  : i32 {
      %rem3A = arith.constant 3 : i32
      %rem3A_125 = arith.remsi %scan3A_124, %rem3A : i32
      %eq3A_126 = arith.constant 0 : i32
      %eq3A_127 = arith.cmpi eq, %rem3A_125, %eq3A_126 : i32
      %convert_element_type3A_128 = arith.extui %eq3A_127 : i1 to i32
      %cond3A_129 = arith.constant 0 : i32
      %cond3A_130 = arith.cmpi ne, %convert_element_type3A_128, %cond3A_129 : i32
      scf.if %cond3A_130 {
        %scan3A_145 = arith.constant 0 : i32
        %scan3A_146 = arith.constant 0 : i32
        %scan3A_147 = arith.constant 5 : i32
        %scan3A_148 = arith.addi %scan3A_146, %scan3A_147 : i32
        %scan3A_149 = arith.constant 1 : i32
        scf.for %scan3A_171 = %scan3A_146 to %scan3A_148 step %scan3A_149  : i32 {
          %mul3A_172 = arith.constant 16 : i32
          %mul3A_173 = arith.muli %scan3A_171, %mul3A_172 : i32
          %multiple_of3A_174 = tpu.assume_multiple %mul3A_173, 16 : i32
          %mul3A_175 = arith.constant 80 : i32
          %mul3A_176 = arith.muli %scan3A_124, %mul3A_175 : i32
          %multiple_of3A_177 = tpu.assume_multiple %mul3A_176, 8 : i32
          %add3A_178 = arith.addi %multiple_of3A_177, %multiple_of3A_174 : i32
          %get3A = arith.index_cast %add3A_178 : i32 to index
          %get3A_179 = tpu.vector_load %arg6[%get3A] {strides = array<i32>} : memref<4960xi32, #tpu.memory_space<vmem>>, vector<16xi32>,
          %swap3A = arith.index_cast %multiple_of3A_174 : i32 to index
          %swap3A_180 = tpu.vector_load %arg11[%swap3A] {strides = array<i32>} : memref<80xi32, #tpu.memory_space<vmem>>, vector<16xi32>,
          tpu.vector_store %arg11[%swap3A], %get3A_179 {strides = array<i32>} : memref<80xi32, #tpu.memory_space<vmem>>, vector<16xi32>,
        }
        %scan3A_150 = arith.constant 5 : i32
        %mul3A_151 = arith.constant 80 : i32
        %mul3A_152 = arith.muli %scan3A_124, %mul3A_151 : i32
        %multiple_of3A_153 = tpu.assume_multiple %mul3A_152, 8 : i32
        %add3A_154 = arith.addi %mul3A_0, %multiple_of3A_153 : i32
        %dma_wait3A_155 = arith.constant 0 : i32
        %dma_wait3A_156 = tpu.memref_slice %arg2[%add3A_68, %add3A_154, %dma_wait3A_155] : memref<4x79360x128xf32, #tpu.memory_space<hbm>> -> memref<1x80x128xf32, #tpu.memory_space<hbm>>
        %dma_wait3A_157 = tpu.memref_squeeze %dma_wait3A_156 : memref<1x80x128xf32, #tpu.memory_space<hbm>> -> memref<80x128xf32, #tpu.memory_space<hbm>>
        %dma_wait3A_158 = arith.constant 0 : i32
        %dma_wait3A_159 = tpu.memref_slice %arg2[%add3A_68, %add3A_154, %dma_wait3A_158] : memref<4x79360x128xf32, #tpu.memory_space<hbm>> -> memref<1x80x128xf32, #tpu.memory_space<hbm>>
        %dma_wait3A_160 = tpu.memref_squeeze %dma_wait3A_159 : memref<1x80x128xf32, #tpu.memory_space<hbm>> -> memref<80x128xf32, #tpu.memory_space<hbm>>
        tpu.wait_dma2 semaphore(%arg14 : memref<!tpu.dma_semaphore, #tpu.memory_space<semaphore_mem>>) src(%dma_wait3A_160 : memref<80x128xf32, #tpu.memory_space<hbm>>) dst(%arg7 : memref<80x128xf32, #tpu.memory_space<vmem>>)
        %dma_start3A_161 = arith.constant 0 : i32
        %dma_start3A_162 = arith.constant 0 : i32
        %dma_start3A_163 = tpu.memref_slice %arg20[%dma_start3A_161, %dma_start3A_162] : memref<10016x128xf32, #tpu.memory_space<vmem_shared>> -> memref<10016x128xf32, #tpu.memory_space<vmem_shared>>
        tpu.enqueue_indirect_dma source(%arg7 : memref<80x128xf32, #tpu.memory_space<vmem>>) target(%dma_start3A_163 : memref<10016x128xf32, #tpu.memory_space<vmem_shared>>) offsets(%arg11 : memref<80xi32, #tpu.memory_space<vmem>>) semaphore(%arg17 : memref<!tpu.dma_semaphore, #tpu.memory_space<semaphore_mem>>) {add = true}
        %add3A_164 = arith.constant 2 : i32
        %add3A_165 = arith.addi %scan3A_124, %add3A_164 : i32
        %lt3A_166 = arith.constant 62 : i32
        %lt3A_167 = arith.cmpi slt, %add3A_165, %lt3A_166 : i32
        %convert_element_type3A_168 = arith.extui %lt3A_167 : i1 to i32
        %cond3A_169 = arith.constant 0 : i32
        %cond3A_170 = arith.cmpi ne, %convert_element_type3A_168, %cond3A_169 : i32
        scf.if %cond3A_170 {
          %ge3A = arith.constant 1 : i32
          %ge3A_171 = arith.cmpi sge, %scan3A_124, %ge3A : i32
          %convert_element_type3A_172 = arith.extui %ge3A_171 : i1 to i32
          %cond3A_173 = arith.constant 0 : i32
          %cond3A_174 = arith.cmpi ne, %convert_element_type3A_172, %cond3A_173 : i32
          scf.if %cond3A_174 {
            %dma_wait3A_187 = arith.constant 0 : i32
            %dma_wait3A_188 = arith.constant 0 : i32
            %dma_wait3A_189 = tpu.memref_slice %arg20[%dma_wait3A_187, %dma_wait3A_188] : memref<10016x128xf32, #tpu.memory_space<vmem_shared>> -> memref<10016x128xf32, #tpu.memory_space<vmem_shared>>
            tpu.wait_indirect_dma semaphore(%arg19 : memref<!tpu.dma_semaphore, #tpu.memory_space<semaphore_mem>>) src(%arg9 : memref<80x128xf32, #tpu.memory_space<vmem>>) dst(%dma_wait3A_189 : memref<10016x128xf32, #tpu.memory_space<vmem_shared>>)
          } else {
          }
          %add3A_175 = arith.constant 2 : i32
          %add3A_176 = arith.addi %scan3A_124, %add3A_175 : i32
          %mul3A_177 = arith.constant 80 : i32
          %mul3A_178 = arith.muli %add3A_176, %mul3A_177 : i32
          %multiple_of3A_179 = tpu.assume_multiple %mul3A_178, 8 : i32
          %add3A_180 = arith.addi %mul3A_0, %multiple_of3A_179 : i32
          %dma_start3A_181 = arith.constant 0 : i32
          %dma_start3A_182 = tpu.memref_slice %arg2[%add3A_68, %add3A_180, %dma_start3A_181] : memref<4x79360x128xf32, #tpu.memory_space<hbm>> -> memref<1x80x128xf32, #tpu.memory_space<hbm>>
          %dma_start3A_183 = tpu.memref_squeeze %dma_start3A_182 : memref<1x80x128xf32, #tpu.memory_space<hbm>> -> memref<80x128xf32, #tpu.memory_space<hbm>>
          %dma_start3A_184 = arith.constant 0 : i32
          %dma_start3A_185 = tpu.memref_slice %arg2[%add3A_68, %add3A_180, %dma_start3A_184] : memref<4x79360x128xf32, #tpu.memory_space<hbm>> -> memref<1x80x128xf32, #tpu.memory_space<hbm>>
          %dma_start3A_186 = tpu.memref_squeeze %dma_start3A_185 : memref<1x80x128xf32, #tpu.memory_space<hbm>> -> memref<80x128xf32, #tpu.memory_space<hbm>>
          tpu.enqueue_dma source(%dma_start3A_186 : memref<80x128xf32, #tpu.memory_space<hbm>>) target(%arg9 : memref<80x128xf32, #tpu.memory_space<vmem>>) target_semaphore(%arg16 : memref<!tpu.dma_semaphore, #tpu.memory_space<semaphore_mem>>)
        } else {
        }
      } else {
      }
      %rem3A_131 = arith.constant 3 : i32
      %rem3A_132 = arith.remsi %scan3A_124, %rem3A_131 : i32
      %eq3A_133 = arith.constant 1 : i32
      %eq3A_134 = arith.cmpi eq, %rem3A_132, %eq3A_133 : i32
      %convert_element_type3A_135 = arith.extui %eq3A_134 : i1 to i32
      %cond3A_136 = arith.constant 0 : i32
      %cond3A_137 = arith.cmpi ne, %convert_element_type3A_135, %cond3A_136 : i32
      scf.if %cond3A_137 {
        %scan3A_145 = arith.constant 0 : i32
        %scan3A_146 = arith.constant 0 : i32
        %scan3A_147 = arith.constant 5 : i32
        %scan3A_148 = arith.addi %scan3A_146, %scan3A_147 : i32
        %scan3A_149 = arith.constant 1 : i32
        scf.for %scan3A_171 = %scan3A_146 to %scan3A_148 step %scan3A_149  : i32 {
          %mul3A_172 = arith.constant 16 : i32
          %mul3A_173 = arith.muli %scan3A_171, %mul3A_172 : i32
          %multiple_of3A_174 = tpu.assume_multiple %mul3A_173, 16 : i32
          %mul3A_175 = arith.constant 80 : i32
          %mul3A_176 = arith.muli %scan3A_124, %mul3A_175 : i32
          %multiple_of3A_177 = tpu.assume_multiple %mul3A_176, 8 : i32
          %add3A_178 = arith.addi %multiple_of3A_177, %multiple_of3A_174 : i32
          %get3A = arith.index_cast %add3A_178 : i32 to index
          %get3A_179 = tpu.vector_load %arg6[%get3A] {strides = array<i32>} : memref<4960xi32, #tpu.memory_space<vmem>>, vector<16xi32>,
          %swap3A = arith.index_cast %multiple_of3A_174 : i32 to index
          %swap3A_180 = tpu.vector_load %arg12[%swap3A] {strides = array<i32>} : memref<80xi32, #tpu.memory_space<vmem>>, vector<16xi32>,
          tpu.vector_store %arg12[%swap3A], %get3A_179 {strides = array<i32>} : memref<80xi32, #tpu.memory_space<vmem>>, vector<16xi32>,
        }
        %scan3A_150 = arith.constant 5 : i32
        %mul3A_151 = arith.constant 80 : i32
        %mul3A_152 = arith.muli %scan3A_124, %mul3A_151 : i32
        %multiple_of3A_153 = tpu.assume_multiple %mul3A_152, 8 : i32
        %add3A_154 = arith.addi %mul3A_0, %multiple_of3A_153 : i32
        %dma_wait3A_155 = arith.constant 0 : i32
        %dma_wait3A_156 = tpu.memref_slice %arg2[%add3A_68, %add3A_154, %dma_wait3A_155] : memref<4x79360x128xf32, #tpu.memory_space<hbm>> -> memref<1x80x128xf32, #tpu.memory_space<hbm>>
        %dma_wait3A_157 = tpu.memref_squeeze %dma_wait3A_156 : memref<1x80x128xf32, #tpu.memory_space<hbm>> -> memref<80x128xf32, #tpu.memory_space<hbm>>
        %dma_wait3A_158 = arith.constant 0 : i32
        %dma_wait3A_159 = tpu.memref_slice %arg2[%add3A_68, %add3A_154, %dma_wait3A_158] : memref<4x79360x128xf32, #tpu.memory_space<hbm>> -> memref<1x80x128xf32, #tpu.memory_space<hbm>>
        %dma_wait3A_160 = tpu.memref_squeeze %dma_wait3A_159 : memref<1x80x128xf32, #tpu.memory_space<hbm>> -> memref<80x128xf32, #tpu.memory_space<hbm>>
        tpu.wait_dma2 semaphore(%arg15 : memref<!tpu.dma_semaphore, #tpu.memory_space<semaphore_mem>>) src(%dma_wait3A_160 : memref<80x128xf32, #tpu.memory_space<hbm>>) dst(%arg8 : memref<80x128xf32, #tpu.memory_space<vmem>>)
        %dma_start3A_161 = arith.constant 0 : i32
        %dma_start3A_162 = arith.constant 0 : i32
        %dma_start3A_163 = tpu.memref_slice %arg20[%dma_start3A_161, %dma_start3A_162] : memref<10016x128xf32, #tpu.memory_space<vmem_shared>> -> memref<10016x128xf32, #tpu.memory_space<vmem_shared>>
        tpu.enqueue_indirect_dma source(%arg8 : memref<80x128xf32, #tpu.memory_space<vmem>>) target(%dma_start3A_163 : memref<10016x128xf32, #tpu.memory_space<vmem_shared>>) offsets(%arg12 : memref<80xi32, #tpu.memory_space<vmem>>) semaphore(%arg18 : memref<!tpu.dma_semaphore, #tpu.memory_space<semaphore_mem>>) {add = true}
        %add3A_164 = arith.constant 2 : i32
        %add3A_165 = arith.addi %scan3A_124, %add3A_164 : i32
        %lt3A_166 = arith.constant 62 : i32
        %lt3A_167 = arith.cmpi slt, %add3A_165, %lt3A_166 : i32
        %convert_element_type3A_168 = arith.extui %lt3A_167 : i1 to i32
        %cond3A_169 = arith.constant 0 : i32
        %cond3A_170 = arith.cmpi ne, %convert_element_type3A_168, %cond3A_169 : i32
        scf.if %cond3A_170 {
          %ge3A = arith.constant 1 : i32
          %ge3A_171 = arith.cmpi sge, %scan3A_124, %ge3A : i32
          %convert_element_type3A_172 = arith.extui %ge3A_171 : i1 to i32
          %cond3A_173 = arith.constant 0 : i32
          %cond3A_174 = arith.cmpi ne, %convert_element_type3A_172, %cond3A_173 : i32
          scf.if %cond3A_174 {
            %dma_wait3A_187 = arith.constant 0 : i32
            %dma_wait3A_188 = arith.constant 0 : i32
            %dma_wait3A_189 = tpu.memref_slice %arg20[%dma_wait3A_187, %dma_wait3A_188] : memref<10016x128xf32, #tpu.memory_space<vmem_shared>> -> memref<10016x128xf32, #tpu.memory_space<vmem_shared>>
            tpu.wait_indirect_dma semaphore(%arg17 : memref<!tpu.dma_semaphore, #tpu.memory_space<semaphore_mem>>) src(%arg7 : memref<80x128xf32, #tpu.memory_space<vmem>>) dst(%dma_wait3A_189 : memref<10016x128xf32, #tpu.memory_space<vmem_shared>>)
          } else {
          }
          %add3A_175 = arith.constant 2 : i32
          %add3A_176 = arith.addi %scan3A_124, %add3A_175 : i32
          %mul3A_177 = arith.constant 80 : i32
          %mul3A_178 = arith.muli %add3A_176, %mul3A_177 : i32
          %multiple_of3A_179 = tpu.assume_multiple %mul3A_178, 8 : i32
          %add3A_180 = arith.addi %mul3A_0, %multiple_of3A_179 : i32
          %dma_start3A_181 = arith.constant 0 : i32
          %dma_start3A_182 = tpu.memref_slice %arg2[%add3A_68, %add3A_180, %dma_start3A_181] : memref<4x79360x128xf32, #tpu.memory_space<hbm>> -> memref<1x80x128xf32, #tpu.memory_space<hbm>>
          %dma_start3A_183 = tpu.memref_squeeze %dma_start3A_182 : memref<1x80x128xf32, #tpu.memory_space<hbm>> -> memref<80x128xf32, #tpu.memory_space<hbm>>
          %dma_start3A_184 = arith.constant 0 : i32
          %dma_start3A_185 = tpu.memref_slice %arg2[%add3A_68, %add3A_180, %dma_start3A_184] : memref<4x79360x128xf32, #tpu.memory_space<hbm>> -> memref<1x80x128xf32, #tpu.memory_space<hbm>>
          %dma_start3A_186 = tpu.memref_squeeze %dma_start3A_185 : memref<1x80x128xf32, #tpu.memory_space<hbm>> -> memref<80x128xf32, #tpu.memory_space<hbm>>
          tpu.enqueue_dma source(%dma_start3A_186 : memref<80x128xf32, #tpu.memory_space<hbm>>) target(%arg7 : memref<80x128xf32, #tpu.memory_space<vmem>>) target_semaphore(%arg14 : memref<!tpu.dma_semaphore, #tpu.memory_space<semaphore_mem>>)
        } else {
        }
      } else {
      }
      %rem3A_138 = arith.constant 3 : i32
      %rem3A_139 = arith.remsi %scan3A_124, %rem3A_138 : i32
      %eq3A_140 = arith.constant 2 : i32
      %eq3A_141 = arith.cmpi eq, %rem3A_139, %eq3A_140 : i32
      %convert_element_type3A_142 = arith.extui %eq3A_141 : i1 to i32
      %cond3A_143 = arith.constant 0 : i32
      %cond3A_144 = arith.cmpi ne, %convert_element_type3A_142, %cond3A_143 : i32
      scf.if %cond3A_144 {
        %scan3A_145 = arith.constant 0 : i32
        %scan3A_146 = arith.constant 0 : i32
        %scan3A_147 = arith.constant 5 : i32
        %scan3A_148 = arith.addi %scan3A_146, %scan3A_147 : i32
        %scan3A_149 = arith.constant 1 : i32
        scf.for %scan3A_171 = %scan3A_146 to %scan3A_148 step %scan3A_149  : i32 {
          %mul3A_172 = arith.constant 16 : i32
          %mul3A_173 = arith.muli %scan3A_171, %mul3A_172 : i32
          %multiple_of3A_174 = tpu.assume_multiple %mul3A_173, 16 : i32
          %mul3A_175 = arith.constant 80 : i32
          %mul3A_176 = arith.muli %scan3A_124, %mul3A_175 : i32
          %multiple_of3A_177 = tpu.assume_multiple %mul3A_176, 8 : i32
          %add3A_178 = arith.addi %multiple_of3A_177, %multiple_of3A_174 : i32
          %get3A = arith.index_cast %add3A_178 : i32 to index
          %get3A_179 = tpu.vector_load %arg6[%get3A] {strides = array<i32>} : memref<4960xi32, #tpu.memory_space<vmem>>, vector<16xi32>,
          %swap3A = arith.index_cast %multiple_of3A_174 : i32 to index
          %swap3A_180 = tpu.vector_load %arg13[%swap3A] {strides = array<i32>} : memref<80xi32, #tpu.memory_space<vmem>>, vector<16xi32>,
          tpu.vector_store %arg13[%swap3A], %get3A_179 {strides = array<i32>} : memref<80xi32, #tpu.memory_space<vmem>>, vector<16xi32>,
        }
        %scan3A_150 = arith.constant 5 : i32
        %mul3A_151 = arith.constant 80 : i32
        %mul3A_152 = arith.muli %scan3A_124, %mul3A_151 : i32
        %multiple_of3A_153 = tpu.assume_multiple %mul3A_152, 8 : i32
        %add3A_154 = arith.addi %mul3A_0, %multiple_of3A_153 : i32
        %dma_wait3A_155 = arith.constant 0 : i32
        %dma_wait3A_156 = tpu.memref_slice %arg2[%add3A_68, %add3A_154, %dma_wait3A_155] : memref<4x79360x128xf32, #tpu.memory_space<hbm>> -> memref<1x80x128xf32, #tpu.memory_space<hbm>>
        %dma_wait3A_157 = tpu.memref_squeeze %dma_wait3A_156 : memref<1x80x128xf32, #tpu.memory_space<hbm>> -> memref<80x128xf32, #tpu.memory_space<hbm>>
        %dma_wait3A_158 = arith.constant 0 : i32
        %dma_wait3A_159 = tpu.memref_slice %arg2[%add3A_68, %add3A_154, %dma_wait3A_158] : memref<4x79360x128xf32, #tpu.memory_space<hbm>> -> memref<1x80x128xf32, #tpu.memory_space<hbm>>
        %dma_wait3A_160 = tpu.memref_squeeze %dma_wait3A_159 : memref<1x80x128xf32, #tpu.memory_space<hbm>> -> memref<80x128xf32, #tpu.memory_space<hbm>>
        tpu.wait_dma2 semaphore(%arg16 : memref<!tpu.dma_semaphore, #tpu.memory_space<semaphore_mem>>) src(%dma_wait3A_160 : memref<80x128xf32, #tpu.memory_space<hbm>>) dst(%arg9 : memref<80x128xf32, #tpu.memory_space<vmem>>)
        %dma_start3A_161 = arith.constant 0 : i32
        %dma_start3A_162 = arith.constant 0 : i32
        %dma_start3A_163 = tpu.memref_slice %arg20[%dma_start3A_161, %dma_start3A_162] : memref<10016x128xf32, #tpu.memory_space<vmem_shared>> -> memref<10016x128xf32, #tpu.memory_space<vmem_shared>>
        tpu.enqueue_indirect_dma source(%arg9 : memref<80x128xf32, #tpu.memory_space<vmem>>) target(%dma_start3A_163 : memref<10016x128xf32, #tpu.memory_space<vmem_shared>>) offsets(%arg13 : memref<80xi32, #tpu.memory_space<vmem>>) semaphore(%arg19 : memref<!tpu.dma_semaphore, #tpu.memory_space<semaphore_mem>>) {add = true}
        %add3A_164 = arith.constant 2 : i32
        %add3A_165 = arith.addi %scan3A_124, %add3A_164 : i32
        %lt3A_166 = arith.constant 62 : i32
        %lt3A_167 = arith.cmpi slt, %add3A_165, %lt3A_166 : i32
        %convert_element_type3A_168 = arith.extui %lt3A_167 : i1 to i32
        %cond3A_169 = arith.constant 0 : i32
        %cond3A_170 = arith.cmpi ne, %convert_element_type3A_168, %cond3A_169 : i32
        scf.if %cond3A_170 {
          %ge3A = arith.constant 1 : i32
          %ge3A_171 = arith.cmpi sge, %scan3A_124, %ge3A : i32
          %convert_element_type3A_172 = arith.extui %ge3A_171 : i1 to i32
          %cond3A_173 = arith.constant 0 : i32
          %cond3A_174 = arith.cmpi ne, %convert_element_type3A_172, %cond3A_173 : i32
          scf.if %cond3A_174 {
            %dma_wait3A_187 = arith.constant 0 : i32
            %dma_wait3A_188 = arith.constant 0 : i32
            %dma_wait3A_189 = tpu.memref_slice %arg20[%dma_wait3A_187, %dma_wait3A_188] : memref<10016x128xf32, #tpu.memory_space<vmem_shared>> -> memref<10016x128xf32, #tpu.memory_space<vmem_shared>>
            tpu.wait_indirect_dma semaphore(%arg18 : memref<!tpu.dma_semaphore, #tpu.memory_space<semaphore_mem>>) src(%arg8 : memref<80x128xf32, #tpu.memory_space<vmem>>) dst(%dma_wait3A_189 : memref<10016x128xf32, #tpu.memory_space<vmem_shared>>)
          } else {
          }
          %add3A_175 = arith.constant 2 : i32
          %add3A_176 = arith.addi %scan3A_124, %add3A_175 : i32
          %mul3A_177 = arith.constant 80 : i32
          %mul3A_178 = arith.muli %add3A_176, %mul3A_177 : i32
          %multiple_of3A_179 = tpu.assume_multiple %mul3A_178, 8 : i32
          %add3A_180 = arith.addi %mul3A_0, %multiple_of3A_179 : i32
          %dma_start3A_181 = arith.constant 0 : i32
          %dma_start3A_182 = tpu.memref_slice %arg2[%add3A_68, %add3A_180, %dma_start3A_181] : memref<4x79360x128xf32, #tpu.memory_space<hbm>> -> memref<1x80x128xf32, #tpu.memory_space<hbm>>
          %dma_start3A_183 = tpu.memref_squeeze %dma_start3A_182 : memref<1x80x128xf32, #tpu.memory_space<hbm>> -> memref<80x128xf32, #tpu.memory_space<hbm>>
          %dma_start3A_184 = arith.constant 0 : i32
          %dma_start3A_185 = tpu.memref_slice %arg2[%add3A_68, %add3A_180, %dma_start3A_184] : memref<4x79360x128xf32, #tpu.memory_space<hbm>> -> memref<1x80x128xf32, #tpu.memory_space<hbm>>
          %dma_start3A_186 = tpu.memref_squeeze %dma_start3A_185 : memref<1x80x128xf32, #tpu.memory_space<hbm>> -> memref<80x128xf32, #tpu.memory_space<hbm>>
          tpu.enqueue_dma source(%dma_start3A_186 : memref<80x128xf32, #tpu.memory_space<hbm>>) target(%arg8 : memref<80x128xf32, #tpu.memory_space<vmem>>) target_semaphore(%arg15 : memref<!tpu.dma_semaphore, #tpu.memory_space<semaphore_mem>>)
        } else {
        }
      } else {
      }
    }
    %scan3A_103 = arith.constant 62 : i32
    %dma_wait3A_104 = arith.constant 0 : i32
    %dma_wait3A_105 = arith.constant 0 : i32
    %dma_wait3A_106 = tpu.memref_slice %arg20[%dma_wait3A_104, %dma_wait3A_105] : memref<10016x128xf32, #tpu.memory_space<vmem_shared>> -> memref<10016x128xf32, #tpu.memory_space<vmem_shared>>
    tpu.wait_indirect_dma semaphore(%arg19 : memref<!tpu.dma_semaphore, #tpu.memory_space<semaphore_mem>>) src(%arg9 : memref<80x128xf32, #tpu.memory_space<vmem>>) dst(%dma_wait3A_106 : memref<10016x128xf32, #tpu.memory_space<vmem_shared>>)
    %dma_wait3A_107 = arith.constant 0 : i32
    %dma_wait3A_108 = arith.constant 0 : i32
    %dma_wait3A_109 = tpu.memref_slice %arg20[%dma_wait3A_107, %dma_wait3A_108] : memref<10016x128xf32, #tpu.memory_space<vmem_shared>> -> memref<10016x128xf32, #tpu.memory_space<vmem_shared>>
    tpu.wait_indirect_dma semaphore(%arg17 : memref<!tpu.dma_semaphore, #tpu.memory_space<semaphore_mem>>) src(%arg7 : memref<80x128xf32, #tpu.memory_space<vmem>>) dst(%dma_wait3A_109 : memref<10016x128xf32, #tpu.memory_space<vmem_shared>>)
    %dma_wait3A_110 = arith.constant 0 : i32
    %dma_wait3A_111 = arith.constant 0 : i32
    %dma_wait3A_112 = tpu.memref_slice %arg20[%dma_wait3A_110, %dma_wait3A_111] : memref<10016x128xf32, #tpu.memory_space<vmem_shared>> -> memref<10016x128xf32, #tpu.memory_space<vmem_shared>>
    tpu.wait_indirect_dma semaphore(%arg18 : memref<!tpu.dma_semaphore, #tpu.memory_space<semaphore_mem>>) src(%arg8 : memref<80x128xf32, #tpu.memory_space<vmem>>) dst(%dma_wait3A_112 : memref<10016x128xf32, #tpu.memory_space<vmem_shared>>)
    %barrier3A_113 = arith.constant 0 : index
    tpu.barrier barrier_id(%barrier3A_113)
    %mul3A_114 = arith.constant 624 : i32
    %mul3A_115 = arith.muli %arg1, %mul3A_114 : i32
    %mul3A_116 = arith.constant 624 : i32
    %mul3A_117 = arith.muli %arg1, %mul3A_116 : i32
    "tpu.region"() ({
      %run_scoped3A = tpu.sem_alloc : memref<!tpu.dma_semaphore, #tpu.memory_space<semaphore_mem>>
      %dma_start3A_124 = tpu.memref_slice %arg5[%mul3A_117, %add3A_64] : memref<10000x512xf32, #tpu.memory_space<hbm>> -> memref<624x128xf32, #tpu.memory_space<hbm>>
      %dma_start3A_125 = arith.constant 0 : i32
      %dma_start3A_126 = tpu.memref_slice %arg20[%mul3A_115, %dma_start3A_125] : memref<10016x128xf32, #tpu.memory_space<vmem_shared>> -> memref<624x128xf32, #tpu.memory_space<vmem_shared>>
      tpu.enqueue_dma source(%dma_start3A_126 : memref<624x128xf32, #tpu.memory_space<vmem_shared>>) target(%dma_start3A_124 : memref<624x128xf32, #tpu.memory_space<hbm>>) target_semaphore(%run_scoped3A : memref<!tpu.dma_semaphore, #tpu.memory_space<semaphore_mem>>)
      %dma_wait3A_127 = tpu.memref_slice %arg5[%mul3A_117, %add3A_64] : memref<10000x512xf32, #tpu.memory_space<hbm>> -> memref<624x128xf32, #tpu.memory_space<hbm>>
      %dma_wait3A_128 = arith.constant 0 : i32
      %dma_wait3A_129 = tpu.memref_slice %arg20[%mul3A_115, %dma_wait3A_128] : memref<10016x128xf32, #tpu.memory_space<vmem_shared>> -> memref<624x128xf32, #tpu.memory_space<vmem_shared>>
      tpu.wait_dma2 semaphore(%run_scoped3A : memref<!tpu.dma_semaphore, #tpu.memory_space<semaphore_mem>>) src(%dma_wait3A_129 : memref<624x128xf32, #tpu.memory_space<vmem_shared>>) dst(%dma_wait3A_127 : memref<624x128xf32, #tpu.memory_space<hbm>>)
      tpu.yield
    }) : () -> ()
    %eq3A_118 = arith.constant 0 : i32
    %eq3A_119 = arith.cmpi eq, %arg1, %eq3A_118 : i32
    %convert_element_type3A_120 = arith.extui %eq3A_119 : i1 to i32
    %cond3A_121 = arith.constant 0 : i32
    %cond3A_122 = arith.cmpi ne, %convert_element_type3A_120, %cond3A_121 : i32
    scf.if %cond3A_122 {
      "tpu.region"() ({
        %run_scoped3A = tpu.sem_alloc : memref<!tpu.dma_semaphore, #tpu.memory_space<semaphore_mem>>
        %dma_start3A_124 = arith.constant 9984 : i32
        %dma_start3A_125 = tpu.memref_slice %arg5[%dma_start3A_124, %add3A_64] : memref<10000x512xf32, #tpu.memory_space<hbm>> -> memref<16x128xf32, #tpu.memory_space<hbm>>
        %dma_start3A_126 = arith.constant 9984 : i32
        %dma_start3A_127 = arith.constant 0 : i32
        %dma_start3A_128 = tpu.memref_slice %arg20[%dma_start3A_126, %dma_start3A_127] : memref<10016x128xf32, #tpu.memory_space<vmem_shared>> -> memref<16x128xf32, #tpu.memory_space<vmem_shared>>
        tpu.enqueue_dma source(%dma_start3A_128 : memref<16x128xf32, #tpu.memory_space<vmem_shared>>) target(%dma_start3A_125 : memref<16x128xf32, #tpu.memory_space<hbm>>) target_semaphore(%run_scoped3A : memref<!tpu.dma_semaphore, #tpu.memory_space<semaphore_mem>>)
        %dma_wait3A_129 = arith.constant 9984 : i32
        %dma_wait3A_130 = tpu.memref_slice %arg5[%dma_wait3A_129, %add3A_64] : memref<10000x512xf32, #tpu.memory_space<hbm>> -> memref<16x128xf32, #tpu.memory_space<hbm>>
        %dma_wait3A_131 = arith.constant 9984 : i32
        %dma_wait3A_132 = arith.constant 0 : i32
        %dma_wait3A_133 = tpu.memref_slice %arg20[%dma_wait3A_131, %dma_wait3A_132] : memref<10016x128xf32, #tpu.memory_space<vmem_shared>> -> memref<16x128xf32, #tpu.memory_space<vmem_shared>>
        tpu.wait_dma2 semaphore(%run_scoped3A : memref<!tpu.dma_semaphore, #tpu.memory_space<semaphore_mem>>) src(%dma_wait3A_133 : memref<16x128xf32, #tpu.memory_space<vmem_shared>>) dst(%dma_wait3A_130 : memref<16x128xf32, #tpu.memory_space<hbm>>)
        tpu.yield
      }) : () -> ()
    } else {
    }
    %barrier3A_123 = arith.constant 0 : index
    tpu.barrier barrier_id(%barrier3A_123)
    return
  }
}

#map = affine_map<(d0, d1) -> (0, 0, 0)>
#map1 = affine_map<(d0, d1) -> (0)>
#map2 = affine_map<(d0, d1) -> (0, 0)>
module attributes {stable_mosaic.version = 14 : i64} {
  func.func @_sc_softmax(%arg0: i32, %arg1: i32, %arg2: memref<2x4x163840xf32, #tpu.memory_space<hbm>>, %arg3: memref<163840xi32, #tpu.memory_space<hbm>>, %arg4: memref<2x4x10112xf32, #tpu.memory_space<hbm>>, %arg5: memref<2x4x16xf32, #tpu.memory_space<hbm>>, %arg6: memref<4x10112xf32, #tpu.memory_space<hbm>>, %arg7: memref<4xi32, #tpu.memory_space<hbm>>, %arg8: memref<2x4x163840xf32, #tpu.memory_space<hbm>>, %arg9: memref<10240xi32, #tpu.memory_space<vmem>>, %arg10: memref<4x5120xf32, #tpu.memory_space<vmem>>, %arg11: memref<4x10112xf32, #tpu.memory_space<vmem>>, %arg12: memref<4x10112xf32, #tpu.memory_space<vmem>>, %arg13: memref<4x16xf32, #tpu.memory_space<vmem>>, %arg14: memref<4xi32, #tpu.memory_space<vmem>>, %arg15: memref<4x10112xf32, #tpu.memory_space<vmem_shared>>) attributes {dimension_semantics = [#tpu.dimension_semantics<core_parallel>, #tpu.dimension_semantics<subcore_parallel>], iteration_bounds = array<i64: 2, 16>, scalar_prefetch = 0 : i64, scratch_operands = 7 : i64, tpu.core_type = #tpu.core_type<sc_vector_subcore>, window_params = [{transform_indices = #map}, {transform_indices = #map1}, {transform_indices = #map}, {transform_indices = #map}, {transform_indices = #map2}, {transform_indices = #map1}, {transform_indices = #map}]} {
    %mul3A = arith.constant 10240 : i32
    %mul3A_0 = arith.muli %arg1, %mul3A : i32
    "tpu.region"() ({
      %run_scoped3A = tpu.sem_alloc : memref<!tpu.dma_semaphore, #tpu.memory_space<semaphore_mem>>
      %dma_start3A = tpu.memref_slice %arg3[%mul3A_0] : memref<163840xi32, #tpu.memory_space<hbm>> -> memref<10240xi32, #tpu.memory_space<hbm>>
      %dma_start3A_42 = tpu.memref_slice %arg3[%mul3A_0] : memref<163840xi32, #tpu.memory_space<hbm>> -> memref<10240xi32, #tpu.memory_space<hbm>>
      tpu.enqueue_dma source(%dma_start3A_42 : memref<10240xi32, #tpu.memory_space<hbm>>) target(%arg9 : memref<10240xi32, #tpu.memory_space<vmem>>) target_semaphore(%run_scoped3A : memref<!tpu.dma_semaphore, #tpu.memory_space<semaphore_mem>>)
      %dma_wait3A = tpu.memref_slice %arg3[%mul3A_0] : memref<163840xi32, #tpu.memory_space<hbm>> -> memref<10240xi32, #tpu.memory_space<hbm>>
      %dma_wait3A_43 = tpu.memref_slice %arg3[%mul3A_0] : memref<163840xi32, #tpu.memory_space<hbm>> -> memref<10240xi32, #tpu.memory_space<hbm>>
      tpu.wait_dma2 semaphore(%run_scoped3A : memref<!tpu.dma_semaphore, #tpu.memory_space<semaphore_mem>>) src(%dma_wait3A_43 : memref<10240xi32, #tpu.memory_space<hbm>>) dst(%arg9 : memref<10240xi32, #tpu.memory_space<vmem>>)
      tpu.yield
    }) : () -> ()
    "tpu.region"() ({
      %run_scoped3A = tpu.sem_alloc : memref<!tpu.dma_semaphore, #tpu.memory_space<semaphore_mem>>
      %dma_start3A = arith.constant 0 : i32
      %dma_start3A_42 = arith.constant 0 : i32
      %dma_start3A_43 = tpu.memref_slice %arg4[%arg0, %dma_start3A, %dma_start3A_42] : memref<2x4x10112xf32, #tpu.memory_space<hbm>> -> memref<1x4x10112xf32, #tpu.memory_space<hbm>>
      %dma_start3A_44 = tpu.memref_squeeze %dma_start3A_43 : memref<1x4x10112xf32, #tpu.memory_space<hbm>> -> memref<4x10112xf32, #tpu.memory_space<hbm>>
      %dma_start3A_45 = arith.constant 0 : i32
      %dma_start3A_46 = arith.constant 0 : i32
      %dma_start3A_47 = tpu.memref_slice %arg4[%arg0, %dma_start3A_45, %dma_start3A_46] : memref<2x4x10112xf32, #tpu.memory_space<hbm>> -> memref<1x4x10112xf32, #tpu.memory_space<hbm>>
      %dma_start3A_48 = tpu.memref_squeeze %dma_start3A_47 : memref<1x4x10112xf32, #tpu.memory_space<hbm>> -> memref<4x10112xf32, #tpu.memory_space<hbm>>
      tpu.enqueue_dma source(%dma_start3A_48 : memref<4x10112xf32, #tpu.memory_space<hbm>>) target(%arg11 : memref<4x10112xf32, #tpu.memory_space<vmem>>) target_semaphore(%run_scoped3A : memref<!tpu.dma_semaphore, #tpu.memory_space<semaphore_mem>>)
      %dma_wait3A = arith.constant 0 : i32
      %dma_wait3A_49 = arith.constant 0 : i32
      %dma_wait3A_50 = tpu.memref_slice %arg4[%arg0, %dma_wait3A, %dma_wait3A_49] : memref<2x4x10112xf32, #tpu.memory_space<hbm>> -> memref<1x4x10112xf32, #tpu.memory_space<hbm>>
      %dma_wait3A_51 = tpu.memref_squeeze %dma_wait3A_50 : memref<1x4x10112xf32, #tpu.memory_space<hbm>> -> memref<4x10112xf32, #tpu.memory_space<hbm>>
      %dma_wait3A_52 = arith.constant 0 : i32
      %dma_wait3A_53 = arith.constant 0 : i32
      %dma_wait3A_54 = tpu.memref_slice %arg4[%arg0, %dma_wait3A_52, %dma_wait3A_53] : memref<2x4x10112xf32, #tpu.memory_space<hbm>> -> memref<1x4x10112xf32, #tpu.memory_space<hbm>>
      %dma_wait3A_55 = tpu.memref_squeeze %dma_wait3A_54 : memref<1x4x10112xf32, #tpu.memory_space<hbm>> -> memref<4x10112xf32, #tpu.memory_space<hbm>>
      tpu.wait_dma2 semaphore(%run_scoped3A : memref<!tpu.dma_semaphore, #tpu.memory_space<semaphore_mem>>) src(%dma_wait3A_55 : memref<4x10112xf32, #tpu.memory_space<hbm>>) dst(%arg11 : memref<4x10112xf32, #tpu.memory_space<vmem>>)
      tpu.yield
    }) : () -> ()
    "tpu.region"() ({
      %run_scoped3A = tpu.sem_alloc : memref<!tpu.dma_semaphore, #tpu.memory_space<semaphore_mem>>
      %dma_start3A = arith.constant 0 : i32
      %dma_start3A_42 = arith.constant 0 : i32
      %dma_start3A_43 = tpu.memref_slice %arg5[%arg0, %dma_start3A, %dma_start3A_42] : memref<2x4x16xf32, #tpu.memory_space<hbm>> -> memref<1x4x16xf32, #tpu.memory_space<hbm>>
      %dma_start3A_44 = tpu.memref_squeeze %dma_start3A_43 : memref<1x4x16xf32, #tpu.memory_space<hbm>> -> memref<4x16xf32, #tpu.memory_space<hbm>>
      %dma_start3A_45 = arith.constant 0 : i32
      %dma_start3A_46 = arith.constant 0 : i32
      %dma_start3A_47 = tpu.memref_slice %arg5[%arg0, %dma_start3A_45, %dma_start3A_46] : memref<2x4x16xf32, #tpu.memory_space<hbm>> -> memref<1x4x16xf32, #tpu.memory_space<hbm>>
      %dma_start3A_48 = tpu.memref_squeeze %dma_start3A_47 : memref<1x4x16xf32, #tpu.memory_space<hbm>> -> memref<4x16xf32, #tpu.memory_space<hbm>>
      tpu.enqueue_dma source(%dma_start3A_48 : memref<4x16xf32, #tpu.memory_space<hbm>>) target(%arg13 : memref<4x16xf32, #tpu.memory_space<vmem>>) target_semaphore(%run_scoped3A : memref<!tpu.dma_semaphore, #tpu.memory_space<semaphore_mem>>)
      %dma_wait3A = arith.constant 0 : i32
      %dma_wait3A_49 = arith.constant 0 : i32
      %dma_wait3A_50 = tpu.memref_slice %arg5[%arg0, %dma_wait3A, %dma_wait3A_49] : memref<2x4x16xf32, #tpu.memory_space<hbm>> -> memref<1x4x16xf32, #tpu.memory_space<hbm>>
      %dma_wait3A_51 = tpu.memref_squeeze %dma_wait3A_50 : memref<1x4x16xf32, #tpu.memory_space<hbm>> -> memref<4x16xf32, #tpu.memory_space<hbm>>
      %dma_wait3A_52 = arith.constant 0 : i32
      %dma_wait3A_53 = arith.constant 0 : i32
      %dma_wait3A_54 = tpu.memref_slice %arg5[%arg0, %dma_wait3A_52, %dma_wait3A_53] : memref<2x4x16xf32, #tpu.memory_space<hbm>> -> memref<1x4x16xf32, #tpu.memory_space<hbm>>
      %dma_wait3A_55 = tpu.memref_squeeze %dma_wait3A_54 : memref<1x4x16xf32, #tpu.memory_space<hbm>> -> memref<4x16xf32, #tpu.memory_space<hbm>>
      tpu.wait_dma2 semaphore(%run_scoped3A : memref<!tpu.dma_semaphore, #tpu.memory_space<semaphore_mem>>) src(%dma_wait3A_55 : memref<4x16xf32, #tpu.memory_space<hbm>>) dst(%arg13 : memref<4x16xf32, #tpu.memory_space<vmem>>)
      tpu.yield
    }) : () -> ()
    "tpu.region"() ({
      %run_scoped3A = tpu.sem_alloc : memref<!tpu.dma_semaphore, #tpu.memory_space<semaphore_mem>>
      tpu.enqueue_dma source(%arg7 : memref<4xi32, #tpu.memory_space<hbm>>) target(%arg14 : memref<4xi32, #tpu.memory_space<vmem>>) target_semaphore(%run_scoped3A : memref<!tpu.dma_semaphore, #tpu.memory_space<semaphore_mem>>)
      tpu.wait_dma2 semaphore(%run_scoped3A : memref<!tpu.dma_semaphore, #tpu.memory_space<semaphore_mem>>) src(%arg7 : memref<4xi32, #tpu.memory_space<hbm>>) dst(%arg14 : memref<4xi32, #tpu.memory_space<vmem>>)
      tpu.yield
    }) : () -> ()
    "tpu.region"() ({
      %run_scoped3A = tpu.sem_alloc : memref<!tpu.dma_semaphore, #tpu.memory_space<semaphore_mem>>
      tpu.enqueue_dma source(%arg6 : memref<4x10112xf32, #tpu.memory_space<hbm>>) target(%arg12 : memref<4x10112xf32, #tpu.memory_space<vmem>>) target_semaphore(%run_scoped3A : memref<!tpu.dma_semaphore, #tpu.memory_space<semaphore_mem>>)
      tpu.wait_dma2 semaphore(%run_scoped3A : memref<!tpu.dma_semaphore, #tpu.memory_space<semaphore_mem>>) src(%arg6 : memref<4x10112xf32, #tpu.memory_space<hbm>>) dst(%arg12 : memref<4x10112xf32, #tpu.memory_space<vmem>>)
      tpu.yield
    }) : () -> ()
    %eq3A = arith.constant 0 : i32
    %eq3A_1 = arith.cmpi eq, %arg1, %eq3A : i32
    %convert_element_type3A = arith.extui %eq3A_1 : i1 to i32
    %cond3A = arith.constant 0 : i32
    %cond3A_2 = arith.cmpi ne, %convert_element_type3A, %cond3A : i32
    scf.if %cond3A_2 {
      "tpu.region"() ({
        %run_scoped3A = tpu.sem_alloc : memref<!tpu.dma_semaphore, #tpu.memory_space<semaphore_mem>>
        tpu.enqueue_dma source(%arg6 : memref<4x10112xf32, #tpu.memory_space<hbm>>) target(%arg15 : memref<4x10112xf32, #tpu.memory_space<vmem_shared>>) target_semaphore(%run_scoped3A : memref<!tpu.dma_semaphore, #tpu.memory_space<semaphore_mem>>)
        tpu.wait_dma2 semaphore(%run_scoped3A : memref<!tpu.dma_semaphore, #tpu.memory_space<semaphore_mem>>) src(%arg6 : memref<4x10112xf32, #tpu.memory_space<hbm>>) dst(%arg15 : memref<4x10112xf32, #tpu.memory_space<vmem_shared>>)
        tpu.yield
      }) : () -> ()
    } else {
    }
    %barrier3A = arith.constant 0 : index
    tpu.barrier barrier_id(%barrier3A)
    %add3A = arith.constant 0 : i32
    %add3A_3 = arith.addi %mul3A_0, %add3A : i32
    "tpu.region"() ({
      %run_scoped3A = tpu.sem_alloc : memref<!tpu.dma_semaphore, #tpu.memory_space<semaphore_mem>>
      %dma_start3A = arith.constant 0 : i32
      %dma_start3A_42 = tpu.memref_slice %arg2[%arg0, %dma_start3A, %add3A_3] : memref<2x4x163840xf32, #tpu.memory_space<hbm>> -> memref<1x4x5120xf32, #tpu.memory_space<hbm>>
      %dma_start3A_43 = tpu.memref_squeeze %dma_start3A_42 : memref<1x4x5120xf32, #tpu.memory_space<hbm>> -> memref<4x5120xf32, #tpu.memory_space<hbm>>
      %dma_start3A_44 = arith.constant 0 : i32
      %dma_start3A_45 = tpu.memref_slice %arg2[%arg0, %dma_start3A_44, %add3A_3] : memref<2x4x163840xf32, #tpu.memory_space<hbm>> -> memref<1x4x5120xf32, #tpu.memory_space<hbm>>
      %dma_start3A_46 = tpu.memref_squeeze %dma_start3A_45 : memref<1x4x5120xf32, #tpu.memory_space<hbm>> -> memref<4x5120xf32, #tpu.memory_space<hbm>>
      tpu.enqueue_dma source(%dma_start3A_46 : memref<4x5120xf32, #tpu.memory_space<hbm>>) target(%arg10 : memref<4x5120xf32, #tpu.memory_space<vmem>>) target_semaphore(%run_scoped3A : memref<!tpu.dma_semaphore, #tpu.memory_space<semaphore_mem>>)
      %dma_wait3A = arith.constant 0 : i32
      %dma_wait3A_47 = tpu.memref_slice %arg2[%arg0, %dma_wait3A, %add3A_3] : memref<2x4x163840xf32, #tpu.memory_space<hbm>> -> memref<1x4x5120xf32, #tpu.memory_space<hbm>>
      %dma_wait3A_48 = tpu.memref_squeeze %dma_wait3A_47 : memref<1x4x5120xf32, #tpu.memory_space<hbm>> -> memref<4x5120xf32, #tpu.memory_space<hbm>>
      %dma_wait3A_49 = arith.constant 0 : i32
      %dma_wait3A_50 = tpu.memref_slice %arg2[%arg0, %dma_wait3A_49, %add3A_3] : memref<2x4x163840xf32, #tpu.memory_space<hbm>> -> memref<1x4x5120xf32, #tpu.memory_space<hbm>>
      %dma_wait3A_51 = tpu.memref_squeeze %dma_wait3A_50 : memref<1x4x5120xf32, #tpu.memory_space<hbm>> -> memref<4x5120xf32, #tpu.memory_space<hbm>>
      tpu.wait_dma2 semaphore(%run_scoped3A : memref<!tpu.dma_semaphore, #tpu.memory_space<semaphore_mem>>) src(%dma_wait3A_51 : memref<4x5120xf32, #tpu.memory_space<hbm>>) dst(%arg10 : memref<4x5120xf32, #tpu.memory_space<vmem>>)
      tpu.yield
    }) : () -> ()
    %scan3A = arith.constant 0 : i32
    %scan3A_4 = arith.constant 0 : i32
    %scan3A_5 = arith.constant 320 : i32
    %scan3A_6 = arith.addi %scan3A_4, %scan3A_5 : i32
    %scan3A_7 = arith.constant 1 : i32
    scf.for %scan3A_42 = %scan3A_4 to %scan3A_6 step %scan3A_7  : i32 {
      %mul3A_43 = arith.constant 16 : i32
      %mul3A_44 = arith.muli %scan3A_42, %mul3A_43 : i32
      %multiple_of3A = tpu.assume_multiple %mul3A_44, 16 : i32
      %add3A_45 = arith.constant 0 : i32
      %add3A_46 = arith.addi %add3A_45, %multiple_of3A : i32
      %get3A = arith.index_cast %add3A_46 : i32 to index
      %get3A_47 = tpu.vector_load %arg9[%get3A] {strides = array<i32>} : memref<10240xi32, #tpu.memory_space<vmem>>, vector<16xi32>,
      %broadcast_in_dim3A = arith.constant 0 : i32
      %broadcast_in_dim3A_48 = vector.broadcast %broadcast_in_dim3A : i32 to vector<16xi32>
      %get3A_49 = arith.constant 0 : i32
      %get3A_50 = arith.index_cast %get3A_49 : i32 to index
      %get3A_51 = arith.index_cast %multiple_of3A : i32 to index
      %get3A_52 = tpu.vector_load %arg10[%get3A_50, %get3A_51] {strides = array<i32>} : memref<4x5120xf32, #tpu.memory_space<vmem>>, vector<16xf32>,
      %gather3A = tpu.vector_load_idx %arg11[%broadcast_in_dim3A_48, %get3A_47] : memref<4x10112xf32, #tpu.memory_space<vmem>>[vector<16xi32>, vector<16xi32>], vector<16xf32>,
      %add3A_53 = arith.addf %get3A_52, %gather3A : vector<16xf32>
      %gt3A = arith.constant 0.000000e+00 : f32
      %gt3A_54 = vector.broadcast %gt3A : f32 to vector<16xf32>
      %gt3A_55 = arith.cmpf ogt, %add3A_53, %gt3A_54 : vector<16xf32>
      %mul3A_56 = arith.constant 0.00999999977 : f32
      %mul3A_57 = vector.broadcast %mul3A_56 : f32 to vector<16xf32>
      %mul3A_58 = arith.mulf %mul3A_57, %add3A_53 : vector<16xf32>
      %select_n3A = arith.select %gt3A_55, %add3A_53, %mul3A_58 : vector<16xi1>, vector<16xf32>
      %get3A_59 = arith.constant 0 : i32
      %get3A_60 = arith.index_cast %get3A_59 : i32 to index
      %get3A_61 = arith.constant 0 : index
      %get3A_62 = tpu.vector_load %arg13[%get3A_60, %get3A_61] {strides = array<i32>} : memref<4x16xf32, #tpu.memory_space<vmem>>, vector<16xf32>,
      %sub3A = arith.subf %select_n3A, %get3A_62 : vector<16xf32>
      %exp3A = math.exp %sub3A : vector<16xf32>
      %swap3A = arith.constant 0 : i32
      %swap3A_63 = arith.index_cast %swap3A : i32 to index
      %swap3A_64 = arith.index_cast %multiple_of3A : i32 to index
      %swap3A_65 = tpu.vector_load %arg10[%swap3A_63, %swap3A_64] {strides = array<i32>} : memref<4x5120xf32, #tpu.memory_space<vmem>>, vector<16xf32>,
      tpu.vector_store %arg10[%swap3A_63, %swap3A_64], %exp3A {strides = array<i32>} : memref<4x5120xf32, #tpu.memory_space<vmem>>, vector<16xf32>,
      tpu.vector_store_idx %arg12[%broadcast_in_dim3A_48, %get3A_47], %exp3A {add = true} : memref<4x10112xf32, #tpu.memory_space<vmem>>[vector<16xi32>, vector<16xi32>], vector<16xf32>,
      %broadcast_in_dim3A_66 = arith.constant 1 : i32
      %broadcast_in_dim3A_67 = vector.broadcast %broadcast_in_dim3A_66 : i32 to vector<16xi32>
      %get3A_68 = arith.constant 1 : i32
      %get3A_69 = arith.index_cast %get3A_68 : i32 to index
      %get3A_70 = arith.index_cast %multiple_of3A : i32 to index
      %get3A_71 = tpu.vector_load %arg10[%get3A_69, %get3A_70] {strides = array<i32>} : memref<4x5120xf32, #tpu.memory_space<vmem>>, vector<16xf32>,
      %gather3A_72 = tpu.vector_load_idx %arg11[%broadcast_in_dim3A_67, %get3A_47] : memref<4x10112xf32, #tpu.memory_space<vmem>>[vector<16xi32>, vector<16xi32>], vector<16xf32>,
      %add3A_73 = arith.addf %get3A_71, %gather3A_72 : vector<16xf32>
      %gt3A_74 = arith.constant 0.000000e+00 : f32
      %gt3A_75 = vector.broadcast %gt3A_74 : f32 to vector<16xf32>
      %gt3A_76 = arith.cmpf ogt, %add3A_73, %gt3A_75 : vector<16xf32>
      %mul3A_77 = arith.constant 0.00999999977 : f32
      %mul3A_78 = vector.broadcast %mul3A_77 : f32 to vector<16xf32>
      %mul3A_79 = arith.mulf %mul3A_78, %add3A_73 : vector<16xf32>
      %select_n3A_80 = arith.select %gt3A_76, %add3A_73, %mul3A_79 : vector<16xi1>, vector<16xf32>
      %get3A_81 = arith.constant 1 : i32
      %get3A_82 = arith.index_cast %get3A_81 : i32 to index
      %get3A_83 = arith.constant 0 : index
      %get3A_84 = tpu.vector_load %arg13[%get3A_82, %get3A_83] {strides = array<i32>} : memref<4x16xf32, #tpu.memory_space<vmem>>, vector<16xf32>,
      %sub3A_85 = arith.subf %select_n3A_80, %get3A_84 : vector<16xf32>
      %exp3A_86 = math.exp %sub3A_85 : vector<16xf32>
      %swap3A_87 = arith.constant 1 : i32
      %swap3A_88 = arith.index_cast %swap3A_87 : i32 to index
      %swap3A_89 = arith.index_cast %multiple_of3A : i32 to index
      %swap3A_90 = tpu.vector_load %arg10[%swap3A_88, %swap3A_89] {strides = array<i32>} : memref<4x5120xf32, #tpu.memory_space<vmem>>, vector<16xf32>,
      tpu.vector_store %arg10[%swap3A_88, %swap3A_89], %exp3A_86 {strides = array<i32>} : memref<4x5120xf32, #tpu.memory_space<vmem>>, vector<16xf32>,
      tpu.vector_store_idx %arg12[%broadcast_in_dim3A_67, %get3A_47], %exp3A_86 {add = true} : memref<4x10112xf32, #tpu.memory_space<vmem>>[vector<16xi32>, vector<16xi32>], vector<16xf32>,
      %broadcast_in_dim3A_91 = arith.constant 2 : i32
      %broadcast_in_dim3A_92 = vector.broadcast %broadcast_in_dim3A_91 : i32 to vector<16xi32>
      %get3A_93 = arith.constant 2 : i32
      %get3A_94 = arith.index_cast %get3A_93 : i32 to index
      %get3A_95 = arith.index_cast %multiple_of3A : i32 to index
      %get3A_96 = tpu.vector_load %arg10[%get3A_94, %get3A_95] {strides = array<i32>} : memref<4x5120xf32, #tpu.memory_space<vmem>>, vector<16xf32>,
      %gather3A_97 = tpu.vector_load_idx %arg11[%broadcast_in_dim3A_92, %get3A_47] : memref<4x10112xf32, #tpu.memory_space<vmem>>[vector<16xi32>, vector<16xi32>], vector<16xf32>,
      %add3A_98 = arith.addf %get3A_96, %gather3A_97 : vector<16xf32>
      %gt3A_99 = arith.constant 0.000000e+00 : f32
      %gt3A_100 = vector.broadcast %gt3A_99 : f32 to vector<16xf32>
      %gt3A_101 = arith.cmpf ogt, %add3A_98, %gt3A_100 : vector<16xf32>
      %mul3A_102 = arith.constant 0.00999999977 : f32
      %mul3A_103 = vector.broadcast %mul3A_102 : f32 to vector<16xf32>
      %mul3A_104 = arith.mulf %mul3A_103, %add3A_98 : vector<16xf32>
      %select_n3A_105 = arith.select %gt3A_101, %add3A_98, %mul3A_104 : vector<16xi1>, vector<16xf32>
      %get3A_106 = arith.constant 2 : i32
      %get3A_107 = arith.index_cast %get3A_106 : i32 to index
      %get3A_108 = arith.constant 0 : index
      %get3A_109 = tpu.vector_load %arg13[%get3A_107, %get3A_108] {strides = array<i32>} : memref<4x16xf32, #tpu.memory_space<vmem>>, vector<16xf32>,
      %sub3A_110 = arith.subf %select_n3A_105, %get3A_109 : vector<16xf32>
      %exp3A_111 = math.exp %sub3A_110 : vector<16xf32>
      %swap3A_112 = arith.constant 2 : i32
      %swap3A_113 = arith.index_cast %swap3A_112 : i32 to index
      %swap3A_114 = arith.index_cast %multiple_of3A : i32 to index
      %swap3A_115 = tpu.vector_load %arg10[%swap3A_113, %swap3A_114] {strides = array<i32>} : memref<4x5120xf32, #tpu.memory_space<vmem>>, vector<16xf32>,
      tpu.vector_store %arg10[%swap3A_113, %swap3A_114], %exp3A_111 {strides = array<i32>} : memref<4x5120xf32, #tpu.memory_space<vmem>>, vector<16xf32>,
      tpu.vector_store_idx %arg12[%broadcast_in_dim3A_92, %get3A_47], %exp3A_111 {add = true} : memref<4x10112xf32, #tpu.memory_space<vmem>>[vector<16xi32>, vector<16xi32>], vector<16xf32>,
      %broadcast_in_dim3A_116 = arith.constant 3 : i32
      %broadcast_in_dim3A_117 = vector.broadcast %broadcast_in_dim3A_116 : i32 to vector<16xi32>
      %get3A_118 = arith.constant 3 : i32
      %get3A_119 = arith.index_cast %get3A_118 : i32 to index
      %get3A_120 = arith.index_cast %multiple_of3A : i32 to index
      %get3A_121 = tpu.vector_load %arg10[%get3A_119, %get3A_120] {strides = array<i32>} : memref<4x5120xf32, #tpu.memory_space<vmem>>, vector<16xf32>,
      %gather3A_122 = tpu.vector_load_idx %arg11[%broadcast_in_dim3A_117, %get3A_47] : memref<4x10112xf32, #tpu.memory_space<vmem>>[vector<16xi32>, vector<16xi32>], vector<16xf32>,
      %add3A_123 = arith.addf %get3A_121, %gather3A_122 : vector<16xf32>
      %gt3A_124 = arith.constant 0.000000e+00 : f32
      %gt3A_125 = vector.broadcast %gt3A_124 : f32 to vector<16xf32>
      %gt3A_126 = arith.cmpf ogt, %add3A_123, %gt3A_125 : vector<16xf32>
      %mul3A_127 = arith.constant 0.00999999977 : f32
      %mul3A_128 = vector.broadcast %mul3A_127 : f32 to vector<16xf32>
      %mul3A_129 = arith.mulf %mul3A_128, %add3A_123 : vector<16xf32>
      %select_n3A_130 = arith.select %gt3A_126, %add3A_123, %mul3A_129 : vector<16xi1>, vector<16xf32>
      %get3A_131 = arith.constant 3 : i32
      %get3A_132 = arith.index_cast %get3A_131 : i32 to index
      %get3A_133 = arith.constant 0 : index
      %get3A_134 = tpu.vector_load %arg13[%get3A_132, %get3A_133] {strides = array<i32>} : memref<4x16xf32, #tpu.memory_space<vmem>>, vector<16xf32>,
      %sub3A_135 = arith.subf %select_n3A_130, %get3A_134 : vector<16xf32>
      %exp3A_136 = math.exp %sub3A_135 : vector<16xf32>
      %swap3A_137 = arith.constant 3 : i32
      %swap3A_138 = arith.index_cast %swap3A_137 : i32 to index
      %swap3A_139 = arith.index_cast %multiple_of3A : i32 to index
      %swap3A_140 = tpu.vector_load %arg10[%swap3A_138, %swap3A_139] {strides = array<i32>} : memref<4x5120xf32, #tpu.memory_space<vmem>>, vector<16xf32>,
      tpu.vector_store %arg10[%swap3A_138, %swap3A_139], %exp3A_136 {strides = array<i32>} : memref<4x5120xf32, #tpu.memory_space<vmem>>, vector<16xf32>,
      tpu.vector_store_idx %arg12[%broadcast_in_dim3A_117, %get3A_47], %exp3A_136 {add = true} : memref<4x10112xf32, #tpu.memory_space<vmem>>[vector<16xi32>, vector<16xi32>], vector<16xf32>,
    }
    %scan3A_8 = arith.constant 320 : i32
    %add3A_9 = arith.constant 0 : i32
    %add3A_10 = arith.addi %mul3A_0, %add3A_9 : i32
    "tpu.region"() ({
      %run_scoped3A = tpu.sem_alloc : memref<!tpu.dma_semaphore, #tpu.memory_space<semaphore_mem>>
      %dma_start3A = arith.constant 0 : i32
      %dma_start3A_42 = tpu.memref_slice %arg8[%arg0, %dma_start3A, %add3A_10] : memref<2x4x163840xf32, #tpu.memory_space<hbm>> -> memref<1x4x5120xf32, #tpu.memory_space<hbm>>
      %dma_start3A_43 = tpu.memref_squeeze %dma_start3A_42 : memref<1x4x5120xf32, #tpu.memory_space<hbm>> -> memref<4x5120xf32, #tpu.memory_space<hbm>>
      %dma_start3A_44 = arith.constant 0 : i32
      %dma_start3A_45 = tpu.memref_slice %arg8[%arg0, %dma_start3A_44, %add3A_10] : memref<2x4x163840xf32, #tpu.memory_space<hbm>> -> memref<1x4x5120xf32, #tpu.memory_space<hbm>>
      %dma_start3A_46 = tpu.memref_squeeze %dma_start3A_45 : memref<1x4x5120xf32, #tpu.memory_space<hbm>> -> memref<4x5120xf32, #tpu.memory_space<hbm>>
      tpu.enqueue_dma source(%arg10 : memref<4x5120xf32, #tpu.memory_space<vmem>>) target(%dma_start3A_46 : memref<4x5120xf32, #tpu.memory_space<hbm>>) target_semaphore(%run_scoped3A : memref<!tpu.dma_semaphore, #tpu.memory_space<semaphore_mem>>)
      %dma_wait3A = arith.constant 0 : i32
      %dma_wait3A_47 = tpu.memref_slice %arg8[%arg0, %dma_wait3A, %add3A_10] : memref<2x4x163840xf32, #tpu.memory_space<hbm>> -> memref<1x4x5120xf32, #tpu.memory_space<hbm>>
      %dma_wait3A_48 = tpu.memref_squeeze %dma_wait3A_47 : memref<1x4x5120xf32, #tpu.memory_space<hbm>> -> memref<4x5120xf32, #tpu.memory_space<hbm>>
      %dma_wait3A_49 = arith.constant 0 : i32
      %dma_wait3A_50 = tpu.memref_slice %arg8[%arg0, %dma_wait3A_49, %add3A_10] : memref<2x4x163840xf32, #tpu.memory_space<hbm>> -> memref<1x4x5120xf32, #tpu.memory_space<hbm>>
      %dma_wait3A_51 = tpu.memref_squeeze %dma_wait3A_50 : memref<1x4x5120xf32, #tpu.memory_space<hbm>> -> memref<4x5120xf32, #tpu.memory_space<hbm>>
      tpu.wait_dma2 semaphore(%run_scoped3A : memref<!tpu.dma_semaphore, #tpu.memory_space<semaphore_mem>>) src(%arg10 : memref<4x5120xf32, #tpu.memory_space<vmem>>) dst(%dma_wait3A_51 : memref<4x5120xf32, #tpu.memory_space<hbm>>)
      tpu.yield
    }) : () -> ()
    %add3A_11 = arith.constant 5120 : i32
    %add3A_12 = arith.addi %mul3A_0, %add3A_11 : i32
    "tpu.region"() ({
      %run_scoped3A = tpu.sem_alloc : memref<!tpu.dma_semaphore, #tpu.memory_space<semaphore_mem>>
      %dma_start3A = arith.constant 0 : i32
      %dma_start3A_42 = tpu.memref_slice %arg2[%arg0, %dma_start3A, %add3A_12] : memref<2x4x163840xf32, #tpu.memory_space<hbm>> -> memref<1x4x5120xf32, #tpu.memory_space<hbm>>
      %dma_start3A_43 = tpu.memref_squeeze %dma_start3A_42 : memref<1x4x5120xf32, #tpu.memory_space<hbm>> -> memref<4x5120xf32, #tpu.memory_space<hbm>>
      %dma_start3A_44 = arith.constant 0 : i32
      %dma_start3A_45 = tpu.memref_slice %arg2[%arg0, %dma_start3A_44, %add3A_12] : memref<2x4x163840xf32, #tpu.memory_space<hbm>> -> memref<1x4x5120xf32, #tpu.memory_space<hbm>>
      %dma_start3A_46 = tpu.memref_squeeze %dma_start3A_45 : memref<1x4x5120xf32, #tpu.memory_space<hbm>> -> memref<4x5120xf32, #tpu.memory_space<hbm>>
      tpu.enqueue_dma source(%dma_start3A_46 : memref<4x5120xf32, #tpu.memory_space<hbm>>) target(%arg10 : memref<4x5120xf32, #tpu.memory_space<vmem>>) target_semaphore(%run_scoped3A : memref<!tpu.dma_semaphore, #tpu.memory_space<semaphore_mem>>)
      %dma_wait3A = arith.constant 0 : i32
      %dma_wait3A_47 = tpu.memref_slice %arg2[%arg0, %dma_wait3A, %add3A_12] : memref<2x4x163840xf32, #tpu.memory_space<hbm>> -> memref<1x4x5120xf32, #tpu.memory_space<hbm>>
      %dma_wait3A_48 = tpu.memref_squeeze %dma_wait3A_47 : memref<1x4x5120xf32, #tpu.memory_space<hbm>> -> memref<4x5120xf32, #tpu.memory_space<hbm>>
      %dma_wait3A_49 = arith.constant 0 : i32
      %dma_wait3A_50 = tpu.memref_slice %arg2[%arg0, %dma_wait3A_49, %add3A_12] : memref<2x4x163840xf32, #tpu.memory_space<hbm>> -> memref<1x4x5120xf32, #tpu.memory_space<hbm>>
      %dma_wait3A_51 = tpu.memref_squeeze %dma_wait3A_50 : memref<1x4x5120xf32, #tpu.memory_space<hbm>> -> memref<4x5120xf32, #tpu.memory_space<hbm>>
      tpu.wait_dma2 semaphore(%run_scoped3A : memref<!tpu.dma_semaphore, #tpu.memory_space<semaphore_mem>>) src(%dma_wait3A_51 : memref<4x5120xf32, #tpu.memory_space<hbm>>) dst(%arg10 : memref<4x5120xf32, #tpu.memory_space<vmem>>)
      tpu.yield
    }) : () -> ()
    %scan3A_13 = arith.constant 0 : i32
    %scan3A_14 = arith.constant 0 : i32
    %scan3A_15 = arith.constant 320 : i32
    %scan3A_16 = arith.addi %scan3A_14, %scan3A_15 : i32
    %scan3A_17 = arith.constant 1 : i32
    scf.for %scan3A_42 = %scan3A_14 to %scan3A_16 step %scan3A_17  : i32 {
      %mul3A_43 = arith.constant 16 : i32
      %mul3A_44 = arith.muli %scan3A_42, %mul3A_43 : i32
      %multiple_of3A = tpu.assume_multiple %mul3A_44, 16 : i32
      %add3A_45 = arith.constant 5120 : i32
      %add3A_46 = arith.addi %add3A_45, %multiple_of3A : i32
      %get3A = arith.index_cast %add3A_46 : i32 to index
      %get3A_47 = tpu.vector_load %arg9[%get3A] {strides = array<i32>} : memref<10240xi32, #tpu.memory_space<vmem>>, vector<16xi32>,
      %broadcast_in_dim3A = arith.constant 0 : i32
      %broadcast_in_dim3A_48 = vector.broadcast %broadcast_in_dim3A : i32 to vector<16xi32>
      %get3A_49 = arith.constant 0 : i32
      %get3A_50 = arith.index_cast %get3A_49 : i32 to index
      %get3A_51 = arith.index_cast %multiple_of3A : i32 to index
      %get3A_52 = tpu.vector_load %arg10[%get3A_50, %get3A_51] {strides = array<i32>} : memref<4x5120xf32, #tpu.memory_space<vmem>>, vector<16xf32>,
      %gather3A = tpu.vector_load_idx %arg11[%broadcast_in_dim3A_48, %get3A_47] : memref<4x10112xf32, #tpu.memory_space<vmem>>[vector<16xi32>, vector<16xi32>], vector<16xf32>,
      %add3A_53 = arith.addf %get3A_52, %gather3A : vector<16xf32>
      %gt3A = arith.constant 0.000000e+00 : f32
      %gt3A_54 = vector.broadcast %gt3A : f32 to vector<16xf32>
      %gt3A_55 = arith.cmpf ogt, %add3A_53, %gt3A_54 : vector<16xf32>
      %mul3A_56 = arith.constant 0.00999999977 : f32
      %mul3A_57 = vector.broadcast %mul3A_56 : f32 to vector<16xf32>
      %mul3A_58 = arith.mulf %mul3A_57, %add3A_53 : vector<16xf32>
      %select_n3A = arith.select %gt3A_55, %add3A_53, %mul3A_58 : vector<16xi1>, vector<16xf32>
      %get3A_59 = arith.constant 0 : i32
      %get3A_60 = arith.index_cast %get3A_59 : i32 to index
      %get3A_61 = arith.constant 0 : index
      %get3A_62 = tpu.vector_load %arg13[%get3A_60, %get3A_61] {strides = array<i32>} : memref<4x16xf32, #tpu.memory_space<vmem>>, vector<16xf32>,
      %sub3A = arith.subf %select_n3A, %get3A_62 : vector<16xf32>
      %exp3A = math.exp %sub3A : vector<16xf32>
      %swap3A = arith.constant 0 : i32
      %swap3A_63 = arith.index_cast %swap3A : i32 to index
      %swap3A_64 = arith.index_cast %multiple_of3A : i32 to index
      %swap3A_65 = tpu.vector_load %arg10[%swap3A_63, %swap3A_64] {strides = array<i32>} : memref<4x5120xf32, #tpu.memory_space<vmem>>, vector<16xf32>,
      tpu.vector_store %arg10[%swap3A_63, %swap3A_64], %exp3A {strides = array<i32>} : memref<4x5120xf32, #tpu.memory_space<vmem>>, vector<16xf32>,
      tpu.vector_store_idx %arg12[%broadcast_in_dim3A_48, %get3A_47], %exp3A {add = true} : memref<4x10112xf32, #tpu.memory_space<vmem>>[vector<16xi32>, vector<16xi32>], vector<16xf32>,
      %broadcast_in_dim3A_66 = arith.constant 1 : i32
      %broadcast_in_dim3A_67 = vector.broadcast %broadcast_in_dim3A_66 : i32 to vector<16xi32>
      %get3A_68 = arith.constant 1 : i32
      %get3A_69 = arith.index_cast %get3A_68 : i32 to index
      %get3A_70 = arith.index_cast %multiple_of3A : i32 to index
      %get3A_71 = tpu.vector_load %arg10[%get3A_69, %get3A_70] {strides = array<i32>} : memref<4x5120xf32, #tpu.memory_space<vmem>>, vector<16xf32>,
      %gather3A_72 = tpu.vector_load_idx %arg11[%broadcast_in_dim3A_67, %get3A_47] : memref<4x10112xf32, #tpu.memory_space<vmem>>[vector<16xi32>, vector<16xi32>], vector<16xf32>,
      %add3A_73 = arith.addf %get3A_71, %gather3A_72 : vector<16xf32>
      %gt3A_74 = arith.constant 0.000000e+00 : f32
      %gt3A_75 = vector.broadcast %gt3A_74 : f32 to vector<16xf32>
      %gt3A_76 = arith.cmpf ogt, %add3A_73, %gt3A_75 : vector<16xf32>
      %mul3A_77 = arith.constant 0.00999999977 : f32
      %mul3A_78 = vector.broadcast %mul3A_77 : f32 to vector<16xf32>
      %mul3A_79 = arith.mulf %mul3A_78, %add3A_73 : vector<16xf32>
      %select_n3A_80 = arith.select %gt3A_76, %add3A_73, %mul3A_79 : vector<16xi1>, vector<16xf32>
      %get3A_81 = arith.constant 1 : i32
      %get3A_82 = arith.index_cast %get3A_81 : i32 to index
      %get3A_83 = arith.constant 0 : index
      %get3A_84 = tpu.vector_load %arg13[%get3A_82, %get3A_83] {strides = array<i32>} : memref<4x16xf32, #tpu.memory_space<vmem>>, vector<16xf32>,
      %sub3A_85 = arith.subf %select_n3A_80, %get3A_84 : vector<16xf32>
      %exp3A_86 = math.exp %sub3A_85 : vector<16xf32>
      %swap3A_87 = arith.constant 1 : i32
      %swap3A_88 = arith.index_cast %swap3A_87 : i32 to index
      %swap3A_89 = arith.index_cast %multiple_of3A : i32 to index
      %swap3A_90 = tpu.vector_load %arg10[%swap3A_88, %swap3A_89] {strides = array<i32>} : memref<4x5120xf32, #tpu.memory_space<vmem>>, vector<16xf32>,
      tpu.vector_store %arg10[%swap3A_88, %swap3A_89], %exp3A_86 {strides = array<i32>} : memref<4x5120xf32, #tpu.memory_space<vmem>>, vector<16xf32>,
      tpu.vector_store_idx %arg12[%broadcast_in_dim3A_67, %get3A_47], %exp3A_86 {add = true} : memref<4x10112xf32, #tpu.memory_space<vmem>>[vector<16xi32>, vector<16xi32>], vector<16xf32>,
      %broadcast_in_dim3A_91 = arith.constant 2 : i32
      %broadcast_in_dim3A_92 = vector.broadcast %broadcast_in_dim3A_91 : i32 to vector<16xi32>
      %get3A_93 = arith.constant 2 : i32
      %get3A_94 = arith.index_cast %get3A_93 : i32 to index
      %get3A_95 = arith.index_cast %multiple_of3A : i32 to index
      %get3A_96 = tpu.vector_load %arg10[%get3A_94, %get3A_95] {strides = array<i32>} : memref<4x5120xf32, #tpu.memory_space<vmem>>, vector<16xf32>,
      %gather3A_97 = tpu.vector_load_idx %arg11[%broadcast_in_dim3A_92, %get3A_47] : memref<4x10112xf32, #tpu.memory_space<vmem>>[vector<16xi32>, vector<16xi32>], vector<16xf32>,
      %add3A_98 = arith.addf %get3A_96, %gather3A_97 : vector<16xf32>
      %gt3A_99 = arith.constant 0.000000e+00 : f32
      %gt3A_100 = vector.broadcast %gt3A_99 : f32 to vector<16xf32>
      %gt3A_101 = arith.cmpf ogt, %add3A_98, %gt3A_100 : vector<16xf32>
      %mul3A_102 = arith.constant 0.00999999977 : f32
      %mul3A_103 = vector.broadcast %mul3A_102 : f32 to vector<16xf32>
      %mul3A_104 = arith.mulf %mul3A_103, %add3A_98 : vector<16xf32>
      %select_n3A_105 = arith.select %gt3A_101, %add3A_98, %mul3A_104 : vector<16xi1>, vector<16xf32>
      %get3A_106 = arith.constant 2 : i32
      %get3A_107 = arith.index_cast %get3A_106 : i32 to index
      %get3A_108 = arith.constant 0 : index
      %get3A_109 = tpu.vector_load %arg13[%get3A_107, %get3A_108] {strides = array<i32>} : memref<4x16xf32, #tpu.memory_space<vmem>>, vector<16xf32>,
      %sub3A_110 = arith.subf %select_n3A_105, %get3A_109 : vector<16xf32>
      %exp3A_111 = math.exp %sub3A_110 : vector<16xf32>
      %swap3A_112 = arith.constant 2 : i32
      %swap3A_113 = arith.index_cast %swap3A_112 : i32 to index
      %swap3A_114 = arith.index_cast %multiple_of3A : i32 to index
      %swap3A_115 = tpu.vector_load %arg10[%swap3A_113, %swap3A_114] {strides = array<i32>} : memref<4x5120xf32, #tpu.memory_space<vmem>>, vector<16xf32>,
      tpu.vector_store %arg10[%swap3A_113, %swap3A_114], %exp3A_111 {strides = array<i32>} : memref<4x5120xf32, #tpu.memory_space<vmem>>, vector<16xf32>,
      tpu.vector_store_idx %arg12[%broadcast_in_dim3A_92, %get3A_47], %exp3A_111 {add = true} : memref<4x10112xf32, #tpu.memory_space<vmem>>[vector<16xi32>, vector<16xi32>], vector<16xf32>,
      %broadcast_in_dim3A_116 = arith.constant 3 : i32
      %broadcast_in_dim3A_117 = vector.broadcast %broadcast_in_dim3A_116 : i32 to vector<16xi32>
      %get3A_118 = arith.constant 3 : i32
      %get3A_119 = arith.index_cast %get3A_118 : i32 to index
      %get3A_120 = arith.index_cast %multiple_of3A : i32 to index
      %get3A_121 = tpu.vector_load %arg10[%get3A_119, %get3A_120] {strides = array<i32>} : memref<4x5120xf32, #tpu.memory_space<vmem>>, vector<16xf32>,
      %gather3A_122 = tpu.vector_load_idx %arg11[%broadcast_in_dim3A_117, %get3A_47] : memref<4x10112xf32, #tpu.memory_space<vmem>>[vector<16xi32>, vector<16xi32>], vector<16xf32>,
      %add3A_123 = arith.addf %get3A_121, %gather3A_122 : vector<16xf32>
      %gt3A_124 = arith.constant 0.000000e+00 : f32
      %gt3A_125 = vector.broadcast %gt3A_124 : f32 to vector<16xf32>
      %gt3A_126 = arith.cmpf ogt, %add3A_123, %gt3A_125 : vector<16xf32>
      %mul3A_127 = arith.constant 0.00999999977 : f32
      %mul3A_128 = vector.broadcast %mul3A_127 : f32 to vector<16xf32>
      %mul3A_129 = arith.mulf %mul3A_128, %add3A_123 : vector<16xf32>
      %select_n3A_130 = arith.select %gt3A_126, %add3A_123, %mul3A_129 : vector<16xi1>, vector<16xf32>
      %get3A_131 = arith.constant 3 : i32
      %get3A_132 = arith.index_cast %get3A_131 : i32 to index
      %get3A_133 = arith.constant 0 : index
      %get3A_134 = tpu.vector_load %arg13[%get3A_132, %get3A_133] {strides = array<i32>} : memref<4x16xf32, #tpu.memory_space<vmem>>, vector<16xf32>,
      %sub3A_135 = arith.subf %select_n3A_130, %get3A_134 : vector<16xf32>
      %exp3A_136 = math.exp %sub3A_135 : vector<16xf32>
      %swap3A_137 = arith.constant 3 : i32
      %swap3A_138 = arith.index_cast %swap3A_137 : i32 to index
      %swap3A_139 = arith.index_cast %multiple_of3A : i32 to index
      %swap3A_140 = tpu.vector_load %arg10[%swap3A_138, %swap3A_139] {strides = array<i32>} : memref<4x5120xf32, #tpu.memory_space<vmem>>, vector<16xf32>,
      tpu.vector_store %arg10[%swap3A_138, %swap3A_139], %exp3A_136 {strides = array<i32>} : memref<4x5120xf32, #tpu.memory_space<vmem>>, vector<16xf32>,
      tpu.vector_store_idx %arg12[%broadcast_in_dim3A_117, %get3A_47], %exp3A_136 {add = true} : memref<4x10112xf32, #tpu.memory_space<vmem>>[vector<16xi32>, vector<16xi32>], vector<16xf32>,
    }
    %scan3A_18 = arith.constant 320 : i32
    %add3A_19 = arith.constant 5120 : i32
    %add3A_20 = arith.addi %mul3A_0, %add3A_19 : i32
    "tpu.region"() ({
      %run_scoped3A = tpu.sem_alloc : memref<!tpu.dma_semaphore, #tpu.memory_space<semaphore_mem>>
      %dma_start3A = arith.constant 0 : i32
      %dma_start3A_42 = tpu.memref_slice %arg8[%arg0, %dma_start3A, %add3A_20] : memref<2x4x163840xf32, #tpu.memory_space<hbm>> -> memref<1x4x5120xf32, #tpu.memory_space<hbm>>
      %dma_start3A_43 = tpu.memref_squeeze %dma_start3A_42 : memref<1x4x5120xf32, #tpu.memory_space<hbm>> -> memref<4x5120xf32, #tpu.memory_space<hbm>>
      %dma_start3A_44 = arith.constant 0 : i32
      %dma_start3A_45 = tpu.memref_slice %arg8[%arg0, %dma_start3A_44, %add3A_20] : memref<2x4x163840xf32, #tpu.memory_space<hbm>> -> memref<1x4x5120xf32, #tpu.memory_space<hbm>>
      %dma_start3A_46 = tpu.memref_squeeze %dma_start3A_45 : memref<1x4x5120xf32, #tpu.memory_space<hbm>> -> memref<4x5120xf32, #tpu.memory_space<hbm>>
      tpu.enqueue_dma source(%arg10 : memref<4x5120xf32, #tpu.memory_space<vmem>>) target(%dma_start3A_46 : memref<4x5120xf32, #tpu.memory_space<hbm>>) target_semaphore(%run_scoped3A : memref<!tpu.dma_semaphore, #tpu.memory_space<semaphore_mem>>)
      %dma_wait3A = arith.constant 0 : i32
      %dma_wait3A_47 = tpu.memref_slice %arg8[%arg0, %dma_wait3A, %add3A_20] : memref<2x4x163840xf32, #tpu.memory_space<hbm>> -> memref<1x4x5120xf32, #tpu.memory_space<hbm>>
      %dma_wait3A_48 = tpu.memref_squeeze %dma_wait3A_47 : memref<1x4x5120xf32, #tpu.memory_space<hbm>> -> memref<4x5120xf32, #tpu.memory_space<hbm>>
      %dma_wait3A_49 = arith.constant 0 : i32
      %dma_wait3A_50 = tpu.memref_slice %arg8[%arg0, %dma_wait3A_49, %add3A_20] : memref<2x4x163840xf32, #tpu.memory_space<hbm>> -> memref<1x4x5120xf32, #tpu.memory_space<hbm>>
      %dma_wait3A_51 = tpu.memref_squeeze %dma_wait3A_50 : memref<1x4x5120xf32, #tpu.memory_space<hbm>> -> memref<4x5120xf32, #tpu.memory_space<hbm>>
      tpu.wait_dma2 semaphore(%run_scoped3A : memref<!tpu.dma_semaphore, #tpu.memory_space<semaphore_mem>>) src(%arg10 : memref<4x5120xf32, #tpu.memory_space<vmem>>) dst(%dma_wait3A_51 : memref<4x5120xf32, #tpu.memory_space<hbm>>)
      tpu.yield
    }) : () -> ()
    "tpu.region"() ({
      %run_scoped3A = tpu.sem_alloc : memref<!tpu.dma_semaphore, #tpu.memory_space<semaphore_mem>>
      %dma_start3A = arith.constant 0 : i32
      %dma_start3A_42 = arith.constant 0 : i32
      %dma_start3A_43 = tpu.memref_slice %arg15[%dma_start3A, %dma_start3A_42] : memref<4x10112xf32, #tpu.memory_space<vmem_shared>> -> memref<4x10112xf32, #tpu.memory_space<vmem_shared>>
      tpu.enqueue_indirect_dma source(%arg12 : memref<4x10112xf32, #tpu.memory_space<vmem>>) target(%dma_start3A_43 : memref<4x10112xf32, #tpu.memory_space<vmem_shared>>) offsets(%arg14 : memref<4xi32, #tpu.memory_space<vmem>>) semaphore(%run_scoped3A : memref<!tpu.dma_semaphore, #tpu.memory_space<semaphore_mem>>) {add = true}
      %dma_wait3A = arith.constant 0 : i32
      %dma_wait3A_44 = arith.constant 0 : i32
      %dma_wait3A_45 = tpu.memref_slice %arg15[%dma_wait3A, %dma_wait3A_44] : memref<4x10112xf32, #tpu.memory_space<vmem_shared>> -> memref<4x10112xf32, #tpu.memory_space<vmem_shared>>
      tpu.wait_indirect_dma semaphore(%run_scoped3A : memref<!tpu.dma_semaphore, #tpu.memory_space<semaphore_mem>>) src(%arg12 : memref<4x10112xf32, #tpu.memory_space<vmem>>) dst(%dma_wait3A_45 : memref<4x10112xf32, #tpu.memory_space<vmem_shared>>)
      tpu.yield
    }) : () -> ()
    %barrier3A_21 = arith.constant 0 : index
    tpu.barrier barrier_id(%barrier3A_21)
    "tpu.region"() ({
      %run_scoped3A = tpu.sem_alloc : memref<!tpu.dma_semaphore, #tpu.memory_space<semaphore_mem>>
      tpu.enqueue_dma source(%arg15 : memref<4x10112xf32, #tpu.memory_space<vmem_shared>>) target(%arg11 : memref<4x10112xf32, #tpu.memory_space<vmem>>) target_semaphore(%run_scoped3A : memref<!tpu.dma_semaphore, #tpu.memory_space<semaphore_mem>>)
      tpu.wait_dma2 semaphore(%run_scoped3A : memref<!tpu.dma_semaphore, #tpu.memory_space<semaphore_mem>>) src(%arg15 : memref<4x10112xf32, #tpu.memory_space<vmem_shared>>) dst(%arg11 : memref<4x10112xf32, #tpu.memory_space<vmem>>)
      tpu.yield
    }) : () -> ()
    %add3A_22 = arith.constant 0 : i32
    %add3A_23 = arith.addi %mul3A_0, %add3A_22 : i32
    "tpu.region"() ({
      %run_scoped3A = tpu.sem_alloc : memref<!tpu.dma_semaphore, #tpu.memory_space<semaphore_mem>>
      %dma_start3A = arith.constant 0 : i32
      %dma_start3A_42 = tpu.memref_slice %arg8[%arg0, %dma_start3A, %add3A_23] : memref<2x4x163840xf32, #tpu.memory_space<hbm>> -> memref<1x4x5120xf32, #tpu.memory_space<hbm>>
      %dma_start3A_43 = tpu.memref_squeeze %dma_start3A_42 : memref<1x4x5120xf32, #tpu.memory_space<hbm>> -> memref<4x5120xf32, #tpu.memory_space<hbm>>
      %dma_start3A_44 = arith.constant 0 : i32
      %dma_start3A_45 = tpu.memref_slice %arg8[%arg0, %dma_start3A_44, %add3A_23] : memref<2x4x163840xf32, #tpu.memory_space<hbm>> -> memref<1x4x5120xf32, #tpu.memory_space<hbm>>
      %dma_start3A_46 = tpu.memref_squeeze %dma_start3A_45 : memref<1x4x5120xf32, #tpu.memory_space<hbm>> -> memref<4x5120xf32, #tpu.memory_space<hbm>>
      tpu.enqueue_dma source(%dma_start3A_46 : memref<4x5120xf32, #tpu.memory_space<hbm>>) target(%arg10 : memref<4x5120xf32, #tpu.memory_space<vmem>>) target_semaphore(%run_scoped3A : memref<!tpu.dma_semaphore, #tpu.memory_space<semaphore_mem>>)
      %dma_wait3A = arith.constant 0 : i32
      %dma_wait3A_47 = tpu.memref_slice %arg8[%arg0, %dma_wait3A, %add3A_23] : memref<2x4x163840xf32, #tpu.memory_space<hbm>> -> memref<1x4x5120xf32, #tpu.memory_space<hbm>>
      %dma_wait3A_48 = tpu.memref_squeeze %dma_wait3A_47 : memref<1x4x5120xf32, #tpu.memory_space<hbm>> -> memref<4x5120xf32, #tpu.memory_space<hbm>>
      %dma_wait3A_49 = arith.constant 0 : i32
      %dma_wait3A_50 = tpu.memref_slice %arg8[%arg0, %dma_wait3A_49, %add3A_23] : memref<2x4x163840xf32, #tpu.memory_space<hbm>> -> memref<1x4x5120xf32, #tpu.memory_space<hbm>>
      %dma_wait3A_51 = tpu.memref_squeeze %dma_wait3A_50 : memref<1x4x5120xf32, #tpu.memory_space<hbm>> -> memref<4x5120xf32, #tpu.memory_space<hbm>>
      tpu.wait_dma2 semaphore(%run_scoped3A : memref<!tpu.dma_semaphore, #tpu.memory_space<semaphore_mem>>) src(%dma_wait3A_51 : memref<4x5120xf32, #tpu.memory_space<hbm>>) dst(%arg10 : memref<4x5120xf32, #tpu.memory_space<vmem>>)
      tpu.yield
    }) : () -> ()
    %scan3A_24 = arith.constant 0 : i32
    %scan3A_25 = arith.constant 0 : i32
    %scan3A_26 = arith.constant 320 : i32
    %scan3A_27 = arith.addi %scan3A_25, %scan3A_26 : i32
    %scan3A_28 = arith.constant 1 : i32
    scf.for %scan3A_42 = %scan3A_25 to %scan3A_27 step %scan3A_28  : i32 {
      %mul3A_43 = arith.constant 16 : i32
      %mul3A_44 = arith.muli %scan3A_42, %mul3A_43 : i32
      %multiple_of3A = tpu.assume_multiple %mul3A_44, 16 : i32
      %add3A_45 = arith.constant 0 : i32
      %add3A_46 = arith.addi %add3A_45, %multiple_of3A : i32
      %get3A = arith.index_cast %add3A_46 : i32 to index
      %get3A_47 = tpu.vector_load %arg9[%get3A] {strides = array<i32>} : memref<10240xi32, #tpu.memory_space<vmem>>, vector<16xi32>,
      %broadcast_in_dim3A = arith.constant 0 : i32
      %broadcast_in_dim3A_48 = vector.broadcast %broadcast_in_dim3A : i32 to vector<16xi32>
      %gather3A = tpu.vector_load_idx %arg11[%broadcast_in_dim3A_48, %get3A_47] : memref<4x10112xf32, #tpu.memory_space<vmem>>[vector<16xi32>, vector<16xi32>], vector<16xf32>,
      %get3A_49 = arith.constant 0 : i32
      %get3A_50 = arith.index_cast %get3A_49 : i32 to index
      %get3A_51 = arith.index_cast %multiple_of3A : i32 to index
      %get3A_52 = tpu.vector_load %arg10[%get3A_50, %get3A_51] {strides = array<i32>} : memref<4x5120xf32, #tpu.memory_space<vmem>>, vector<16xf32>,
      %div3A = arith.divf %get3A_52, %gather3A : vector<16xf32>
      %swap3A = arith.constant 0 : i32
      %swap3A_53 = arith.index_cast %swap3A : i32 to index
      %swap3A_54 = arith.index_cast %multiple_of3A : i32 to index
      %swap3A_55 = tpu.vector_load %arg10[%swap3A_53, %swap3A_54] {strides = array<i32>} : memref<4x5120xf32, #tpu.memory_space<vmem>>, vector<16xf32>,
      tpu.vector_store %arg10[%swap3A_53, %swap3A_54], %div3A {strides = array<i32>} : memref<4x5120xf32, #tpu.memory_space<vmem>>, vector<16xf32>,
      %broadcast_in_dim3A_56 = arith.constant 1 : i32
      %broadcast_in_dim3A_57 = vector.broadcast %broadcast_in_dim3A_56 : i32 to vector<16xi32>
      %gather3A_58 = tpu.vector_load_idx %arg11[%broadcast_in_dim3A_57, %get3A_47] : memref<4x10112xf32, #tpu.memory_space<vmem>>[vector<16xi32>, vector<16xi32>], vector<16xf32>,
      %get3A_59 = arith.constant 1 : i32
      %get3A_60 = arith.index_cast %get3A_59 : i32 to index
      %get3A_61 = arith.index_cast %multiple_of3A : i32 to index
      %get3A_62 = tpu.vector_load %arg10[%get3A_60, %get3A_61] {strides = array<i32>} : memref<4x5120xf32, #tpu.memory_space<vmem>>, vector<16xf32>,
      %div3A_63 = arith.divf %get3A_62, %gather3A_58 : vector<16xf32>
      %swap3A_64 = arith.constant 1 : i32
      %swap3A_65 = arith.index_cast %swap3A_64 : i32 to index
      %swap3A_66 = arith.index_cast %multiple_of3A : i32 to index
      %swap3A_67 = tpu.vector_load %arg10[%swap3A_65, %swap3A_66] {strides = array<i32>} : memref<4x5120xf32, #tpu.memory_space<vmem>>, vector<16xf32>,
      tpu.vector_store %arg10[%swap3A_65, %swap3A_66], %div3A_63 {strides = array<i32>} : memref<4x5120xf32, #tpu.memory_space<vmem>>, vector<16xf32>,
      %broadcast_in_dim3A_68 = arith.constant 2 : i32
      %broadcast_in_dim3A_69 = vector.broadcast %broadcast_in_dim3A_68 : i32 to vector<16xi32>
      %gather3A_70 = tpu.vector_load_idx %arg11[%broadcast_in_dim3A_69, %get3A_47] : memref<4x10112xf32, #tpu.memory_space<vmem>>[vector<16xi32>, vector<16xi32>], vector<16xf32>,
      %get3A_71 = arith.constant 2 : i32
      %get3A_72 = arith.index_cast %get3A_71 : i32 to index
      %get3A_73 = arith.index_cast %multiple_of3A : i32 to index
      %get3A_74 = tpu.vector_load %arg10[%get3A_72, %get3A_73] {strides = array<i32>} : memref<4x5120xf32, #tpu.memory_space<vmem>>, vector<16xf32>,
      %div3A_75 = arith.divf %get3A_74, %gather3A_70 : vector<16xf32>
      %swap3A_76 = arith.constant 2 : i32
      %swap3A_77 = arith.index_cast %swap3A_76 : i32 to index
      %swap3A_78 = arith.index_cast %multiple_of3A : i32 to index
      %swap3A_79 = tpu.vector_load %arg10[%swap3A_77, %swap3A_78] {strides = array<i32>} : memref<4x5120xf32, #tpu.memory_space<vmem>>, vector<16xf32>,
      tpu.vector_store %arg10[%swap3A_77, %swap3A_78], %div3A_75 {strides = array<i32>} : memref<4x5120xf32, #tpu.memory_space<vmem>>, vector<16xf32>,
      %broadcast_in_dim3A_80 = arith.constant 3 : i32
      %broadcast_in_dim3A_81 = vector.broadcast %broadcast_in_dim3A_80 : i32 to vector<16xi32>
      %gather3A_82 = tpu.vector_load_idx %arg11[%broadcast_in_dim3A_81, %get3A_47] : memref<4x10112xf32, #tpu.memory_space<vmem>>[vector<16xi32>, vector<16xi32>], vector<16xf32>,
      %get3A_83 = arith.constant 3 : i32
      %get3A_84 = arith.index_cast %get3A_83 : i32 to index
      %get3A_85 = arith.index_cast %multiple_of3A : i32 to index
      %get3A_86 = tpu.vector_load %arg10[%get3A_84, %get3A_85] {strides = array<i32>} : memref<4x5120xf32, #tpu.memory_space<vmem>>, vector<16xf32>,
      %div3A_87 = arith.divf %get3A_86, %gather3A_82 : vector<16xf32>
      %swap3A_88 = arith.constant 3 : i32
      %swap3A_89 = arith.index_cast %swap3A_88 : i32 to index
      %swap3A_90 = arith.index_cast %multiple_of3A : i32 to index
      %swap3A_91 = tpu.vector_load %arg10[%swap3A_89, %swap3A_90] {strides = array<i32>} : memref<4x5120xf32, #tpu.memory_space<vmem>>, vector<16xf32>,
      tpu.vector_store %arg10[%swap3A_89, %swap3A_90], %div3A_87 {strides = array<i32>} : memref<4x5120xf32, #tpu.memory_space<vmem>>, vector<16xf32>,
    }
    %scan3A_29 = arith.constant 320 : i32
    %add3A_30 = arith.constant 0 : i32
    %add3A_31 = arith.addi %mul3A_0, %add3A_30 : i32
    "tpu.region"() ({
      %run_scoped3A = tpu.sem_alloc : memref<!tpu.dma_semaphore, #tpu.memory_space<semaphore_mem>>
      %dma_start3A = arith.constant 0 : i32
      %dma_start3A_42 = tpu.memref_slice %arg8[%arg0, %dma_start3A, %add3A_31] : memref<2x4x163840xf32, #tpu.memory_space<hbm>> -> memref<1x4x5120xf32, #tpu.memory_space<hbm>>
      %dma_start3A_43 = tpu.memref_squeeze %dma_start3A_42 : memref<1x4x5120xf32, #tpu.memory_space<hbm>> -> memref<4x5120xf32, #tpu.memory_space<hbm>>
      %dma_start3A_44 = arith.constant 0 : i32
      %dma_start3A_45 = tpu.memref_slice %arg8[%arg0, %dma_start3A_44, %add3A_31] : memref<2x4x163840xf32, #tpu.memory_space<hbm>> -> memref<1x4x5120xf32, #tpu.memory_space<hbm>>
      %dma_start3A_46 = tpu.memref_squeeze %dma_start3A_45 : memref<1x4x5120xf32, #tpu.memory_space<hbm>> -> memref<4x5120xf32, #tpu.memory_space<hbm>>
      tpu.enqueue_dma source(%arg10 : memref<4x5120xf32, #tpu.memory_space<vmem>>) target(%dma_start3A_46 : memref<4x5120xf32, #tpu.memory_space<hbm>>) target_semaphore(%run_scoped3A : memref<!tpu.dma_semaphore, #tpu.memory_space<semaphore_mem>>)
      %dma_wait3A = arith.constant 0 : i32
      %dma_wait3A_47 = tpu.memref_slice %arg8[%arg0, %dma_wait3A, %add3A_31] : memref<2x4x163840xf32, #tpu.memory_space<hbm>> -> memref<1x4x5120xf32, #tpu.memory_space<hbm>>
      %dma_wait3A_48 = tpu.memref_squeeze %dma_wait3A_47 : memref<1x4x5120xf32, #tpu.memory_space<hbm>> -> memref<4x5120xf32, #tpu.memory_space<hbm>>
      %dma_wait3A_49 = arith.constant 0 : i32
      %dma_wait3A_50 = tpu.memref_slice %arg8[%arg0, %dma_wait3A_49, %add3A_31] : memref<2x4x163840xf32, #tpu.memory_space<hbm>> -> memref<1x4x5120xf32, #tpu.memory_space<hbm>>
      %dma_wait3A_51 = tpu.memref_squeeze %dma_wait3A_50 : memref<1x4x5120xf32, #tpu.memory_space<hbm>> -> memref<4x5120xf32, #tpu.memory_space<hbm>>
      tpu.wait_dma2 semaphore(%run_scoped3A : memref<!tpu.dma_semaphore, #tpu.memory_space<semaphore_mem>>) src(%arg10 : memref<4x5120xf32, #tpu.memory_space<vmem>>) dst(%dma_wait3A_51 : memref<4x5120xf32, #tpu.memory_space<hbm>>)
      tpu.yield
    }) : () -> ()
    %add3A_32 = arith.constant 5120 : i32
    %add3A_33 = arith.addi %mul3A_0, %add3A_32 : i32
    "tpu.region"() ({
      %run_scoped3A = tpu.sem_alloc : memref<!tpu.dma_semaphore, #tpu.memory_space<semaphore_mem>>
      %dma_start3A = arith.constant 0 : i32
      %dma_start3A_42 = tpu.memref_slice %arg8[%arg0, %dma_start3A, %add3A_33] : memref<2x4x163840xf32, #tpu.memory_space<hbm>> -> memref<1x4x5120xf32, #tpu.memory_space<hbm>>
      %dma_start3A_43 = tpu.memref_squeeze %dma_start3A_42 : memref<1x4x5120xf32, #tpu.memory_space<hbm>> -> memref<4x5120xf32, #tpu.memory_space<hbm>>
      %dma_start3A_44 = arith.constant 0 : i32
      %dma_start3A_45 = tpu.memref_slice %arg8[%arg0, %dma_start3A_44, %add3A_33] : memref<2x4x163840xf32, #tpu.memory_space<hbm>> -> memref<1x4x5120xf32, #tpu.memory_space<hbm>>
      %dma_start3A_46 = tpu.memref_squeeze %dma_start3A_45 : memref<1x4x5120xf32, #tpu.memory_space<hbm>> -> memref<4x5120xf32, #tpu.memory_space<hbm>>
      tpu.enqueue_dma source(%dma_start3A_46 : memref<4x5120xf32, #tpu.memory_space<hbm>>) target(%arg10 : memref<4x5120xf32, #tpu.memory_space<vmem>>) target_semaphore(%run_scoped3A : memref<!tpu.dma_semaphore, #tpu.memory_space<semaphore_mem>>)
      %dma_wait3A = arith.constant 0 : i32
      %dma_wait3A_47 = tpu.memref_slice %arg8[%arg0, %dma_wait3A, %add3A_33] : memref<2x4x163840xf32, #tpu.memory_space<hbm>> -> memref<1x4x5120xf32, #tpu.memory_space<hbm>>
      %dma_wait3A_48 = tpu.memref_squeeze %dma_wait3A_47 : memref<1x4x5120xf32, #tpu.memory_space<hbm>> -> memref<4x5120xf32, #tpu.memory_space<hbm>>
      %dma_wait3A_49 = arith.constant 0 : i32
      %dma_wait3A_50 = tpu.memref_slice %arg8[%arg0, %dma_wait3A_49, %add3A_33] : memref<2x4x163840xf32, #tpu.memory_space<hbm>> -> memref<1x4x5120xf32, #tpu.memory_space<hbm>>
      %dma_wait3A_51 = tpu.memref_squeeze %dma_wait3A_50 : memref<1x4x5120xf32, #tpu.memory_space<hbm>> -> memref<4x5120xf32, #tpu.memory_space<hbm>>
      tpu.wait_dma2 semaphore(%run_scoped3A : memref<!tpu.dma_semaphore, #tpu.memory_space<semaphore_mem>>) src(%dma_wait3A_51 : memref<4x5120xf32, #tpu.memory_space<hbm>>) dst(%arg10 : memref<4x5120xf32, #tpu.memory_space<vmem>>)
      tpu.yield
    }) : () -> ()
    %scan3A_34 = arith.constant 0 : i32
    %scan3A_35 = arith.constant 0 : i32
    %scan3A_36 = arith.constant 320 : i32
    %scan3A_37 = arith.addi %scan3A_35, %scan3A_36 : i32
    %scan3A_38 = arith.constant 1 : i32
    scf.for %scan3A_42 = %scan3A_35 to %scan3A_37 step %scan3A_38  : i32 {
      %mul3A_43 = arith.constant 16 : i32
      %mul3A_44 = arith.muli %scan3A_42, %mul3A_43 : i32
      %multiple_of3A = tpu.assume_multiple %mul3A_44, 16 : i32
      %add3A_45 = arith.constant 5120 : i32
      %add3A_46 = arith.addi %add3A_45, %multiple_of3A : i32
      %get3A = arith.index_cast %add3A_46 : i32 to index
      %get3A_47 = tpu.vector_load %arg9[%get3A] {strides = array<i32>} : memref<10240xi32, #tpu.memory_space<vmem>>, vector<16xi32>,
      %broadcast_in_dim3A = arith.constant 0 : i32
      %broadcast_in_dim3A_48 = vector.broadcast %broadcast_in_dim3A : i32 to vector<16xi32>
      %gather3A = tpu.vector_load_idx %arg11[%broadcast_in_dim3A_48, %get3A_47] : memref<4x10112xf32, #tpu.memory_space<vmem>>[vector<16xi32>, vector<16xi32>], vector<16xf32>,
      %get3A_49 = arith.constant 0 : i32
      %get3A_50 = arith.index_cast %get3A_49 : i32 to index
      %get3A_51 = arith.index_cast %multiple_of3A : i32 to index
      %get3A_52 = tpu.vector_load %arg10[%get3A_50, %get3A_51] {strides = array<i32>} : memref<4x5120xf32, #tpu.memory_space<vmem>>, vector<16xf32>,
      %div3A = arith.divf %get3A_52, %gather3A : vector<16xf32>
      %swap3A = arith.constant 0 : i32
      %swap3A_53 = arith.index_cast %swap3A : i32 to index
      %swap3A_54 = arith.index_cast %multiple_of3A : i32 to index
      %swap3A_55 = tpu.vector_load %arg10[%swap3A_53, %swap3A_54] {strides = array<i32>} : memref<4x5120xf32, #tpu.memory_space<vmem>>, vector<16xf32>,
      tpu.vector_store %arg10[%swap3A_53, %swap3A_54], %div3A {strides = array<i32>} : memref<4x5120xf32, #tpu.memory_space<vmem>>, vector<16xf32>,
      %broadcast_in_dim3A_56 = arith.constant 1 : i32
      %broadcast_in_dim3A_57 = vector.broadcast %broadcast_in_dim3A_56 : i32 to vector<16xi32>
      %gather3A_58 = tpu.vector_load_idx %arg11[%broadcast_in_dim3A_57, %get3A_47] : memref<4x10112xf32, #tpu.memory_space<vmem>>[vector<16xi32>, vector<16xi32>], vector<16xf32>,
      %get3A_59 = arith.constant 1 : i32
      %get3A_60 = arith.index_cast %get3A_59 : i32 to index
      %get3A_61 = arith.index_cast %multiple_of3A : i32 to index
      %get3A_62 = tpu.vector_load %arg10[%get3A_60, %get3A_61] {strides = array<i32>} : memref<4x5120xf32, #tpu.memory_space<vmem>>, vector<16xf32>,
      %div3A_63 = arith.divf %get3A_62, %gather3A_58 : vector<16xf32>
      %swap3A_64 = arith.constant 1 : i32
      %swap3A_65 = arith.index_cast %swap3A_64 : i32 to index
      %swap3A_66 = arith.index_cast %multiple_of3A : i32 to index
      %swap3A_67 = tpu.vector_load %arg10[%swap3A_65, %swap3A_66] {strides = array<i32>} : memref<4x5120xf32, #tpu.memory_space<vmem>>, vector<16xf32>,
      tpu.vector_store %arg10[%swap3A_65, %swap3A_66], %div3A_63 {strides = array<i32>} : memref<4x5120xf32, #tpu.memory_space<vmem>>, vector<16xf32>,
      %broadcast_in_dim3A_68 = arith.constant 2 : i32
      %broadcast_in_dim3A_69 = vector.broadcast %broadcast_in_dim3A_68 : i32 to vector<16xi32>
      %gather3A_70 = tpu.vector_load_idx %arg11[%broadcast_in_dim3A_69, %get3A_47] : memref<4x10112xf32, #tpu.memory_space<vmem>>[vector<16xi32>, vector<16xi32>], vector<16xf32>,
      %get3A_71 = arith.constant 2 : i32
      %get3A_72 = arith.index_cast %get3A_71 : i32 to index
      %get3A_73 = arith.index_cast %multiple_of3A : i32 to index
      %get3A_74 = tpu.vector_load %arg10[%get3A_72, %get3A_73] {strides = array<i32>} : memref<4x5120xf32, #tpu.memory_space<vmem>>, vector<16xf32>,
      %div3A_75 = arith.divf %get3A_74, %gather3A_70 : vector<16xf32>
      %swap3A_76 = arith.constant 2 : i32
      %swap3A_77 = arith.index_cast %swap3A_76 : i32 to index
      %swap3A_78 = arith.index_cast %multiple_of3A : i32 to index
      %swap3A_79 = tpu.vector_load %arg10[%swap3A_77, %swap3A_78] {strides = array<i32>} : memref<4x5120xf32, #tpu.memory_space<vmem>>, vector<16xf32>,
      tpu.vector_store %arg10[%swap3A_77, %swap3A_78], %div3A_75 {strides = array<i32>} : memref<4x5120xf32, #tpu.memory_space<vmem>>, vector<16xf32>,
      %broadcast_in_dim3A_80 = arith.constant 3 : i32
      %broadcast_in_dim3A_81 = vector.broadcast %broadcast_in_dim3A_80 : i32 to vector<16xi32>
      %gather3A_82 = tpu.vector_load_idx %arg11[%broadcast_in_dim3A_81, %get3A_47] : memref<4x10112xf32, #tpu.memory_space<vmem>>[vector<16xi32>, vector<16xi32>], vector<16xf32>,
      %get3A_83 = arith.constant 3 : i32
      %get3A_84 = arith.index_cast %get3A_83 : i32 to index
      %get3A_85 = arith.index_cast %multiple_of3A : i32 to index
      %get3A_86 = tpu.vector_load %arg10[%get3A_84, %get3A_85] {strides = array<i32>} : memref<4x5120xf32, #tpu.memory_space<vmem>>, vector<16xf32>,
      %div3A_87 = arith.divf %get3A_86, %gather3A_82 : vector<16xf32>
      %swap3A_88 = arith.constant 3 : i32
      %swap3A_89 = arith.index_cast %swap3A_88 : i32 to index
      %swap3A_90 = arith.index_cast %multiple_of3A : i32 to index
      %swap3A_91 = tpu.vector_load %arg10[%swap3A_89, %swap3A_90] {strides = array<i32>} : memref<4x5120xf32, #tpu.memory_space<vmem>>, vector<16xf32>,
      tpu.vector_store %arg10[%swap3A_89, %swap3A_90], %div3A_87 {strides = array<i32>} : memref<4x5120xf32, #tpu.memory_space<vmem>>, vector<16xf32>,
    }
    %scan3A_39 = arith.constant 320 : i32
    %add3A_40 = arith.constant 5120 : i32
    %add3A_41 = arith.addi %mul3A_0, %add3A_40 : i32
    "tpu.region"() ({
      %run_scoped3A = tpu.sem_alloc : memref<!tpu.dma_semaphore, #tpu.memory_space<semaphore_mem>>
      %dma_start3A = arith.constant 0 : i32
      %dma_start3A_42 = tpu.memref_slice %arg8[%arg0, %dma_start3A, %add3A_41] : memref<2x4x163840xf32, #tpu.memory_space<hbm>> -> memref<1x4x5120xf32, #tpu.memory_space<hbm>>
      %dma_start3A_43 = tpu.memref_squeeze %dma_start3A_42 : memref<1x4x5120xf32, #tpu.memory_space<hbm>> -> memref<4x5120xf32, #tpu.memory_space<hbm>>
      %dma_start3A_44 = arith.constant 0 : i32
      %dma_start3A_45 = tpu.memref_slice %arg8[%arg0, %dma_start3A_44, %add3A_41] : memref<2x4x163840xf32, #tpu.memory_space<hbm>> -> memref<1x4x5120xf32, #tpu.memory_space<hbm>>
      %dma_start3A_46 = tpu.memref_squeeze %dma_start3A_45 : memref<1x4x5120xf32, #tpu.memory_space<hbm>> -> memref<4x5120xf32, #tpu.memory_space<hbm>>
      tpu.enqueue_dma source(%arg10 : memref<4x5120xf32, #tpu.memory_space<vmem>>) target(%dma_start3A_46 : memref<4x5120xf32, #tpu.memory_space<hbm>>) target_semaphore(%run_scoped3A : memref<!tpu.dma_semaphore, #tpu.memory_space<semaphore_mem>>)
      %dma_wait3A = arith.constant 0 : i32
      %dma_wait3A_47 = tpu.memref_slice %arg8[%arg0, %dma_wait3A, %add3A_41] : memref<2x4x163840xf32, #tpu.memory_space<hbm>> -> memref<1x4x5120xf32, #tpu.memory_space<hbm>>
      %dma_wait3A_48 = tpu.memref_squeeze %dma_wait3A_47 : memref<1x4x5120xf32, #tpu.memory_space<hbm>> -> memref<4x5120xf32, #tpu.memory_space<hbm>>
      %dma_wait3A_49 = arith.constant 0 : i32
      %dma_wait3A_50 = tpu.memref_slice %arg8[%arg0, %dma_wait3A_49, %add3A_41] : memref<2x4x163840xf32, #tpu.memory_space<hbm>> -> memref<1x4x5120xf32, #tpu.memory_space<hbm>>
      %dma_wait3A_51 = tpu.memref_squeeze %dma_wait3A_50 : memref<1x4x5120xf32, #tpu.memory_space<hbm>> -> memref<4x5120xf32, #tpu.memory_space<hbm>>
      tpu.wait_dma2 semaphore(%run_scoped3A : memref<!tpu.dma_semaphore, #tpu.memory_space<semaphore_mem>>) src(%arg10 : memref<4x5120xf32, #tpu.memory_space<vmem>>) dst(%dma_wait3A_51 : memref<4x5120xf32, #tpu.memory_space<hbm>>)
      tpu.yield
    }) : () -> ()
    return
  }
}

#map = affine_map<(d0, d1) -> (0, 0, 0)>
#map1 = affine_map<(d0, d1) -> (0)>
#map2 = affine_map<(d0, d1) -> (0, 0)>
module attributes {stable_mosaic.version = 14 : i64} {
  func.func @_sc_aggregate(%arg0: i32, %arg1: i32, %arg2: memref<4x80640x128xf32, #tpu.memory_space<hbm>>, %arg3: memref<80640xi32, #tpu.memory_space<hbm>>, %arg4: memref<10000x512xf32, #tpu.memory_space<hbm>>, %arg5: memref<5040xi32, #tpu.memory_space<vmem>>, %arg6: memref<80x128xf32, #tpu.memory_space<vmem>>, %arg7: memref<80x128xf32, #tpu.memory_space<vmem>>, %arg8: memref<80x128xf32, #tpu.memory_space<vmem>>, %arg9: memref<48x128xf32, #tpu.memory_space<vmem>>, %arg10: memref<80xi32, #tpu.memory_space<vmem>>, %arg11: memref<80xi32, #tpu.memory_space<vmem>>, %arg12: memref<80xi32, #tpu.memory_space<vmem>>, %arg13: memref<!tpu.dma_semaphore, #tpu.memory_space<semaphore_mem>>, %arg14: memref<!tpu.dma_semaphore, #tpu.memory_space<semaphore_mem>>, %arg15: memref<!tpu.dma_semaphore, #tpu.memory_space<semaphore_mem>>, %arg16: memref<!tpu.dma_semaphore, #tpu.memory_space<semaphore_mem>>, %arg17: memref<!tpu.dma_semaphore, #tpu.memory_space<semaphore_mem>>, %arg18: memref<!tpu.dma_semaphore, #tpu.memory_space<semaphore_mem>>, %arg19: memref<10016x128xf32, #tpu.memory_space<vmem_shared>>) attributes {dimension_semantics = [#tpu.dimension_semantics<core_parallel>, #tpu.dimension_semantics<subcore_parallel>], iteration_bounds = array<i64: 2, 16>, scalar_prefetch = 0 : i64, scratch_operands = 15 : i64, tpu.core_type = #tpu.core_type<sc_vector_subcore>, window_params = [{transform_indices = #map}, {transform_indices = #map1}, {transform_indices = #map2}]} {
    %mul3A = arith.constant 5040 : i32
    %mul3A_0 = arith.muli %arg1, %mul3A : i32
    "tpu.region"() ({
      %run_scoped3A = tpu.sem_alloc : memref<!tpu.dma_semaphore, #tpu.memory_space<semaphore_mem>>
      %dma_start3A_217 = tpu.memref_slice %arg3[%mul3A_0] : memref<80640xi32, #tpu.memory_space<hbm>> -> memref<5040xi32, #tpu.memory_space<hbm>>
      %dma_start3A_218 = tpu.memref_slice %arg3[%mul3A_0] : memref<80640xi32, #tpu.memory_space<hbm>> -> memref<5040xi32, #tpu.memory_space<hbm>>
      tpu.enqueue_dma source(%dma_start3A_218 : memref<5040xi32, #tpu.memory_space<hbm>>) target(%arg5 : memref<5040xi32, #tpu.memory_space<vmem>>) target_semaphore(%run_scoped3A : memref<!tpu.dma_semaphore, #tpu.memory_space<semaphore_mem>>)
      %dma_wait3A_219 = tpu.memref_slice %arg3[%mul3A_0] : memref<80640xi32, #tpu.memory_space<hbm>> -> memref<5040xi32, #tpu.memory_space<hbm>>
      %dma_wait3A_220 = tpu.memref_slice %arg3[%mul3A_0] : memref<80640xi32, #tpu.memory_space<hbm>> -> memref<5040xi32, #tpu.memory_space<hbm>>
      tpu.wait_dma2 semaphore(%run_scoped3A : memref<!tpu.dma_semaphore, #tpu.memory_space<semaphore_mem>>) src(%dma_wait3A_220 : memref<5040xi32, #tpu.memory_space<hbm>>) dst(%arg5 : memref<5040xi32, #tpu.memory_space<vmem>>)
      tpu.yield
    }) : () -> ()
    %broadcast_in_dim3A = arith.constant 0.000000e+00 : f32
    %broadcast_in_dim3A_1 = vector.broadcast %broadcast_in_dim3A : f32 to vector<16xf32>
    %scan3A = arith.constant 0 : i32
    %scan3A_2 = arith.constant 0 : i32
    %scan3A_3 = arith.constant 384 : i32
    %scan3A_4 = arith.addi %scan3A_2, %scan3A_3 : i32
    %scan3A_5 = arith.constant 1 : i32
    scf.for %scan3A_217 = %scan3A_2 to %scan3A_4 step %scan3A_5  : i32 {
      %jit3A = arith.constant 8 : i32
      %div3A = arith.divsi %scan3A_217, %jit3A : i32
      %sign3A = arith.constant 0 : i32
      %sign3A_218 = arith.cmpi sgt, %scan3A_217, %sign3A : i32
      %sign3A_219 = arith.extui %sign3A_218 : i1 to i32
      %sign3A_220 = arith.constant 0 : i32
      %sign3A_221 = arith.cmpi slt, %scan3A_217, %sign3A_220 : i32
      %sign3A_222 = arith.extui %sign3A_221 : i1 to i32
      %sign3A_223 = arith.subi %sign3A_219, %sign3A_222 : i32
      %sign3A_224 = arith.constant 0 : i32
      %sign3A_225 = arith.cmpi sgt, %jit3A, %sign3A_224 : i32
      %sign3A_226 = arith.extui %sign3A_225 : i1 to i32
      %sign3A_227 = arith.constant 0 : i32
      %sign3A_228 = arith.cmpi slt, %jit3A, %sign3A_227 : i32
      %sign3A_229 = arith.extui %sign3A_228 : i1 to i32
      %sign3A_230 = arith.subi %sign3A_226, %sign3A_229 : i32
      %ne3A = arith.cmpi ne, %sign3A_223, %sign3A_230 : i32
      %rem3A = arith.remsi %scan3A_217, %jit3A : i32
      %ne3A_231 = arith.constant 0 : i32
      %ne3A_232 = arith.cmpi ne, %rem3A, %ne3A_231 : i32
      %and3A = arith.andi %ne3A, %ne3A_232 : i1
      %sub3A = arith.constant 1 : i32
      %sub3A_233 = arith.subi %div3A, %sub3A : i32
      %select_n3A = arith.select %and3A, %sub3A_233, %div3A : i32
      %rem3A_234 = arith.constant 8 : i32
      %rem3A_235 = arith.remsi %scan3A_217, %rem3A_234 : i32
      %mul3A_236 = arith.constant 16 : i32
      %mul3A_237 = arith.muli %rem3A_235, %mul3A_236 : i32
      %multiple_of3A_238 = tpu.assume_multiple %mul3A_237, 16 : i32
      %swap3A = arith.index_cast %select_n3A : i32 to index
      %swap3A_239 = arith.index_cast %multiple_of3A_238 : i32 to index
      %swap3A_240 = tpu.vector_load %arg9[%swap3A, %swap3A_239] {strides = array<i32>} : memref<48x128xf32, #tpu.memory_space<vmem>>, vector<16xf32>,
      tpu.vector_store %arg9[%swap3A, %swap3A_239], %broadcast_in_dim3A_1 {strides = array<i32>} : memref<48x128xf32, #tpu.memory_space<vmem>>, vector<16xf32>,
    }
    %scan3A_6 = arith.constant 384 : i32
    %mul3A_7 = arith.constant 256 : i32
    %mul3A_8 = arith.muli %arg0, %mul3A_7 : i32
    %add3A = arith.constant 0 : i32
    %add3A_9 = arith.addi %mul3A_8, %add3A : i32
    %mul3A_10 = arith.constant 2 : i32
    %mul3A_11 = arith.muli %arg0, %mul3A_10 : i32
    %add3A_12 = arith.constant 0 : i32
    %add3A_13 = arith.addi %mul3A_11, %add3A_12 : i32
    %mul3A_14 = arith.constant 626 : i32
    %mul3A_15 = arith.muli %arg1, %mul3A_14 : i32
    %add3A_16 = arith.constant 0 : i32
    %add3A_17 = arith.addi %mul3A_15, %add3A_16 : i32
    "tpu.region"() ({
      %run_scoped3A = tpu.sem_alloc : memref<!tpu.dma_semaphore, #tpu.memory_space<semaphore_mem>>
      %dma_start3A_217 = arith.constant 0 : i32
      %dma_start3A_218 = tpu.memref_slice %arg19[%add3A_17, %dma_start3A_217] : memref<10016x128xf32, #tpu.memory_space<vmem_shared>> -> memref<48x128xf32, #tpu.memory_space<vmem_shared>>
      %dma_start3A_219 = arith.constant 0 : i32
      %dma_start3A_220 = tpu.memref_slice %arg19[%add3A_17, %dma_start3A_219] : memref<10016x128xf32, #tpu.memory_space<vmem_shared>> -> memref<48x128xf32, #tpu.memory_space<vmem_shared>>
      tpu.enqueue_dma source(%arg9 : memref<48x128xf32, #tpu.memory_space<vmem>>) target(%dma_start3A_220 : memref<48x128xf32, #tpu.memory_space<vmem_shared>>) target_semaphore(%run_scoped3A : memref<!tpu.dma_semaphore, #tpu.memory_space<semaphore_mem>>)
      %dma_wait3A_221 = arith.constant 0 : i32
      %dma_wait3A_222 = tpu.memref_slice %arg19[%add3A_17, %dma_wait3A_221] : memref<10016x128xf32, #tpu.memory_space<vmem_shared>> -> memref<48x128xf32, #tpu.memory_space<vmem_shared>>
      %dma_wait3A_223 = arith.constant 0 : i32
      %dma_wait3A_224 = tpu.memref_slice %arg19[%add3A_17, %dma_wait3A_223] : memref<10016x128xf32, #tpu.memory_space<vmem_shared>> -> memref<48x128xf32, #tpu.memory_space<vmem_shared>>
      tpu.wait_dma2 semaphore(%run_scoped3A : memref<!tpu.dma_semaphore, #tpu.memory_space<semaphore_mem>>) src(%arg9 : memref<48x128xf32, #tpu.memory_space<vmem>>) dst(%dma_wait3A_224 : memref<48x128xf32, #tpu.memory_space<vmem_shared>>)
      tpu.yield
    }) : () -> ()
    %mul3A_18 = arith.constant 626 : i32
    %mul3A_19 = arith.muli %arg1, %mul3A_18 : i32
    %add3A_20 = arith.constant 48 : i32
    %add3A_21 = arith.addi %mul3A_19, %add3A_20 : i32
    "tpu.region"() ({
      %run_scoped3A = tpu.sem_alloc : memref<!tpu.dma_semaphore, #tpu.memory_space<semaphore_mem>>
      %dma_start3A_217 = arith.constant 0 : i32
      %dma_start3A_218 = tpu.memref_slice %arg19[%add3A_21, %dma_start3A_217] : memref<10016x128xf32, #tpu.memory_space<vmem_shared>> -> memref<48x128xf32, #tpu.memory_space<vmem_shared>>
      %dma_start3A_219 = arith.constant 0 : i32
      %dma_start3A_220 = tpu.memref_slice %arg19[%add3A_21, %dma_start3A_219] : memref<10016x128xf32, #tpu.memory_space<vmem_shared>> -> memref<48x128xf32, #tpu.memory_space<vmem_shared>>
      tpu.enqueue_dma source(%arg9 : memref<48x128xf32, #tpu.memory_space<vmem>>) target(%dma_start3A_220 : memref<48x128xf32, #tpu.memory_space<vmem_shared>>) target_semaphore(%run_scoped3A : memref<!tpu.dma_semaphore, #tpu.memory_space<semaphore_mem>>)
      %dma_wait3A_221 = arith.constant 0 : i32
      %dma_wait3A_222 = tpu.memref_slice %arg19[%add3A_21, %dma_wait3A_221] : memref<10016x128xf32, #tpu.memory_space<vmem_shared>> -> memref<48x128xf32, #tpu.memory_space<vmem_shared>>
      %dma_wait3A_223 = arith.constant 0 : i32
      %dma_wait3A_224 = tpu.memref_slice %arg19[%add3A_21, %dma_wait3A_223] : memref<10016x128xf32, #tpu.memory_space<vmem_shared>> -> memref<48x128xf32, #tpu.memory_space<vmem_shared>>
      tpu.wait_dma2 semaphore(%run_scoped3A : memref<!tpu.dma_semaphore, #tpu.memory_space<semaphore_mem>>) src(%arg9 : memref<48x128xf32, #tpu.memory_space<vmem>>) dst(%dma_wait3A_224 : memref<48x128xf32, #tpu.memory_space<vmem_shared>>)
      tpu.yield
    }) : () -> ()
    %mul3A_22 = arith.constant 626 : i32
    %mul3A_23 = arith.muli %arg1, %mul3A_22 : i32
    %add3A_24 = arith.constant 96 : i32
    %add3A_25 = arith.addi %mul3A_23, %add3A_24 : i32
    "tpu.region"() ({
      %run_scoped3A = tpu.sem_alloc : memref<!tpu.dma_semaphore, #tpu.memory_space<semaphore_mem>>
      %dma_start3A_217 = arith.constant 0 : i32
      %dma_start3A_218 = tpu.memref_slice %arg19[%add3A_25, %dma_start3A_217] : memref<10016x128xf32, #tpu.memory_space<vmem_shared>> -> memref<48x128xf32, #tpu.memory_space<vmem_shared>>
      %dma_start3A_219 = arith.constant 0 : i32
      %dma_start3A_220 = tpu.memref_slice %arg19[%add3A_25, %dma_start3A_219] : memref<10016x128xf32, #tpu.memory_space<vmem_shared>> -> memref<48x128xf32, #tpu.memory_space<vmem_shared>>
      tpu.enqueue_dma source(%arg9 : memref<48x128xf32, #tpu.memory_space<vmem>>) target(%dma_start3A_220 : memref<48x128xf32, #tpu.memory_space<vmem_shared>>) target_semaphore(%run_scoped3A : memref<!tpu.dma_semaphore, #tpu.memory_space<semaphore_mem>>)
      %dma_wait3A_221 = arith.constant 0 : i32
      %dma_wait3A_222 = tpu.memref_slice %arg19[%add3A_25, %dma_wait3A_221] : memref<10016x128xf32, #tpu.memory_space<vmem_shared>> -> memref<48x128xf32, #tpu.memory_space<vmem_shared>>
      %dma_wait3A_223 = arith.constant 0 : i32
      %dma_wait3A_224 = tpu.memref_slice %arg19[%add3A_25, %dma_wait3A_223] : memref<10016x128xf32, #tpu.memory_space<vmem_shared>> -> memref<48x128xf32, #tpu.memory_space<vmem_shared>>
      tpu.wait_dma2 semaphore(%run_scoped3A : memref<!tpu.dma_semaphore, #tpu.memory_space<semaphore_mem>>) src(%arg9 : memref<48x128xf32, #tpu.memory_space<vmem>>) dst(%dma_wait3A_224 : memref<48x128xf32, #tpu.memory_space<vmem_shared>>)
      tpu.yield
    }) : () -> ()
    %mul3A_26 = arith.constant 626 : i32
    %mul3A_27 = arith.muli %arg1, %mul3A_26 : i32
    %add3A_28 = arith.constant 144 : i32
    %add3A_29 = arith.addi %mul3A_27, %add3A_28 : i32
    "tpu.region"() ({
      %run_scoped3A = tpu.sem_alloc : memref<!tpu.dma_semaphore, #tpu.memory_space<semaphore_mem>>
      %dma_start3A_217 = arith.constant 0 : i32
      %dma_start3A_218 = tpu.memref_slice %arg19[%add3A_29, %dma_start3A_217] : memref<10016x128xf32, #tpu.memory_space<vmem_shared>> -> memref<48x128xf32, #tpu.memory_space<vmem_shared>>
      %dma_start3A_219 = arith.constant 0 : i32
      %dma_start3A_220 = tpu.memref_slice %arg19[%add3A_29, %dma_start3A_219] : memref<10016x128xf32, #tpu.memory_space<vmem_shared>> -> memref<48x128xf32, #tpu.memory_space<vmem_shared>>
      tpu.enqueue_dma source(%arg9 : memref<48x128xf32, #tpu.memory_space<vmem>>) target(%dma_start3A_220 : memref<48x128xf32, #tpu.memory_space<vmem_shared>>) target_semaphore(%run_scoped3A : memref<!tpu.dma_semaphore, #tpu.memory_space<semaphore_mem>>)
      %dma_wait3A_221 = arith.constant 0 : i32
      %dma_wait3A_222 = tpu.memref_slice %arg19[%add3A_29, %dma_wait3A_221] : memref<10016x128xf32, #tpu.memory_space<vmem_shared>> -> memref<48x128xf32, #tpu.memory_space<vmem_shared>>
      %dma_wait3A_223 = arith.constant 0 : i32
      %dma_wait3A_224 = tpu.memref_slice %arg19[%add3A_29, %dma_wait3A_223] : memref<10016x128xf32, #tpu.memory_space<vmem_shared>> -> memref<48x128xf32, #tpu.memory_space<vmem_shared>>
      tpu.wait_dma2 semaphore(%run_scoped3A : memref<!tpu.dma_semaphore, #tpu.memory_space<semaphore_mem>>) src(%arg9 : memref<48x128xf32, #tpu.memory_space<vmem>>) dst(%dma_wait3A_224 : memref<48x128xf32, #tpu.memory_space<vmem_shared>>)
      tpu.yield
    }) : () -> ()
    %mul3A_30 = arith.constant 626 : i32
    %mul3A_31 = arith.muli %arg1, %mul3A_30 : i32
    %add3A_32 = arith.constant 192 : i32
    %add3A_33 = arith.addi %mul3A_31, %add3A_32 : i32
    "tpu.region"() ({
      %run_scoped3A = tpu.sem_alloc : memref<!tpu.dma_semaphore, #tpu.memory_space<semaphore_mem>>
      %dma_start3A_217 = arith.constant 0 : i32
      %dma_start3A_218 = tpu.memref_slice %arg19[%add3A_33, %dma_start3A_217] : memref<10016x128xf32, #tpu.memory_space<vmem_shared>> -> memref<48x128xf32, #tpu.memory_space<vmem_shared>>
      %dma_start3A_219 = arith.constant 0 : i32
      %dma_start3A_220 = tpu.memref_slice %arg19[%add3A_33, %dma_start3A_219] : memref<10016x128xf32, #tpu.memory_space<vmem_shared>> -> memref<48x128xf32, #tpu.memory_space<vmem_shared>>
      tpu.enqueue_dma source(%arg9 : memref<48x128xf32, #tpu.memory_space<vmem>>) target(%dma_start3A_220 : memref<48x128xf32, #tpu.memory_space<vmem_shared>>) target_semaphore(%run_scoped3A : memref<!tpu.dma_semaphore, #tpu.memory_space<semaphore_mem>>)
      %dma_wait3A_221 = arith.constant 0 : i32
      %dma_wait3A_222 = tpu.memref_slice %arg19[%add3A_33, %dma_wait3A_221] : memref<10016x128xf32, #tpu.memory_space<vmem_shared>> -> memref<48x128xf32, #tpu.memory_space<vmem_shared>>
      %dma_wait3A_223 = arith.constant 0 : i32
      %dma_wait3A_224 = tpu.memref_slice %arg19[%add3A_33, %dma_wait3A_223] : memref<10016x128xf32, #tpu.memory_space<vmem_shared>> -> memref<48x128xf32, #tpu.memory_space<vmem_shared>>
      tpu.wait_dma2 semaphore(%run_scoped3A : memref<!tpu.dma_semaphore, #tpu.memory_space<semaphore_mem>>) src(%arg9 : memref<48x128xf32, #tpu.memory_space<vmem>>) dst(%dma_wait3A_224 : memref<48x128xf32, #tpu.memory_space<vmem_shared>>)
      tpu.yield
    }) : () -> ()
    %mul3A_34 = arith.constant 626 : i32
    %mul3A_35 = arith.muli %arg1, %mul3A_34 : i32
    %add3A_36 = arith.constant 240 : i32
    %add3A_37 = arith.addi %mul3A_35, %add3A_36 : i32
    "tpu.region"() ({
      %run_scoped3A = tpu.sem_alloc : memref<!tpu.dma_semaphore, #tpu.memory_space<semaphore_mem>>
      %dma_start3A_217 = arith.constant 0 : i32
      %dma_start3A_218 = tpu.memref_slice %arg19[%add3A_37, %dma_start3A_217] : memref<10016x128xf32, #tpu.memory_space<vmem_shared>> -> memref<48x128xf32, #tpu.memory_space<vmem_shared>>
      %dma_start3A_219 = arith.constant 0 : i32
      %dma_start3A_220 = tpu.memref_slice %arg19[%add3A_37, %dma_start3A_219] : memref<10016x128xf32, #tpu.memory_space<vmem_shared>> -> memref<48x128xf32, #tpu.memory_space<vmem_shared>>
      tpu.enqueue_dma source(%arg9 : memref<48x128xf32, #tpu.memory_space<vmem>>) target(%dma_start3A_220 : memref<48x128xf32, #tpu.memory_space<vmem_shared>>) target_semaphore(%run_scoped3A : memref<!tpu.dma_semaphore, #tpu.memory_space<semaphore_mem>>)
      %dma_wait3A_221 = arith.constant 0 : i32
      %dma_wait3A_222 = tpu.memref_slice %arg19[%add3A_37, %dma_wait3A_221] : memref<10016x128xf32, #tpu.memory_space<vmem_shared>> -> memref<48x128xf32, #tpu.memory_space<vmem_shared>>
      %dma_wait3A_223 = arith.constant 0 : i32
      %dma_wait3A_224 = tpu.memref_slice %arg19[%add3A_37, %dma_wait3A_223] : memref<10016x128xf32, #tpu.memory_space<vmem_shared>> -> memref<48x128xf32, #tpu.memory_space<vmem_shared>>
      tpu.wait_dma2 semaphore(%run_scoped3A : memref<!tpu.dma_semaphore, #tpu.memory_space<semaphore_mem>>) src(%arg9 : memref<48x128xf32, #tpu.memory_space<vmem>>) dst(%dma_wait3A_224 : memref<48x128xf32, #tpu.memory_space<vmem_shared>>)
      tpu.yield
    }) : () -> ()
    %mul3A_38 = arith.constant 626 : i32
    %mul3A_39 = arith.muli %arg1, %mul3A_38 : i32
    %add3A_40 = arith.constant 288 : i32
    %add3A_41 = arith.addi %mul3A_39, %add3A_40 : i32
    "tpu.region"() ({
      %run_scoped3A = tpu.sem_alloc : memref<!tpu.dma_semaphore, #tpu.memory_space<semaphore_mem>>
      %dma_start3A_217 = arith.constant 0 : i32
      %dma_start3A_218 = tpu.memref_slice %arg19[%add3A_41, %dma_start3A_217] : memref<10016x128xf32, #tpu.memory_space<vmem_shared>> -> memref<48x128xf32, #tpu.memory_space<vmem_shared>>
      %dma_start3A_219 = arith.constant 0 : i32
      %dma_start3A_220 = tpu.memref_slice %arg19[%add3A_41, %dma_start3A_219] : memref<10016x128xf32, #tpu.memory_space<vmem_shared>> -> memref<48x128xf32, #tpu.memory_space<vmem_shared>>
      tpu.enqueue_dma source(%arg9 : memref<48x128xf32, #tpu.memory_space<vmem>>) target(%dma_start3A_220 : memref<48x128xf32, #tpu.memory_space<vmem_shared>>) target_semaphore(%run_scoped3A : memref<!tpu.dma_semaphore, #tpu.memory_space<semaphore_mem>>)
      %dma_wait3A_221 = arith.constant 0 : i32
      %dma_wait3A_222 = tpu.memref_slice %arg19[%add3A_41, %dma_wait3A_221] : memref<10016x128xf32, #tpu.memory_space<vmem_shared>> -> memref<48x128xf32, #tpu.memory_space<vmem_shared>>
      %dma_wait3A_223 = arith.constant 0 : i32
      %dma_wait3A_224 = tpu.memref_slice %arg19[%add3A_41, %dma_wait3A_223] : memref<10016x128xf32, #tpu.memory_space<vmem_shared>> -> memref<48x128xf32, #tpu.memory_space<vmem_shared>>
      tpu.wait_dma2 semaphore(%run_scoped3A : memref<!tpu.dma_semaphore, #tpu.memory_space<semaphore_mem>>) src(%arg9 : memref<48x128xf32, #tpu.memory_space<vmem>>) dst(%dma_wait3A_224 : memref<48x128xf32, #tpu.memory_space<vmem_shared>>)
      tpu.yield
    }) : () -> ()
    %mul3A_42 = arith.constant 626 : i32
    %mul3A_43 = arith.muli %arg1, %mul3A_42 : i32
    %add3A_44 = arith.constant 336 : i32
    %add3A_45 = arith.addi %mul3A_43, %add3A_44 : i32
    "tpu.region"() ({
      %run_scoped3A = tpu.sem_alloc : memref<!tpu.dma_semaphore, #tpu.memory_space<semaphore_mem>>
      %dma_start3A_217 = arith.constant 0 : i32
      %dma_start3A_218 = tpu.memref_slice %arg19[%add3A_45, %dma_start3A_217] : memref<10016x128xf32, #tpu.memory_space<vmem_shared>> -> memref<48x128xf32, #tpu.memory_space<vmem_shared>>
      %dma_start3A_219 = arith.constant 0 : i32
      %dma_start3A_220 = tpu.memref_slice %arg19[%add3A_45, %dma_start3A_219] : memref<10016x128xf32, #tpu.memory_space<vmem_shared>> -> memref<48x128xf32, #tpu.memory_space<vmem_shared>>
      tpu.enqueue_dma source(%arg9 : memref<48x128xf32, #tpu.memory_space<vmem>>) target(%dma_start3A_220 : memref<48x128xf32, #tpu.memory_space<vmem_shared>>) target_semaphore(%run_scoped3A : memref<!tpu.dma_semaphore, #tpu.memory_space<semaphore_mem>>)
      %dma_wait3A_221 = arith.constant 0 : i32
      %dma_wait3A_222 = tpu.memref_slice %arg19[%add3A_45, %dma_wait3A_221] : memref<10016x128xf32, #tpu.memory_space<vmem_shared>> -> memref<48x128xf32, #tpu.memory_space<vmem_shared>>
      %dma_wait3A_223 = arith.constant 0 : i32
      %dma_wait3A_224 = tpu.memref_slice %arg19[%add3A_45, %dma_wait3A_223] : memref<10016x128xf32, #tpu.memory_space<vmem_shared>> -> memref<48x128xf32, #tpu.memory_space<vmem_shared>>
      tpu.wait_dma2 semaphore(%run_scoped3A : memref<!tpu.dma_semaphore, #tpu.memory_space<semaphore_mem>>) src(%arg9 : memref<48x128xf32, #tpu.memory_space<vmem>>) dst(%dma_wait3A_224 : memref<48x128xf32, #tpu.memory_space<vmem_shared>>)
      tpu.yield
    }) : () -> ()
    %mul3A_46 = arith.constant 626 : i32
    %mul3A_47 = arith.muli %arg1, %mul3A_46 : i32
    %add3A_48 = arith.constant 384 : i32
    %add3A_49 = arith.addi %mul3A_47, %add3A_48 : i32
    "tpu.region"() ({
      %run_scoped3A = tpu.sem_alloc : memref<!tpu.dma_semaphore, #tpu.memory_space<semaphore_mem>>
      %dma_start3A_217 = arith.constant 0 : i32
      %dma_start3A_218 = tpu.memref_slice %arg19[%add3A_49, %dma_start3A_217] : memref<10016x128xf32, #tpu.memory_space<vmem_shared>> -> memref<48x128xf32, #tpu.memory_space<vmem_shared>>
      %dma_start3A_219 = arith.constant 0 : i32
      %dma_start3A_220 = tpu.memref_slice %arg19[%add3A_49, %dma_start3A_219] : memref<10016x128xf32, #tpu.memory_space<vmem_shared>> -> memref<48x128xf32, #tpu.memory_space<vmem_shared>>
      tpu.enqueue_dma source(%arg9 : memref<48x128xf32, #tpu.memory_space<vmem>>) target(%dma_start3A_220 : memref<48x128xf32, #tpu.memory_space<vmem_shared>>) target_semaphore(%run_scoped3A : memref<!tpu.dma_semaphore, #tpu.memory_space<semaphore_mem>>)
      %dma_wait3A_221 = arith.constant 0 : i32
      %dma_wait3A_222 = tpu.memref_slice %arg19[%add3A_49, %dma_wait3A_221] : memref<10016x128xf32, #tpu.memory_space<vmem_shared>> -> memref<48x128xf32, #tpu.memory_space<vmem_shared>>
      %dma_wait3A_223 = arith.constant 0 : i32
      %dma_wait3A_224 = tpu.memref_slice %arg19[%add3A_49, %dma_wait3A_223] : memref<10016x128xf32, #tpu.memory_space<vmem_shared>> -> memref<48x128xf32, #tpu.memory_space<vmem_shared>>
      tpu.wait_dma2 semaphore(%run_scoped3A : memref<!tpu.dma_semaphore, #tpu.memory_space<semaphore_mem>>) src(%arg9 : memref<48x128xf32, #tpu.memory_space<vmem>>) dst(%dma_wait3A_224 : memref<48x128xf32, #tpu.memory_space<vmem_shared>>)
      tpu.yield
    }) : () -> ()
    %mul3A_50 = arith.constant 626 : i32
    %mul3A_51 = arith.muli %arg1, %mul3A_50 : i32
    %add3A_52 = arith.constant 432 : i32
    %add3A_53 = arith.addi %mul3A_51, %add3A_52 : i32
    "tpu.region"() ({
      %run_scoped3A = tpu.sem_alloc : memref<!tpu.dma_semaphore, #tpu.memory_space<semaphore_mem>>
      %dma_start3A_217 = arith.constant 0 : i32
      %dma_start3A_218 = tpu.memref_slice %arg19[%add3A_53, %dma_start3A_217] : memref<10016x128xf32, #tpu.memory_space<vmem_shared>> -> memref<48x128xf32, #tpu.memory_space<vmem_shared>>
      %dma_start3A_219 = arith.constant 0 : i32
      %dma_start3A_220 = tpu.memref_slice %arg19[%add3A_53, %dma_start3A_219] : memref<10016x128xf32, #tpu.memory_space<vmem_shared>> -> memref<48x128xf32, #tpu.memory_space<vmem_shared>>
      tpu.enqueue_dma source(%arg9 : memref<48x128xf32, #tpu.memory_space<vmem>>) target(%dma_start3A_220 : memref<48x128xf32, #tpu.memory_space<vmem_shared>>) target_semaphore(%run_scoped3A : memref<!tpu.dma_semaphore, #tpu.memory_space<semaphore_mem>>)
      %dma_wait3A_221 = arith.constant 0 : i32
      %dma_wait3A_222 = tpu.memref_slice %arg19[%add3A_53, %dma_wait3A_221] : memref<10016x128xf32, #tpu.memory_space<vmem_shared>> -> memref<48x128xf32, #tpu.memory_space<vmem_shared>>
      %dma_wait3A_223 = arith.constant 0 : i32
      %dma_wait3A_224 = tpu.memref_slice %arg19[%add3A_53, %dma_wait3A_223] : memref<10016x128xf32, #tpu.memory_space<vmem_shared>> -> memref<48x128xf32, #tpu.memory_space<vmem_shared>>
      tpu.wait_dma2 semaphore(%run_scoped3A : memref<!tpu.dma_semaphore, #tpu.memory_space<semaphore_mem>>) src(%arg9 : memref<48x128xf32, #tpu.memory_space<vmem>>) dst(%dma_wait3A_224 : memref<48x128xf32, #tpu.memory_space<vmem_shared>>)
      tpu.yield
    }) : () -> ()
    %mul3A_54 = arith.constant 626 : i32
    %mul3A_55 = arith.muli %arg1, %mul3A_54 : i32
    %add3A_56 = arith.constant 480 : i32
    %add3A_57 = arith.addi %mul3A_55, %add3A_56 : i32
    "tpu.region"() ({
      %run_scoped3A = tpu.sem_alloc : memref<!tpu.dma_semaphore, #tpu.memory_space<semaphore_mem>>
      %dma_start3A_217 = arith.constant 0 : i32
      %dma_start3A_218 = tpu.memref_slice %arg19[%add3A_57, %dma_start3A_217] : memref<10016x128xf32, #tpu.memory_space<vmem_shared>> -> memref<48x128xf32, #tpu.memory_space<vmem_shared>>
      %dma_start3A_219 = arith.constant 0 : i32
      %dma_start3A_220 = tpu.memref_slice %arg19[%add3A_57, %dma_start3A_219] : memref<10016x128xf32, #tpu.memory_space<vmem_shared>> -> memref<48x128xf32, #tpu.memory_space<vmem_shared>>
      tpu.enqueue_dma source(%arg9 : memref<48x128xf32, #tpu.memory_space<vmem>>) target(%dma_start3A_220 : memref<48x128xf32, #tpu.memory_space<vmem_shared>>) target_semaphore(%run_scoped3A : memref<!tpu.dma_semaphore, #tpu.memory_space<semaphore_mem>>)
      %dma_wait3A_221 = arith.constant 0 : i32
      %dma_wait3A_222 = tpu.memref_slice %arg19[%add3A_57, %dma_wait3A_221] : memref<10016x128xf32, #tpu.memory_space<vmem_shared>> -> memref<48x128xf32, #tpu.memory_space<vmem_shared>>
      %dma_wait3A_223 = arith.constant 0 : i32
      %dma_wait3A_224 = tpu.memref_slice %arg19[%add3A_57, %dma_wait3A_223] : memref<10016x128xf32, #tpu.memory_space<vmem_shared>> -> memref<48x128xf32, #tpu.memory_space<vmem_shared>>
      tpu.wait_dma2 semaphore(%run_scoped3A : memref<!tpu.dma_semaphore, #tpu.memory_space<semaphore_mem>>) src(%arg9 : memref<48x128xf32, #tpu.memory_space<vmem>>) dst(%dma_wait3A_224 : memref<48x128xf32, #tpu.memory_space<vmem_shared>>)
      tpu.yield
    }) : () -> ()
    %mul3A_58 = arith.constant 626 : i32
    %mul3A_59 = arith.muli %arg1, %mul3A_58 : i32
    %add3A_60 = arith.constant 528 : i32
    %add3A_61 = arith.addi %mul3A_59, %add3A_60 : i32
    "tpu.region"() ({
      %run_scoped3A = tpu.sem_alloc : memref<!tpu.dma_semaphore, #tpu.memory_space<semaphore_mem>>
      %dma_start3A_217 = arith.constant 0 : i32
      %dma_start3A_218 = tpu.memref_slice %arg19[%add3A_61, %dma_start3A_217] : memref<10016x128xf32, #tpu.memory_space<vmem_shared>> -> memref<48x128xf32, #tpu.memory_space<vmem_shared>>
      %dma_start3A_219 = arith.constant 0 : i32
      %dma_start3A_220 = tpu.memref_slice %arg19[%add3A_61, %dma_start3A_219] : memref<10016x128xf32, #tpu.memory_space<vmem_shared>> -> memref<48x128xf32, #tpu.memory_space<vmem_shared>>
      tpu.enqueue_dma source(%arg9 : memref<48x128xf32, #tpu.memory_space<vmem>>) target(%dma_start3A_220 : memref<48x128xf32, #tpu.memory_space<vmem_shared>>) target_semaphore(%run_scoped3A : memref<!tpu.dma_semaphore, #tpu.memory_space<semaphore_mem>>)
      %dma_wait3A_221 = arith.constant 0 : i32
      %dma_wait3A_222 = tpu.memref_slice %arg19[%add3A_61, %dma_wait3A_221] : memref<10016x128xf32, #tpu.memory_space<vmem_shared>> -> memref<48x128xf32, #tpu.memory_space<vmem_shared>>
      %dma_wait3A_223 = arith.constant 0 : i32
      %dma_wait3A_224 = tpu.memref_slice %arg19[%add3A_61, %dma_wait3A_223] : memref<10016x128xf32, #tpu.memory_space<vmem_shared>> -> memref<48x128xf32, #tpu.memory_space<vmem_shared>>
      tpu.wait_dma2 semaphore(%run_scoped3A : memref<!tpu.dma_semaphore, #tpu.memory_space<semaphore_mem>>) src(%arg9 : memref<48x128xf32, #tpu.memory_space<vmem>>) dst(%dma_wait3A_224 : memref<48x128xf32, #tpu.memory_space<vmem_shared>>)
      tpu.yield
    }) : () -> ()
    %mul3A_62 = arith.constant 626 : i32
    %mul3A_63 = arith.muli %arg1, %mul3A_62 : i32
    %add3A_64 = arith.constant 576 : i32
    %add3A_65 = arith.addi %mul3A_63, %add3A_64 : i32
    "tpu.region"() ({
      %run_scoped3A = tpu.sem_alloc : memref<!tpu.dma_semaphore, #tpu.memory_space<semaphore_mem>>
      %dma_start3A_217 = arith.constant 0 : i32
      %dma_start3A_218 = tpu.memref_slice %arg19[%add3A_65, %dma_start3A_217] : memref<10016x128xf32, #tpu.memory_space<vmem_shared>> -> memref<48x128xf32, #tpu.memory_space<vmem_shared>>
      %dma_start3A_219 = arith.constant 0 : i32
      %dma_start3A_220 = tpu.memref_slice %arg19[%add3A_65, %dma_start3A_219] : memref<10016x128xf32, #tpu.memory_space<vmem_shared>> -> memref<48x128xf32, #tpu.memory_space<vmem_shared>>
      tpu.enqueue_dma source(%arg9 : memref<48x128xf32, #tpu.memory_space<vmem>>) target(%dma_start3A_220 : memref<48x128xf32, #tpu.memory_space<vmem_shared>>) target_semaphore(%run_scoped3A : memref<!tpu.dma_semaphore, #tpu.memory_space<semaphore_mem>>)
      %dma_wait3A_221 = arith.constant 0 : i32
      %dma_wait3A_222 = tpu.memref_slice %arg19[%add3A_65, %dma_wait3A_221] : memref<10016x128xf32, #tpu.memory_space<vmem_shared>> -> memref<48x128xf32, #tpu.memory_space<vmem_shared>>
      %dma_wait3A_223 = arith.constant 0 : i32
      %dma_wait3A_224 = tpu.memref_slice %arg19[%add3A_65, %dma_wait3A_223] : memref<10016x128xf32, #tpu.memory_space<vmem_shared>> -> memref<48x128xf32, #tpu.memory_space<vmem_shared>>
      tpu.wait_dma2 semaphore(%run_scoped3A : memref<!tpu.dma_semaphore, #tpu.memory_space<semaphore_mem>>) src(%arg9 : memref<48x128xf32, #tpu.memory_space<vmem>>) dst(%dma_wait3A_224 : memref<48x128xf32, #tpu.memory_space<vmem_shared>>)
      tpu.yield
    }) : () -> ()
    %mul3A_66 = arith.constant 626 : i32
    %mul3A_67 = arith.muli %arg1, %mul3A_66 : i32
    %add3A_68 = arith.constant 624 : i32
    %add3A_69 = arith.addi %mul3A_67, %add3A_68 : i32
    "tpu.region"() ({
      %run_scoped3A = tpu.sem_alloc : memref<!tpu.dma_semaphore, #tpu.memory_space<semaphore_mem>>
      %dma_start3A_217 = arith.constant 0 : i32
      %dma_start3A_218 = arith.constant 0 : i32
      %dma_start3A_219 = tpu.memref_slice %arg9[%dma_start3A_217, %dma_start3A_218] : memref<48x128xf32, #tpu.memory_space<vmem>> -> memref<2x128xf32, #tpu.memory_space<vmem>>
      %dma_start3A_220 = arith.constant 0 : i32
      %dma_start3A_221 = tpu.memref_slice %arg19[%add3A_69, %dma_start3A_220] : memref<10016x128xf32, #tpu.memory_space<vmem_shared>> -> memref<2x128xf32, #tpu.memory_space<vmem_shared>>
      %dma_start3A_222 = arith.constant 0 : i32
      %dma_start3A_223 = tpu.memref_slice %arg19[%add3A_69, %dma_start3A_222] : memref<10016x128xf32, #tpu.memory_space<vmem_shared>> -> memref<2x128xf32, #tpu.memory_space<vmem_shared>>
      %dma_start3A_224 = arith.constant 0 : i32
      %dma_start3A_225 = arith.constant 0 : i32
      %dma_start3A_226 = tpu.memref_slice %arg9[%dma_start3A_224, %dma_start3A_225] : memref<48x128xf32, #tpu.memory_space<vmem>> -> memref<2x128xf32, #tpu.memory_space<vmem>>
      tpu.enqueue_dma source(%dma_start3A_226 : memref<2x128xf32, #tpu.memory_space<vmem>>) target(%dma_start3A_223 : memref<2x128xf32, #tpu.memory_space<vmem_shared>>) target_semaphore(%run_scoped3A : memref<!tpu.dma_semaphore, #tpu.memory_space<semaphore_mem>>)
      %dma_wait3A_227 = arith.constant 0 : i32
      %dma_wait3A_228 = arith.constant 0 : i32
      %dma_wait3A_229 = tpu.memref_slice %arg9[%dma_wait3A_227, %dma_wait3A_228] : memref<48x128xf32, #tpu.memory_space<vmem>> -> memref<2x128xf32, #tpu.memory_space<vmem>>
      %dma_wait3A_230 = arith.constant 0 : i32
      %dma_wait3A_231 = tpu.memref_slice %arg19[%add3A_69, %dma_wait3A_230] : memref<10016x128xf32, #tpu.memory_space<vmem_shared>> -> memref<2x128xf32, #tpu.memory_space<vmem_shared>>
      %dma_wait3A_232 = arith.constant 0 : i32
      %dma_wait3A_233 = tpu.memref_slice %arg19[%add3A_69, %dma_wait3A_232] : memref<10016x128xf32, #tpu.memory_space<vmem_shared>> -> memref<2x128xf32, #tpu.memory_space<vmem_shared>>
      %dma_wait3A_234 = arith.constant 0 : i32
      %dma_wait3A_235 = arith.constant 0 : i32
      %dma_wait3A_236 = tpu.memref_slice %arg9[%dma_wait3A_234, %dma_wait3A_235] : memref<48x128xf32, #tpu.memory_space<vmem>> -> memref<2x128xf32, #tpu.memory_space<vmem>>
      tpu.wait_dma2 semaphore(%run_scoped3A : memref<!tpu.dma_semaphore, #tpu.memory_space<semaphore_mem>>) src(%dma_wait3A_236 : memref<2x128xf32, #tpu.memory_space<vmem>>) dst(%dma_wait3A_233 : memref<2x128xf32, #tpu.memory_space<vmem_shared>>)
      tpu.yield
    }) : () -> ()
    %barrier3A = arith.constant 0 : index
    tpu.barrier barrier_id(%barrier3A)
    %multiple_of3A = arith.constant 0 : i32
    %multiple_of3A_70 = tpu.assume_multiple %multiple_of3A, 8 : i32
    %add3A_71 = arith.addi %mul3A_0, %multiple_of3A_70 : i32
    %dma_start3A = arith.constant 0 : i32
    %dma_start3A_72 = tpu.memref_slice %arg2[%add3A_13, %add3A_71, %dma_start3A] : memref<4x80640x128xf32, #tpu.memory_space<hbm>> -> memref<1x80x128xf32, #tpu.memory_space<hbm>>
    %dma_start3A_73 = tpu.memref_squeeze %dma_start3A_72 : memref<1x80x128xf32, #tpu.memory_space<hbm>> -> memref<80x128xf32, #tpu.memory_space<hbm>>
    %dma_start3A_74 = arith.constant 0 : i32
    %dma_start3A_75 = tpu.memref_slice %arg2[%add3A_13, %add3A_71, %dma_start3A_74] : memref<4x80640x128xf32, #tpu.memory_space<hbm>> -> memref<1x80x128xf32, #tpu.memory_space<hbm>>
    %dma_start3A_76 = tpu.memref_squeeze %dma_start3A_75 : memref<1x80x128xf32, #tpu.memory_space<hbm>> -> memref<80x128xf32, #tpu.memory_space<hbm>>
    tpu.enqueue_dma source(%dma_start3A_76 : memref<80x128xf32, #tpu.memory_space<hbm>>) target(%arg6 : memref<80x128xf32, #tpu.memory_space<vmem>>) target_semaphore(%arg13 : memref<!tpu.dma_semaphore, #tpu.memory_space<semaphore_mem>>)
    %multiple_of3A_77 = arith.constant 80 : i32
    %multiple_of3A_78 = tpu.assume_multiple %multiple_of3A_77, 8 : i32
    %add3A_79 = arith.addi %mul3A_0, %multiple_of3A_78 : i32
    %dma_start3A_80 = arith.constant 0 : i32
    %dma_start3A_81 = tpu.memref_slice %arg2[%add3A_13, %add3A_79, %dma_start3A_80] : memref<4x80640x128xf32, #tpu.memory_space<hbm>> -> memref<1x80x128xf32, #tpu.memory_space<hbm>>
    %dma_start3A_82 = tpu.memref_squeeze %dma_start3A_81 : memref<1x80x128xf32, #tpu.memory_space<hbm>> -> memref<80x128xf32, #tpu.memory_space<hbm>>
    %dma_start3A_83 = arith.constant 0 : i32
    %dma_start3A_84 = tpu.memref_slice %arg2[%add3A_13, %add3A_79, %dma_start3A_83] : memref<4x80640x128xf32, #tpu.memory_space<hbm>> -> memref<1x80x128xf32, #tpu.memory_space<hbm>>
    %dma_start3A_85 = tpu.memref_squeeze %dma_start3A_84 : memref<1x80x128xf32, #tpu.memory_space<hbm>> -> memref<80x128xf32, #tpu.memory_space<hbm>>
    tpu.enqueue_dma source(%dma_start3A_85 : memref<80x128xf32, #tpu.memory_space<hbm>>) target(%arg7 : memref<80x128xf32, #tpu.memory_space<vmem>>) target_semaphore(%arg14 : memref<!tpu.dma_semaphore, #tpu.memory_space<semaphore_mem>>)
    %scan3A_86 = arith.constant 0 : i32
    %scan3A_87 = arith.constant 0 : i32
    %scan3A_88 = arith.constant 63 : i32
    %scan3A_89 = arith.addi %scan3A_87, %scan3A_88 : i32
    %scan3A_90 = arith.constant 1 : i32
    scf.for %scan3A_217 = %scan3A_87 to %scan3A_89 step %scan3A_90  : i32 {
      %rem3A = arith.constant 3 : i32
      %rem3A_218 = arith.remsi %scan3A_217, %rem3A : i32
      %eq3A_219 = arith.constant 0 : i32
      %eq3A_220 = arith.cmpi eq, %rem3A_218, %eq3A_219 : i32
      %convert_element_type3A_221 = arith.extui %eq3A_220 : i1 to i32
      %cond3A_222 = arith.constant 0 : i32
      %cond3A_223 = arith.cmpi ne, %convert_element_type3A_221, %cond3A_222 : i32
      scf.if %cond3A_223 {
        %scan3A_238 = arith.constant 0 : i32
        %scan3A_239 = arith.constant 0 : i32
        %scan3A_240 = arith.constant 5 : i32
        %scan3A_241 = arith.addi %scan3A_239, %scan3A_240 : i32
        %scan3A_242 = arith.constant 1 : i32
        scf.for %scan3A_263 = %scan3A_239 to %scan3A_241 step %scan3A_242  : i32 {
          %mul3A_264 = arith.constant 16 : i32
          %mul3A_265 = arith.muli %scan3A_263, %mul3A_264 : i32
          %multiple_of3A_266 = tpu.assume_multiple %mul3A_265, 16 : i32
          %mul3A_267 = arith.constant 80 : i32
          %mul3A_268 = arith.muli %scan3A_217, %mul3A_267 : i32
          %multiple_of3A_269 = tpu.assume_multiple %mul3A_268, 8 : i32
          %add3A_270 = arith.addi %multiple_of3A_269, %multiple_of3A_266 : i32
          %get3A = arith.index_cast %add3A_270 : i32 to index
          %get3A_271 = tpu.vector_load %arg5[%get3A] {strides = array<i32>} : memref<5040xi32, #tpu.memory_space<vmem>>, vector<16xi32>,
          %swap3A = arith.index_cast %multiple_of3A_266 : i32 to index
          %swap3A_272 = tpu.vector_load %arg10[%swap3A] {strides = array<i32>} : memref<80xi32, #tpu.memory_space<vmem>>, vector<16xi32>,
          tpu.vector_store %arg10[%swap3A], %get3A_271 {strides = array<i32>} : memref<80xi32, #tpu.memory_space<vmem>>, vector<16xi32>,
        }
        %scan3A_243 = arith.constant 5 : i32
        %mul3A_244 = arith.constant 80 : i32
        %mul3A_245 = arith.muli %scan3A_217, %mul3A_244 : i32
        %multiple_of3A_246 = tpu.assume_multiple %mul3A_245, 8 : i32
        %add3A_247 = arith.addi %mul3A_0, %multiple_of3A_246 : i32
        %dma_wait3A_248 = arith.constant 0 : i32
        %dma_wait3A_249 = tpu.memref_slice %arg2[%add3A_13, %add3A_247, %dma_wait3A_248] : memref<4x80640x128xf32, #tpu.memory_space<hbm>> -> memref<1x80x128xf32, #tpu.memory_space<hbm>>
        %dma_wait3A_250 = tpu.memref_squeeze %dma_wait3A_249 : memref<1x80x128xf32, #tpu.memory_space<hbm>> -> memref<80x128xf32, #tpu.memory_space<hbm>>
        %dma_wait3A_251 = arith.constant 0 : i32
        %dma_wait3A_252 = tpu.memref_slice %arg2[%add3A_13, %add3A_247, %dma_wait3A_251] : memref<4x80640x128xf32, #tpu.memory_space<hbm>> -> memref<1x80x128xf32, #tpu.memory_space<hbm>>
        %dma_wait3A_253 = tpu.memref_squeeze %dma_wait3A_252 : memref<1x80x128xf32, #tpu.memory_space<hbm>> -> memref<80x128xf32, #tpu.memory_space<hbm>>
        tpu.wait_dma2 semaphore(%arg13 : memref<!tpu.dma_semaphore, #tpu.memory_space<semaphore_mem>>) src(%dma_wait3A_253 : memref<80x128xf32, #tpu.memory_space<hbm>>) dst(%arg6 : memref<80x128xf32, #tpu.memory_space<vmem>>)
        %dma_start3A_254 = arith.constant 0 : i32
        %dma_start3A_255 = arith.constant 0 : i32
        %dma_start3A_256 = tpu.memref_slice %arg19[%dma_start3A_254, %dma_start3A_255] : memref<10016x128xf32, #tpu.memory_space<vmem_shared>> -> memref<10016x128xf32, #tpu.memory_space<vmem_shared>>
        tpu.enqueue_indirect_dma source(%arg6 : memref<80x128xf32, #tpu.memory_space<vmem>>) target(%dma_start3A_256 : memref<10016x128xf32, #tpu.memory_space<vmem_shared>>) offsets(%arg10 : memref<80xi32, #tpu.memory_space<vmem>>) semaphore(%arg16 : memref<!tpu.dma_semaphore, #tpu.memory_space<semaphore_mem>>) {add = true}
        %add3A_257 = arith.constant 2 : i32
        %add3A_258 = arith.addi %scan3A_217, %add3A_257 : i32
        %lt3A = arith.constant 63 : i32
        %lt3A_259 = arith.cmpi slt, %add3A_258, %lt3A : i32
        %convert_element_type3A_260 = arith.extui %lt3A_259 : i1 to i32
        %cond3A_261 = arith.constant 0 : i32
        %cond3A_262 = arith.cmpi ne, %convert_element_type3A_260, %cond3A_261 : i32
        scf.if %cond3A_262 {
          %ge3A = arith.constant 1 : i32
          %ge3A_263 = arith.cmpi sge, %scan3A_217, %ge3A : i32
          %convert_element_type3A_264 = arith.extui %ge3A_263 : i1 to i32
          %cond3A_265 = arith.constant 0 : i32
          %cond3A_266 = arith.cmpi ne, %convert_element_type3A_264, %cond3A_265 : i32
          scf.if %cond3A_266 {
            %dma_wait3A_279 = arith.constant 0 : i32
            %dma_wait3A_280 = arith.constant 0 : i32
            %dma_wait3A_281 = tpu.memref_slice %arg19[%dma_wait3A_279, %dma_wait3A_280] : memref<10016x128xf32, #tpu.memory_space<vmem_shared>> -> memref<10016x128xf32, #tpu.memory_space<vmem_shared>>
            tpu.wait_indirect_dma semaphore(%arg18 : memref<!tpu.dma_semaphore, #tpu.memory_space<semaphore_mem>>) src(%arg8 : memref<80x128xf32, #tpu.memory_space<vmem>>) dst(%dma_wait3A_281 : memref<10016x128xf32, #tpu.memory_space<vmem_shared>>)
          } else {
          }
          %add3A_267 = arith.constant 2 : i32
          %add3A_268 = arith.addi %scan3A_217, %add3A_267 : i32
          %mul3A_269 = arith.constant 80 : i32
          %mul3A_270 = arith.muli %add3A_268, %mul3A_269 : i32
          %multiple_of3A_271 = tpu.assume_multiple %mul3A_270, 8 : i32
          %add3A_272 = arith.addi %mul3A_0, %multiple_of3A_271 : i32
          %dma_start3A_273 = arith.constant 0 : i32
          %dma_start3A_274 = tpu.memref_slice %arg2[%add3A_13, %add3A_272, %dma_start3A_273] : memref<4x80640x128xf32, #tpu.memory_space<hbm>> -> memref<1x80x128xf32, #tpu.memory_space<hbm>>
          %dma_start3A_275 = tpu.memref_squeeze %dma_start3A_274 : memref<1x80x128xf32, #tpu.memory_space<hbm>> -> memref<80x128xf32, #tpu.memory_space<hbm>>
          %dma_start3A_276 = arith.constant 0 : i32
          %dma_start3A_277 = tpu.memref_slice %arg2[%add3A_13, %add3A_272, %dma_start3A_276] : memref<4x80640x128xf32, #tpu.memory_space<hbm>> -> memref<1x80x128xf32, #tpu.memory_space<hbm>>
          %dma_start3A_278 = tpu.memref_squeeze %dma_start3A_277 : memref<1x80x128xf32, #tpu.memory_space<hbm>> -> memref<80x128xf32, #tpu.memory_space<hbm>>
          tpu.enqueue_dma source(%dma_start3A_278 : memref<80x128xf32, #tpu.memory_space<hbm>>) target(%arg8 : memref<80x128xf32, #tpu.memory_space<vmem>>) target_semaphore(%arg15 : memref<!tpu.dma_semaphore, #tpu.memory_space<semaphore_mem>>)
        } else {
        }
      } else {
      }
      %rem3A_224 = arith.constant 3 : i32
      %rem3A_225 = arith.remsi %scan3A_217, %rem3A_224 : i32
      %eq3A_226 = arith.constant 1 : i32
      %eq3A_227 = arith.cmpi eq, %rem3A_225, %eq3A_226 : i32
      %convert_element_type3A_228 = arith.extui %eq3A_227 : i1 to i32
      %cond3A_229 = arith.constant 0 : i32
      %cond3A_230 = arith.cmpi ne, %convert_element_type3A_228, %cond3A_229 : i32
      scf.if %cond3A_230 {
        %scan3A_238 = arith.constant 0 : i32
        %scan3A_239 = arith.constant 0 : i32
        %scan3A_240 = arith.constant 5 : i32
        %scan3A_241 = arith.addi %scan3A_239, %scan3A_240 : i32
        %scan3A_242 = arith.constant 1 : i32
        scf.for %scan3A_263 = %scan3A_239 to %scan3A_241 step %scan3A_242  : i32 {
          %mul3A_264 = arith.constant 16 : i32
          %mul3A_265 = arith.muli %scan3A_263, %mul3A_264 : i32
          %multiple_of3A_266 = tpu.assume_multiple %mul3A_265, 16 : i32
          %mul3A_267 = arith.constant 80 : i32
          %mul3A_268 = arith.muli %scan3A_217, %mul3A_267 : i32
          %multiple_of3A_269 = tpu.assume_multiple %mul3A_268, 8 : i32
          %add3A_270 = arith.addi %multiple_of3A_269, %multiple_of3A_266 : i32
          %get3A = arith.index_cast %add3A_270 : i32 to index
          %get3A_271 = tpu.vector_load %arg5[%get3A] {strides = array<i32>} : memref<5040xi32, #tpu.memory_space<vmem>>, vector<16xi32>,
          %swap3A = arith.index_cast %multiple_of3A_266 : i32 to index
          %swap3A_272 = tpu.vector_load %arg11[%swap3A] {strides = array<i32>} : memref<80xi32, #tpu.memory_space<vmem>>, vector<16xi32>,
          tpu.vector_store %arg11[%swap3A], %get3A_271 {strides = array<i32>} : memref<80xi32, #tpu.memory_space<vmem>>, vector<16xi32>,
        }
        %scan3A_243 = arith.constant 5 : i32
        %mul3A_244 = arith.constant 80 : i32
        %mul3A_245 = arith.muli %scan3A_217, %mul3A_244 : i32
        %multiple_of3A_246 = tpu.assume_multiple %mul3A_245, 8 : i32
        %add3A_247 = arith.addi %mul3A_0, %multiple_of3A_246 : i32
        %dma_wait3A_248 = arith.constant 0 : i32
        %dma_wait3A_249 = tpu.memref_slice %arg2[%add3A_13, %add3A_247, %dma_wait3A_248] : memref<4x80640x128xf32, #tpu.memory_space<hbm>> -> memref<1x80x128xf32, #tpu.memory_space<hbm>>
        %dma_wait3A_250 = tpu.memref_squeeze %dma_wait3A_249 : memref<1x80x128xf32, #tpu.memory_space<hbm>> -> memref<80x128xf32, #tpu.memory_space<hbm>>
        %dma_wait3A_251 = arith.constant 0 : i32
        %dma_wait3A_252 = tpu.memref_slice %arg2[%add3A_13, %add3A_247, %dma_wait3A_251] : memref<4x80640x128xf32, #tpu.memory_space<hbm>> -> memref<1x80x128xf32, #tpu.memory_space<hbm>>
        %dma_wait3A_253 = tpu.memref_squeeze %dma_wait3A_252 : memref<1x80x128xf32, #tpu.memory_space<hbm>> -> memref<80x128xf32, #tpu.memory_space<hbm>>
        tpu.wait_dma2 semaphore(%arg14 : memref<!tpu.dma_semaphore, #tpu.memory_space<semaphore_mem>>) src(%dma_wait3A_253 : memref<80x128xf32, #tpu.memory_space<hbm>>) dst(%arg7 : memref<80x128xf32, #tpu.memory_space<vmem>>)
        %dma_start3A_254 = arith.constant 0 : i32
        %dma_start3A_255 = arith.constant 0 : i32
        %dma_start3A_256 = tpu.memref_slice %arg19[%dma_start3A_254, %dma_start3A_255] : memref<10016x128xf32, #tpu.memory_space<vmem_shared>> -> memref<10016x128xf32, #tpu.memory_space<vmem_shared>>
        tpu.enqueue_indirect_dma source(%arg7 : memref<80x128xf32, #tpu.memory_space<vmem>>) target(%dma_start3A_256 : memref<10016x128xf32, #tpu.memory_space<vmem_shared>>) offsets(%arg11 : memref<80xi32, #tpu.memory_space<vmem>>) semaphore(%arg17 : memref<!tpu.dma_semaphore, #tpu.memory_space<semaphore_mem>>) {add = true}
        %add3A_257 = arith.constant 2 : i32
        %add3A_258 = arith.addi %scan3A_217, %add3A_257 : i32
        %lt3A = arith.constant 63 : i32
        %lt3A_259 = arith.cmpi slt, %add3A_258, %lt3A : i32
        %convert_element_type3A_260 = arith.extui %lt3A_259 : i1 to i32
        %cond3A_261 = arith.constant 0 : i32
        %cond3A_262 = arith.cmpi ne, %convert_element_type3A_260, %cond3A_261 : i32
        scf.if %cond3A_262 {
          %ge3A = arith.constant 1 : i32
          %ge3A_263 = arith.cmpi sge, %scan3A_217, %ge3A : i32
          %convert_element_type3A_264 = arith.extui %ge3A_263 : i1 to i32
          %cond3A_265 = arith.constant 0 : i32
          %cond3A_266 = arith.cmpi ne, %convert_element_type3A_264, %cond3A_265 : i32
          scf.if %cond3A_266 {
            %dma_wait3A_279 = arith.constant 0 : i32
            %dma_wait3A_280 = arith.constant 0 : i32
            %dma_wait3A_281 = tpu.memref_slice %arg19[%dma_wait3A_279, %dma_wait3A_280] : memref<10016x128xf32, #tpu.memory_space<vmem_shared>> -> memref<10016x128xf32, #tpu.memory_space<vmem_shared>>
            tpu.wait_indirect_dma semaphore(%arg16 : memref<!tpu.dma_semaphore, #tpu.memory_space<semaphore_mem>>) src(%arg6 : memref<80x128xf32, #tpu.memory_space<vmem>>) dst(%dma_wait3A_281 : memref<10016x128xf32, #tpu.memory_space<vmem_shared>>)
          } else {
          }
          %add3A_267 = arith.constant 2 : i32
          %add3A_268 = arith.addi %scan3A_217, %add3A_267 : i32
          %mul3A_269 = arith.constant 80 : i32
          %mul3A_270 = arith.muli %add3A_268, %mul3A_269 : i32
          %multiple_of3A_271 = tpu.assume_multiple %mul3A_270, 8 : i32
          %add3A_272 = arith.addi %mul3A_0, %multiple_of3A_271 : i32
          %dma_start3A_273 = arith.constant 0 : i32
          %dma_start3A_274 = tpu.memref_slice %arg2[%add3A_13, %add3A_272, %dma_start3A_273] : memref<4x80640x128xf32, #tpu.memory_space<hbm>> -> memref<1x80x128xf32, #tpu.memory_space<hbm>>
          %dma_start3A_275 = tpu.memref_squeeze %dma_start3A_274 : memref<1x80x128xf32, #tpu.memory_space<hbm>> -> memref<80x128xf32, #tpu.memory_space<hbm>>
          %dma_start3A_276 = arith.constant 0 : i32
          %dma_start3A_277 = tpu.memref_slice %arg2[%add3A_13, %add3A_272, %dma_start3A_276] : memref<4x80640x128xf32, #tpu.memory_space<hbm>> -> memref<1x80x128xf32, #tpu.memory_space<hbm>>
          %dma_start3A_278 = tpu.memref_squeeze %dma_start3A_277 : memref<1x80x128xf32, #tpu.memory_space<hbm>> -> memref<80x128xf32, #tpu.memory_space<hbm>>
          tpu.enqueue_dma source(%dma_start3A_278 : memref<80x128xf32, #tpu.memory_space<hbm>>) target(%arg6 : memref<80x128xf32, #tpu.memory_space<vmem>>) target_semaphore(%arg13 : memref<!tpu.dma_semaphore, #tpu.memory_space<semaphore_mem>>)
        } else {
        }
      } else {
      }
      %rem3A_231 = arith.constant 3 : i32
      %rem3A_232 = arith.remsi %scan3A_217, %rem3A_231 : i32
      %eq3A_233 = arith.constant 2 : i32
      %eq3A_234 = arith.cmpi eq, %rem3A_232, %eq3A_233 : i32
      %convert_element_type3A_235 = arith.extui %eq3A_234 : i1 to i32
      %cond3A_236 = arith.constant 0 : i32
      %cond3A_237 = arith.cmpi ne, %convert_element_type3A_235, %cond3A_236 : i32
      scf.if %cond3A_237 {
        %scan3A_238 = arith.constant 0 : i32
        %scan3A_239 = arith.constant 0 : i32
        %scan3A_240 = arith.constant 5 : i32
        %scan3A_241 = arith.addi %scan3A_239, %scan3A_240 : i32
        %scan3A_242 = arith.constant 1 : i32
        scf.for %scan3A_263 = %scan3A_239 to %scan3A_241 step %scan3A_242  : i32 {
          %mul3A_264 = arith.constant 16 : i32
          %mul3A_265 = arith.muli %scan3A_263, %mul3A_264 : i32
          %multiple_of3A_266 = tpu.assume_multiple %mul3A_265, 16 : i32
          %mul3A_267 = arith.constant 80 : i32
          %mul3A_268 = arith.muli %scan3A_217, %mul3A_267 : i32
          %multiple_of3A_269 = tpu.assume_multiple %mul3A_268, 8 : i32
          %add3A_270 = arith.addi %multiple_of3A_269, %multiple_of3A_266 : i32
          %get3A = arith.index_cast %add3A_270 : i32 to index
          %get3A_271 = tpu.vector_load %arg5[%get3A] {strides = array<i32>} : memref<5040xi32, #tpu.memory_space<vmem>>, vector<16xi32>,
          %swap3A = arith.index_cast %multiple_of3A_266 : i32 to index
          %swap3A_272 = tpu.vector_load %arg12[%swap3A] {strides = array<i32>} : memref<80xi32, #tpu.memory_space<vmem>>, vector<16xi32>,
          tpu.vector_store %arg12[%swap3A], %get3A_271 {strides = array<i32>} : memref<80xi32, #tpu.memory_space<vmem>>, vector<16xi32>,
        }
        %scan3A_243 = arith.constant 5 : i32
        %mul3A_244 = arith.constant 80 : i32
        %mul3A_245 = arith.muli %scan3A_217, %mul3A_244 : i32
        %multiple_of3A_246 = tpu.assume_multiple %mul3A_245, 8 : i32
        %add3A_247 = arith.addi %mul3A_0, %multiple_of3A_246 : i32
        %dma_wait3A_248 = arith.constant 0 : i32
        %dma_wait3A_249 = tpu.memref_slice %arg2[%add3A_13, %add3A_247, %dma_wait3A_248] : memref<4x80640x128xf32, #tpu.memory_space<hbm>> -> memref<1x80x128xf32, #tpu.memory_space<hbm>>
        %dma_wait3A_250 = tpu.memref_squeeze %dma_wait3A_249 : memref<1x80x128xf32, #tpu.memory_space<hbm>> -> memref<80x128xf32, #tpu.memory_space<hbm>>
        %dma_wait3A_251 = arith.constant 0 : i32
        %dma_wait3A_252 = tpu.memref_slice %arg2[%add3A_13, %add3A_247, %dma_wait3A_251] : memref<4x80640x128xf32, #tpu.memory_space<hbm>> -> memref<1x80x128xf32, #tpu.memory_space<hbm>>
        %dma_wait3A_253 = tpu.memref_squeeze %dma_wait3A_252 : memref<1x80x128xf32, #tpu.memory_space<hbm>> -> memref<80x128xf32, #tpu.memory_space<hbm>>
        tpu.wait_dma2 semaphore(%arg15 : memref<!tpu.dma_semaphore, #tpu.memory_space<semaphore_mem>>) src(%dma_wait3A_253 : memref<80x128xf32, #tpu.memory_space<hbm>>) dst(%arg8 : memref<80x128xf32, #tpu.memory_space<vmem>>)
        %dma_start3A_254 = arith.constant 0 : i32
        %dma_start3A_255 = arith.constant 0 : i32
        %dma_start3A_256 = tpu.memref_slice %arg19[%dma_start3A_254, %dma_start3A_255] : memref<10016x128xf32, #tpu.memory_space<vmem_shared>> -> memref<10016x128xf32, #tpu.memory_space<vmem_shared>>
        tpu.enqueue_indirect_dma source(%arg8 : memref<80x128xf32, #tpu.memory_space<vmem>>) target(%dma_start3A_256 : memref<10016x128xf32, #tpu.memory_space<vmem_shared>>) offsets(%arg12 : memref<80xi32, #tpu.memory_space<vmem>>) semaphore(%arg18 : memref<!tpu.dma_semaphore, #tpu.memory_space<semaphore_mem>>) {add = true}
        %add3A_257 = arith.constant 2 : i32
        %add3A_258 = arith.addi %scan3A_217, %add3A_257 : i32
        %lt3A = arith.constant 63 : i32
        %lt3A_259 = arith.cmpi slt, %add3A_258, %lt3A : i32
        %convert_element_type3A_260 = arith.extui %lt3A_259 : i1 to i32
        %cond3A_261 = arith.constant 0 : i32
        %cond3A_262 = arith.cmpi ne, %convert_element_type3A_260, %cond3A_261 : i32
        scf.if %cond3A_262 {
          %ge3A = arith.constant 1 : i32
          %ge3A_263 = arith.cmpi sge, %scan3A_217, %ge3A : i32
          %convert_element_type3A_264 = arith.extui %ge3A_263 : i1 to i32
          %cond3A_265 = arith.constant 0 : i32
          %cond3A_266 = arith.cmpi ne, %convert_element_type3A_264, %cond3A_265 : i32
          scf.if %cond3A_266 {
            %dma_wait3A_279 = arith.constant 0 : i32
            %dma_wait3A_280 = arith.constant 0 : i32
            %dma_wait3A_281 = tpu.memref_slice %arg19[%dma_wait3A_279, %dma_wait3A_280] : memref<10016x128xf32, #tpu.memory_space<vmem_shared>> -> memref<10016x128xf32, #tpu.memory_space<vmem_shared>>
            tpu.wait_indirect_dma semaphore(%arg17 : memref<!tpu.dma_semaphore, #tpu.memory_space<semaphore_mem>>) src(%arg7 : memref<80x128xf32, #tpu.memory_space<vmem>>) dst(%dma_wait3A_281 : memref<10016x128xf32, #tpu.memory_space<vmem_shared>>)
          } else {
          }
          %add3A_267 = arith.constant 2 : i32
          %add3A_268 = arith.addi %scan3A_217, %add3A_267 : i32
          %mul3A_269 = arith.constant 80 : i32
          %mul3A_270 = arith.muli %add3A_268, %mul3A_269 : i32
          %multiple_of3A_271 = tpu.assume_multiple %mul3A_270, 8 : i32
          %add3A_272 = arith.addi %mul3A_0, %multiple_of3A_271 : i32
          %dma_start3A_273 = arith.constant 0 : i32
          %dma_start3A_274 = tpu.memref_slice %arg2[%add3A_13, %add3A_272, %dma_start3A_273] : memref<4x80640x128xf32, #tpu.memory_space<hbm>> -> memref<1x80x128xf32, #tpu.memory_space<hbm>>
          %dma_start3A_275 = tpu.memref_squeeze %dma_start3A_274 : memref<1x80x128xf32, #tpu.memory_space<hbm>> -> memref<80x128xf32, #tpu.memory_space<hbm>>
          %dma_start3A_276 = arith.constant 0 : i32
          %dma_start3A_277 = tpu.memref_slice %arg2[%add3A_13, %add3A_272, %dma_start3A_276] : memref<4x80640x128xf32, #tpu.memory_space<hbm>> -> memref<1x80x128xf32, #tpu.memory_space<hbm>>
          %dma_start3A_278 = tpu.memref_squeeze %dma_start3A_277 : memref<1x80x128xf32, #tpu.memory_space<hbm>> -> memref<80x128xf32, #tpu.memory_space<hbm>>
          tpu.enqueue_dma source(%dma_start3A_278 : memref<80x128xf32, #tpu.memory_space<hbm>>) target(%arg7 : memref<80x128xf32, #tpu.memory_space<vmem>>) target_semaphore(%arg14 : memref<!tpu.dma_semaphore, #tpu.memory_space<semaphore_mem>>)
        } else {
        }
      } else {
      }
    }
    %scan3A_91 = arith.constant 63 : i32
    %dma_wait3A = arith.constant 0 : i32
    %dma_wait3A_92 = arith.constant 0 : i32
    %dma_wait3A_93 = tpu.memref_slice %arg19[%dma_wait3A, %dma_wait3A_92] : memref<10016x128xf32, #tpu.memory_space<vmem_shared>> -> memref<10016x128xf32, #tpu.memory_space<vmem_shared>>
    tpu.wait_indirect_dma semaphore(%arg16 : memref<!tpu.dma_semaphore, #tpu.memory_space<semaphore_mem>>) src(%arg6 : memref<80x128xf32, #tpu.memory_space<vmem>>) dst(%dma_wait3A_93 : memref<10016x128xf32, #tpu.memory_space<vmem_shared>>)
    %dma_wait3A_94 = arith.constant 0 : i32
    %dma_wait3A_95 = arith.constant 0 : i32
    %dma_wait3A_96 = tpu.memref_slice %arg19[%dma_wait3A_94, %dma_wait3A_95] : memref<10016x128xf32, #tpu.memory_space<vmem_shared>> -> memref<10016x128xf32, #tpu.memory_space<vmem_shared>>
    tpu.wait_indirect_dma semaphore(%arg17 : memref<!tpu.dma_semaphore, #tpu.memory_space<semaphore_mem>>) src(%arg7 : memref<80x128xf32, #tpu.memory_space<vmem>>) dst(%dma_wait3A_96 : memref<10016x128xf32, #tpu.memory_space<vmem_shared>>)
    %dma_wait3A_97 = arith.constant 0 : i32
    %dma_wait3A_98 = arith.constant 0 : i32
    %dma_wait3A_99 = tpu.memref_slice %arg19[%dma_wait3A_97, %dma_wait3A_98] : memref<10016x128xf32, #tpu.memory_space<vmem_shared>> -> memref<10016x128xf32, #tpu.memory_space<vmem_shared>>
    tpu.wait_indirect_dma semaphore(%arg18 : memref<!tpu.dma_semaphore, #tpu.memory_space<semaphore_mem>>) src(%arg8 : memref<80x128xf32, #tpu.memory_space<vmem>>) dst(%dma_wait3A_99 : memref<10016x128xf32, #tpu.memory_space<vmem_shared>>)
    %barrier3A_100 = arith.constant 0 : index
    tpu.barrier barrier_id(%barrier3A_100)
    %mul3A_101 = arith.constant 624 : i32
    %mul3A_102 = arith.muli %arg1, %mul3A_101 : i32
    %mul3A_103 = arith.constant 624 : i32
    %mul3A_104 = arith.muli %arg1, %mul3A_103 : i32
    "tpu.region"() ({
      %run_scoped3A = tpu.sem_alloc : memref<!tpu.dma_semaphore, #tpu.memory_space<semaphore_mem>>
      %dma_start3A_217 = tpu.memref_slice %arg4[%mul3A_104, %add3A_9] : memref<10000x512xf32, #tpu.memory_space<hbm>> -> memref<624x128xf32, #tpu.memory_space<hbm>>
      %dma_start3A_218 = arith.constant 0 : i32
      %dma_start3A_219 = tpu.memref_slice %arg19[%mul3A_102, %dma_start3A_218] : memref<10016x128xf32, #tpu.memory_space<vmem_shared>> -> memref<624x128xf32, #tpu.memory_space<vmem_shared>>
      tpu.enqueue_dma source(%dma_start3A_219 : memref<624x128xf32, #tpu.memory_space<vmem_shared>>) target(%dma_start3A_217 : memref<624x128xf32, #tpu.memory_space<hbm>>) target_semaphore(%run_scoped3A : memref<!tpu.dma_semaphore, #tpu.memory_space<semaphore_mem>>)
      %dma_wait3A_220 = tpu.memref_slice %arg4[%mul3A_104, %add3A_9] : memref<10000x512xf32, #tpu.memory_space<hbm>> -> memref<624x128xf32, #tpu.memory_space<hbm>>
      %dma_wait3A_221 = arith.constant 0 : i32
      %dma_wait3A_222 = tpu.memref_slice %arg19[%mul3A_102, %dma_wait3A_221] : memref<10016x128xf32, #tpu.memory_space<vmem_shared>> -> memref<624x128xf32, #tpu.memory_space<vmem_shared>>
      tpu.wait_dma2 semaphore(%run_scoped3A : memref<!tpu.dma_semaphore, #tpu.memory_space<semaphore_mem>>) src(%dma_wait3A_222 : memref<624x128xf32, #tpu.memory_space<vmem_shared>>) dst(%dma_wait3A_220 : memref<624x128xf32, #tpu.memory_space<hbm>>)
      tpu.yield
    }) : () -> ()
    %eq3A = arith.constant 0 : i32
    %eq3A_105 = arith.cmpi eq, %arg1, %eq3A : i32
    %convert_element_type3A = arith.extui %eq3A_105 : i1 to i32
    %cond3A = arith.constant 0 : i32
    %cond3A_106 = arith.cmpi ne, %convert_element_type3A, %cond3A : i32
    scf.if %cond3A_106 {
      "tpu.region"() ({
        %run_scoped3A = tpu.sem_alloc : memref<!tpu.dma_semaphore, #tpu.memory_space<semaphore_mem>>
        %dma_start3A_217 = arith.constant 9984 : i32
        %dma_start3A_218 = tpu.memref_slice %arg4[%dma_start3A_217, %add3A_9] : memref<10000x512xf32, #tpu.memory_space<hbm>> -> memref<16x128xf32, #tpu.memory_space<hbm>>
        %dma_start3A_219 = arith.constant 9984 : i32
        %dma_start3A_220 = arith.constant 0 : i32
        %dma_start3A_221 = tpu.memref_slice %arg19[%dma_start3A_219, %dma_start3A_220] : memref<10016x128xf32, #tpu.memory_space<vmem_shared>> -> memref<16x128xf32, #tpu.memory_space<vmem_shared>>
        tpu.enqueue_dma source(%dma_start3A_221 : memref<16x128xf32, #tpu.memory_space<vmem_shared>>) target(%dma_start3A_218 : memref<16x128xf32, #tpu.memory_space<hbm>>) target_semaphore(%run_scoped3A : memref<!tpu.dma_semaphore, #tpu.memory_space<semaphore_mem>>)
        %dma_wait3A_222 = arith.constant 9984 : i32
        %dma_wait3A_223 = tpu.memref_slice %arg4[%dma_wait3A_222, %add3A_9] : memref<10000x512xf32, #tpu.memory_space<hbm>> -> memref<16x128xf32, #tpu.memory_space<hbm>>
        %dma_wait3A_224 = arith.constant 9984 : i32
        %dma_wait3A_225 = arith.constant 0 : i32
        %dma_wait3A_226 = tpu.memref_slice %arg19[%dma_wait3A_224, %dma_wait3A_225] : memref<10016x128xf32, #tpu.memory_space<vmem_shared>> -> memref<16x128xf32, #tpu.memory_space<vmem_shared>>
        tpu.wait_dma2 semaphore(%run_scoped3A : memref<!tpu.dma_semaphore, #tpu.memory_space<semaphore_mem>>) src(%dma_wait3A_226 : memref<16x128xf32, #tpu.memory_space<vmem_shared>>) dst(%dma_wait3A_223 : memref<16x128xf32, #tpu.memory_space<hbm>>)
        tpu.yield
      }) : () -> ()
    } else {
    }
    %barrier3A_107 = arith.constant 0 : index
    tpu.barrier barrier_id(%barrier3A_107)
    %mul3A_108 = arith.constant 256 : i32
    %mul3A_109 = arith.muli %arg0, %mul3A_108 : i32
    %add3A_110 = arith.constant 128 : i32
    %add3A_111 = arith.addi %mul3A_109, %add3A_110 : i32
    %mul3A_112 = arith.constant 2 : i32
    %mul3A_113 = arith.muli %arg0, %mul3A_112 : i32
    %add3A_114 = arith.constant 1 : i32
    %add3A_115 = arith.addi %mul3A_113, %add3A_114 : i32
    %mul3A_116 = arith.constant 626 : i32
    %mul3A_117 = arith.muli %arg1, %mul3A_116 : i32
    %add3A_118 = arith.constant 0 : i32
    %add3A_119 = arith.addi %mul3A_117, %add3A_118 : i32
    "tpu.region"() ({
      %run_scoped3A = tpu.sem_alloc : memref<!tpu.dma_semaphore, #tpu.memory_space<semaphore_mem>>
      %dma_start3A_217 = arith.constant 0 : i32
      %dma_start3A_218 = tpu.memref_slice %arg19[%add3A_119, %dma_start3A_217] : memref<10016x128xf32, #tpu.memory_space<vmem_shared>> -> memref<48x128xf32, #tpu.memory_space<vmem_shared>>
      %dma_start3A_219 = arith.constant 0 : i32
      %dma_start3A_220 = tpu.memref_slice %arg19[%add3A_119, %dma_start3A_219] : memref<10016x128xf32, #tpu.memory_space<vmem_shared>> -> memref<48x128xf32, #tpu.memory_space<vmem_shared>>
      tpu.enqueue_dma source(%arg9 : memref<48x128xf32, #tpu.memory_space<vmem>>) target(%dma_start3A_220 : memref<48x128xf32, #tpu.memory_space<vmem_shared>>) target_semaphore(%run_scoped3A : memref<!tpu.dma_semaphore, #tpu.memory_space<semaphore_mem>>)
      %dma_wait3A_221 = arith.constant 0 : i32
      %dma_wait3A_222 = tpu.memref_slice %arg19[%add3A_119, %dma_wait3A_221] : memref<10016x128xf32, #tpu.memory_space<vmem_shared>> -> memref<48x128xf32, #tpu.memory_space<vmem_shared>>
      %dma_wait3A_223 = arith.constant 0 : i32
      %dma_wait3A_224 = tpu.memref_slice %arg19[%add3A_119, %dma_wait3A_223] : memref<10016x128xf32, #tpu.memory_space<vmem_shared>> -> memref<48x128xf32, #tpu.memory_space<vmem_shared>>
      tpu.wait_dma2 semaphore(%run_scoped3A : memref<!tpu.dma_semaphore, #tpu.memory_space<semaphore_mem>>) src(%arg9 : memref<48x128xf32, #tpu.memory_space<vmem>>) dst(%dma_wait3A_224 : memref<48x128xf32, #tpu.memory_space<vmem_shared>>)
      tpu.yield
    }) : () -> ()
    %mul3A_120 = arith.constant 626 : i32
    %mul3A_121 = arith.muli %arg1, %mul3A_120 : i32
    %add3A_122 = arith.constant 48 : i32
    %add3A_123 = arith.addi %mul3A_121, %add3A_122 : i32
    "tpu.region"() ({
      %run_scoped3A = tpu.sem_alloc : memref<!tpu.dma_semaphore, #tpu.memory_space<semaphore_mem>>
      %dma_start3A_217 = arith.constant 0 : i32
      %dma_start3A_218 = tpu.memref_slice %arg19[%add3A_123, %dma_start3A_217] : memref<10016x128xf32, #tpu.memory_space<vmem_shared>> -> memref<48x128xf32, #tpu.memory_space<vmem_shared>>
      %dma_start3A_219 = arith.constant 0 : i32
      %dma_start3A_220 = tpu.memref_slice %arg19[%add3A_123, %dma_start3A_219] : memref<10016x128xf32, #tpu.memory_space<vmem_shared>> -> memref<48x128xf32, #tpu.memory_space<vmem_shared>>
      tpu.enqueue_dma source(%arg9 : memref<48x128xf32, #tpu.memory_space<vmem>>) target(%dma_start3A_220 : memref<48x128xf32, #tpu.memory_space<vmem_shared>>) target_semaphore(%run_scoped3A : memref<!tpu.dma_semaphore, #tpu.memory_space<semaphore_mem>>)
      %dma_wait3A_221 = arith.constant 0 : i32
      %dma_wait3A_222 = tpu.memref_slice %arg19[%add3A_123, %dma_wait3A_221] : memref<10016x128xf32, #tpu.memory_space<vmem_shared>> -> memref<48x128xf32, #tpu.memory_space<vmem_shared>>
      %dma_wait3A_223 = arith.constant 0 : i32
      %dma_wait3A_224 = tpu.memref_slice %arg19[%add3A_123, %dma_wait3A_223] : memref<10016x128xf32, #tpu.memory_space<vmem_shared>> -> memref<48x128xf32, #tpu.memory_space<vmem_shared>>
      tpu.wait_dma2 semaphore(%run_scoped3A : memref<!tpu.dma_semaphore, #tpu.memory_space<semaphore_mem>>) src(%arg9 : memref<48x128xf32, #tpu.memory_space<vmem>>) dst(%dma_wait3A_224 : memref<48x128xf32, #tpu.memory_space<vmem_shared>>)
      tpu.yield
    }) : () -> ()
    %mul3A_124 = arith.constant 626 : i32
    %mul3A_125 = arith.muli %arg1, %mul3A_124 : i32
    %add3A_126 = arith.constant 96 : i32
    %add3A_127 = arith.addi %mul3A_125, %add3A_126 : i32
    "tpu.region"() ({
      %run_scoped3A = tpu.sem_alloc : memref<!tpu.dma_semaphore, #tpu.memory_space<semaphore_mem>>
      %dma_start3A_217 = arith.constant 0 : i32
      %dma_start3A_218 = tpu.memref_slice %arg19[%add3A_127, %dma_start3A_217] : memref<10016x128xf32, #tpu.memory_space<vmem_shared>> -> memref<48x128xf32, #tpu.memory_space<vmem_shared>>
      %dma_start3A_219 = arith.constant 0 : i32
      %dma_start3A_220 = tpu.memref_slice %arg19[%add3A_127, %dma_start3A_219] : memref<10016x128xf32, #tpu.memory_space<vmem_shared>> -> memref<48x128xf32, #tpu.memory_space<vmem_shared>>
      tpu.enqueue_dma source(%arg9 : memref<48x128xf32, #tpu.memory_space<vmem>>) target(%dma_start3A_220 : memref<48x128xf32, #tpu.memory_space<vmem_shared>>) target_semaphore(%run_scoped3A : memref<!tpu.dma_semaphore, #tpu.memory_space<semaphore_mem>>)
      %dma_wait3A_221 = arith.constant 0 : i32
      %dma_wait3A_222 = tpu.memref_slice %arg19[%add3A_127, %dma_wait3A_221] : memref<10016x128xf32, #tpu.memory_space<vmem_shared>> -> memref<48x128xf32, #tpu.memory_space<vmem_shared>>
      %dma_wait3A_223 = arith.constant 0 : i32
      %dma_wait3A_224 = tpu.memref_slice %arg19[%add3A_127, %dma_wait3A_223] : memref<10016x128xf32, #tpu.memory_space<vmem_shared>> -> memref<48x128xf32, #tpu.memory_space<vmem_shared>>
      tpu.wait_dma2 semaphore(%run_scoped3A : memref<!tpu.dma_semaphore, #tpu.memory_space<semaphore_mem>>) src(%arg9 : memref<48x128xf32, #tpu.memory_space<vmem>>) dst(%dma_wait3A_224 : memref<48x128xf32, #tpu.memory_space<vmem_shared>>)
      tpu.yield
    }) : () -> ()
    %mul3A_128 = arith.constant 626 : i32
    %mul3A_129 = arith.muli %arg1, %mul3A_128 : i32
    %add3A_130 = arith.constant 144 : i32
    %add3A_131 = arith.addi %mul3A_129, %add3A_130 : i32
    "tpu.region"() ({
      %run_scoped3A = tpu.sem_alloc : memref<!tpu.dma_semaphore, #tpu.memory_space<semaphore_mem>>
      %dma_start3A_217 = arith.constant 0 : i32
      %dma_start3A_218 = tpu.memref_slice %arg19[%add3A_131, %dma_start3A_217] : memref<10016x128xf32, #tpu.memory_space<vmem_shared>> -> memref<48x128xf32, #tpu.memory_space<vmem_shared>>
      %dma_start3A_219 = arith.constant 0 : i32
      %dma_start3A_220 = tpu.memref_slice %arg19[%add3A_131, %dma_start3A_219] : memref<10016x128xf32, #tpu.memory_space<vmem_shared>> -> memref<48x128xf32, #tpu.memory_space<vmem_shared>>
      tpu.enqueue_dma source(%arg9 : memref<48x128xf32, #tpu.memory_space<vmem>>) target(%dma_start3A_220 : memref<48x128xf32, #tpu.memory_space<vmem_shared>>) target_semaphore(%run_scoped3A : memref<!tpu.dma_semaphore, #tpu.memory_space<semaphore_mem>>)
      %dma_wait3A_221 = arith.constant 0 : i32
      %dma_wait3A_222 = tpu.memref_slice %arg19[%add3A_131, %dma_wait3A_221] : memref<10016x128xf32, #tpu.memory_space<vmem_shared>> -> memref<48x128xf32, #tpu.memory_space<vmem_shared>>
      %dma_wait3A_223 = arith.constant 0 : i32
      %dma_wait3A_224 = tpu.memref_slice %arg19[%add3A_131, %dma_wait3A_223] : memref<10016x128xf32, #tpu.memory_space<vmem_shared>> -> memref<48x128xf32, #tpu.memory_space<vmem_shared>>
      tpu.wait_dma2 semaphore(%run_scoped3A : memref<!tpu.dma_semaphore, #tpu.memory_space<semaphore_mem>>) src(%arg9 : memref<48x128xf32, #tpu.memory_space<vmem>>) dst(%dma_wait3A_224 : memref<48x128xf32, #tpu.memory_space<vmem_shared>>)
      tpu.yield
    }) : () -> ()
    %mul3A_132 = arith.constant 626 : i32
    %mul3A_133 = arith.muli %arg1, %mul3A_132 : i32
    %add3A_134 = arith.constant 192 : i32
    %add3A_135 = arith.addi %mul3A_133, %add3A_134 : i32
    "tpu.region"() ({
      %run_scoped3A = tpu.sem_alloc : memref<!tpu.dma_semaphore, #tpu.memory_space<semaphore_mem>>
      %dma_start3A_217 = arith.constant 0 : i32
      %dma_start3A_218 = tpu.memref_slice %arg19[%add3A_135, %dma_start3A_217] : memref<10016x128xf32, #tpu.memory_space<vmem_shared>> -> memref<48x128xf32, #tpu.memory_space<vmem_shared>>
      %dma_start3A_219 = arith.constant 0 : i32
      %dma_start3A_220 = tpu.memref_slice %arg19[%add3A_135, %dma_start3A_219] : memref<10016x128xf32, #tpu.memory_space<vmem_shared>> -> memref<48x128xf32, #tpu.memory_space<vmem_shared>>
      tpu.enqueue_dma source(%arg9 : memref<48x128xf32, #tpu.memory_space<vmem>>) target(%dma_start3A_220 : memref<48x128xf32, #tpu.memory_space<vmem_shared>>) target_semaphore(%run_scoped3A : memref<!tpu.dma_semaphore, #tpu.memory_space<semaphore_mem>>)
      %dma_wait3A_221 = arith.constant 0 : i32
      %dma_wait3A_222 = tpu.memref_slice %arg19[%add3A_135, %dma_wait3A_221] : memref<10016x128xf32, #tpu.memory_space<vmem_shared>> -> memref<48x128xf32, #tpu.memory_space<vmem_shared>>
      %dma_wait3A_223 = arith.constant 0 : i32
      %dma_wait3A_224 = tpu.memref_slice %arg19[%add3A_135, %dma_wait3A_223] : memref<10016x128xf32, #tpu.memory_space<vmem_shared>> -> memref<48x128xf32, #tpu.memory_space<vmem_shared>>
      tpu.wait_dma2 semaphore(%run_scoped3A : memref<!tpu.dma_semaphore, #tpu.memory_space<semaphore_mem>>) src(%arg9 : memref<48x128xf32, #tpu.memory_space<vmem>>) dst(%dma_wait3A_224 : memref<48x128xf32, #tpu.memory_space<vmem_shared>>)
      tpu.yield
    }) : () -> ()
    %mul3A_136 = arith.constant 626 : i32
    %mul3A_137 = arith.muli %arg1, %mul3A_136 : i32
    %add3A_138 = arith.constant 240 : i32
    %add3A_139 = arith.addi %mul3A_137, %add3A_138 : i32
    "tpu.region"() ({
      %run_scoped3A = tpu.sem_alloc : memref<!tpu.dma_semaphore, #tpu.memory_space<semaphore_mem>>
      %dma_start3A_217 = arith.constant 0 : i32
      %dma_start3A_218 = tpu.memref_slice %arg19[%add3A_139, %dma_start3A_217] : memref<10016x128xf32, #tpu.memory_space<vmem_shared>> -> memref<48x128xf32, #tpu.memory_space<vmem_shared>>
      %dma_start3A_219 = arith.constant 0 : i32
      %dma_start3A_220 = tpu.memref_slice %arg19[%add3A_139, %dma_start3A_219] : memref<10016x128xf32, #tpu.memory_space<vmem_shared>> -> memref<48x128xf32, #tpu.memory_space<vmem_shared>>
      tpu.enqueue_dma source(%arg9 : memref<48x128xf32, #tpu.memory_space<vmem>>) target(%dma_start3A_220 : memref<48x128xf32, #tpu.memory_space<vmem_shared>>) target_semaphore(%run_scoped3A : memref<!tpu.dma_semaphore, #tpu.memory_space<semaphore_mem>>)
      %dma_wait3A_221 = arith.constant 0 : i32
      %dma_wait3A_222 = tpu.memref_slice %arg19[%add3A_139, %dma_wait3A_221] : memref<10016x128xf32, #tpu.memory_space<vmem_shared>> -> memref<48x128xf32, #tpu.memory_space<vmem_shared>>
      %dma_wait3A_223 = arith.constant 0 : i32
      %dma_wait3A_224 = tpu.memref_slice %arg19[%add3A_139, %dma_wait3A_223] : memref<10016x128xf32, #tpu.memory_space<vmem_shared>> -> memref<48x128xf32, #tpu.memory_space<vmem_shared>>
      tpu.wait_dma2 semaphore(%run_scoped3A : memref<!tpu.dma_semaphore, #tpu.memory_space<semaphore_mem>>) src(%arg9 : memref<48x128xf32, #tpu.memory_space<vmem>>) dst(%dma_wait3A_224 : memref<48x128xf32, #tpu.memory_space<vmem_shared>>)
      tpu.yield
    }) : () -> ()
    %mul3A_140 = arith.constant 626 : i32
    %mul3A_141 = arith.muli %arg1, %mul3A_140 : i32
    %add3A_142 = arith.constant 288 : i32
    %add3A_143 = arith.addi %mul3A_141, %add3A_142 : i32
    "tpu.region"() ({
      %run_scoped3A = tpu.sem_alloc : memref<!tpu.dma_semaphore, #tpu.memory_space<semaphore_mem>>
      %dma_start3A_217 = arith.constant 0 : i32
      %dma_start3A_218 = tpu.memref_slice %arg19[%add3A_143, %dma_start3A_217] : memref<10016x128xf32, #tpu.memory_space<vmem_shared>> -> memref<48x128xf32, #tpu.memory_space<vmem_shared>>
      %dma_start3A_219 = arith.constant 0 : i32
      %dma_start3A_220 = tpu.memref_slice %arg19[%add3A_143, %dma_start3A_219] : memref<10016x128xf32, #tpu.memory_space<vmem_shared>> -> memref<48x128xf32, #tpu.memory_space<vmem_shared>>
      tpu.enqueue_dma source(%arg9 : memref<48x128xf32, #tpu.memory_space<vmem>>) target(%dma_start3A_220 : memref<48x128xf32, #tpu.memory_space<vmem_shared>>) target_semaphore(%run_scoped3A : memref<!tpu.dma_semaphore, #tpu.memory_space<semaphore_mem>>)
      %dma_wait3A_221 = arith.constant 0 : i32
      %dma_wait3A_222 = tpu.memref_slice %arg19[%add3A_143, %dma_wait3A_221] : memref<10016x128xf32, #tpu.memory_space<vmem_shared>> -> memref<48x128xf32, #tpu.memory_space<vmem_shared>>
      %dma_wait3A_223 = arith.constant 0 : i32
      %dma_wait3A_224 = tpu.memref_slice %arg19[%add3A_143, %dma_wait3A_223] : memref<10016x128xf32, #tpu.memory_space<vmem_shared>> -> memref<48x128xf32, #tpu.memory_space<vmem_shared>>
      tpu.wait_dma2 semaphore(%run_scoped3A : memref<!tpu.dma_semaphore, #tpu.memory_space<semaphore_mem>>) src(%arg9 : memref<48x128xf32, #tpu.memory_space<vmem>>) dst(%dma_wait3A_224 : memref<48x128xf32, #tpu.memory_space<vmem_shared>>)
      tpu.yield
    }) : () -> ()
    %mul3A_144 = arith.constant 626 : i32
    %mul3A_145 = arith.muli %arg1, %mul3A_144 : i32
    %add3A_146 = arith.constant 336 : i32
    %add3A_147 = arith.addi %mul3A_145, %add3A_146 : i32
    "tpu.region"() ({
      %run_scoped3A = tpu.sem_alloc : memref<!tpu.dma_semaphore, #tpu.memory_space<semaphore_mem>>
      %dma_start3A_217 = arith.constant 0 : i32
      %dma_start3A_218 = tpu.memref_slice %arg19[%add3A_147, %dma_start3A_217] : memref<10016x128xf32, #tpu.memory_space<vmem_shared>> -> memref<48x128xf32, #tpu.memory_space<vmem_shared>>
      %dma_start3A_219 = arith.constant 0 : i32
      %dma_start3A_220 = tpu.memref_slice %arg19[%add3A_147, %dma_start3A_219] : memref<10016x128xf32, #tpu.memory_space<vmem_shared>> -> memref<48x128xf32, #tpu.memory_space<vmem_shared>>
      tpu.enqueue_dma source(%arg9 : memref<48x128xf32, #tpu.memory_space<vmem>>) target(%dma_start3A_220 : memref<48x128xf32, #tpu.memory_space<vmem_shared>>) target_semaphore(%run_scoped3A : memref<!tpu.dma_semaphore, #tpu.memory_space<semaphore_mem>>)
      %dma_wait3A_221 = arith.constant 0 : i32
      %dma_wait3A_222 = tpu.memref_slice %arg19[%add3A_147, %dma_wait3A_221] : memref<10016x128xf32, #tpu.memory_space<vmem_shared>> -> memref<48x128xf32, #tpu.memory_space<vmem_shared>>
      %dma_wait3A_223 = arith.constant 0 : i32
      %dma_wait3A_224 = tpu.memref_slice %arg19[%add3A_147, %dma_wait3A_223] : memref<10016x128xf32, #tpu.memory_space<vmem_shared>> -> memref<48x128xf32, #tpu.memory_space<vmem_shared>>
      tpu.wait_dma2 semaphore(%run_scoped3A : memref<!tpu.dma_semaphore, #tpu.memory_space<semaphore_mem>>) src(%arg9 : memref<48x128xf32, #tpu.memory_space<vmem>>) dst(%dma_wait3A_224 : memref<48x128xf32, #tpu.memory_space<vmem_shared>>)
      tpu.yield
    }) : () -> ()
    %mul3A_148 = arith.constant 626 : i32
    %mul3A_149 = arith.muli %arg1, %mul3A_148 : i32
    %add3A_150 = arith.constant 384 : i32
    %add3A_151 = arith.addi %mul3A_149, %add3A_150 : i32
    "tpu.region"() ({
      %run_scoped3A = tpu.sem_alloc : memref<!tpu.dma_semaphore, #tpu.memory_space<semaphore_mem>>
      %dma_start3A_217 = arith.constant 0 : i32
      %dma_start3A_218 = tpu.memref_slice %arg19[%add3A_151, %dma_start3A_217] : memref<10016x128xf32, #tpu.memory_space<vmem_shared>> -> memref<48x128xf32, #tpu.memory_space<vmem_shared>>
      %dma_start3A_219 = arith.constant 0 : i32
      %dma_start3A_220 = tpu.memref_slice %arg19[%add3A_151, %dma_start3A_219] : memref<10016x128xf32, #tpu.memory_space<vmem_shared>> -> memref<48x128xf32, #tpu.memory_space<vmem_shared>>
      tpu.enqueue_dma source(%arg9 : memref<48x128xf32, #tpu.memory_space<vmem>>) target(%dma_start3A_220 : memref<48x128xf32, #tpu.memory_space<vmem_shared>>) target_semaphore(%run_scoped3A : memref<!tpu.dma_semaphore, #tpu.memory_space<semaphore_mem>>)
      %dma_wait3A_221 = arith.constant 0 : i32
      %dma_wait3A_222 = tpu.memref_slice %arg19[%add3A_151, %dma_wait3A_221] : memref<10016x128xf32, #tpu.memory_space<vmem_shared>> -> memref<48x128xf32, #tpu.memory_space<vmem_shared>>
      %dma_wait3A_223 = arith.constant 0 : i32
      %dma_wait3A_224 = tpu.memref_slice %arg19[%add3A_151, %dma_wait3A_223] : memref<10016x128xf32, #tpu.memory_space<vmem_shared>> -> memref<48x128xf32, #tpu.memory_space<vmem_shared>>
      tpu.wait_dma2 semaphore(%run_scoped3A : memref<!tpu.dma_semaphore, #tpu.memory_space<semaphore_mem>>) src(%arg9 : memref<48x128xf32, #tpu.memory_space<vmem>>) dst(%dma_wait3A_224 : memref<48x128xf32, #tpu.memory_space<vmem_shared>>)
      tpu.yield
    }) : () -> ()
    %mul3A_152 = arith.constant 626 : i32
    %mul3A_153 = arith.muli %arg1, %mul3A_152 : i32
    %add3A_154 = arith.constant 432 : i32
    %add3A_155 = arith.addi %mul3A_153, %add3A_154 : i32
    "tpu.region"() ({
      %run_scoped3A = tpu.sem_alloc : memref<!tpu.dma_semaphore, #tpu.memory_space<semaphore_mem>>
      %dma_start3A_217 = arith.constant 0 : i32
      %dma_start3A_218 = tpu.memref_slice %arg19[%add3A_155, %dma_start3A_217] : memref<10016x128xf32, #tpu.memory_space<vmem_shared>> -> memref<48x128xf32, #tpu.memory_space<vmem_shared>>
      %dma_start3A_219 = arith.constant 0 : i32
      %dma_start3A_220 = tpu.memref_slice %arg19[%add3A_155, %dma_start3A_219] : memref<10016x128xf32, #tpu.memory_space<vmem_shared>> -> memref<48x128xf32, #tpu.memory_space<vmem_shared>>
      tpu.enqueue_dma source(%arg9 : memref<48x128xf32, #tpu.memory_space<vmem>>) target(%dma_start3A_220 : memref<48x128xf32, #tpu.memory_space<vmem_shared>>) target_semaphore(%run_scoped3A : memref<!tpu.dma_semaphore, #tpu.memory_space<semaphore_mem>>)
      %dma_wait3A_221 = arith.constant 0 : i32
      %dma_wait3A_222 = tpu.memref_slice %arg19[%add3A_155, %dma_wait3A_221] : memref<10016x128xf32, #tpu.memory_space<vmem_shared>> -> memref<48x128xf32, #tpu.memory_space<vmem_shared>>
      %dma_wait3A_223 = arith.constant 0 : i32
      %dma_wait3A_224 = tpu.memref_slice %arg19[%add3A_155, %dma_wait3A_223] : memref<10016x128xf32, #tpu.memory_space<vmem_shared>> -> memref<48x128xf32, #tpu.memory_space<vmem_shared>>
      tpu.wait_dma2 semaphore(%run_scoped3A : memref<!tpu.dma_semaphore, #tpu.memory_space<semaphore_mem>>) src(%arg9 : memref<48x128xf32, #tpu.memory_space<vmem>>) dst(%dma_wait3A_224 : memref<48x128xf32, #tpu.memory_space<vmem_shared>>)
      tpu.yield
    }) : () -> ()
    %mul3A_156 = arith.constant 626 : i32
    %mul3A_157 = arith.muli %arg1, %mul3A_156 : i32
    %add3A_158 = arith.constant 480 : i32
    %add3A_159 = arith.addi %mul3A_157, %add3A_158 : i32
    "tpu.region"() ({
      %run_scoped3A = tpu.sem_alloc : memref<!tpu.dma_semaphore, #tpu.memory_space<semaphore_mem>>
      %dma_start3A_217 = arith.constant 0 : i32
      %dma_start3A_218 = tpu.memref_slice %arg19[%add3A_159, %dma_start3A_217] : memref<10016x128xf32, #tpu.memory_space<vmem_shared>> -> memref<48x128xf32, #tpu.memory_space<vmem_shared>>
      %dma_start3A_219 = arith.constant 0 : i32
      %dma_start3A_220 = tpu.memref_slice %arg19[%add3A_159, %dma_start3A_219] : memref<10016x128xf32, #tpu.memory_space<vmem_shared>> -> memref<48x128xf32, #tpu.memory_space<vmem_shared>>
      tpu.enqueue_dma source(%arg9 : memref<48x128xf32, #tpu.memory_space<vmem>>) target(%dma_start3A_220 : memref<48x128xf32, #tpu.memory_space<vmem_shared>>) target_semaphore(%run_scoped3A : memref<!tpu.dma_semaphore, #tpu.memory_space<semaphore_mem>>)
      %dma_wait3A_221 = arith.constant 0 : i32
      %dma_wait3A_222 = tpu.memref_slice %arg19[%add3A_159, %dma_wait3A_221] : memref<10016x128xf32, #tpu.memory_space<vmem_shared>> -> memref<48x128xf32, #tpu.memory_space<vmem_shared>>
      %dma_wait3A_223 = arith.constant 0 : i32
      %dma_wait3A_224 = tpu.memref_slice %arg19[%add3A_159, %dma_wait3A_223] : memref<10016x128xf32, #tpu.memory_space<vmem_shared>> -> memref<48x128xf32, #tpu.memory_space<vmem_shared>>
      tpu.wait_dma2 semaphore(%run_scoped3A : memref<!tpu.dma_semaphore, #tpu.memory_space<semaphore_mem>>) src(%arg9 : memref<48x128xf32, #tpu.memory_space<vmem>>) dst(%dma_wait3A_224 : memref<48x128xf32, #tpu.memory_space<vmem_shared>>)
      tpu.yield
    }) : () -> ()
    %mul3A_160 = arith.constant 626 : i32
    %mul3A_161 = arith.muli %arg1, %mul3A_160 : i32
    %add3A_162 = arith.constant 528 : i32
    %add3A_163 = arith.addi %mul3A_161, %add3A_162 : i32
    "tpu.region"() ({
      %run_scoped3A = tpu.sem_alloc : memref<!tpu.dma_semaphore, #tpu.memory_space<semaphore_mem>>
      %dma_start3A_217 = arith.constant 0 : i32
      %dma_start3A_218 = tpu.memref_slice %arg19[%add3A_163, %dma_start3A_217] : memref<10016x128xf32, #tpu.memory_space<vmem_shared>> -> memref<48x128xf32, #tpu.memory_space<vmem_shared>>
      %dma_start3A_219 = arith.constant 0 : i32
      %dma_start3A_220 = tpu.memref_slice %arg19[%add3A_163, %dma_start3A_219] : memref<10016x128xf32, #tpu.memory_space<vmem_shared>> -> memref<48x128xf32, #tpu.memory_space<vmem_shared>>
      tpu.enqueue_dma source(%arg9 : memref<48x128xf32, #tpu.memory_space<vmem>>) target(%dma_start3A_220 : memref<48x128xf32, #tpu.memory_space<vmem_shared>>) target_semaphore(%run_scoped3A : memref<!tpu.dma_semaphore, #tpu.memory_space<semaphore_mem>>)
      %dma_wait3A_221 = arith.constant 0 : i32
      %dma_wait3A_222 = tpu.memref_slice %arg19[%add3A_163, %dma_wait3A_221] : memref<10016x128xf32, #tpu.memory_space<vmem_shared>> -> memref<48x128xf32, #tpu.memory_space<vmem_shared>>
      %dma_wait3A_223 = arith.constant 0 : i32
      %dma_wait3A_224 = tpu.memref_slice %arg19[%add3A_163, %dma_wait3A_223] : memref<10016x128xf32, #tpu.memory_space<vmem_shared>> -> memref<48x128xf32, #tpu.memory_space<vmem_shared>>
      tpu.wait_dma2 semaphore(%run_scoped3A : memref<!tpu.dma_semaphore, #tpu.memory_space<semaphore_mem>>) src(%arg9 : memref<48x128xf32, #tpu.memory_space<vmem>>) dst(%dma_wait3A_224 : memref<48x128xf32, #tpu.memory_space<vmem_shared>>)
      tpu.yield
    }) : () -> ()
    %mul3A_164 = arith.constant 626 : i32
    %mul3A_165 = arith.muli %arg1, %mul3A_164 : i32
    %add3A_166 = arith.constant 576 : i32
    %add3A_167 = arith.addi %mul3A_165, %add3A_166 : i32
    "tpu.region"() ({
      %run_scoped3A = tpu.sem_alloc : memref<!tpu.dma_semaphore, #tpu.memory_space<semaphore_mem>>
      %dma_start3A_217 = arith.constant 0 : i32
      %dma_start3A_218 = tpu.memref_slice %arg19[%add3A_167, %dma_start3A_217] : memref<10016x128xf32, #tpu.memory_space<vmem_shared>> -> memref<48x128xf32, #tpu.memory_space<vmem_shared>>
      %dma_start3A_219 = arith.constant 0 : i32
      %dma_start3A_220 = tpu.memref_slice %arg19[%add3A_167, %dma_start3A_219] : memref<10016x128xf32, #tpu.memory_space<vmem_shared>> -> memref<48x128xf32, #tpu.memory_space<vmem_shared>>
      tpu.enqueue_dma source(%arg9 : memref<48x128xf32, #tpu.memory_space<vmem>>) target(%dma_start3A_220 : memref<48x128xf32, #tpu.memory_space<vmem_shared>>) target_semaphore(%run_scoped3A : memref<!tpu.dma_semaphore, #tpu.memory_space<semaphore_mem>>)
      %dma_wait3A_221 = arith.constant 0 : i32
      %dma_wait3A_222 = tpu.memref_slice %arg19[%add3A_167, %dma_wait3A_221] : memref<10016x128xf32, #tpu.memory_space<vmem_shared>> -> memref<48x128xf32, #tpu.memory_space<vmem_shared>>
      %dma_wait3A_223 = arith.constant 0 : i32
      %dma_wait3A_224 = tpu.memref_slice %arg19[%add3A_167, %dma_wait3A_223] : memref<10016x128xf32, #tpu.memory_space<vmem_shared>> -> memref<48x128xf32, #tpu.memory_space<vmem_shared>>
      tpu.wait_dma2 semaphore(%run_scoped3A : memref<!tpu.dma_semaphore, #tpu.memory_space<semaphore_mem>>) src(%arg9 : memref<48x128xf32, #tpu.memory_space<vmem>>) dst(%dma_wait3A_224 : memref<48x128xf32, #tpu.memory_space<vmem_shared>>)
      tpu.yield
    }) : () -> ()
    %mul3A_168 = arith.constant 626 : i32
    %mul3A_169 = arith.muli %arg1, %mul3A_168 : i32
    %add3A_170 = arith.constant 624 : i32
    %add3A_171 = arith.addi %mul3A_169, %add3A_170 : i32
    "tpu.region"() ({
      %run_scoped3A = tpu.sem_alloc : memref<!tpu.dma_semaphore, #tpu.memory_space<semaphore_mem>>
      %dma_start3A_217 = arith.constant 0 : i32
      %dma_start3A_218 = arith.constant 0 : i32
      %dma_start3A_219 = tpu.memref_slice %arg9[%dma_start3A_217, %dma_start3A_218] : memref<48x128xf32, #tpu.memory_space<vmem>> -> memref<2x128xf32, #tpu.memory_space<vmem>>
      %dma_start3A_220 = arith.constant 0 : i32
      %dma_start3A_221 = tpu.memref_slice %arg19[%add3A_171, %dma_start3A_220] : memref<10016x128xf32, #tpu.memory_space<vmem_shared>> -> memref<2x128xf32, #tpu.memory_space<vmem_shared>>
      %dma_start3A_222 = arith.constant 0 : i32
      %dma_start3A_223 = tpu.memref_slice %arg19[%add3A_171, %dma_start3A_222] : memref<10016x128xf32, #tpu.memory_space<vmem_shared>> -> memref<2x128xf32, #tpu.memory_space<vmem_shared>>
      %dma_start3A_224 = arith.constant 0 : i32
      %dma_start3A_225 = arith.constant 0 : i32
      %dma_start3A_226 = tpu.memref_slice %arg9[%dma_start3A_224, %dma_start3A_225] : memref<48x128xf32, #tpu.memory_space<vmem>> -> memref<2x128xf32, #tpu.memory_space<vmem>>
      tpu.enqueue_dma source(%dma_start3A_226 : memref<2x128xf32, #tpu.memory_space<vmem>>) target(%dma_start3A_223 : memref<2x128xf32, #tpu.memory_space<vmem_shared>>) target_semaphore(%run_scoped3A : memref<!tpu.dma_semaphore, #tpu.memory_space<semaphore_mem>>)
      %dma_wait3A_227 = arith.constant 0 : i32
      %dma_wait3A_228 = arith.constant 0 : i32
      %dma_wait3A_229 = tpu.memref_slice %arg9[%dma_wait3A_227, %dma_wait3A_228] : memref<48x128xf32, #tpu.memory_space<vmem>> -> memref<2x128xf32, #tpu.memory_space<vmem>>
      %dma_wait3A_230 = arith.constant 0 : i32
      %dma_wait3A_231 = tpu.memref_slice %arg19[%add3A_171, %dma_wait3A_230] : memref<10016x128xf32, #tpu.memory_space<vmem_shared>> -> memref<2x128xf32, #tpu.memory_space<vmem_shared>>
      %dma_wait3A_232 = arith.constant 0 : i32
      %dma_wait3A_233 = tpu.memref_slice %arg19[%add3A_171, %dma_wait3A_232] : memref<10016x128xf32, #tpu.memory_space<vmem_shared>> -> memref<2x128xf32, #tpu.memory_space<vmem_shared>>
      %dma_wait3A_234 = arith.constant 0 : i32
      %dma_wait3A_235 = arith.constant 0 : i32
      %dma_wait3A_236 = tpu.memref_slice %arg9[%dma_wait3A_234, %dma_wait3A_235] : memref<48x128xf32, #tpu.memory_space<vmem>> -> memref<2x128xf32, #tpu.memory_space<vmem>>
      tpu.wait_dma2 semaphore(%run_scoped3A : memref<!tpu.dma_semaphore, #tpu.memory_space<semaphore_mem>>) src(%dma_wait3A_236 : memref<2x128xf32, #tpu.memory_space<vmem>>) dst(%dma_wait3A_233 : memref<2x128xf32, #tpu.memory_space<vmem_shared>>)
      tpu.yield
    }) : () -> ()
    %barrier3A_172 = arith.constant 0 : index
    tpu.barrier barrier_id(%barrier3A_172)
    %multiple_of3A_173 = arith.constant 0 : i32
    %multiple_of3A_174 = tpu.assume_multiple %multiple_of3A_173, 8 : i32
    %add3A_175 = arith.addi %mul3A_0, %multiple_of3A_174 : i32
    %dma_start3A_176 = arith.constant 0 : i32
    %dma_start3A_177 = tpu.memref_slice %arg2[%add3A_115, %add3A_175, %dma_start3A_176] : memref<4x80640x128xf32, #tpu.memory_space<hbm>> -> memref<1x80x128xf32, #tpu.memory_space<hbm>>
    %dma_start3A_178 = tpu.memref_squeeze %dma_start3A_177 : memref<1x80x128xf32, #tpu.memory_space<hbm>> -> memref<80x128xf32, #tpu.memory_space<hbm>>
    %dma_start3A_179 = arith.constant 0 : i32
    %dma_start3A_180 = tpu.memref_slice %arg2[%add3A_115, %add3A_175, %dma_start3A_179] : memref<4x80640x128xf32, #tpu.memory_space<hbm>> -> memref<1x80x128xf32, #tpu.memory_space<hbm>>
    %dma_start3A_181 = tpu.memref_squeeze %dma_start3A_180 : memref<1x80x128xf32, #tpu.memory_space<hbm>> -> memref<80x128xf32, #tpu.memory_space<hbm>>
    tpu.enqueue_dma source(%dma_start3A_181 : memref<80x128xf32, #tpu.memory_space<hbm>>) target(%arg6 : memref<80x128xf32, #tpu.memory_space<vmem>>) target_semaphore(%arg13 : memref<!tpu.dma_semaphore, #tpu.memory_space<semaphore_mem>>)
    %multiple_of3A_182 = arith.constant 80 : i32
    %multiple_of3A_183 = tpu.assume_multiple %multiple_of3A_182, 8 : i32
    %add3A_184 = arith.addi %mul3A_0, %multiple_of3A_183 : i32
    %dma_start3A_185 = arith.constant 0 : i32
    %dma_start3A_186 = tpu.memref_slice %arg2[%add3A_115, %add3A_184, %dma_start3A_185] : memref<4x80640x128xf32, #tpu.memory_space<hbm>> -> memref<1x80x128xf32, #tpu.memory_space<hbm>>
    %dma_start3A_187 = tpu.memref_squeeze %dma_start3A_186 : memref<1x80x128xf32, #tpu.memory_space<hbm>> -> memref<80x128xf32, #tpu.memory_space<hbm>>
    %dma_start3A_188 = arith.constant 0 : i32
    %dma_start3A_189 = tpu.memref_slice %arg2[%add3A_115, %add3A_184, %dma_start3A_188] : memref<4x80640x128xf32, #tpu.memory_space<hbm>> -> memref<1x80x128xf32, #tpu.memory_space<hbm>>
    %dma_start3A_190 = tpu.memref_squeeze %dma_start3A_189 : memref<1x80x128xf32, #tpu.memory_space<hbm>> -> memref<80x128xf32, #tpu.memory_space<hbm>>
    tpu.enqueue_dma source(%dma_start3A_190 : memref<80x128xf32, #tpu.memory_space<hbm>>) target(%arg7 : memref<80x128xf32, #tpu.memory_space<vmem>>) target_semaphore(%arg14 : memref<!tpu.dma_semaphore, #tpu.memory_space<semaphore_mem>>)
    %scan3A_191 = arith.constant 0 : i32
    %scan3A_192 = arith.constant 0 : i32
    %scan3A_193 = arith.constant 63 : i32
    %scan3A_194 = arith.addi %scan3A_192, %scan3A_193 : i32
    %scan3A_195 = arith.constant 1 : i32
    scf.for %scan3A_217 = %scan3A_192 to %scan3A_194 step %scan3A_195  : i32 {
      %rem3A = arith.constant 3 : i32
      %rem3A_218 = arith.remsi %scan3A_217, %rem3A : i32
      %eq3A_219 = arith.constant 0 : i32
      %eq3A_220 = arith.cmpi eq, %rem3A_218, %eq3A_219 : i32
      %convert_element_type3A_221 = arith.extui %eq3A_220 : i1 to i32
      %cond3A_222 = arith.constant 0 : i32
      %cond3A_223 = arith.cmpi ne, %convert_element_type3A_221, %cond3A_222 : i32
      scf.if %cond3A_223 {
        %scan3A_238 = arith.constant 0 : i32
        %scan3A_239 = arith.constant 0 : i32
        %scan3A_240 = arith.constant 5 : i32
        %scan3A_241 = arith.addi %scan3A_239, %scan3A_240 : i32
        %scan3A_242 = arith.constant 1 : i32
        scf.for %scan3A_263 = %scan3A_239 to %scan3A_241 step %scan3A_242  : i32 {
          %mul3A_264 = arith.constant 16 : i32
          %mul3A_265 = arith.muli %scan3A_263, %mul3A_264 : i32
          %multiple_of3A_266 = tpu.assume_multiple %mul3A_265, 16 : i32
          %mul3A_267 = arith.constant 80 : i32
          %mul3A_268 = arith.muli %scan3A_217, %mul3A_267 : i32
          %multiple_of3A_269 = tpu.assume_multiple %mul3A_268, 8 : i32
          %add3A_270 = arith.addi %multiple_of3A_269, %multiple_of3A_266 : i32
          %get3A = arith.index_cast %add3A_270 : i32 to index
          %get3A_271 = tpu.vector_load %arg5[%get3A] {strides = array<i32>} : memref<5040xi32, #tpu.memory_space<vmem>>, vector<16xi32>,
          %swap3A = arith.index_cast %multiple_of3A_266 : i32 to index
          %swap3A_272 = tpu.vector_load %arg10[%swap3A] {strides = array<i32>} : memref<80xi32, #tpu.memory_space<vmem>>, vector<16xi32>,
          tpu.vector_store %arg10[%swap3A], %get3A_271 {strides = array<i32>} : memref<80xi32, #tpu.memory_space<vmem>>, vector<16xi32>,
        }
        %scan3A_243 = arith.constant 5 : i32
        %mul3A_244 = arith.constant 80 : i32
        %mul3A_245 = arith.muli %scan3A_217, %mul3A_244 : i32
        %multiple_of3A_246 = tpu.assume_multiple %mul3A_245, 8 : i32
        %add3A_247 = arith.addi %mul3A_0, %multiple_of3A_246 : i32
        %dma_wait3A_248 = arith.constant 0 : i32
        %dma_wait3A_249 = tpu.memref_slice %arg2[%add3A_115, %add3A_247, %dma_wait3A_248] : memref<4x80640x128xf32, #tpu.memory_space<hbm>> -> memref<1x80x128xf32, #tpu.memory_space<hbm>>
        %dma_wait3A_250 = tpu.memref_squeeze %dma_wait3A_249 : memref<1x80x128xf32, #tpu.memory_space<hbm>> -> memref<80x128xf32, #tpu.memory_space<hbm>>
        %dma_wait3A_251 = arith.constant 0 : i32
        %dma_wait3A_252 = tpu.memref_slice %arg2[%add3A_115, %add3A_247, %dma_wait3A_251] : memref<4x80640x128xf32, #tpu.memory_space<hbm>> -> memref<1x80x128xf32, #tpu.memory_space<hbm>>
        %dma_wait3A_253 = tpu.memref_squeeze %dma_wait3A_252 : memref<1x80x128xf32, #tpu.memory_space<hbm>> -> memref<80x128xf32, #tpu.memory_space<hbm>>
        tpu.wait_dma2 semaphore(%arg13 : memref<!tpu.dma_semaphore, #tpu.memory_space<semaphore_mem>>) src(%dma_wait3A_253 : memref<80x128xf32, #tpu.memory_space<hbm>>) dst(%arg6 : memref<80x128xf32, #tpu.memory_space<vmem>>)
        %dma_start3A_254 = arith.constant 0 : i32
        %dma_start3A_255 = arith.constant 0 : i32
        %dma_start3A_256 = tpu.memref_slice %arg19[%dma_start3A_254, %dma_start3A_255] : memref<10016x128xf32, #tpu.memory_space<vmem_shared>> -> memref<10016x128xf32, #tpu.memory_space<vmem_shared>>
        tpu.enqueue_indirect_dma source(%arg6 : memref<80x128xf32, #tpu.memory_space<vmem>>) target(%dma_start3A_256 : memref<10016x128xf32, #tpu.memory_space<vmem_shared>>) offsets(%arg10 : memref<80xi32, #tpu.memory_space<vmem>>) semaphore(%arg16 : memref<!tpu.dma_semaphore, #tpu.memory_space<semaphore_mem>>) {add = true}
        %add3A_257 = arith.constant 2 : i32
        %add3A_258 = arith.addi %scan3A_217, %add3A_257 : i32
        %lt3A = arith.constant 63 : i32
        %lt3A_259 = arith.cmpi slt, %add3A_258, %lt3A : i32
        %convert_element_type3A_260 = arith.extui %lt3A_259 : i1 to i32
        %cond3A_261 = arith.constant 0 : i32
        %cond3A_262 = arith.cmpi ne, %convert_element_type3A_260, %cond3A_261 : i32
        scf.if %cond3A_262 {
          %ge3A = arith.constant 1 : i32
          %ge3A_263 = arith.cmpi sge, %scan3A_217, %ge3A : i32
          %convert_element_type3A_264 = arith.extui %ge3A_263 : i1 to i32
          %cond3A_265 = arith.constant 0 : i32
          %cond3A_266 = arith.cmpi ne, %convert_element_type3A_264, %cond3A_265 : i32
          scf.if %cond3A_266 {
            %dma_wait3A_279 = arith.constant 0 : i32
            %dma_wait3A_280 = arith.constant 0 : i32
            %dma_wait3A_281 = tpu.memref_slice %arg19[%dma_wait3A_279, %dma_wait3A_280] : memref<10016x128xf32, #tpu.memory_space<vmem_shared>> -> memref<10016x128xf32, #tpu.memory_space<vmem_shared>>
            tpu.wait_indirect_dma semaphore(%arg18 : memref<!tpu.dma_semaphore, #tpu.memory_space<semaphore_mem>>) src(%arg8 : memref<80x128xf32, #tpu.memory_space<vmem>>) dst(%dma_wait3A_281 : memref<10016x128xf32, #tpu.memory_space<vmem_shared>>)
          } else {
          }
          %add3A_267 = arith.constant 2 : i32
          %add3A_268 = arith.addi %scan3A_217, %add3A_267 : i32
          %mul3A_269 = arith.constant 80 : i32
          %mul3A_270 = arith.muli %add3A_268, %mul3A_269 : i32
          %multiple_of3A_271 = tpu.assume_multiple %mul3A_270, 8 : i32
          %add3A_272 = arith.addi %mul3A_0, %multiple_of3A_271 : i32
          %dma_start3A_273 = arith.constant 0 : i32
          %dma_start3A_274 = tpu.memref_slice %arg2[%add3A_115, %add3A_272, %dma_start3A_273] : memref<4x80640x128xf32, #tpu.memory_space<hbm>> -> memref<1x80x128xf32, #tpu.memory_space<hbm>>
          %dma_start3A_275 = tpu.memref_squeeze %dma_start3A_274 : memref<1x80x128xf32, #tpu.memory_space<hbm>> -> memref<80x128xf32, #tpu.memory_space<hbm>>
          %dma_start3A_276 = arith.constant 0 : i32
          %dma_start3A_277 = tpu.memref_slice %arg2[%add3A_115, %add3A_272, %dma_start3A_276] : memref<4x80640x128xf32, #tpu.memory_space<hbm>> -> memref<1x80x128xf32, #tpu.memory_space<hbm>>
          %dma_start3A_278 = tpu.memref_squeeze %dma_start3A_277 : memref<1x80x128xf32, #tpu.memory_space<hbm>> -> memref<80x128xf32, #tpu.memory_space<hbm>>
          tpu.enqueue_dma source(%dma_start3A_278 : memref<80x128xf32, #tpu.memory_space<hbm>>) target(%arg8 : memref<80x128xf32, #tpu.memory_space<vmem>>) target_semaphore(%arg15 : memref<!tpu.dma_semaphore, #tpu.memory_space<semaphore_mem>>)
        } else {
        }
      } else {
      }
      %rem3A_224 = arith.constant 3 : i32
      %rem3A_225 = arith.remsi %scan3A_217, %rem3A_224 : i32
      %eq3A_226 = arith.constant 1 : i32
      %eq3A_227 = arith.cmpi eq, %rem3A_225, %eq3A_226 : i32
      %convert_element_type3A_228 = arith.extui %eq3A_227 : i1 to i32
      %cond3A_229 = arith.constant 0 : i32
      %cond3A_230 = arith.cmpi ne, %convert_element_type3A_228, %cond3A_229 : i32
      scf.if %cond3A_230 {
        %scan3A_238 = arith.constant 0 : i32
        %scan3A_239 = arith.constant 0 : i32
        %scan3A_240 = arith.constant 5 : i32
        %scan3A_241 = arith.addi %scan3A_239, %scan3A_240 : i32
        %scan3A_242 = arith.constant 1 : i32
        scf.for %scan3A_263 = %scan3A_239 to %scan3A_241 step %scan3A_242  : i32 {
          %mul3A_264 = arith.constant 16 : i32
          %mul3A_265 = arith.muli %scan3A_263, %mul3A_264 : i32
          %multiple_of3A_266 = tpu.assume_multiple %mul3A_265, 16 : i32
          %mul3A_267 = arith.constant 80 : i32
          %mul3A_268 = arith.muli %scan3A_217, %mul3A_267 : i32
          %multiple_of3A_269 = tpu.assume_multiple %mul3A_268, 8 : i32
          %add3A_270 = arith.addi %multiple_of3A_269, %multiple_of3A_266 : i32
          %get3A = arith.index_cast %add3A_270 : i32 to index
          %get3A_271 = tpu.vector_load %arg5[%get3A] {strides = array<i32>} : memref<5040xi32, #tpu.memory_space<vmem>>, vector<16xi32>,
          %swap3A = arith.index_cast %multiple_of3A_266 : i32 to index
          %swap3A_272 = tpu.vector_load %arg11[%swap3A] {strides = array<i32>} : memref<80xi32, #tpu.memory_space<vmem>>, vector<16xi32>,
          tpu.vector_store %arg11[%swap3A], %get3A_271 {strides = array<i32>} : memref<80xi32, #tpu.memory_space<vmem>>, vector<16xi32>,
        }
        %scan3A_243 = arith.constant 5 : i32
        %mul3A_244 = arith.constant 80 : i32
        %mul3A_245 = arith.muli %scan3A_217, %mul3A_244 : i32
        %multiple_of3A_246 = tpu.assume_multiple %mul3A_245, 8 : i32
        %add3A_247 = arith.addi %mul3A_0, %multiple_of3A_246 : i32
        %dma_wait3A_248 = arith.constant 0 : i32
        %dma_wait3A_249 = tpu.memref_slice %arg2[%add3A_115, %add3A_247, %dma_wait3A_248] : memref<4x80640x128xf32, #tpu.memory_space<hbm>> -> memref<1x80x128xf32, #tpu.memory_space<hbm>>
        %dma_wait3A_250 = tpu.memref_squeeze %dma_wait3A_249 : memref<1x80x128xf32, #tpu.memory_space<hbm>> -> memref<80x128xf32, #tpu.memory_space<hbm>>
        %dma_wait3A_251 = arith.constant 0 : i32
        %dma_wait3A_252 = tpu.memref_slice %arg2[%add3A_115, %add3A_247, %dma_wait3A_251] : memref<4x80640x128xf32, #tpu.memory_space<hbm>> -> memref<1x80x128xf32, #tpu.memory_space<hbm>>
        %dma_wait3A_253 = tpu.memref_squeeze %dma_wait3A_252 : memref<1x80x128xf32, #tpu.memory_space<hbm>> -> memref<80x128xf32, #tpu.memory_space<hbm>>
        tpu.wait_dma2 semaphore(%arg14 : memref<!tpu.dma_semaphore, #tpu.memory_space<semaphore_mem>>) src(%dma_wait3A_253 : memref<80x128xf32, #tpu.memory_space<hbm>>) dst(%arg7 : memref<80x128xf32, #tpu.memory_space<vmem>>)
        %dma_start3A_254 = arith.constant 0 : i32
        %dma_start3A_255 = arith.constant 0 : i32
        %dma_start3A_256 = tpu.memref_slice %arg19[%dma_start3A_254, %dma_start3A_255] : memref<10016x128xf32, #tpu.memory_space<vmem_shared>> -> memref<10016x128xf32, #tpu.memory_space<vmem_shared>>
        tpu.enqueue_indirect_dma source(%arg7 : memref<80x128xf32, #tpu.memory_space<vmem>>) target(%dma_start3A_256 : memref<10016x128xf32, #tpu.memory_space<vmem_shared>>) offsets(%arg11 : memref<80xi32, #tpu.memory_space<vmem>>) semaphore(%arg17 : memref<!tpu.dma_semaphore, #tpu.memory_space<semaphore_mem>>) {add = true}
        %add3A_257 = arith.constant 2 : i32
        %add3A_258 = arith.addi %scan3A_217, %add3A_257 : i32
        %lt3A = arith.constant 63 : i32
        %lt3A_259 = arith.cmpi slt, %add3A_258, %lt3A : i32
        %convert_element_type3A_260 = arith.extui %lt3A_259 : i1 to i32
        %cond3A_261 = arith.constant 0 : i32
        %cond3A_262 = arith.cmpi ne, %convert_element_type3A_260, %cond3A_261 : i32
        scf.if %cond3A_262 {
          %ge3A = arith.constant 1 : i32
          %ge3A_263 = arith.cmpi sge, %scan3A_217, %ge3A : i32
          %convert_element_type3A_264 = arith.extui %ge3A_263 : i1 to i32
          %cond3A_265 = arith.constant 0 : i32
          %cond3A_266 = arith.cmpi ne, %convert_element_type3A_264, %cond3A_265 : i32
          scf.if %cond3A_266 {
            %dma_wait3A_279 = arith.constant 0 : i32
            %dma_wait3A_280 = arith.constant 0 : i32
            %dma_wait3A_281 = tpu.memref_slice %arg19[%dma_wait3A_279, %dma_wait3A_280] : memref<10016x128xf32, #tpu.memory_space<vmem_shared>> -> memref<10016x128xf32, #tpu.memory_space<vmem_shared>>
            tpu.wait_indirect_dma semaphore(%arg16 : memref<!tpu.dma_semaphore, #tpu.memory_space<semaphore_mem>>) src(%arg6 : memref<80x128xf32, #tpu.memory_space<vmem>>) dst(%dma_wait3A_281 : memref<10016x128xf32, #tpu.memory_space<vmem_shared>>)
          } else {
          }
          %add3A_267 = arith.constant 2 : i32
          %add3A_268 = arith.addi %scan3A_217, %add3A_267 : i32
          %mul3A_269 = arith.constant 80 : i32
          %mul3A_270 = arith.muli %add3A_268, %mul3A_269 : i32
          %multiple_of3A_271 = tpu.assume_multiple %mul3A_270, 8 : i32
          %add3A_272 = arith.addi %mul3A_0, %multiple_of3A_271 : i32
          %dma_start3A_273 = arith.constant 0 : i32
          %dma_start3A_274 = tpu.memref_slice %arg2[%add3A_115, %add3A_272, %dma_start3A_273] : memref<4x80640x128xf32, #tpu.memory_space<hbm>> -> memref<1x80x128xf32, #tpu.memory_space<hbm>>
          %dma_start3A_275 = tpu.memref_squeeze %dma_start3A_274 : memref<1x80x128xf32, #tpu.memory_space<hbm>> -> memref<80x128xf32, #tpu.memory_space<hbm>>
          %dma_start3A_276 = arith.constant 0 : i32
          %dma_start3A_277 = tpu.memref_slice %arg2[%add3A_115, %add3A_272, %dma_start3A_276] : memref<4x80640x128xf32, #tpu.memory_space<hbm>> -> memref<1x80x128xf32, #tpu.memory_space<hbm>>
          %dma_start3A_278 = tpu.memref_squeeze %dma_start3A_277 : memref<1x80x128xf32, #tpu.memory_space<hbm>> -> memref<80x128xf32, #tpu.memory_space<hbm>>
          tpu.enqueue_dma source(%dma_start3A_278 : memref<80x128xf32, #tpu.memory_space<hbm>>) target(%arg6 : memref<80x128xf32, #tpu.memory_space<vmem>>) target_semaphore(%arg13 : memref<!tpu.dma_semaphore, #tpu.memory_space<semaphore_mem>>)
        } else {
        }
      } else {
      }
      %rem3A_231 = arith.constant 3 : i32
      %rem3A_232 = arith.remsi %scan3A_217, %rem3A_231 : i32
      %eq3A_233 = arith.constant 2 : i32
      %eq3A_234 = arith.cmpi eq, %rem3A_232, %eq3A_233 : i32
      %convert_element_type3A_235 = arith.extui %eq3A_234 : i1 to i32
      %cond3A_236 = arith.constant 0 : i32
      %cond3A_237 = arith.cmpi ne, %convert_element_type3A_235, %cond3A_236 : i32
      scf.if %cond3A_237 {
        %scan3A_238 = arith.constant 0 : i32
        %scan3A_239 = arith.constant 0 : i32
        %scan3A_240 = arith.constant 5 : i32
        %scan3A_241 = arith.addi %scan3A_239, %scan3A_240 : i32
        %scan3A_242 = arith.constant 1 : i32
        scf.for %scan3A_263 = %scan3A_239 to %scan3A_241 step %scan3A_242  : i32 {
          %mul3A_264 = arith.constant 16 : i32
          %mul3A_265 = arith.muli %scan3A_263, %mul3A_264 : i32
          %multiple_of3A_266 = tpu.assume_multiple %mul3A_265, 16 : i32
          %mul3A_267 = arith.constant 80 : i32
          %mul3A_268 = arith.muli %scan3A_217, %mul3A_267 : i32
          %multiple_of3A_269 = tpu.assume_multiple %mul3A_268, 8 : i32
          %add3A_270 = arith.addi %multiple_of3A_269, %multiple_of3A_266 : i32
          %get3A = arith.index_cast %add3A_270 : i32 to index
          %get3A_271 = tpu.vector_load %arg5[%get3A] {strides = array<i32>} : memref<5040xi32, #tpu.memory_space<vmem>>, vector<16xi32>,
          %swap3A = arith.index_cast %multiple_of3A_266 : i32 to index
          %swap3A_272 = tpu.vector_load %arg12[%swap3A] {strides = array<i32>} : memref<80xi32, #tpu.memory_space<vmem>>, vector<16xi32>,
          tpu.vector_store %arg12[%swap3A], %get3A_271 {strides = array<i32>} : memref<80xi32, #tpu.memory_space<vmem>>, vector<16xi32>,
        }
        %scan3A_243 = arith.constant 5 : i32
        %mul3A_244 = arith.constant 80 : i32
        %mul3A_245 = arith.muli %scan3A_217, %mul3A_244 : i32
        %multiple_of3A_246 = tpu.assume_multiple %mul3A_245, 8 : i32
        %add3A_247 = arith.addi %mul3A_0, %multiple_of3A_246 : i32
        %dma_wait3A_248 = arith.constant 0 : i32
        %dma_wait3A_249 = tpu.memref_slice %arg2[%add3A_115, %add3A_247, %dma_wait3A_248] : memref<4x80640x128xf32, #tpu.memory_space<hbm>> -> memref<1x80x128xf32, #tpu.memory_space<hbm>>
        %dma_wait3A_250 = tpu.memref_squeeze %dma_wait3A_249 : memref<1x80x128xf32, #tpu.memory_space<hbm>> -> memref<80x128xf32, #tpu.memory_space<hbm>>
        %dma_wait3A_251 = arith.constant 0 : i32
        %dma_wait3A_252 = tpu.memref_slice %arg2[%add3A_115, %add3A_247, %dma_wait3A_251] : memref<4x80640x128xf32, #tpu.memory_space<hbm>> -> memref<1x80x128xf32, #tpu.memory_space<hbm>>
        %dma_wait3A_253 = tpu.memref_squeeze %dma_wait3A_252 : memref<1x80x128xf32, #tpu.memory_space<hbm>> -> memref<80x128xf32, #tpu.memory_space<hbm>>
        tpu.wait_dma2 semaphore(%arg15 : memref<!tpu.dma_semaphore, #tpu.memory_space<semaphore_mem>>) src(%dma_wait3A_253 : memref<80x128xf32, #tpu.memory_space<hbm>>) dst(%arg8 : memref<80x128xf32, #tpu.memory_space<vmem>>)
        %dma_start3A_254 = arith.constant 0 : i32
        %dma_start3A_255 = arith.constant 0 : i32
        %dma_start3A_256 = tpu.memref_slice %arg19[%dma_start3A_254, %dma_start3A_255] : memref<10016x128xf32, #tpu.memory_space<vmem_shared>> -> memref<10016x128xf32, #tpu.memory_space<vmem_shared>>
        tpu.enqueue_indirect_dma source(%arg8 : memref<80x128xf32, #tpu.memory_space<vmem>>) target(%dma_start3A_256 : memref<10016x128xf32, #tpu.memory_space<vmem_shared>>) offsets(%arg12 : memref<80xi32, #tpu.memory_space<vmem>>) semaphore(%arg18 : memref<!tpu.dma_semaphore, #tpu.memory_space<semaphore_mem>>) {add = true}
        %add3A_257 = arith.constant 2 : i32
        %add3A_258 = arith.addi %scan3A_217, %add3A_257 : i32
        %lt3A = arith.constant 63 : i32
        %lt3A_259 = arith.cmpi slt, %add3A_258, %lt3A : i32
        %convert_element_type3A_260 = arith.extui %lt3A_259 : i1 to i32
        %cond3A_261 = arith.constant 0 : i32
        %cond3A_262 = arith.cmpi ne, %convert_element_type3A_260, %cond3A_261 : i32
        scf.if %cond3A_262 {
          %ge3A = arith.constant 1 : i32
          %ge3A_263 = arith.cmpi sge, %scan3A_217, %ge3A : i32
          %convert_element_type3A_264 = arith.extui %ge3A_263 : i1 to i32
          %cond3A_265 = arith.constant 0 : i32
          %cond3A_266 = arith.cmpi ne, %convert_element_type3A_264, %cond3A_265 : i32
          scf.if %cond3A_266 {
            %dma_wait3A_279 = arith.constant 0 : i32
            %dma_wait3A_280 = arith.constant 0 : i32
            %dma_wait3A_281 = tpu.memref_slice %arg19[%dma_wait3A_279, %dma_wait3A_280] : memref<10016x128xf32, #tpu.memory_space<vmem_shared>> -> memref<10016x128xf32, #tpu.memory_space<vmem_shared>>
            tpu.wait_indirect_dma semaphore(%arg17 : memref<!tpu.dma_semaphore, #tpu.memory_space<semaphore_mem>>) src(%arg7 : memref<80x128xf32, #tpu.memory_space<vmem>>) dst(%dma_wait3A_281 : memref<10016x128xf32, #tpu.memory_space<vmem_shared>>)
          } else {
          }
          %add3A_267 = arith.constant 2 : i32
          %add3A_268 = arith.addi %scan3A_217, %add3A_267 : i32
          %mul3A_269 = arith.constant 80 : i32
          %mul3A_270 = arith.muli %add3A_268, %mul3A_269 : i32
          %multiple_of3A_271 = tpu.assume_multiple %mul3A_270, 8 : i32
          %add3A_272 = arith.addi %mul3A_0, %multiple_of3A_271 : i32
          %dma_start3A_273 = arith.constant 0 : i32
          %dma_start3A_274 = tpu.memref_slice %arg2[%add3A_115, %add3A_272, %dma_start3A_273] : memref<4x80640x128xf32, #tpu.memory_space<hbm>> -> memref<1x80x128xf32, #tpu.memory_space<hbm>>
          %dma_start3A_275 = tpu.memref_squeeze %dma_start3A_274 : memref<1x80x128xf32, #tpu.memory_space<hbm>> -> memref<80x128xf32, #tpu.memory_space<hbm>>
          %dma_start3A_276 = arith.constant 0 : i32
          %dma_start3A_277 = tpu.memref_slice %arg2[%add3A_115, %add3A_272, %dma_start3A_276] : memref<4x80640x128xf32, #tpu.memory_space<hbm>> -> memref<1x80x128xf32, #tpu.memory_space<hbm>>
          %dma_start3A_278 = tpu.memref_squeeze %dma_start3A_277 : memref<1x80x128xf32, #tpu.memory_space<hbm>> -> memref<80x128xf32, #tpu.memory_space<hbm>>
          tpu.enqueue_dma source(%dma_start3A_278 : memref<80x128xf32, #tpu.memory_space<hbm>>) target(%arg7 : memref<80x128xf32, #tpu.memory_space<vmem>>) target_semaphore(%arg14 : memref<!tpu.dma_semaphore, #tpu.memory_space<semaphore_mem>>)
        } else {
        }
      } else {
      }
    }
    %scan3A_196 = arith.constant 63 : i32
    %dma_wait3A_197 = arith.constant 0 : i32
    %dma_wait3A_198 = arith.constant 0 : i32
    %dma_wait3A_199 = tpu.memref_slice %arg19[%dma_wait3A_197, %dma_wait3A_198] : memref<10016x128xf32, #tpu.memory_space<vmem_shared>> -> memref<10016x128xf32, #tpu.memory_space<vmem_shared>>
    tpu.wait_indirect_dma semaphore(%arg16 : memref<!tpu.dma_semaphore, #tpu.memory_space<semaphore_mem>>) src(%arg6 : memref<80x128xf32, #tpu.memory_space<vmem>>) dst(%dma_wait3A_199 : memref<10016x128xf32, #tpu.memory_space<vmem_shared>>)
    %dma_wait3A_200 = arith.constant 0 : i32
    %dma_wait3A_201 = arith.constant 0 : i32
    %dma_wait3A_202 = tpu.memref_slice %arg19[%dma_wait3A_200, %dma_wait3A_201] : memref<10016x128xf32, #tpu.memory_space<vmem_shared>> -> memref<10016x128xf32, #tpu.memory_space<vmem_shared>>
    tpu.wait_indirect_dma semaphore(%arg17 : memref<!tpu.dma_semaphore, #tpu.memory_space<semaphore_mem>>) src(%arg7 : memref<80x128xf32, #tpu.memory_space<vmem>>) dst(%dma_wait3A_202 : memref<10016x128xf32, #tpu.memory_space<vmem_shared>>)
    %dma_wait3A_203 = arith.constant 0 : i32
    %dma_wait3A_204 = arith.constant 0 : i32
    %dma_wait3A_205 = tpu.memref_slice %arg19[%dma_wait3A_203, %dma_wait3A_204] : memref<10016x128xf32, #tpu.memory_space<vmem_shared>> -> memref<10016x128xf32, #tpu.memory_space<vmem_shared>>
    tpu.wait_indirect_dma semaphore(%arg18 : memref<!tpu.dma_semaphore, #tpu.memory_space<semaphore_mem>>) src(%arg8 : memref<80x128xf32, #tpu.memory_space<vmem>>) dst(%dma_wait3A_205 : memref<10016x128xf32, #tpu.memory_space<vmem_shared>>)
    %barrier3A_206 = arith.constant 0 : index
    tpu.barrier barrier_id(%barrier3A_206)
    %mul3A_207 = arith.constant 624 : i32
    %mul3A_208 = arith.muli %arg1, %mul3A_207 : i32
    %mul3A_209 = arith.constant 624 : i32
    %mul3A_210 = arith.muli %arg1, %mul3A_209 : i32
    "tpu.region"() ({
      %run_scoped3A = tpu.sem_alloc : memref<!tpu.dma_semaphore, #tpu.memory_space<semaphore_mem>>
      %dma_start3A_217 = tpu.memref_slice %arg4[%mul3A_210, %add3A_111] : memref<10000x512xf32, #tpu.memory_space<hbm>> -> memref<624x128xf32, #tpu.memory_space<hbm>>
      %dma_start3A_218 = arith.constant 0 : i32
      %dma_start3A_219 = tpu.memref_slice %arg19[%mul3A_208, %dma_start3A_218] : memref<10016x128xf32, #tpu.memory_space<vmem_shared>> -> memref<624x128xf32, #tpu.memory_space<vmem_shared>>
      tpu.enqueue_dma source(%dma_start3A_219 : memref<624x128xf32, #tpu.memory_space<vmem_shared>>) target(%dma_start3A_217 : memref<624x128xf32, #tpu.memory_space<hbm>>) target_semaphore(%run_scoped3A : memref<!tpu.dma_semaphore, #tpu.memory_space<semaphore_mem>>)
      %dma_wait3A_220 = tpu.memref_slice %arg4[%mul3A_210, %add3A_111] : memref<10000x512xf32, #tpu.memory_space<hbm>> -> memref<624x128xf32, #tpu.memory_space<hbm>>
      %dma_wait3A_221 = arith.constant 0 : i32
      %dma_wait3A_222 = tpu.memref_slice %arg19[%mul3A_208, %dma_wait3A_221] : memref<10016x128xf32, #tpu.memory_space<vmem_shared>> -> memref<624x128xf32, #tpu.memory_space<vmem_shared>>
      tpu.wait_dma2 semaphore(%run_scoped3A : memref<!tpu.dma_semaphore, #tpu.memory_space<semaphore_mem>>) src(%dma_wait3A_222 : memref<624x128xf32, #tpu.memory_space<vmem_shared>>) dst(%dma_wait3A_220 : memref<624x128xf32, #tpu.memory_space<hbm>>)
      tpu.yield
    }) : () -> ()
    %eq3A_211 = arith.constant 0 : i32
    %eq3A_212 = arith.cmpi eq, %arg1, %eq3A_211 : i32
    %convert_element_type3A_213 = arith.extui %eq3A_212 : i1 to i32
    %cond3A_214 = arith.constant 0 : i32
    %cond3A_215 = arith.cmpi ne, %convert_element_type3A_213, %cond3A_214 : i32
    scf.if %cond3A_215 {
      "tpu.region"() ({
        %run_scoped3A = tpu.sem_alloc : memref<!tpu.dma_semaphore, #tpu.memory_space<semaphore_mem>>
        %dma_start3A_217 = arith.constant 9984 : i32
        %dma_start3A_218 = tpu.memref_slice %arg4[%dma_start3A_217, %add3A_111] : memref<10000x512xf32, #tpu.memory_space<hbm>> -> memref<16x128xf32, #tpu.memory_space<hbm>>
        %dma_start3A_219 = arith.constant 9984 : i32
        %dma_start3A_220 = arith.constant 0 : i32
        %dma_start3A_221 = tpu.memref_slice %arg19[%dma_start3A_219, %dma_start3A_220] : memref<10016x128xf32, #tpu.memory_space<vmem_shared>> -> memref<16x128xf32, #tpu.memory_space<vmem_shared>>
        tpu.enqueue_dma source(%dma_start3A_221 : memref<16x128xf32, #tpu.memory_space<vmem_shared>>) target(%dma_start3A_218 : memref<16x128xf32, #tpu.memory_space<hbm>>) target_semaphore(%run_scoped3A : memref<!tpu.dma_semaphore, #tpu.memory_space<semaphore_mem>>)
        %dma_wait3A_222 = arith.constant 9984 : i32
        %dma_wait3A_223 = tpu.memref_slice %arg4[%dma_wait3A_222, %add3A_111] : memref<10000x512xf32, #tpu.memory_space<hbm>> -> memref<16x128xf32, #tpu.memory_space<hbm>>
        %dma_wait3A_224 = arith.constant 9984 : i32
        %dma_wait3A_225 = arith.constant 0 : i32
        %dma_wait3A_226 = tpu.memref_slice %arg19[%dma_wait3A_224, %dma_wait3A_225] : memref<10016x128xf32, #tpu.memory_space<vmem_shared>> -> memref<16x128xf32, #tpu.memory_space<vmem_shared>>
        tpu.wait_dma2 semaphore(%run_scoped3A : memref<!tpu.dma_semaphore, #tpu.memory_space<semaphore_mem>>) src(%dma_wait3A_226 : memref<16x128xf32, #tpu.memory_space<vmem_shared>>) dst(%dma_wait3A_223 : memref<16x128xf32, #tpu.memory_space<hbm>>)
        tpu.yield
      }) : () -> ()
    } else {
    }
    %barrier3A_216 = arith.constant 0 : index
    tpu.barrier barrier_id(%barrier3A_216)
    return
  }
}

module attributes {stable_mosaic.version = 14 : i64} {
  func.func @_er_body(%arg0: memref<10000x128xf32, #tpu.memory_space<vmem>>, %arg1: memref<8x128xf32, #tpu.memory_space<vmem>>, %arg2: memref<128x512xf32, #tpu.memory_space<vmem>>, %arg3: memref<1x512xf32, #tpu.memory_space<vmem>>, %arg4: memref<8x10000xf32, #tpu.memory_space<vmem>>, %arg5: memref<1x8xf32, #tpu.memory_space<vmem>>, %arg6: memref<128x8xf32, #tpu.memory_space<vmem>>) attributes {dimension_semantics = [], scalar_prefetch = 0 : i64, scratch_operands = 0 : i64, tpu.core_type = #tpu.core_type<tc>} {
    %get3A = arith.constant 0 : index
    %get3A_0 = arith.constant 0 : index
    %get3A_1 = vector.load %arg0[%get3A, %get3A_0] : memref<10000x128xf32, #tpu.memory_space<vmem>>, vector<10000x128xf32>
    %get3A_2 = arith.constant 0 : index
    %get3A_3 = arith.constant 0 : index
    %get3A_4 = vector.load %arg1[%get3A_2, %get3A_3] : memref<8x128xf32, #tpu.memory_space<vmem>>, vector<8x128xf32>
    %transpose3A = tpu.transpose %get3A_4, [1, 0] : vector<8x128xf32> -> vector<128x8xf32>
    %dot_general3A = arith.constant dense<0.000000e+00> : vector<10000x8xf32>
    %dot_general3A_5 = tpu.matmul %get3A_1, %transpose3A, %dot_general3A {dimension_numbers = #tpu.dot_dimension_numbers<[1], [0], [0], [1], [0, 0, 1, 1], [], []>, transpose_lhs_hint = false} : vector<10000x128xf32>, vector<128x8xf32>, vector<10000x8xf32> -> vector<10000x8xf32>
    %transpose3A_6 = tpu.transpose %dot_general3A_5, [1, 0] : vector<10000x8xf32> -> vector<8x10000xf32>
    %swap3A = arith.constant 0 : index
    %swap3A_7 = arith.constant 0 : index
    %swap3A_8 = vector.load %arg4[%swap3A, %swap3A_7] : memref<8x10000xf32, #tpu.memory_space<vmem>>, vector<8x10000xf32>
    tpu.vector_store %arg4[%swap3A, %swap3A_7], %transpose3A_6 {strides = array<i32>} : memref<8x10000xf32, #tpu.memory_space<vmem>>, vector<8x10000xf32>,
    %reduce_max3A = arith.constant dense<0xFF800000> : vector<8xf32>
    %reduce_max3A_9 = vector.multi_reduction <maximumf>, %dot_general3A_5, %reduce_max3A [0] : vector<10000x8xf32> to vector<8xf32>
    %broadcast_in_dim3A = vector.shape_cast %reduce_max3A_9 : vector<8xf32> to vector<1x8xf32>
    %swap3A_10 = arith.constant 0 : index
    %swap3A_11 = arith.constant 0 : index
    %swap3A_12 = vector.load %arg5[%swap3A_10, %swap3A_11] : memref<1x8xf32, #tpu.memory_space<vmem>>, vector<1x8xf32>
    tpu.vector_store %arg5[%swap3A_10, %swap3A_11], %broadcast_in_dim3A {strides = array<i32>} : memref<1x8xf32, #tpu.memory_space<vmem>>, vector<1x8xf32>,
    %get3A_13 = arith.constant 0 : index
    %get3A_14 = arith.constant 0 : index
    %get3A_15 = vector.load %arg2[%get3A_13, %get3A_14] : memref<128x512xf32, #tpu.memory_space<vmem>>, vector<128x512xf32>
    %get3A_16 = arith.constant 0 : index
    %get3A_17 = arith.constant 0 : index
    %get3A_18 = vector.load %arg3[%get3A_16, %get3A_17] : memref<1x512xf32, #tpu.memory_space<vmem>>, vector<1x512xf32>
    %mul3A = vector.broadcast %get3A_18 : vector<1x512xf32> to vector<128x512xf32>
    %mul3A_19 = arith.mulf %get3A_15, %mul3A : vector<128x512xf32>
    %slice3A = vector.extract_strided_slice %mul3A_19 {offsets = [0, 0], sizes = [128, 64], strides = [1, 1]} : vector<128x512xf32> to vector<128x64xf32>
    %reduce_sum3A = arith.constant dense<0.000000e+00> : vector<128xf32>
    %reduce_sum3A_20 = vector.multi_reduction <add>, %slice3A, %reduce_sum3A [1] : vector<128x64xf32> to vector<128xf32>
    %broadcast_in_dim3A_21 = vector.shape_cast %reduce_sum3A_20 : vector<128xf32> to vector<128x1xf32>
    %slice3A_22 = vector.extract_strided_slice %mul3A_19 {offsets = [0, 64], sizes = [128, 64], strides = [1, 1]} : vector<128x512xf32> to vector<128x64xf32>
    %reduce_sum3A_23 = arith.constant dense<0.000000e+00> : vector<128xf32>
    %reduce_sum3A_24 = vector.multi_reduction <add>, %slice3A_22, %reduce_sum3A_23 [1] : vector<128x64xf32> to vector<128xf32>
    %broadcast_in_dim3A_25 = vector.shape_cast %reduce_sum3A_24 : vector<128xf32> to vector<128x1xf32>
    %slice3A_26 = vector.extract_strided_slice %mul3A_19 {offsets = [0, 128], sizes = [128, 64], strides = [1, 1]} : vector<128x512xf32> to vector<128x64xf32>
    %reduce_sum3A_27 = arith.constant dense<0.000000e+00> : vector<128xf32>
    %reduce_sum3A_28 = vector.multi_reduction <add>, %slice3A_26, %reduce_sum3A_27 [1] : vector<128x64xf32> to vector<128xf32>
    %broadcast_in_dim3A_29 = vector.shape_cast %reduce_sum3A_28 : vector<128xf32> to vector<128x1xf32>
    %slice3A_30 = vector.extract_strided_slice %mul3A_19 {offsets = [0, 192], sizes = [128, 64], strides = [1, 1]} : vector<128x512xf32> to vector<128x64xf32>
    %reduce_sum3A_31 = arith.constant dense<0.000000e+00> : vector<128xf32>
    %reduce_sum3A_32 = vector.multi_reduction <add>, %slice3A_30, %reduce_sum3A_31 [1] : vector<128x64xf32> to vector<128xf32>
    %broadcast_in_dim3A_33 = vector.shape_cast %reduce_sum3A_32 : vector<128xf32> to vector<128x1xf32>
    %slice3A_34 = vector.extract_strided_slice %mul3A_19 {offsets = [0, 256], sizes = [128, 64], strides = [1, 1]} : vector<128x512xf32> to vector<128x64xf32>
    %reduce_sum3A_35 = arith.constant dense<0.000000e+00> : vector<128xf32>
    %reduce_sum3A_36 = vector.multi_reduction <add>, %slice3A_34, %reduce_sum3A_35 [1] : vector<128x64xf32> to vector<128xf32>
    %broadcast_in_dim3A_37 = vector.shape_cast %reduce_sum3A_36 : vector<128xf32> to vector<128x1xf32>
    %slice3A_38 = vector.extract_strided_slice %mul3A_19 {offsets = [0, 320], sizes = [128, 64], strides = [1, 1]} : vector<128x512xf32> to vector<128x64xf32>
    %reduce_sum3A_39 = arith.constant dense<0.000000e+00> : vector<128xf32>
    %reduce_sum3A_40 = vector.multi_reduction <add>, %slice3A_38, %reduce_sum3A_39 [1] : vector<128x64xf32> to vector<128xf32>
    %broadcast_in_dim3A_41 = vector.shape_cast %reduce_sum3A_40 : vector<128xf32> to vector<128x1xf32>
    %slice3A_42 = vector.extract_strided_slice %mul3A_19 {offsets = [0, 384], sizes = [128, 64], strides = [1, 1]} : vector<128x512xf32> to vector<128x64xf32>
    %reduce_sum3A_43 = arith.constant dense<0.000000e+00> : vector<128xf32>
    %reduce_sum3A_44 = vector.multi_reduction <add>, %slice3A_42, %reduce_sum3A_43 [1] : vector<128x64xf32> to vector<128xf32>
    %broadcast_in_dim3A_45 = vector.shape_cast %reduce_sum3A_44 : vector<128xf32> to vector<128x1xf32>
    %slice3A_46 = vector.extract_strided_slice %mul3A_19 {offsets = [0, 448], sizes = [128, 64], strides = [1, 1]} : vector<128x512xf32> to vector<128x64xf32>
    %reduce_sum3A_47 = arith.constant dense<0.000000e+00> : vector<128xf32>
    %reduce_sum3A_48 = vector.multi_reduction <add>, %slice3A_46, %reduce_sum3A_47 [1] : vector<128x64xf32> to vector<128xf32>
    %broadcast_in_dim3A_49 = vector.shape_cast %reduce_sum3A_48 : vector<128xf32> to vector<128x1xf32>
    %concatenate3A = tpu.concatenate %broadcast_in_dim3A_21, %broadcast_in_dim3A_25, %broadcast_in_dim3A_29, %broadcast_in_dim3A_33, %broadcast_in_dim3A_37, %broadcast_in_dim3A_41, %broadcast_in_dim3A_45, %broadcast_in_dim3A_49 in 1 : vector<128x1xf32>, vector<128x1xf32>, vector<128x1xf32>, vector<128x1xf32>, vector<128x1xf32>, vector<128x1xf32>, vector<128x1xf32>, vector<128x1xf32> -> vector<128x8xf32>
    %swap3A_50 = arith.constant 0 : index
    %swap3A_51 = arith.constant 0 : index
    %swap3A_52 = vector.load %arg6[%swap3A_50, %swap3A_51] : memref<128x8xf32, #tpu.memory_space<vmem>>, vector<128x8xf32>
    tpu.vector_store %arg6[%swap3A_50, %swap3A_51], %concatenate3A {strides = array<i32>} : memref<128x8xf32, #tpu.memory_space<vmem>>, vector<128x8xf32>,
    return
  }
}

module attributes {stable_mosaic.version = 14 : i64} {
  func.func @_enc_body(%arg0: i32, %arg1: memref<1280x128xf32, #tpu.memory_space<vmem>>, %arg2: memref<128x8xf32, #tpu.memory_space<vmem>>, %arg3: memref<8x1280xf32, #tpu.memory_space<vmem>>, %arg4: memref<1x8xf32, #tpu.memory_space<vmem>>) attributes {dimension_semantics = [#tpu.dimension_semantics<arbitrary>], iteration_bounds = array<i64: 125>, scalar_prefetch = 0 : i64, scratch_operands = 0 : i64, tpu.core_type = #tpu.core_type<tc>, window_params = [{transform_indices = @transform_0, window_bounds = array<i64: 1280, 128>}, {pipeline_mode = #tpu.pipeline_mode<synchronous>, transform_indices = @transform_1, window_bounds = array<i64: 128, 8>}, {transform_indices = @transform_2, window_bounds = array<i64: 8, 1280>}, {pipeline_mode = #tpu.pipeline_mode<synchronous>, transform_indices = @transform_3, window_bounds = array<i64: 1, 8>}]} {
    %get3A = arith.constant 0 : index
    %get3A_0 = arith.constant 0 : index
    %get3A_1 = vector.load %arg1[%get3A, %get3A_0] : memref<1280x128xf32, #tpu.memory_space<vmem>>, vector<1280x128xf32>
    %get3A_2 = arith.constant 0 : index
    %get3A_3 = arith.constant 0 : index
    %get3A_4 = vector.load %arg2[%get3A_2, %get3A_3] : memref<128x8xf32, #tpu.memory_space<vmem>>, vector<128x8xf32>
    %dot_general3A = arith.constant dense<0.000000e+00> : vector<1280x8xf32>
    %dot_general3A_5 = tpu.matmul %get3A_1, %get3A_4, %dot_general3A {dimension_numbers = #tpu.dot_dimension_numbers<[1], [0], [0], [1], [0, 0, 1, 1], [], []>, transpose_lhs_hint = false} : vector<1280x128xf32>, vector<128x8xf32>, vector<1280x8xf32> -> vector<1280x8xf32>
    %transpose3A = tpu.transpose %dot_general3A_5, [1, 0] : vector<1280x8xf32> -> vector<8x1280xf32>
    %swap3A = arith.constant 0 : index
    %swap3A_6 = arith.constant 0 : index
    %swap3A_7 = vector.load %arg3[%swap3A, %swap3A_6] : memref<8x1280xf32, #tpu.memory_space<vmem>>, vector<8x1280xf32>
    tpu.vector_store %arg3[%swap3A, %swap3A_6], %transpose3A {strides = array<i32>} : memref<8x1280xf32, #tpu.memory_space<vmem>>, vector<8x1280xf32>,
    %reduce_max3A = arith.constant dense<0xFF800000> : vector<8xf32>
    %reduce_max3A_8 = vector.multi_reduction <maximumf>, %dot_general3A_5, %reduce_max3A [0] : vector<1280x8xf32> to vector<8xf32>
    %broadcast_in_dim3A = vector.shape_cast %reduce_max3A_8 : vector<8xf32> to vector<1x8xf32>
    %eq3A = arith.constant 0 : i32
    %eq3A_9 = arith.cmpi eq, %arg0, %eq3A : i32
    %get3A_10 = arith.constant 0 : index
    %get3A_11 = arith.constant 0 : index
    %get3A_12 = vector.load %arg4[%get3A_10, %get3A_11] : memref<1x8xf32, #tpu.memory_space<vmem>>, vector<1x8xf32>
    %max3A = arith.maximumf %get3A_12, %broadcast_in_dim3A : vector<1x8xf32>
    %select_n3A = arith.select %eq3A_9, %broadcast_in_dim3A, %max3A : vector<1x8xf32>
    %swap3A_13 = arith.constant 0 : index
    %swap3A_14 = arith.constant 0 : index
    %swap3A_15 = vector.load %arg4[%swap3A_13, %swap3A_14] : memref<1x8xf32, #tpu.memory_space<vmem>>, vector<1x8xf32>
    tpu.vector_store %arg4[%swap3A_13, %swap3A_14], %select_n3A {strides = array<i32>} : memref<1x8xf32, #tpu.memory_space<vmem>>, vector<1x8xf32>,
    return
  }
  func.func @transform_0(%arg0: i32) -> (i32, i32) {
    %c0_i32 = arith.constant 0 : i32
    %c0_i32_0 = arith.constant 0 : i32
    return %arg0, %c0_i32 : i32, i32
  }
  func.func @transform_1(%arg0: i32) -> (i32, i32) {
    %c0_i32 = arith.constant 0 : i32
    %c0_i32_0 = arith.constant 0 : i32
    %c0_i32_1 = arith.constant 0 : i32
    return %c0_i32, %c0_i32_0 : i32, i32
  }
  func.func @transform_2(%arg0: i32) -> (i32, i32) {
    %c0_i32 = arith.constant 0 : i32
    %c0_i32_0 = arith.constant 0 : i32
    return %c0_i32, %arg0 : i32, i32
  }
  func.func @transform_3(%arg0: i32) -> (i32, i32) {
    %c0_i32 = arith.constant 0 : i32
    %c0_i32_0 = arith.constant 0 : i32
    %c0_i32_1 = arith.constant 0 : i32
    return %c0_i32, %c0_i32_0 : i32, i32
  }
}

module attributes {stable_mosaic.version = 14 : i64} {
  func.func @_msg_body(%arg0: i32, %arg1: memref<1280x128xf32, #tpu.memory_space<vmem>>, %arg2: memref<8x1280xf32, #tpu.memory_space<vmem>>, %arg3: memref<128x512xf32, #tpu.memory_space<vmem>>, %arg4: memref<4x1280x128xf32, #tpu.memory_space<vmem>>) attributes {dimension_semantics = [#tpu.dimension_semantics<arbitrary>], iteration_bounds = array<i64: 63>, scalar_prefetch = 0 : i64, scratch_operands = 0 : i64, tpu.core_type = #tpu.core_type<tc>, window_params = [{transform_indices = @transform_0, window_bounds = array<i64: 1280, 128>}, {transform_indices = @transform_1, window_bounds = array<i64: 8, 1280>}, {pipeline_mode = #tpu.pipeline_mode<synchronous>, transform_indices = @transform_2, window_bounds = array<i64: 128, 512>}, {transform_indices = @transform_3, window_bounds = array<i64: 4, 1280, 128>}]} {
    %get3A = arith.constant 0 : index
    %get3A_0 = arith.constant 0 : index
    %get3A_1 = vector.load %arg1[%get3A, %get3A_0] : memref<1280x128xf32, #tpu.memory_space<vmem>>, vector<1280x128xf32>
    %get3A_2 = arith.constant 0 : index
    %get3A_3 = arith.constant 0 : index
    %get3A_4 = vector.load %arg3[%get3A_2, %get3A_3] : memref<128x512xf32, #tpu.memory_space<vmem>>, vector<128x512xf32>
    %dot_general3A = arith.constant dense<0.000000e+00> : vector<1280x512xf32>
    %dot_general3A_5 = tpu.matmul %get3A_1, %get3A_4, %dot_general3A {dimension_numbers = #tpu.dot_dimension_numbers<[1], [0], [0], [1], [0, 0, 1, 1], [], []>, transpose_lhs_hint = false} : vector<1280x128xf32>, vector<128x512xf32>, vector<1280x512xf32> -> vector<1280x512xf32>
    %get3A_6 = arith.constant 0 : index
    %get3A_7 = arith.constant 0 : index
    %get3A_8 = vector.load %arg2[%get3A_6, %get3A_7] : memref<8x1280xf32, #tpu.memory_space<vmem>>, vector<8x1280xf32>
    %transpose3A = tpu.transpose %get3A_8, [1, 0] : vector<8x1280xf32> -> vector<1280x8xf32>
    %slice3A = vector.extract_strided_slice %dot_general3A_5 {offsets = [0, 0], sizes = [1280, 64], strides = [1, 1]} : vector<1280x512xf32> to vector<1280x64xf32>
    %slice3A_9 = vector.extract_strided_slice %transpose3A {offsets = [0, 0], sizes = [1280, 1], strides = [1, 1]} : vector<1280x8xf32> to vector<1280x1xf32>
    %mul3A = vector.broadcast %slice3A_9 : vector<1280x1xf32> to vector<1280x64xf32>
    %mul3A_10 = arith.mulf %slice3A, %mul3A : vector<1280x64xf32>
    %swap3A = arith.constant 0 : index
    %swap3A_11 = arith.constant 0 : index
    %swap3A_12 = arith.constant 0 : index
    %swap3A_13 = vector.load %arg4[%swap3A, %swap3A_11, %swap3A_12] : memref<4x1280x128xf32, #tpu.memory_space<vmem>>, vector<1x1280x64xf32>
    %swap3A_14 = vector.shape_cast %swap3A_13 : vector<1x1280x64xf32> to vector<1280x64xf32>
    %swap3A_15 = vector.shape_cast %mul3A_10 : vector<1280x64xf32> to vector<1x1280x64xf32>
    tpu.vector_store %arg4[%swap3A, %swap3A_11, %swap3A_12], %swap3A_15 {strides = array<i32>} : memref<4x1280x128xf32, #tpu.memory_space<vmem>>, vector<1x1280x64xf32>,
    %slice3A_16 = vector.extract_strided_slice %dot_general3A_5 {offsets = [0, 64], sizes = [1280, 64], strides = [1, 1]} : vector<1280x512xf32> to vector<1280x64xf32>
    %slice3A_17 = vector.extract_strided_slice %transpose3A {offsets = [0, 1], sizes = [1280, 1], strides = [1, 1]} : vector<1280x8xf32> to vector<1280x1xf32>
    %mul3A_18 = vector.broadcast %slice3A_17 : vector<1280x1xf32> to vector<1280x64xf32>
    %mul3A_19 = arith.mulf %slice3A_16, %mul3A_18 : vector<1280x64xf32>
    %swap3A_20 = arith.constant 0 : index
    %swap3A_21 = arith.constant 0 : index
    %swap3A_22 = arith.constant 64 : index
    %swap3A_23 = vector.load %arg4[%swap3A_20, %swap3A_21, %swap3A_22] : memref<4x1280x128xf32, #tpu.memory_space<vmem>>, vector<1x1280x64xf32>
    %swap3A_24 = vector.shape_cast %swap3A_23 : vector<1x1280x64xf32> to vector<1280x64xf32>
    %swap3A_25 = vector.shape_cast %mul3A_19 : vector<1280x64xf32> to vector<1x1280x64xf32>
    tpu.vector_store %arg4[%swap3A_20, %swap3A_21, %swap3A_22], %swap3A_25 {strides = array<i32>} : memref<4x1280x128xf32, #tpu.memory_space<vmem>>, vector<1x1280x64xf32>,
    %slice3A_26 = vector.extract_strided_slice %dot_general3A_5 {offsets = [0, 128], sizes = [1280, 64], strides = [1, 1]} : vector<1280x512xf32> to vector<1280x64xf32>
    %slice3A_27 = vector.extract_strided_slice %transpose3A {offsets = [0, 2], sizes = [1280, 1], strides = [1, 1]} : vector<1280x8xf32> to vector<1280x1xf32>
    %mul3A_28 = vector.broadcast %slice3A_27 : vector<1280x1xf32> to vector<1280x64xf32>
    %mul3A_29 = arith.mulf %slice3A_26, %mul3A_28 : vector<1280x64xf32>
    %swap3A_30 = arith.constant 1 : index
    %swap3A_31 = arith.constant 0 : index
    %swap3A_32 = arith.constant 0 : index
    %swap3A_33 = vector.load %arg4[%swap3A_30, %swap3A_31, %swap3A_32] : memref<4x1280x128xf32, #tpu.memory_space<vmem>>, vector<1x1280x64xf32>
    %swap3A_34 = vector.shape_cast %swap3A_33 : vector<1x1280x64xf32> to vector<1280x64xf32>
    %swap3A_35 = vector.shape_cast %mul3A_29 : vector<1280x64xf32> to vector<1x1280x64xf32>
    tpu.vector_store %arg4[%swap3A_30, %swap3A_31, %swap3A_32], %swap3A_35 {strides = array<i32>} : memref<4x1280x128xf32, #tpu.memory_space<vmem>>, vector<1x1280x64xf32>,
    %slice3A_36 = vector.extract_strided_slice %dot_general3A_5 {offsets = [0, 192], sizes = [1280, 64], strides = [1, 1]} : vector<1280x512xf32> to vector<1280x64xf32>
    %slice3A_37 = vector.extract_strided_slice %transpose3A {offsets = [0, 3], sizes = [1280, 1], strides = [1, 1]} : vector<1280x8xf32> to vector<1280x1xf32>
    %mul3A_38 = vector.broadcast %slice3A_37 : vector<1280x1xf32> to vector<1280x64xf32>
    %mul3A_39 = arith.mulf %slice3A_36, %mul3A_38 : vector<1280x64xf32>
    %swap3A_40 = arith.constant 1 : index
    %swap3A_41 = arith.constant 0 : index
    %swap3A_42 = arith.constant 64 : index
    %swap3A_43 = vector.load %arg4[%swap3A_40, %swap3A_41, %swap3A_42] : memref<4x1280x128xf32, #tpu.memory_space<vmem>>, vector<1x1280x64xf32>
    %swap3A_44 = vector.shape_cast %swap3A_43 : vector<1x1280x64xf32> to vector<1280x64xf32>
    %swap3A_45 = vector.shape_cast %mul3A_39 : vector<1280x64xf32> to vector<1x1280x64xf32>
    tpu.vector_store %arg4[%swap3A_40, %swap3A_41, %swap3A_42], %swap3A_45 {strides = array<i32>} : memref<4x1280x128xf32, #tpu.memory_space<vmem>>, vector<1x1280x64xf32>,
    %slice3A_46 = vector.extract_strided_slice %dot_general3A_5 {offsets = [0, 256], sizes = [1280, 64], strides = [1, 1]} : vector<1280x512xf32> to vector<1280x64xf32>
    %slice3A_47 = vector.extract_strided_slice %transpose3A {offsets = [0, 4], sizes = [1280, 1], strides = [1, 1]} : vector<1280x8xf32> to vector<1280x1xf32>
    %mul3A_48 = vector.broadcast %slice3A_47 : vector<1280x1xf32> to vector<1280x64xf32>
    %mul3A_49 = arith.mulf %slice3A_46, %mul3A_48 : vector<1280x64xf32>
    %swap3A_50 = arith.constant 2 : index
    %swap3A_51 = arith.constant 0 : index
    %swap3A_52 = arith.constant 0 : index
    %swap3A_53 = vector.load %arg4[%swap3A_50, %swap3A_51, %swap3A_52] : memref<4x1280x128xf32, #tpu.memory_space<vmem>>, vector<1x1280x64xf32>
    %swap3A_54 = vector.shape_cast %swap3A_53 : vector<1x1280x64xf32> to vector<1280x64xf32>
    %swap3A_55 = vector.shape_cast %mul3A_49 : vector<1280x64xf32> to vector<1x1280x64xf32>
    tpu.vector_store %arg4[%swap3A_50, %swap3A_51, %swap3A_52], %swap3A_55 {strides = array<i32>} : memref<4x1280x128xf32, #tpu.memory_space<vmem>>, vector<1x1280x64xf32>,
    %slice3A_56 = vector.extract_strided_slice %dot_general3A_5 {offsets = [0, 320], sizes = [1280, 64], strides = [1, 1]} : vector<1280x512xf32> to vector<1280x64xf32>
    %slice3A_57 = vector.extract_strided_slice %transpose3A {offsets = [0, 5], sizes = [1280, 1], strides = [1, 1]} : vector<1280x8xf32> to vector<1280x1xf32>
    %mul3A_58 = vector.broadcast %slice3A_57 : vector<1280x1xf32> to vector<1280x64xf32>
    %mul3A_59 = arith.mulf %slice3A_56, %mul3A_58 : vector<1280x64xf32>
    %swap3A_60 = arith.constant 2 : index
    %swap3A_61 = arith.constant 0 : index
    %swap3A_62 = arith.constant 64 : index
    %swap3A_63 = vector.load %arg4[%swap3A_60, %swap3A_61, %swap3A_62] : memref<4x1280x128xf32, #tpu.memory_space<vmem>>, vector<1x1280x64xf32>
    %swap3A_64 = vector.shape_cast %swap3A_63 : vector<1x1280x64xf32> to vector<1280x64xf32>
    %swap3A_65 = vector.shape_cast %mul3A_59 : vector<1280x64xf32> to vector<1x1280x64xf32>
    tpu.vector_store %arg4[%swap3A_60, %swap3A_61, %swap3A_62], %swap3A_65 {strides = array<i32>} : memref<4x1280x128xf32, #tpu.memory_space<vmem>>, vector<1x1280x64xf32>,
    %slice3A_66 = vector.extract_strided_slice %dot_general3A_5 {offsets = [0, 384], sizes = [1280, 64], strides = [1, 1]} : vector<1280x512xf32> to vector<1280x64xf32>
    %slice3A_67 = vector.extract_strided_slice %transpose3A {offsets = [0, 6], sizes = [1280, 1], strides = [1, 1]} : vector<1280x8xf32> to vector<1280x1xf32>
    %mul3A_68 = vector.broadcast %slice3A_67 : vector<1280x1xf32> to vector<1280x64xf32>
    %mul3A_69 = arith.mulf %slice3A_66, %mul3A_68 : vector<1280x64xf32>
    %swap3A_70 = arith.constant 3 : index
    %swap3A_71 = arith.constant 0 : index
    %swap3A_72 = arith.constant 0 : index
    %swap3A_73 = vector.load %arg4[%swap3A_70, %swap3A_71, %swap3A_72] : memref<4x1280x128xf32, #tpu.memory_space<vmem>>, vector<1x1280x64xf32>
    %swap3A_74 = vector.shape_cast %swap3A_73 : vector<1x1280x64xf32> to vector<1280x64xf32>
    %swap3A_75 = vector.shape_cast %mul3A_69 : vector<1280x64xf32> to vector<1x1280x64xf32>
    tpu.vector_store %arg4[%swap3A_70, %swap3A_71, %swap3A_72], %swap3A_75 {strides = array<i32>} : memref<4x1280x128xf32, #tpu.memory_space<vmem>>, vector<1x1280x64xf32>,
    %slice3A_76 = vector.extract_strided_slice %dot_general3A_5 {offsets = [0, 448], sizes = [1280, 64], strides = [1, 1]} : vector<1280x512xf32> to vector<1280x64xf32>
    %slice3A_77 = vector.extract_strided_slice %transpose3A {offsets = [0, 7], sizes = [1280, 1], strides = [1, 1]} : vector<1280x8xf32> to vector<1280x1xf32>
    %mul3A_78 = vector.broadcast %slice3A_77 : vector<1280x1xf32> to vector<1280x64xf32>
    %mul3A_79 = arith.mulf %slice3A_76, %mul3A_78 : vector<1280x64xf32>
    %swap3A_80 = arith.constant 3 : index
    %swap3A_81 = arith.constant 0 : index
    %swap3A_82 = arith.constant 64 : index
    %swap3A_83 = vector.load %arg4[%swap3A_80, %swap3A_81, %swap3A_82] : memref<4x1280x128xf32, #tpu.memory_space<vmem>>, vector<1x1280x64xf32>
    %swap3A_84 = vector.shape_cast %swap3A_83 : vector<1x1280x64xf32> to vector<1280x64xf32>
    %swap3A_85 = vector.shape_cast %mul3A_79 : vector<1280x64xf32> to vector<1x1280x64xf32>
    tpu.vector_store %arg4[%swap3A_80, %swap3A_81, %swap3A_82], %swap3A_85 {strides = array<i32>} : memref<4x1280x128xf32, #tpu.memory_space<vmem>>, vector<1x1280x64xf32>,
    return
  }
  func.func @transform_0(%arg0: i32) -> (i32, i32) {
    %add3A = arith.constant 0 : i32
    %add3A_0 = arith.addi %arg0, %add3A : i32
    %c0_i32 = arith.constant 0 : i32
    %c0_i32_1 = arith.constant 0 : i32
    return %add3A_0, %c0_i32 : i32, i32
  }
  func.func @transform_1(%arg0: i32) -> (i32, i32) {
    %add3A = arith.constant 0 : i32
    %add3A_0 = arith.addi %arg0, %add3A : i32
    %c0_i32 = arith.constant 0 : i32
    %c0_i32_1 = arith.constant 0 : i32
    return %c0_i32, %add3A_0 : i32, i32
  }
  func.func @transform_2(%arg0: i32) -> (i32, i32) {
    %c0_i32 = arith.constant 0 : i32
    %c0_i32_0 = arith.constant 0 : i32
    %c0_i32_1 = arith.constant 0 : i32
    return %c0_i32, %c0_i32_0 : i32, i32
  }
  func.func @transform_3(%arg0: i32) -> (i32, i32, i32) {
    %c0_i32 = arith.constant 0 : i32
    %c0_i32_0 = arith.constant 0 : i32
    %c0_i32_1 = arith.constant 0 : i32
    return %c0_i32, %arg0, %c0_i32_0 : i32, i32, i32
  }
}

module attributes {stable_mosaic.version = 14 : i64} {
  func.func @_msg_body(%arg0: i32, %arg1: memref<1280x128xf32, #tpu.memory_space<vmem>>, %arg2: memref<8x1280xf32, #tpu.memory_space<vmem>>, %arg3: memref<128x512xf32, #tpu.memory_space<vmem>>, %arg4: memref<4x1280x128xf32, #tpu.memory_space<vmem>>) attributes {dimension_semantics = [#tpu.dimension_semantics<arbitrary>], iteration_bounds = array<i64: 62>, scalar_prefetch = 0 : i64, scratch_operands = 0 : i64, tpu.core_type = #tpu.core_type<tc>, window_params = [{transform_indices = @transform_0, window_bounds = array<i64: 1280, 128>}, {transform_indices = @transform_1, window_bounds = array<i64: 8, 1280>}, {pipeline_mode = #tpu.pipeline_mode<synchronous>, transform_indices = @transform_2, window_bounds = array<i64: 128, 512>}, {transform_indices = @transform_3, window_bounds = array<i64: 4, 1280, 128>}]} {
    %get3A = arith.constant 0 : index
    %get3A_0 = arith.constant 0 : index
    %get3A_1 = vector.load %arg1[%get3A, %get3A_0] : memref<1280x128xf32, #tpu.memory_space<vmem>>, vector<1280x128xf32>
    %get3A_2 = arith.constant 0 : index
    %get3A_3 = arith.constant 0 : index
    %get3A_4 = vector.load %arg3[%get3A_2, %get3A_3] : memref<128x512xf32, #tpu.memory_space<vmem>>, vector<128x512xf32>
    %dot_general3A = arith.constant dense<0.000000e+00> : vector<1280x512xf32>
    %dot_general3A_5 = tpu.matmul %get3A_1, %get3A_4, %dot_general3A {dimension_numbers = #tpu.dot_dimension_numbers<[1], [0], [0], [1], [0, 0, 1, 1], [], []>, transpose_lhs_hint = false} : vector<1280x128xf32>, vector<128x512xf32>, vector<1280x512xf32> -> vector<1280x512xf32>
    %get3A_6 = arith.constant 0 : index
    %get3A_7 = arith.constant 0 : index
    %get3A_8 = vector.load %arg2[%get3A_6, %get3A_7] : memref<8x1280xf32, #tpu.memory_space<vmem>>, vector<8x1280xf32>
    %transpose3A = tpu.transpose %get3A_8, [1, 0] : vector<8x1280xf32> -> vector<1280x8xf32>
    %slice3A = vector.extract_strided_slice %dot_general3A_5 {offsets = [0, 0], sizes = [1280, 64], strides = [1, 1]} : vector<1280x512xf32> to vector<1280x64xf32>
    %slice3A_9 = vector.extract_strided_slice %transpose3A {offsets = [0, 0], sizes = [1280, 1], strides = [1, 1]} : vector<1280x8xf32> to vector<1280x1xf32>
    %mul3A = vector.broadcast %slice3A_9 : vector<1280x1xf32> to vector<1280x64xf32>
    %mul3A_10 = arith.mulf %slice3A, %mul3A : vector<1280x64xf32>
    %swap3A = arith.constant 0 : index
    %swap3A_11 = arith.constant 0 : index
    %swap3A_12 = arith.constant 0 : index
    %swap3A_13 = vector.load %arg4[%swap3A, %swap3A_11, %swap3A_12] : memref<4x1280x128xf32, #tpu.memory_space<vmem>>, vector<1x1280x64xf32>
    %swap3A_14 = vector.shape_cast %swap3A_13 : vector<1x1280x64xf32> to vector<1280x64xf32>
    %swap3A_15 = vector.shape_cast %mul3A_10 : vector<1280x64xf32> to vector<1x1280x64xf32>
    tpu.vector_store %arg4[%swap3A, %swap3A_11, %swap3A_12], %swap3A_15 {strides = array<i32>} : memref<4x1280x128xf32, #tpu.memory_space<vmem>>, vector<1x1280x64xf32>,
    %slice3A_16 = vector.extract_strided_slice %dot_general3A_5 {offsets = [0, 64], sizes = [1280, 64], strides = [1, 1]} : vector<1280x512xf32> to vector<1280x64xf32>
    %slice3A_17 = vector.extract_strided_slice %transpose3A {offsets = [0, 1], sizes = [1280, 1], strides = [1, 1]} : vector<1280x8xf32> to vector<1280x1xf32>
    %mul3A_18 = vector.broadcast %slice3A_17 : vector<1280x1xf32> to vector<1280x64xf32>
    %mul3A_19 = arith.mulf %slice3A_16, %mul3A_18 : vector<1280x64xf32>
    %swap3A_20 = arith.constant 0 : index
    %swap3A_21 = arith.constant 0 : index
    %swap3A_22 = arith.constant 64 : index
    %swap3A_23 = vector.load %arg4[%swap3A_20, %swap3A_21, %swap3A_22] : memref<4x1280x128xf32, #tpu.memory_space<vmem>>, vector<1x1280x64xf32>
    %swap3A_24 = vector.shape_cast %swap3A_23 : vector<1x1280x64xf32> to vector<1280x64xf32>
    %swap3A_25 = vector.shape_cast %mul3A_19 : vector<1280x64xf32> to vector<1x1280x64xf32>
    tpu.vector_store %arg4[%swap3A_20, %swap3A_21, %swap3A_22], %swap3A_25 {strides = array<i32>} : memref<4x1280x128xf32, #tpu.memory_space<vmem>>, vector<1x1280x64xf32>,
    %slice3A_26 = vector.extract_strided_slice %dot_general3A_5 {offsets = [0, 128], sizes = [1280, 64], strides = [1, 1]} : vector<1280x512xf32> to vector<1280x64xf32>
    %slice3A_27 = vector.extract_strided_slice %transpose3A {offsets = [0, 2], sizes = [1280, 1], strides = [1, 1]} : vector<1280x8xf32> to vector<1280x1xf32>
    %mul3A_28 = vector.broadcast %slice3A_27 : vector<1280x1xf32> to vector<1280x64xf32>
    %mul3A_29 = arith.mulf %slice3A_26, %mul3A_28 : vector<1280x64xf32>
    %swap3A_30 = arith.constant 1 : index
    %swap3A_31 = arith.constant 0 : index
    %swap3A_32 = arith.constant 0 : index
    %swap3A_33 = vector.load %arg4[%swap3A_30, %swap3A_31, %swap3A_32] : memref<4x1280x128xf32, #tpu.memory_space<vmem>>, vector<1x1280x64xf32>
    %swap3A_34 = vector.shape_cast %swap3A_33 : vector<1x1280x64xf32> to vector<1280x64xf32>
    %swap3A_35 = vector.shape_cast %mul3A_29 : vector<1280x64xf32> to vector<1x1280x64xf32>
    tpu.vector_store %arg4[%swap3A_30, %swap3A_31, %swap3A_32], %swap3A_35 {strides = array<i32>} : memref<4x1280x128xf32, #tpu.memory_space<vmem>>, vector<1x1280x64xf32>,
    %slice3A_36 = vector.extract_strided_slice %dot_general3A_5 {offsets = [0, 192], sizes = [1280, 64], strides = [1, 1]} : vector<1280x512xf32> to vector<1280x64xf32>
    %slice3A_37 = vector.extract_strided_slice %transpose3A {offsets = [0, 3], sizes = [1280, 1], strides = [1, 1]} : vector<1280x8xf32> to vector<1280x1xf32>
    %mul3A_38 = vector.broadcast %slice3A_37 : vector<1280x1xf32> to vector<1280x64xf32>
    %mul3A_39 = arith.mulf %slice3A_36, %mul3A_38 : vector<1280x64xf32>
    %swap3A_40 = arith.constant 1 : index
    %swap3A_41 = arith.constant 0 : index
    %swap3A_42 = arith.constant 64 : index
    %swap3A_43 = vector.load %arg4[%swap3A_40, %swap3A_41, %swap3A_42] : memref<4x1280x128xf32, #tpu.memory_space<vmem>>, vector<1x1280x64xf32>
    %swap3A_44 = vector.shape_cast %swap3A_43 : vector<1x1280x64xf32> to vector<1280x64xf32>
    %swap3A_45 = vector.shape_cast %mul3A_39 : vector<1280x64xf32> to vector<1x1280x64xf32>
    tpu.vector_store %arg4[%swap3A_40, %swap3A_41, %swap3A_42], %swap3A_45 {strides = array<i32>} : memref<4x1280x128xf32, #tpu.memory_space<vmem>>, vector<1x1280x64xf32>,
    %slice3A_46 = vector.extract_strided_slice %dot_general3A_5 {offsets = [0, 256], sizes = [1280, 64], strides = [1, 1]} : vector<1280x512xf32> to vector<1280x64xf32>
    %slice3A_47 = vector.extract_strided_slice %transpose3A {offsets = [0, 4], sizes = [1280, 1], strides = [1, 1]} : vector<1280x8xf32> to vector<1280x1xf32>
    %mul3A_48 = vector.broadcast %slice3A_47 : vector<1280x1xf32> to vector<1280x64xf32>
    %mul3A_49 = arith.mulf %slice3A_46, %mul3A_48 : vector<1280x64xf32>
    %swap3A_50 = arith.constant 2 : index
    %swap3A_51 = arith.constant 0 : index
    %swap3A_52 = arith.constant 0 : index
    %swap3A_53 = vector.load %arg4[%swap3A_50, %swap3A_51, %swap3A_52] : memref<4x1280x128xf32, #tpu.memory_space<vmem>>, vector<1x1280x64xf32>
    %swap3A_54 = vector.shape_cast %swap3A_53 : vector<1x1280x64xf32> to vector<1280x64xf32>
    %swap3A_55 = vector.shape_cast %mul3A_49 : vector<1280x64xf32> to vector<1x1280x64xf32>
    tpu.vector_store %arg4[%swap3A_50, %swap3A_51, %swap3A_52], %swap3A_55 {strides = array<i32>} : memref<4x1280x128xf32, #tpu.memory_space<vmem>>, vector<1x1280x64xf32>,
    %slice3A_56 = vector.extract_strided_slice %dot_general3A_5 {offsets = [0, 320], sizes = [1280, 64], strides = [1, 1]} : vector<1280x512xf32> to vector<1280x64xf32>
    %slice3A_57 = vector.extract_strided_slice %transpose3A {offsets = [0, 5], sizes = [1280, 1], strides = [1, 1]} : vector<1280x8xf32> to vector<1280x1xf32>
    %mul3A_58 = vector.broadcast %slice3A_57 : vector<1280x1xf32> to vector<1280x64xf32>
    %mul3A_59 = arith.mulf %slice3A_56, %mul3A_58 : vector<1280x64xf32>
    %swap3A_60 = arith.constant 2 : index
    %swap3A_61 = arith.constant 0 : index
    %swap3A_62 = arith.constant 64 : index
    %swap3A_63 = vector.load %arg4[%swap3A_60, %swap3A_61, %swap3A_62] : memref<4x1280x128xf32, #tpu.memory_space<vmem>>, vector<1x1280x64xf32>
    %swap3A_64 = vector.shape_cast %swap3A_63 : vector<1x1280x64xf32> to vector<1280x64xf32>
    %swap3A_65 = vector.shape_cast %mul3A_59 : vector<1280x64xf32> to vector<1x1280x64xf32>
    tpu.vector_store %arg4[%swap3A_60, %swap3A_61, %swap3A_62], %swap3A_65 {strides = array<i32>} : memref<4x1280x128xf32, #tpu.memory_space<vmem>>, vector<1x1280x64xf32>,
    %slice3A_66 = vector.extract_strided_slice %dot_general3A_5 {offsets = [0, 384], sizes = [1280, 64], strides = [1, 1]} : vector<1280x512xf32> to vector<1280x64xf32>
    %slice3A_67 = vector.extract_strided_slice %transpose3A {offsets = [0, 6], sizes = [1280, 1], strides = [1, 1]} : vector<1280x8xf32> to vector<1280x1xf32>
    %mul3A_68 = vector.broadcast %slice3A_67 : vector<1280x1xf32> to vector<1280x64xf32>
    %mul3A_69 = arith.mulf %slice3A_66, %mul3A_68 : vector<1280x64xf32>
    %swap3A_70 = arith.constant 3 : index
    %swap3A_71 = arith.constant 0 : index
    %swap3A_72 = arith.constant 0 : index
    %swap3A_73 = vector.load %arg4[%swap3A_70, %swap3A_71, %swap3A_72] : memref<4x1280x128xf32, #tpu.memory_space<vmem>>, vector<1x1280x64xf32>
    %swap3A_74 = vector.shape_cast %swap3A_73 : vector<1x1280x64xf32> to vector<1280x64xf32>
    %swap3A_75 = vector.shape_cast %mul3A_69 : vector<1280x64xf32> to vector<1x1280x64xf32>
    tpu.vector_store %arg4[%swap3A_70, %swap3A_71, %swap3A_72], %swap3A_75 {strides = array<i32>} : memref<4x1280x128xf32, #tpu.memory_space<vmem>>, vector<1x1280x64xf32>,
    %slice3A_76 = vector.extract_strided_slice %dot_general3A_5 {offsets = [0, 448], sizes = [1280, 64], strides = [1, 1]} : vector<1280x512xf32> to vector<1280x64xf32>
    %slice3A_77 = vector.extract_strided_slice %transpose3A {offsets = [0, 7], sizes = [1280, 1], strides = [1, 1]} : vector<1280x8xf32> to vector<1280x1xf32>
    %mul3A_78 = vector.broadcast %slice3A_77 : vector<1280x1xf32> to vector<1280x64xf32>
    %mul3A_79 = arith.mulf %slice3A_76, %mul3A_78 : vector<1280x64xf32>
    %swap3A_80 = arith.constant 3 : index
    %swap3A_81 = arith.constant 0 : index
    %swap3A_82 = arith.constant 64 : index
    %swap3A_83 = vector.load %arg4[%swap3A_80, %swap3A_81, %swap3A_82] : memref<4x1280x128xf32, #tpu.memory_space<vmem>>, vector<1x1280x64xf32>
    %swap3A_84 = vector.shape_cast %swap3A_83 : vector<1x1280x64xf32> to vector<1280x64xf32>
    %swap3A_85 = vector.shape_cast %mul3A_79 : vector<1280x64xf32> to vector<1x1280x64xf32>
    tpu.vector_store %arg4[%swap3A_80, %swap3A_81, %swap3A_82], %swap3A_85 {strides = array<i32>} : memref<4x1280x128xf32, #tpu.memory_space<vmem>>, vector<1x1280x64xf32>,
    return
  }
  func.func @transform_0(%arg0: i32) -> (i32, i32) {
    %add3A = arith.constant 63 : i32
    %add3A_0 = arith.addi %arg0, %add3A : i32
    %c0_i32 = arith.constant 0 : i32
    %c0_i32_1 = arith.constant 0 : i32
    return %add3A_0, %c0_i32 : i32, i32
  }
  func.func @transform_1(%arg0: i32) -> (i32, i32) {
    %add3A = arith.constant 63 : i32
    %add3A_0 = arith.addi %arg0, %add3A : i32
    %c0_i32 = arith.constant 0 : i32
    %c0_i32_1 = arith.constant 0 : i32
    return %c0_i32, %add3A_0 : i32, i32
  }
  func.func @transform_2(%arg0: i32) -> (i32, i32) {
    %c0_i32 = arith.constant 0 : i32
    %c0_i32_0 = arith.constant 0 : i32
    %c0_i32_1 = arith.constant 0 : i32
    return %c0_i32, %c0_i32_0 : i32, i32
  }
  func.func @transform_3(%arg0: i32) -> (i32, i32, i32) {
    %c0_i32 = arith.constant 0 : i32
    %c0_i32_0 = arith.constant 0 : i32
    %c0_i32_1 = arith.constant 0 : i32
    return %c0_i32, %arg0, %c0_i32_0 : i32, i32, i32
  }
}

</mosaic_0001>

<sc_bundles>
// kernel: kernel.12.cloned.1.call-start
scs
__scs_entry_jumppad:
0x0: {  	(pc) =	sbr.rel $0x88, $3  }
0x1: {  	(tag) =	ssettag $0x0;
	lr =	simm.s32 $0x1  }
0x2: {  	[smem:$0x3F9B] =	sst lr;
	_ =	strace $0xD0000000  }
0x3: {  	_ = 	snop  }
0x4: {  	_ = 	snop  }
0x5: {  	_ = 	snop  }
0x6: {  	_ = 	snop  }
0x7: {  	_ = 	snop  }
__scs_overlays_trampoline_lowered:
0x8: {  	[smem:$0x3FAA] =	sst s0  }
0x9: {  	[smem:$0x3FAB] =	sst s1  }
0xa: {  	[smem:$0x3FAC] =	sst s2  }
0xb: {  	[smem:$0x3FAD] =	sst s3  }
0xc: {  	[smem:$0x3FAE] =	sst s4  }
0xd: {  	[smem:$0x3FAF] =	sst s5  }
0xe: {  	[smem:$0x3FB0] =	sst s6  }
0xf: {  	[smem:$0x3FB1] =	sst s7  }
0x10: {  	[smem:$0x3FB2] =	sst s8  }
0x11: {  	[smem:$0x3FB3] =	sst s9;
	s0 =	simm.s32 @!p0 $0x0  }
0x12: {  	s1 =	sld [smem:$0x3F99];
	s0 =	simm.s32 @p0 $0x1  }
0x13: {  	[smem:$0x3FB4] =	sst s0;
	s0 =	simm.s32 @!p1 $0x0  }
0x14: {  	s2 =	sld [smem:$0x3F98];
	s0 =	simm.s32 @p1 $0x1  }
0x15: {  	[smem:$0x3FB5] =	sst s0;
	s0 =	simm.s32 @!p2 $0x0  }
0x16: {  	s3 =	sld [smem:$0x3FDB];
	s0 =	simm.s32 @p2 $0x1  }
0x17: {  	s4 =	simm.s32 $0x1BF5;
	[smem:$0x3FB7] =	sst s0  }
0x18: {  	s0 =	sld [smem:$0x3F9A];
	_ =	swait.ge [sflag:s4], $0x0  }
0x19: {  	s7 =	sld [smem:$0x3F9B]  }
0x1a: {  	s8 =	sadd.s32 $0xFFFFE003, lr  }
0x1b: {  	s9 =	sadd.s32 $0xFFFFFEF7, lr;
	s5 =	simm.s32 $0xFFFFFFFF;
	p2 =	slt.u32 s8, $0xFFFFF086  }
0x1c: {  	p1 =	slt.u32 s9, $0xF7A;
	s5 =	simm.s32 @!p2 $0x0  }
0x1d: {  	s5 =	simm.s32 @p1 $0x1;
	p0 =	seq.s32 s7, s2  }
0x1e: {  	s7 =	smul.u32 @!p0 $0xF7A, s2;
	p2 =	seq.s32 @!p0 s5, $0x0  }
0x1f: {  	s9 =	smul.u32 $0xF7A, s1;
	s8 =	simm.s32 @!p0 $0x1BF5;
	p2 =	por !p2, p0  }
0x20: {  	[sflag:s8] =	ssyncset.s32 @!p0 $0xFFFFF086;
	s6 =	sadd.s32 @!p0 s3, s7;
	s7 =	simm.s32 @!p0 $0x108  }
0x21: {  	s3 =	sadd.s32 s3, s9;
	s6 =	sadd.s32 @!p0 $0x88, s6;
	s7 =	simm.s32 @p2 $0x1082  }
0x22: {  	[simem:s7], [sflag:s8] =	dma.local @!p0 [hbm:s6], $0xF7A  }
0x23: {  	s9 =	sor.u32 $0xD0000000, s2;
	s6 =	simm.s32 $0x108;
	_ =	swait.ge @!p0 [sflag:s8], $0x0  }
0x24: {  	s3 =	sadd.s32 $0x88, s3;
	s6 =	simm.s32 @!p1 $0x1082;
	[sflag:s4] =	ssyncset.s32 $0xFFFFF086  }
0x25: {  	[simem:s6], [sflag:s4] =	dma.local [hbm:s3], $0xF7A  }
0x26: {  	[smem:$0x3F9B] =	sst s1;
	(tag) =	ssettag s2;
	_ =	strace s9  }
0x27: {  	s1 =	sld [smem:$0x3FAB]  }
0x28: {  	s2 =	sld [smem:$0x3FAC]  }
0x29: {  	s4 =	sld [smem:$0x3FAE]  }
0x2a: {  	p0 =	seq.s32 s5, $0x0;
	s5 =	sld [smem:$0x3FAF]  }
0x2b: {  	s6 =	sld [smem:$0x3FB0]  }
0x2c: {  	s7 =	sld [smem:$0x3FB1]  }
0x2d: {  	s3 =	simm.s32 $0x108;
	s8 =	sld [smem:$0x3FB2]  }
0x2e: {  	s3 =	simm.s32 @!p0 $0x1082;
	s9 =	sld [smem:$0x3FB3]  }
0x2f: {  	lr =	sadd.s32 s0, s3;
	s0 =	sld [smem:$0x3FAA]  }
0x30: {  	s3 =	sld [smem:$0x3FAD]  }
0x31: {  	[smem:$0x3FB6] =	sst s10  }
0x32: {  	s10 =	sld [smem:$0x3FB4];
	_ =	sdelay $0x3  }
0x33: {  	p0 =	seq.s32 s10, $0x1;
	s10 =	sld [smem:$0x3FB6];
	_ =	sdelay $0x3  }
0x34: {  	[smem:$0x3FB6] =	sst s10  }
0x35: {  	s10 =	sld [smem:$0x3FB5];
	_ =	sdelay $0x3  }
0x36: {  	p1 =	seq.s32 s10, $0x1;
	s10 =	sld [smem:$0x3FB6];
	_ =	sdelay $0x3  }
0x37: {  	[smem:$0x3FB6] =	sst s10  }
0x38: {  	s10 =	sld [smem:$0x3FB7]  }
0x39: {  	_ = 	snop;
	(pc) =	sbr.ind lr, $3  }
0x3a: {  	_ = 	snop  }
0x3b: {  	_ = 	snop  }
0x3c: {  	p2 =	seq.s32 s10, $0x1;
	s10 =	sld [smem:$0x3FB6]  }
0x3d: {  	_ =	shalt  }
0x3e: {  	_ =	shalt  }
0x3f: {  	_ =	shalt  }
0x40: {  	_ =	shalt  }
0x41: {  	_ =	shalt  }
0x42: {  	_ =	shalt  }
0x43: {  	_ =	shalt  }
0x44: {  	_ =	shalt  }
0x45: {  	_ =	shalt  }
0x46: {  	_ =	shalt  }
0x47: {  	_ =	shalt  }
0x48: {  	_ =	shalt  }
0x49: {  	_ =	shalt  }
0x4a: {  	_ =	shalt  }
0x4b: {  	_ =	shalt  }
0x4c: {  	_ =	shalt  }
0x4d: {  	_ =	shalt  }
0x4e: {  	_ =	shalt  }
0x4f: {  	_ =	shalt  }
0x50: {  	_ =	shalt  }
0x51: {  	_ =	shalt  }
0x52: {  	_ =	shalt  }
0x53: {  	_ =	shalt  }
0x54: {  	_ =	shalt  }
0x55: {  	_ =	shalt  }
0x56: {  	_ =	shalt  }
0x57: {  	_ =	shalt  }
0x58: {  	_ =	shalt  }
0x59: {  	_ =	shalt  }
0x5a: {  	_ =	shalt  }
0x5b: {  	_ =	shalt  }
0x5c: {  	_ =	shalt  }
0x5d: {  	_ =	shalt  }
0x5e: {  	_ =	shalt  }
0x5f: {  	_ =	shalt  }
0x60: {  	_ =	shalt  }
0x61: {  	_ =	shalt  }
0x62: {  	_ =	shalt  }
0x63: {  	_ =	shalt  }
0x64: {  	_ =	shalt  }
0x65: {  	_ =	shalt  }
0x66: {  	_ =	shalt  }
0x67: {  	_ =	shalt  }
0x68: {  	_ =	shalt  }
0x69: {  	_ =	shalt  }
0x6a: {  	_ =	shalt  }
0x6b: {  	_ =	shalt  }
0x6c: {  	_ =	shalt  }
0x6d: {  	_ =	shalt  }
0x6e: {  	_ =	shalt  }
0x6f: {  	_ =	shalt  }
0x70: {  	_ =	shalt  }
0x71: {  	_ =	shalt  }
0x72: {  	_ =	shalt  }
0x73: {  	_ =	shalt  }
0x74: {  	_ =	shalt  }
0x75: {  	_ =	shalt  }
0x76: {  	_ =	shalt  }
0x77: {  	_ =	shalt  }
0x78: {  	_ =	shalt  }
0x79: {  	_ =	shalt  }
0x7a: {  	_ =	shalt  }
0x7b: {  	_ =	shalt  }
0x7c: {  	_ =	shalt  }
0x7d: {  	_ =	shalt  }
0x7e: {  	_ =	shalt  }
0x7f: {  	_ =	shalt  }
0x80: {  	_ =	shalt  }
0x81: {  	_ =	shalt  }
0x82: {  	_ =	shalt  }
0x83: {  	_ =	shalt  }
0x84: {  	_ =	shalt  }
0x85: {  	_ =	shalt  }
0x86: {  	_ =	shalt  }
0x87: {  	_ =	shalt  }
.Lfunc_end0:
.L_simem_size_0:
called_computation.1_lowered:
.L_overlay_start_0:
0x88: {  	s2 =	sld [smem:$0x3FD9]  }
0x89: {  	s3 =	sld [smem:$0x3FFE];
	_ =	sdelay $0x1  }
0x8a: {  	s1 =	srdreg.scid  }
0x8b: {  	s0 =	sand.u32 $0x1, s1  }
0x8c: {  	s16 =	sshll.u32 s0, $0xA;
	s2 =	sadd.s32 s3, s2  }
0x8d: {  	s2 =	sadd.s32 s2, s16  }
0x8e: {  	[smem:$0x3FC2] =	sst s2  }
0x8f: {  	_ = 	snop  }
0x90: {  	(tm) =	ssettm $0x1  }
0x91: {  	s17 =	sld [smem:$0x3FFB];
	_ =	sdelay $0x3  }
0x92: {  	_ =	strace s17  }
0x93: {  	s2 =	sld [smem:$0x3FFC];
	_ =	sdelay $0x3  }
0x94: {  	_ =	strace s2  }
0x95: {  	s2 =	sld [smem:$0x3FFD];
	_ =	sdelay $0x3  }
0x96: {  	_ =	strace s2  }
0x97: {  	_ =	strace $0x8FFFFFFF  }
0x98: {  	s18 =	sld [smem:$0x3FDB];
	_ =	sdelay $0x1  }
0x99: {  	s19 =	simm.s32 $_scs_section_size  }
0x9a: {  	s4 =	simm.s32 $_size__tile_overlayer_lowered;
	s5 =	simm.s32 $_tile_overlayer_lowered  }
0x9b: {  	s22 =	simm.s32 $0x1BFF;
	s21 =	sshll.u32 s5, $0x1;
	s2 =	sadd.s32 s19, s18  }
0x9c: {  	s6 =	simm.s32 $0x0;
	s20 =	sshll.u32 s4, $0x1;
	s4 =	sadd.s32 s21, s2  }
0x9d: {  	[timem:s6], [sflag:s22] =	dma.local [hbm:s4], s20  }
0x9e: {  	_ =	swait.ge [sflag:s22], s20  }
0x9f: {  	s3 =	ssub.s32 $0x0, s20;
	[sflag:s22] =	ssyncset.done $0x0  }
0xa0: {  	[sflag:s22] =	ssyncadd.s32 s3;
	_ =	sdelay $0x1  }
0xa1: {  	s23 =	simm.s32 $0x1B8B  }
0xa2: {  	_ =	swait.ge [sflag:s23], $0x1  }
0xa3: {  	[sflag:s23] =	ssyncset.done $0x0  }
0xa4: {  	s25 =	simm.s32 $0x1B8E;
	s24 =	sld [smem:$0x3FFE];
	[sflag:s23] =	ssyncadd.s32 $0xFFFFFFFF  }
0xa5: {  	s26 =	simm.s32 $execute0_lowered;
	[smem:$0x3FD2] =	sst s25  }
0xa6: {  	s4 =	sshll.u32 s26, $0x1;
	_ =	strace $0x80000049;
	[dreg:$0x1] =	wrdreg $0xFFFFFFFF  }
0xa7: {  	s28 =	simm.s32 $_size_execute0_lowered;
	s2 =	sadd.s32 s2, s4;
	[dreg:$0x0] =	wrdreg $0x0  }
0xa8: {  	s4 =	sshll.u32 s28, $0x1;
	[dreg:$0x2] =	wrdreg s2  }
0xa9: {  	[dreg:$0x3] =	wrdreg s4  }
0xaa: {  	[dreg:$0x4] =	wrdreg $0xC0  }
0xab: {  	_ =	task [dreg:s6], $0x5FFFF  }
0xac: {  	[dreg:$0x1] =	wrdreg $0xFFFFFFFF  }
0xad: {  	[dreg:$0x0] =	wrdreg $0x60  }
0xae: {  	[dreg:$0x2] =	wrdreg s24  }
0xaf: {  	[dreg:$0x3] =	wrdreg $0xA4A00  }
0xb0: {  	[dreg:$0x4] =	wrdreg $0x9  }
0xb1: {  	_ =	task.clear_ibuf [dreg:s6], $0x5FFFF;
	_ =	strace $0x90000049  }
0xb2: {  	s29 =	simm.s32 $0x9;
	_ =	strace $0x8000004B  }
0xb3: {  	_ =	swait.ge [sflag:s29], $0x1  }
0xb4: {  	[sflag:s29] =	ssyncadd.s32 $0xFFFFFFFF  }
0xb5: {  	_ =	strace $0x9000004B  }
0xb6: {  	_ =	sfence  }
0xb7: {  	s30 =	sld [smem:$0x0];
	_ =	sdelay $0x2  }
0xb8: {  	s31 =	sshll.u32 s1, $0xD;
	s1 =	sshrl.u32 s1, $0x2  }
0xb9: {  	s3 =	sand.u32 $0x4000, s31;
	s1 =	sadd.s32 s1, s30  }
0xba: {  	s0 =	sor.u32 s3, s0;
	s1 =	sshll.u32 s1, $0x11  }
0xbb: {  	s0 =	sor.u32 s1, s0  }
0xbc: {  	s0 =	sadd.s32 $0x8F2B, s0  }
0xbd: {  	[sflag:s0] =	ssyncadd.remote.s32 $0x1  }
0xbe: {  	_ =	sfence.sel $0xFFFF  }
0xbf: {  	[dreg:$0x0] =	wrdreg $0xFFFFFFFF;
	(pc) =	sbr.abs _section_cstart, $3  }
0xc0: {  	[dreg:$0x1] =	wrdreg $0xFFFFFFFF  }
0xc1: {  	_ =	task.clear_ibuf [dreg:s6], $0x2FFFF;
	_ =	strace $0x9FFFFFFF  }
0xc2: {  	(tm) =	ssettm $0x7FFFFFFF  }
0xc3: {  	_ =	shalt  }
tec
execute0_lowered:
.L_overlay_start_1:
0x0: {  	(tag) =	ssettag $0x1  }
0x1: {  	s0 =	rddreg [dreg:$0x0];
	s13 =	stileid.u32  }
0x2: {  	s1 =	rddreg [dreg:$0x1];
	s2 =	simm.s32 $0x0;
	s12 =	smul.u32 $0x13B0, s13  }
0x3: {  	s3 =	srdreg.scid;
	s31 =	simm.s32 $0x63B0;
	s6 =	smul.u32 $0x4E400, s13  }
0x4: {  	[smem:$0x7FF] =	sst s2;
	s4 =	sadd.s32 $0x2AAA00, s0;
	s18 =	smul.u32 $0x9D800, s13  }
0x5: {  	s3 =	sand.u32 $0x1, s3;
	s20 =	smul.u32 $0x4E000, s13;
	p0 =	sne.s32 s13, $0x0  }
0x6: {  	_ =	strace $0x8000004A;
	s5 =	ssub.s32 $0x2, s3;
	s15 =	sshll.u32 s3, $0x8  }
0x7: {  	s16 =	smul.u32 $0x13B0000, s3;
	s3 =	sshll.u32 s3, $0x5;
	s2 =	sshrl.u32 s12, $0x3  }
0x8: {  	s7 =	sshrl.u32 s5, $0x1;
	s14 =	sshrl.u32 s6, $0x2;
	s6 =	sor.u32 s15, s20  }
0x9: {  	s12 =	sadd.s32 $0x2800, s18;
	s2 =	sadd.s32 s2, s0;
	s0 =	sadd.s32 $0x796A00, s0  }
0xa: {  	s7 =	ssub.s32 s5, s7;
	s5 =	sadd.s32 s14, s1;
	s24 =	sadd.s32 s18, s16  }
0xb: {  	s6 =	sshrl.u32 s6, $0x3;
	s25 =	sadd.s32 s16, s12;
	s2 =	sadd.s32 $0x2A8200, s2  }
0xc: {  	s8 =	sadd.s32 $0x1800, s5;
	s17 =	sadd.s32 $0x3000, s5;
	[dreg:$0x3] =	wrdreg s2  }
0xd: {  	s9 =	sadd.s32 $0x4800, s5;
	s19 =	sadd.s32 $0x6000, s5;
	[dreg:$0x4] =	wrdreg s8  }
0xe: {  	s10 =	sadd.s32 $0x7800, s5;
	s21 =	sadd.s32 $0x9000, s5;
	[dreg:$0x5] =	wrdreg s17  }
0xf: {  	s22 =	sadd.s32 $0xA800, s5;
	s23 =	sadd.s32 $0xC000, s5;
	[dreg:$0x6] =	wrdreg s9  }
0x10: {  	s14 =	sadd.s32 $0xD800, s5;
	s11 =	sshrl.u32 s24, $0x3;
	[dreg:$0x7] =	wrdreg s19  }
0x11: {  	s15 =	sadd.s32 s0, s6;
	s0 =	sadd.s32 s3, s0;
	[dreg:$0x8] =	wrdreg s10  }
0x12: {  	s3 =	sshrl.u32 s25, $0x3;
	s28 =	sadd.s32 $0x10800, s5;
	[dreg:$0x9] =	wrdreg s21  }
0x13: {  	s29 =	sadd.s32 $0x12000, s5;
	s30 =	sadd.s32 $0x13800, s5;
	[dreg:$0xa] =	wrdreg s22  }
0x14: {  	[dreg:$0xb] =	wrdreg s23;
	s2 =	sadd.s32 $0x9D8000, s16;
	s26 =	sadd.s32 s4, s11  }
0x15: {  	s3 =	sadd.s32 s4, s3;
	s11 =	sshrl.u32 s20, $0x2;
	s17 =	sadd.s32 $0x5000, s24  }
0x16: {  	s22 =	sadd.s32 $0x9C000, s0;
	s0 =	sadd.s32 $0x9C010, s0;
	[dreg:$0xc] =	wrdreg s15  }
0x17: {  	s23 =	smax.u32 s7, $0x1;
	s25 =	sadd.s32 $0x10, s15;
	[dreg:$0xd] =	wrdreg s26  }
0x18: {  	s15 =	simm.s32 $0x4;
	s8 =	sadd.s32 s18, s2;
	[dreg:$0xe] =	wrdreg s3  }
0x19: {  	s3 =	sadd.s32 s11, s1;
	s2 =	sadd.s32 s12, s2;
	[dreg:$0x14] =	wrdreg s22  }
0x1a: {  	s18 =	sadd.s32 $0x9DD000, s24;
	s19 =	sshrl.u32 s17, $0x3;
	[dreg:$0x15] =	wrdreg s0  }
0x1b: {  	[dreg:$0x16] =	wrdreg s23;
	s26 =	sadd.s32 $0xF000, s5;
	s24 =	sadd.s32 $0x138000, s1  }
0x1c: {  	[dreg:$0x18] =	wrdreg s25;
	s17 =	simm.s32 $0x1;
	s23 =	simm.s32 $0x6  }
0x1d: {  	s12 =	simm.s32 $0x40;
	s22 =	simm.s32 $0xA450;
	s0 =	simm.s32 $0x2  }
0x1e: {  	s25 =	simm.s32 $0x0;
	s6 =	sshrl.u32 s8, $0x3;
	[dreg:$0xf] =	wrdreg s3  }
0x1f: {  	s2 =	sshrl.u32 s2, $0x3;
	s20 =	sshrl.u32 s18, $0x3;
	[dreg:$0x17] =	wrdreg s24  }
0x20: {  	s3 =	simm.s32 $0x7;
	s18 =	simm.s32 $0x50;
	s16 =	sadd.s32 s4, s6  }
.Ltmp0:
0x21: {  	s2 =	sadd.s32 s4, s2;
	[dreg:$0x10] =	wrdreg s16;
	(pc) =	sbr.rel .LBB2_1-.Ltmp0, $4  }
0x22: {  	s24 =	simm.s32 $0xA400;
	s21 =	sadd.s32 s20, s4;
	[dreg:$0x11] =	wrdreg s2  }
0x23: {  	s20 =	simm.s32 $0x5;
	s2 =	sadd.s32 s19, s4;
	[dreg:$0x13] =	wrdreg s21  }
0x24: {  	s4 =	simm.s32 $0x13B0;
	s16 =	simm.s32 $0x3BB0;
	s19 =	simm.s32 $0xA3B0  }
0x25: {  	v0 =	vimm.f32 $0.0e+00;
	s21 =	simm.s32 $0x3;
	[dreg:$0x12] =	wrdreg s2;
	s2 =	simm.s32 $0x8BB0  }
.LBB2_17:
0x26: {  	_ =	swait.ge [sflag:s15], $0x2800  }
0x27: {  	[sflag:s15] =	ssyncset.done $0x0  }
0x28: {  	[sflag:s15] =	ssyncadd.s32 $0xFFFFD800  }
0x29: {  	_ =	swait.ge [sflag:s20], $0x2800  }
0x2a: {  	[sflag:s20] =	ssyncset.done $0x0  }
0x2b: {  	[sflag:s20] =	ssyncadd.s32 $0xFFFFD800  }
0x2c: {  	_ =	swait.ge [sflag:s23], $0x2800  }
0x2d: {  	[sflag:s23] =	ssyncset.done $0x0  }
0x2e: {  	[sflag:s23] =	ssyncadd.s32 $0xFFFFD800  }
0x2f: {  	[bflag:$0x0] =	sbarrier.arrive $0xFFFF  }
0x30: {  	s12 =	simm.s32 $0x40;
	s10 =	simm.s32 $0x10;
	s9 =	rddreg [dreg:$0x18]  }
0x31: {  	[hbm:s9@s12], [sflag:s6] =	dma.strided [spmem:s8@s10], $0x2700, s17, $0x10   }
0x32: {  	_ =	swait.ge [sflag:s3], $0x2700  }
0x33: {  	s8 =	simm.s32 @!p0 $0x1;
	s9 =	simm.s32 @!p0 $0x40;
	[sflag:s3] =	ssyncset.done $0x0  }
0x34: {  	s10 =	simm.s32 @!p0 $0x10;
	s11 =	rddreg [dreg:$0x15];
	[sflag:s3] =	ssyncadd.s32 $0xFFFFD900  }
0x35: {  	[hbm:s11@s9], [sflag:s6] =	dma.strided @!p0 [spmem:s7@s10], $0x100, s8, $0x10   }
0x36: {  	s6 =	simm.s32 @!p0 $0x7  }
0x37: {  	_ =	swait.ge @!p0 [sflag:s6], $0x100  }
0x38: {  	s25 =	sadd.s32 $0x1, s25;
	s13 =	rddreg [dreg:$0x16]  }
0x39: {  	p1 =	sne.s32 s25, s13  }
.Ltmp1:
0x3a: {  	_ = 	snop;
	(pc) =	sbr.rel @!p1 .LBB2_18-.Ltmp1, $3  }
0x3b: {  	[sflag:s6] =	ssyncset.done @!p0 $0x0  }
0x3c: {  	[sflag:s6] =	ssyncadd.s32 @!p0 $0xFFFFFF00  }
0x3d: {  	[bflag:$0x0] =	sbarrier.arrive $0xFFFF;
	_ =	sdelay $0x1  }
.LBB2_1:
0x3e: {  	s6 =	simm.s32 $0x0;
	s7 =	rddreg [dreg:$0x3]  }
0x3f: {  	[tilespmem:s6], [sflag:$0x7] =	stream.linear.gather [hbm4b:s7+s6], $0x13B0, $0x38;
	[tilespmem:$0x1DDA0] =	vst v63  }
0x40: {  	_ =	swait.ge [sflag:s3], $0x13B0  }
0x41: {  	s13 =	sand.u32 $0x7FC0, s6;
	[sflag:s3] =	ssyncset.done $0x0  }
0x42: {  	s6 =	simm.s32 $0x40;
	s7 =	sshrl.u32 s13, $0x2;
	[sflag:s3] =	ssyncadd.s32 $0xFFFFEC50  }
.LBB2_2:
0x43: {  	p1 =	sne.s32 s6, $0x5FC0;
	[tilespmem:s7+$0x8BB0] =	vst v0;
	s7 =	smov.u32 s6;
	s6 =	sadd.s32 $0x40, s6  }
.Ltmp2:
0x44: {  	(pc) =	sbr.rel @p1 .LBB2_2-.Ltmp2, $3  }
0x45: {  	_ =	sdelay $0x1  }
0x46: {  	s7 =	sand.u32 $0x7FC0, s7  }
0x47: {  	s7 =	sshrl.u32 s7, $0x2  }
0x48: {  	[tilespmem:s7+$0x8BB0] =	vst v0  }
0x49: {  	[spmem:s5] =	stream.linear.scatter [tilespmem:s2], [sflag:$0x7], $0x1800, $0x38;
	[tilespmem:$0x1DDA0] =	vst v63  }
0x4a: {  	_ =	swait.ge [sflag:s3], $0x1800  }
0x4b: {  	[sflag:s3] =	ssyncset.done $0x0  }
0x4c: {  	s6 =	rddreg [dreg:$0x4];
	[sflag:s3] =	ssyncadd.s32 $0xFFFFE800  }
0x4d: {  	[spmem:s6] =	stream.linear.scatter [tilespmem:s2], [sflag:$0x7], $0x1800, $0x38;
	[tilespmem:$0x1DDA0] =	vst v63  }
0x4e: {  	_ =	swait.ge [sflag:s3], $0x1800  }
0x4f: {  	[sflag:s3] =	ssyncset.done $0x0  }
0x50: {  	s10 =	rddreg [dreg:$0x5];
	[sflag:s3] =	ssyncadd.s32 $0xFFFFE800  }
0x51: {  	[spmem:s10] =	stream.linear.scatter [tilespmem:s2], [sflag:$0x7], $0x1800, $0x38;
	[tilespmem:$0x1DDA0] =	vst v63  }
0x52: {  	_ =	swait.ge [sflag:s3], $0x1800  }
0x53: {  	[sflag:s3] =	ssyncset.done $0x0  }
0x54: {  	s11 =	rddreg [dreg:$0x6];
	[sflag:s3] =	ssyncadd.s32 $0xFFFFE800  }
0x55: {  	[spmem:s11] =	stream.linear.scatter [tilespmem:s2], [sflag:$0x7], $0x1800, $0x38;
	[tilespmem:$0x1DDA0] =	vst v63  }
0x56: {  	_ =	swait.ge [sflag:s3], $0x1800  }
0x57: {  	[sflag:s3] =	ssyncset.done $0x0  }
0x58: {  	s13 =	rddreg [dreg:$0x7];
	[sflag:s3] =	ssyncadd.s32 $0xFFFFE800  }
0x59: {  	[spmem:s13] =	stream.linear.scatter [tilespmem:s2], [sflag:$0x7], $0x1800, $0x38;
	[tilespmem:$0x1DDA0] =	vst v63  }
0x5a: {  	_ =	swait.ge [sflag:s3], $0x1800  }
0x5b: {  	[sflag:s3] =	ssyncset.done $0x0  }
0x5c: {  	s7 =	rddreg [dreg:$0x8];
	[sflag:s3] =	ssyncadd.s32 $0xFFFFE800  }
0x5d: {  	[spmem:s7] =	stream.linear.scatter [tilespmem:s2], [sflag:$0x7], $0x1800, $0x38;
	[tilespmem:$0x1DDA0] =	vst v63  }
0x5e: {  	_ =	swait.ge [sflag:s3], $0x1800  }
0x5f: {  	[sflag:s3] =	ssyncset.done $0x0  }
0x60: {  	s8 =	rddreg [dreg:$0x9];
	[sflag:s3] =	ssyncadd.s32 $0xFFFFE800  }
0x61: {  	[spmem:s8] =	stream.linear.scatter [tilespmem:s2], [sflag:$0x7], $0x1800, $0x38;
	[tilespmem:$0x1DDA0] =	vst v63  }
0x62: {  	_ =	swait.ge [sflag:s3], $0x1800  }
0x63: {  	[sflag:s3] =	ssyncset.done $0x0  }
0x64: {  	s9 =	rddreg [dreg:$0xa];
	[sflag:s3] =	ssyncadd.s32 $0xFFFFE800  }
0x65: {  	[spmem:s9] =	stream.linear.scatter [tilespmem:s2], [sflag:$0x7], $0x1800, $0x38;
	[tilespmem:$0x1DDA0] =	vst v63  }
0x66: {  	_ =	swait.ge [sflag:s3], $0x1800  }
0x67: {  	[sflag:s3] =	ssyncset.done $0x0  }
0x68: {  	s10 =	rddreg [dreg:$0xb];
	[sflag:s3] =	ssyncadd.s32 $0xFFFFE800  }
0x69: {  	[spmem:s10] =	stream.linear.scatter [tilespmem:s2], [sflag:$0x7], $0x1800, $0x38;
	[tilespmem:$0x1DDA0] =	vst v63  }
0x6a: {  	_ =	swait.ge [sflag:s3], $0x1800  }
0x6b: {  	[sflag:s3] =	ssyncset.done $0x0  }
0x6c: {  	[sflag:s3] =	ssyncadd.s32 $0xFFFFE800  }
0x6d: {  	[spmem:s14] =	stream.linear.scatter [tilespmem:s2], [sflag:$0x7], $0x1800, $0x38;
	[tilespmem:$0x1DDA0] =	vst v63  }
0x6e: {  	_ =	swait.ge [sflag:s3], $0x1800  }
0x6f: {  	[sflag:s3] =	ssyncset.done $0x0  }
0x70: {  	[sflag:s3] =	ssyncadd.s32 $0xFFFFE800  }
0x71: {  	[spmem:s26] =	stream.linear.scatter [tilespmem:s2], [sflag:$0x7], $0x1800, $0x38;
	[tilespmem:$0x1DDA0] =	vst v63  }
0x72: {  	_ =	swait.ge [sflag:s3], $0x1800  }
0x73: {  	[sflag:s3] =	ssyncset.done $0x0  }
0x74: {  	[sflag:s3] =	ssyncadd.s32 $0xFFFFE800  }
0x75: {  	[spmem:s28] =	stream.linear.scatter [tilespmem:s2], [sflag:$0x7], $0x1800, $0x38;
	[tilespmem:$0x1DDA0] =	vst v63  }
0x76: {  	_ =	swait.ge [sflag:s3], $0x1800  }
0x77: {  	[sflag:s3] =	ssyncset.done $0x0  }
0x78: {  	[sflag:s3] =	ssyncadd.s32 $0xFFFFE800  }
0x79: {  	[spmem:s29] =	stream.linear.scatter [tilespmem:s2], [sflag:$0x7], $0x1800, $0x38;
	[tilespmem:$0x1DDA0] =	vst v63  }
0x7a: {  	_ =	swait.ge [sflag:s3], $0x1800  }
0x7b: {  	[sflag:s3] =	ssyncset.done $0x0  }
0x7c: {  	[sflag:s3] =	ssyncadd.s32 $0xFFFFE800  }
0x7d: {  	[spmem:s30] =	stream.linear.scatter [tilespmem:s2], [sflag:$0x7], $0x100, $0x38;
	[tilespmem:$0x1DDA0] =	vst v63  }
0x7e: {  	_ =	swait.ge [sflag:s3], $0x100  }
0x7f: {  	[sflag:s3] =	ssyncset.done $0x0  }
0x80: {  	[sflag:s3] =	ssyncadd.s32 $0xFFFFFF00  }
0x81: {  	[bflag:$0x0] =	sbarrier.arrive $0xFFFF  }
.Ltmp3:
0x82: {  	s11 =	rddreg [dreg:$0xd];
	(pc) =	sbr.rel .LBB2_4-.Ltmp3, $4  }
0x83: {  	s6 =	simm.s32 $0x0;
	s13 =	rddreg [dreg:$0xe]  }
0x84: {  	[tilespmem:s4], [sflag:$0x1] =	stream.linear.gather [hbm4b:s11+s6], $0x2800, $0x38;
	[tilespmem:$0x1DDA0] =	vst v63  }
0x85: {  	s7 =	simm.s32 $0x20;
	s8 =	rddreg [dreg:$0x12]  }
0x86: {  	[tilespmem:s16], [sflag:$0x2] =	stream.linear.gather [hbm4b:s13+s6], $0x2800, $0x38;
	[tilespmem:$0x1DDA0] =	vst v63  }
.LBB2_7:
0x87: {  	[tilespmem:$0xA3B0] =	vst v1  }
0x88: {  	v1 =	vld [tilespmem:s7+$0xFFFFFFF0];
	_ =	sdelay $0x4  }
0x89: {  	[tilespmem:$0xA3C0] =	vst v1  }
0x8a: {  	v1 =	vld [tilespmem:s7+$0x0];
	_ =	sdelay $0x4  }
0x8b: {  	[tilespmem:$0xA3D0] =	vst v1  }
0x8c: {  	v1 =	vld [tilespmem:s7+$0x10];
	_ =	sdelay $0x4  }
0x8d: {  	[tilespmem:$0xA3E0] =	vst v1  }
0x8e: {  	v1 =	vld [tilespmem:s7+$0x20];
	_ =	sdelay $0x4  }
0x8f: {  	p1 =	sgt.u32 s6, $0x3C;
	[tilespmem:$0xA3F0] =	vst v1  }
0x90: {  	p2 =	seq.s32 @!p1 s6, $0x0;
	_ =	swait.ge [sflag:s17], $0x2800  }
0x91: {  	p2 =	por p2, p1;
	[sflag:s17] =	ssyncset.done $0x0  }
0x92: {  	s9 =	simm.s32 @!p2 $0x6;
	[sflag:s17] =	ssyncadd.s32 $0xFFFFD800  }
0x93: {  	[spmem:s1] =	stream.indirect.scatter.add.f32 [tilespmem:s4], [sflag:$0x4], $0x80, s19, s18, $0xb8;
	[tilespmem:$0x1DDA0] =	vst v63  }
0x94: {  	_ =	swait.ge @!p2 [sflag:s9], $0x2800  }
0x95: {  	[sflag:s9] =	ssyncset.done @!p2 $0x0  }
0x96: {  	s10 =	simm.s32 @!p1 $0x63B0;
	[sflag:s9] =	ssyncadd.s32 @!p2 $0xFFFFD800;
	s9 =	simm.s32 @!p1 $0x0  }
0x97: {  	[tilespmem:s10], [sflag:$0x3] =	stream.linear.gather @!p1 [hbm4b:s8+s9], $0x2800, $0x38;
	[tilespmem:$0x1DDA0] =	vst v63  }
.LBB2_9:
0x98: {  	s6 =	sadd.s32 $0x1, s6  }
0x99: {  	p1 =	sne.s32 s6, $0x3F  }
.Ltmp4:
0x9a: {  	_ = 	snop;
	(pc) =	sbr.rel @!p1 .LBB2_10-.Ltmp4, $2  }
0x9b: {  	_ =	sdelay $0x2  }
0x9c: {  	s8 =	sadd.s32 $0x500, s8;
	s7 =	sadd.s32 $0x50, s7  }
.LBB2_4:
0x9d: {  	s9 =	smul.u32 $0xAB, s6;
	_ =	sdelay $0x1  }
0x9e: {  	s9 =	sshrl.u32 s9, $0x9  }
0x9f: {  	s9 =	sand.u32 $0x7F, s9  }
0xa0: {  	s9 =	smul.u32 $0x3, s9;
	_ =	sdelay $0x1  }
0xa1: {  	s9 =	ssub.s32 s6, s9  }
0xa2: {  	s9 =	sand.u32 $0xFF, s9  }
0xa3: {  	p1 =	seq.s32 s9, $0x0  }
.Ltmp5:
0xa4: {  	v1 =	vld [tilespmem:s7+$0xFFFFFFE0];
	(pc) =	sbr.rel @p1 .LBB2_7-.Ltmp5, $1  }
0xa5: {  	_ =	sdelay $0x3  }
0xa6: {  	p1 =	seq.s32 s9, $0x2  }
.Ltmp6:
0xa7: {  	_ = 	snop;
	(pc) =	sbr.rel @!p1 .LBB2_6-.Ltmp6, $1  }
0xa8: {  	_ =	sdelay $0x3  }
0xa9: {  	[tilespmem:$0xA450] =	vst v1  }
0xaa: {  	v1 =	vld [tilespmem:s7+$0xFFFFFFF0];
	_ =	sdelay $0x4  }
0xab: {  	[tilespmem:$0xA460] =	vst v1  }
0xac: {  	v1 =	vld [tilespmem:s7+$0x0];
	_ =	sdelay $0x4  }
0xad: {  	[tilespmem:$0xA470] =	vst v1  }
0xae: {  	v1 =	vld [tilespmem:s7+$0x10];
	_ =	sdelay $0x4  }
0xaf: {  	[tilespmem:$0xA480] =	vst v1  }
0xb0: {  	v1 =	vld [tilespmem:s7+$0x20];
	_ =	sdelay $0x4  }
0xb1: {  	[tilespmem:$0xA490] =	vst v1  }
0xb2: {  	p1 =	sgt.u32 s6, $0x3C;
	_ =	swait.ge [sflag:s21], $0x2800  }
0xb3: {  	p2 =	seq.s32 @!p1 s6, $0x0;
	[sflag:s21] =	ssyncset.done $0x0  }
0xb4: {  	p2 =	por p2, p1;
	[sflag:s21] =	ssyncadd.s32 $0xFFFFD800  }
0xb5: {  	[spmem:s1] =	stream.indirect.scatter.add.f32 [tilespmem:s31], [sflag:$0x6], $0x80, s22, s18, $0xb8;
	[tilespmem:$0x1DDA0] =	vst v63  }
.Ltmp7:
0xb6: {  	s9 =	simm.s32 @!p2 $0x5;
	(pc) =	sbr.rel .LBB2_9-.Ltmp7, $4  }
0xb7: {  	_ =	swait.ge @!p2 [sflag:s9], $0x2800  }
0xb8: {  	[sflag:s9] =	ssyncset.done @!p2 $0x0  }
0xb9: {  	s10 =	simm.s32 @!p1 $0x3BB0;
	[sflag:s9] =	ssyncadd.s32 @!p2 $0xFFFFD800;
	s9 =	simm.s32 @!p1 $0x0  }
0xba: {  	[tilespmem:s10], [sflag:$0x2] =	stream.linear.gather @!p1 [hbm4b:s8+s9], $0x2800, $0x38;
	[tilespmem:$0x1DDA0] =	vst v63  }
.LBB2_6:
0xbb: {  	[tilespmem:$0xA400] =	vst v1  }
0xbc: {  	v1 =	vld [tilespmem:s7+$0xFFFFFFF0];
	_ =	sdelay $0x4  }
0xbd: {  	[tilespmem:$0xA410] =	vst v1  }
0xbe: {  	v1 =	vld [tilespmem:s7+$0x0];
	_ =	sdelay $0x4  }
0xbf: {  	[tilespmem:$0xA420] =	vst v1  }
0xc0: {  	v1 =	vld [tilespmem:s7+$0x10];
	_ =	sdelay $0x4  }
0xc1: {  	[tilespmem:$0xA430] =	vst v1  }
0xc2: {  	v1 =	vld [tilespmem:s7+$0x20];
	_ =	sdelay $0x4  }
0xc3: {  	[tilespmem:$0xA440] =	vst v1  }
0xc4: {  	_ =	swait.ge [sflag:s0], $0x2800  }
0xc5: {  	[sflag:s0] =	ssyncset.done $0x0  }
0xc6: {  	p1 =	slt.u32 s6, $0x3D;
	[sflag:s0] =	ssyncadd.s32 $0xFFFFD800  }
0xc7: {  	[spmem:s1] =	stream.indirect.scatter.add.f32 [tilespmem:s16], [sflag:$0x5], $0x80, s24, s18, $0xb8;
	[tilespmem:$0x1DDA0] =	vst v63  }
.Ltmp8:
0xc8: {  	s9 =	simm.s32 @p1 $0x4;
	(pc) =	sbr.rel .LBB2_9-.Ltmp8, $4  }
0xc9: {  	_ =	swait.ge @p1 [sflag:s9], $0x2800  }
0xca: {  	[sflag:s9] =	ssyncset.done @p1 $0x0  }
0xcb: {  	s10 =	simm.s32 @p1 $0x13B0;
	[sflag:s9] =	ssyncadd.s32 @p1 $0xFFFFD800;
	s9 =	simm.s32 @p1 $0x0  }
0xcc: {  	[tilespmem:s10], [sflag:$0x1] =	stream.linear.gather @p1 [hbm4b:s8+s9], $0x2800, $0x38;
	[tilespmem:$0x1DDA0] =	vst v63  }
.LBB2_10:
0xcd: {  	_ =	swait.ge [sflag:s15], $0x2800  }
0xce: {  	[sflag:s15] =	ssyncset.done $0x0  }
0xcf: {  	[sflag:s15] =	ssyncadd.s32 $0xFFFFD800  }
0xd0: {  	_ =	swait.ge [sflag:s20], $0x2800  }
0xd1: {  	[sflag:s20] =	ssyncset.done $0x0  }
0xd2: {  	[sflag:s20] =	ssyncadd.s32 $0xFFFFD800  }
0xd3: {  	_ =	swait.ge [sflag:s23], $0x2800  }
0xd4: {  	[sflag:s23] =	ssyncset.done $0x0  }
0xd5: {  	[sflag:s23] =	ssyncadd.s32 $0xFFFFD800  }
0xd6: {  	s6 =	stileid.u32;
	[bflag:$0x0] =	sbarrier.arrive $0xFFFF  }
0xd7: {  	s9 =	simm.s32 $0x10;
	s6 =	sshll.u32 s6, $0x6;
	s7 =	rddreg [dreg:$0xf]  }
0xd8: {  	s6 =	sor.u32 $0x1C07, s6;
	s11 =	rddreg [dreg:$0xc];
	s8 =	sshrl.u32 s7, $0x3  }
0xd9: {  	[hbm:s11@s12], [sflag:s6] =	dma.strided [spmem:s8@s9], $0x2700, s17, $0x10   }
0xda: {  	s10 =	simm.s32 @!p0 $0x40;
	s9 =	simm.s32 @!p0 $0x1;
	_ =	swait.ge [sflag:s3], $0x2700  }
0xdb: {  	s11 =	simm.s32 @!p0 $0x10;
	[sflag:s3] =	ssyncset.done $0x0;
	s7 =	rddreg [dreg:$0x17]  }
0xdc: {  	s12 =	rddreg [dreg:$0x14];
	[sflag:s3] =	ssyncadd.s32 $0xFFFFD900;
	s7 =	sshrl.u32 @!p0 s7, $0x3  }
0xdd: {  	[hbm:s12@s10], [sflag:s6] =	dma.strided @!p0 [spmem:s7@s11], $0x100, s9, $0x10   }
0xde: {  	s9 =	simm.s32 @!p0 $0x7  }
0xdf: {  	_ =	swait.ge @!p0 [sflag:s9], $0x100  }
0xe0: {  	[sflag:s9] =	ssyncset.done @!p0 $0x0  }
0xe1: {  	[sflag:s9] =	ssyncadd.s32 @!p0 $0xFFFFFF00  }
0xe2: {  	[bflag:$0x0] =	sbarrier.arrive $0xFFFF  }
0xe3: {  	[spmem:s5] =	stream.linear.scatter [tilespmem:s2], [sflag:$0x7], $0x1800, $0x38;
	[tilespmem:$0x1DDA0] =	vst v63  }
0xe4: {  	_ =	swait.ge [sflag:s3], $0x1800  }
0xe5: {  	[sflag:s3] =	ssyncset.done $0x0  }
0xe6: {  	s12 =	rddreg [dreg:$0x4];
	[sflag:s3] =	ssyncadd.s32 $0xFFFFE800  }
0xe7: {  	[spmem:s12] =	stream.linear.scatter [tilespmem:s2], [sflag:$0x7], $0x1800, $0x38;
	[tilespmem:$0x1DDA0] =	vst v63  }
0xe8: {  	_ =	swait.ge [sflag:s3], $0x1800  }
0xe9: {  	[sflag:s3] =	ssyncset.done $0x0  }
0xea: {  	s13 =	rddreg [dreg:$0x5];
	[sflag:s3] =	ssyncadd.s32 $0xFFFFE800  }
0xeb: {  	[spmem:s13] =	stream.linear.scatter [tilespmem:s2], [sflag:$0x7], $0x1800, $0x38;
	[tilespmem:$0x1DDA0] =	vst v63  }
0xec: {  	_ =	swait.ge [sflag:s3], $0x1800  }
0xed: {  	[sflag:s3] =	ssyncset.done $0x0  }
0xee: {  	s10 =	rddreg [dreg:$0x6];
	[sflag:s3] =	ssyncadd.s32 $0xFFFFE800  }
0xef: {  	[spmem:s10] =	stream.linear.scatter [tilespmem:s2], [sflag:$0x7], $0x1800, $0x38;
	[tilespmem:$0x1DDA0] =	vst v63  }
0xf0: {  	_ =	swait.ge [sflag:s3], $0x1800  }
0xf1: {  	[sflag:s3] =	ssyncset.done $0x0  }
0xf2: {  	s11 =	rddreg [dreg:$0x7];
	[sflag:s3] =	ssyncadd.s32 $0xFFFFE800  }
0xf3: {  	[spmem:s11] =	stream.linear.scatter [tilespmem:s2], [sflag:$0x7], $0x1800, $0x38;
	[tilespmem:$0x1DDA0] =	vst v63  }
0xf4: {  	_ =	swait.ge [sflag:s3], $0x1800  }
0xf5: {  	[sflag:s3] =	ssyncset.done $0x0  }
0xf6: {  	s12 =	rddreg [dreg:$0x8];
	[sflag:s3] =	ssyncadd.s32 $0xFFFFE800  }
0xf7: {  	[spmem:s12] =	stream.linear.scatter [tilespmem:s2], [sflag:$0x7], $0x1800, $0x38;
	[tilespmem:$0x1DDA0] =	vst v63  }
0xf8: {  	_ =	swait.ge [sflag:s3], $0x1800  }
0xf9: {  	[sflag:s3] =	ssyncset.done $0x0  }
0xfa: {  	s13 =	rddreg [dreg:$0x9];
	[sflag:s3] =	ssyncadd.s32 $0xFFFFE800  }
0xfb: {  	[spmem:s13] =	stream.linear.scatter [tilespmem:s2], [sflag:$0x7], $0x1800, $0x38;
	[tilespmem:$0x1DDA0] =	vst v63  }
0xfc: {  	_ =	swait.ge [sflag:s3], $0x1800  }
0xfd: {  	[sflag:s3] =	ssyncset.done $0x0  }
0xfe: {  	s10 =	rddreg [dreg:$0xa];
	[sflag:s3] =	ssyncadd.s32 $0xFFFFE800  }
0xff: {  	[spmem:s10] =	stream.linear.scatter [tilespmem:s2], [sflag:$0x7], $0x1800, $0x38;
	[tilespmem:$0x1DDA0] =	vst v63  }
0x100: {  	_ =	swait.ge [sflag:s3], $0x1800  }
0x101: {  	[sflag:s3] =	ssyncset.done $0x0  }
0x102: {  	s11 =	rddreg [dreg:$0xb];
	[sflag:s3] =	ssyncadd.s32 $0xFFFFE800  }
0x103: {  	[spmem:s11] =	stream.linear.scatter [tilespmem:s2], [sflag:$0x7], $0x1800, $0x38;
	[tilespmem:$0x1DDA0] =	vst v63  }
0x104: {  	_ =	swait.ge [sflag:s3], $0x1800  }
0x105: {  	[sflag:s3] =	ssyncset.done $0x0  }
0x106: {  	[sflag:s3] =	ssyncadd.s32 $0xFFFFE800  }
0x107: {  	[spmem:s14] =	stream.linear.scatter [tilespmem:s2], [sflag:$0x7], $0x1800, $0x38;
	[tilespmem:$0x1DDA0] =	vst v63  }
0x108: {  	_ =	swait.ge [sflag:s3], $0x1800  }
0x109: {  	[sflag:s3] =	ssyncset.done $0x0  }
0x10a: {  	[sflag:s3] =	ssyncadd.s32 $0xFFFFE800  }
0x10b: {  	[spmem:s26] =	stream.linear.scatter [tilespmem:s2], [sflag:$0x7], $0x1800, $0x38;
	[tilespmem:$0x1DDA0] =	vst v63  }
0x10c: {  	_ =	swait.ge [sflag:s3], $0x1800  }
0x10d: {  	[sflag:s3] =	ssyncset.done $0x0  }
0x10e: {  	[sflag:s3] =	ssyncadd.s32 $0xFFFFE800  }
0x10f: {  	[spmem:s28] =	stream.linear.scatter [tilespmem:s2], [sflag:$0x7], $0x1800, $0x38;
	[tilespmem:$0x1DDA0] =	vst v63  }
0x110: {  	_ =	swait.ge [sflag:s3], $0x1800  }
0x111: {  	[sflag:s3] =	ssyncset.done $0x0  }
0x112: {  	[sflag:s3] =	ssyncadd.s32 $0xFFFFE800  }
0x113: {  	[spmem:s29] =	stream.linear.scatter [tilespmem:s2], [sflag:$0x7], $0x1800, $0x38;
	[tilespmem:$0x1DDA0] =	vst v63  }
0x114: {  	_ =	swait.ge [sflag:s3], $0x1800  }
0x115: {  	[sflag:s3] =	ssyncset.done $0x0  }
0x116: {  	[sflag:s3] =	ssyncadd.s32 $0xFFFFE800  }
0x117: {  	[spmem:s30] =	stream.linear.scatter [tilespmem:s2], [sflag:$0x7], $0x100, $0x38;
	[tilespmem:$0x1DDA0] =	vst v63  }
0x118: {  	_ =	swait.ge [sflag:s3], $0x100  }
0x119: {  	[sflag:s3] =	ssyncset.done $0x0  }
0x11a: {  	[sflag:s3] =	ssyncadd.s32 $0xFFFFFF00  }
0x11b: {  	[bflag:$0x0] =	sbarrier.arrive $0xFFFF  }
.Ltmp9:
0x11c: {  	s12 =	rddreg [dreg:$0x10];
	(pc) =	sbr.rel .LBB2_11-.Ltmp9, $4  }
0x11d: {  	s9 =	simm.s32 $0x0;
	s13 =	rddreg [dreg:$0x11]  }
0x11e: {  	[tilespmem:s4], [sflag:$0x1] =	stream.linear.gather [hbm4b:s12+s9], $0x2800, $0x38;
	[tilespmem:$0x1DDA0] =	vst v63  }
0x11f: {  	s10 =	simm.s32 $0x20;
	s11 =	rddreg [dreg:$0x13]  }
0x120: {  	[tilespmem:s16], [sflag:$0x2] =	stream.linear.gather [hbm4b:s13+s9], $0x2800, $0x38;
	[tilespmem:$0x1DDA0] =	vst v63  }
.LBB2_14:
0x121: {  	[tilespmem:$0xA3B0] =	vst v1  }
0x122: {  	v1 =	vld [tilespmem:s10+$0xFFFFFFF0];
	_ =	sdelay $0x4  }
0x123: {  	[tilespmem:$0xA3C0] =	vst v1  }
0x124: {  	v1 =	vld [tilespmem:s10+$0x0];
	_ =	sdelay $0x4  }
0x125: {  	[tilespmem:$0xA3D0] =	vst v1  }
0x126: {  	v1 =	vld [tilespmem:s10+$0x10];
	_ =	sdelay $0x4  }
0x127: {  	[tilespmem:$0xA3E0] =	vst v1  }
0x128: {  	v1 =	vld [tilespmem:s10+$0x20];
	_ =	sdelay $0x4  }
0x129: {  	p1 =	sgt.u32 s9, $0x3C;
	[tilespmem:$0xA3F0] =	vst v1  }
0x12a: {  	p2 =	seq.s32 @!p1 s9, $0x0;
	_ =	swait.ge [sflag:s17], $0x2800  }
0x12b: {  	p2 =	por p2, p1;
	[sflag:s17] =	ssyncset.done $0x0  }
0x12c: {  	s12 =	simm.s32 @!p2 $0x6;
	[sflag:s17] =	ssyncadd.s32 $0xFFFFD800  }
0x12d: {  	[spmem:s1] =	stream.indirect.scatter.add.f32 [tilespmem:s4], [sflag:$0x4], $0x80, s19, s18, $0xb8;
	[tilespmem:$0x1DDA0] =	vst v63  }
0x12e: {  	_ =	swait.ge @!p2 [sflag:s12], $0x2800  }
0x12f: {  	[sflag:s12] =	ssyncset.done @!p2 $0x0  }
0x130: {  	s13 =	simm.s32 @!p1 $0x63B0;
	[sflag:s12] =	ssyncadd.s32 @!p2 $0xFFFFD800;
	s12 =	simm.s32 @!p1 $0x0  }
0x131: {  	[tilespmem:s13], [sflag:$0x3] =	stream.linear.gather @!p1 [hbm4b:s11+s12], $0x2800, $0x38;
	[tilespmem:$0x1DDA0] =	vst v63  }
.LBB2_16:
0x132: {  	s9 =	sadd.s32 $0x1, s9  }
0x133: {  	p1 =	sne.s32 s9, $0x3F  }
.Ltmp10:
0x134: {  	_ = 	snop;
	(pc) =	sbr.rel @!p1 .LBB2_17-.Ltmp10, $2  }
0x135: {  	_ =	sdelay $0x2  }
0x136: {  	s11 =	sadd.s32 $0x500, s11;
	s10 =	sadd.s32 $0x50, s10  }
.LBB2_11:
0x137: {  	s12 =	smul.u32 $0xAB, s9;
	_ =	sdelay $0x1  }
0x138: {  	s12 =	sshrl.u32 s12, $0x9  }
0x139: {  	s12 =	sand.u32 $0x7F, s12  }
0x13a: {  	s12 =	smul.u32 $0x3, s12;
	_ =	sdelay $0x1  }
0x13b: {  	s12 =	ssub.s32 s9, s12  }
0x13c: {  	s12 =	sand.u32 $0xFF, s12  }
0x13d: {  	p1 =	seq.s32 s12, $0x0  }
.Ltmp11:
0x13e: {  	v1 =	vld [tilespmem:s10+$0xFFFFFFE0];
	(pc) =	sbr.rel @p1 .LBB2_14-.Ltmp11, $1  }
0x13f: {  	_ =	sdelay $0x3  }
0x140: {  	p1 =	seq.s32 s12, $0x2  }
.Ltmp12:
0x141: {  	_ = 	snop;
	(pc) =	sbr.rel @!p1 .LBB2_13-.Ltmp12, $1  }
0x142: {  	_ =	sdelay $0x3  }
0x143: {  	[tilespmem:$0xA450] =	vst v1  }
0x144: {  	v1 =	vld [tilespmem:s10+$0xFFFFFFF0];
	_ =	sdelay $0x4  }
0x145: {  	[tilespmem:$0xA460] =	vst v1  }
0x146: {  	v1 =	vld [tilespmem:s10+$0x0];
	_ =	sdelay $0x4  }
0x147: {  	[tilespmem:$0xA470] =	vst v1  }
0x148: {  	v1 =	vld [tilespmem:s10+$0x10];
	_ =	sdelay $0x4  }
0x149: {  	[tilespmem:$0xA480] =	vst v1  }
0x14a: {  	v1 =	vld [tilespmem:s10+$0x20];
	_ =	sdelay $0x4  }
0x14b: {  	[tilespmem:$0xA490] =	vst v1  }
0x14c: {  	p1 =	sgt.u32 s9, $0x3C;
	_ =	swait.ge [sflag:s21], $0x2800  }
0x14d: {  	p2 =	seq.s32 @!p1 s9, $0x0;
	[sflag:s21] =	ssyncset.done $0x0  }
0x14e: {  	p2 =	por p2, p1;
	[sflag:s21] =	ssyncadd.s32 $0xFFFFD800  }
0x14f: {  	[spmem:s1] =	stream.indirect.scatter.add.f32 [tilespmem:s31], [sflag:$0x6], $0x80, s22, s18, $0xb8;
	[tilespmem:$0x1DDA0] =	vst v63  }
.Ltmp13:
0x150: {  	s12 =	simm.s32 @!p2 $0x5;
	(pc) =	sbr.rel .LBB2_16-.Ltmp13, $4  }
0x151: {  	_ =	swait.ge @!p2 [sflag:s12], $0x2800  }
0x152: {  	[sflag:s12] =	ssyncset.done @!p2 $0x0  }
0x153: {  	s13 =	simm.s32 @!p1 $0x3BB0;
	[sflag:s12] =	ssyncadd.s32 @!p2 $0xFFFFD800;
	s12 =	simm.s32 @!p1 $0x0  }
0x154: {  	[tilespmem:s13], [sflag:$0x2] =	stream.linear.gather @!p1 [hbm4b:s11+s12], $0x2800, $0x38;
	[tilespmem:$0x1DDA0] =	vst v63  }
.LBB2_13:
0x155: {  	[tilespmem:$0xA400] =	vst v1  }
0x156: {  	v1 =	vld [tilespmem:s10+$0xFFFFFFF0];
	_ =	sdelay $0x4  }
0x157: {  	[tilespmem:$0xA410] =	vst v1  }
0x158: {  	v1 =	vld [tilespmem:s10+$0x0];
	_ =	sdelay $0x4  }
0x159: {  	[tilespmem:$0xA420] =	vst v1  }
0x15a: {  	v1 =	vld [tilespmem:s10+$0x10];
	_ =	sdelay $0x4  }
0x15b: {  	[tilespmem:$0xA430] =	vst v1  }
0x15c: {  	v1 =	vld [tilespmem:s10+$0x20];
	_ =	sdelay $0x4  }
0x15d: {  	[tilespmem:$0xA440] =	vst v1  }
0x15e: {  	_ =	swait.ge [sflag:s0], $0x2800  }
0x15f: {  	[sflag:s0] =	ssyncset.done $0x0  }
0x160: {  	p1 =	slt.u32 s9, $0x3D;
	[sflag:s0] =	ssyncadd.s32 $0xFFFFD800  }
0x161: {  	[spmem:s1] =	stream.indirect.scatter.add.f32 [tilespmem:s16], [sflag:$0x5], $0x80, s24, s18, $0xb8;
	[tilespmem:$0x1DDA0] =	vst v63  }
.Ltmp14:
0x162: {  	s12 =	simm.s32 @p1 $0x4;
	(pc) =	sbr.rel .LBB2_16-.Ltmp14, $4  }
0x163: {  	_ =	swait.ge @p1 [sflag:s12], $0x2800  }
0x164: {  	[sflag:s12] =	ssyncset.done @p1 $0x0  }
0x165: {  	s13 =	simm.s32 @p1 $0x13B0;
	[sflag:s12] =	ssyncadd.s32 @p1 $0xFFFFD800;
	s12 =	simm.s32 @p1 $0x0  }
0x166: {  	[tilespmem:s13], [sflag:$0x1] =	stream.linear.gather @p1 [hbm4b:s11+s12], $0x2800, $0x38;
	[tilespmem:$0x1DDA0] =	vst v63  }
.LBB2_18:
0x167: {  	_ =	sfence.sel $0x180000  }
0x168: {  	[bflag:$0x0] =	sbarrier.arrive $0xFFFF  }
0x169: {  	_ =	strace $0x9000004A  }
0x16a: {  	[bflag:$0x2] =	sbarrier.arrive $0xFFFF  }
0x16b: {  	s0 =	rddreg [dreg:$0x2]  }
0x16c: {  	s0 =	sadd.s32 @!p0 $0x100000, s0  }
0x16d: {  	[sflag:s0] =	ssyncadd.tile.s32 @!p0 $0x1;
	_ =	shalt  }
.Lfunc_end2:
_tile_overlayer_lowered:
.L_overlay_start_2:
0x16e: {  	(tag) =	ssettag $0x2  }
0x16f: {  	s0 =	rddreg [dreg:$0x0];
	s2 =	stileid.u32  }
0x170: {  	s1 =	rddreg [dreg:$0x1];
	p0 =	sne.s32 s2, $0x0  }
0x171: {  	s3 =	rddreg [dreg:$0x2];
	[bflag:$0x3] =	sbarrier.arrive $0xFFFF;
	s2 =	simm.s32 @!p0 $0x1C07  }
0x172: {  	[timem:s3], [sflag:s2] =	dma.local @!p0 [hbm:s0], s1  }
0x173: {  	s0 =	simm.s32 @!p0 $0x7  }
0x174: {  	_ =	swait.ge @!p0 [sflag:s0], s1  }
0x175: {  	s1 =	ssub.s32 @!p0 $0x0, s1;
	[sflag:s0] =	ssyncset.done @!p0 $0x0  }
0x176: {  	[sflag:s0] =	ssyncadd.s32 @!p0 s1  }
0x177: {  	[bflag:$0x3] =	sbarrier.arrive $0xFFFF  }
0x178: {  	_ =	shalt  }

// kernel: kernel.15.cloned.1.call-start
scs
__scs_entry_jumppad:
0x0: {  	(pc) =	sbr.rel $0x88, $3  }
0x1: {  	(tag) =	ssettag $0x0;
	lr =	simm.s32 $0x1  }
0x2: {  	[smem:$0x3F9B] =	sst lr;
	_ =	strace $0xD0000000  }
0x3: {  	_ = 	snop  }
0x4: {  	_ = 	snop  }
0x5: {  	_ = 	snop  }
0x6: {  	_ = 	snop  }
0x7: {  	_ = 	snop  }
__scs_overlays_trampoline_lowered:
0x8: {  	[smem:$0x3FAA] =	sst s0  }
0x9: {  	[smem:$0x3FAB] =	sst s1  }
0xa: {  	[smem:$0x3FAC] =	sst s2  }
0xb: {  	[smem:$0x3FAD] =	sst s3  }
0xc: {  	[smem:$0x3FAE] =	sst s4  }
0xd: {  	[smem:$0x3FAF] =	sst s5  }
0xe: {  	[smem:$0x3FB0] =	sst s6  }
0xf: {  	[smem:$0x3FB1] =	sst s7  }
0x10: {  	[smem:$0x3FB2] =	sst s8  }
0x11: {  	[smem:$0x3FB3] =	sst s9;
	s0 =	simm.s32 @!p0 $0x0  }
0x12: {  	s1 =	sld [smem:$0x3F99];
	s0 =	simm.s32 @p0 $0x1  }
0x13: {  	[smem:$0x3FB4] =	sst s0;
	s0 =	simm.s32 @!p1 $0x0  }
0x14: {  	s2 =	sld [smem:$0x3F98];
	s0 =	simm.s32 @p1 $0x1  }
0x15: {  	[smem:$0x3FB5] =	sst s0;
	s0 =	simm.s32 @!p2 $0x0  }
0x16: {  	s3 =	sld [smem:$0x3FDB];
	s0 =	simm.s32 @p2 $0x1  }
0x17: {  	s4 =	simm.s32 $0x1BF5;
	[smem:$0x3FB7] =	sst s0  }
0x18: {  	s0 =	sld [smem:$0x3F9A];
	_ =	swait.ge [sflag:s4], $0x0  }
0x19: {  	s7 =	sld [smem:$0x3F9B]  }
0x1a: {  	s8 =	sadd.s32 $0xFFFFE003, lr  }
0x1b: {  	s9 =	sadd.s32 $0xFFFFFEF7, lr;
	s5 =	simm.s32 $0xFFFFFFFF;
	p2 =	slt.u32 s8, $0xFFFFF086  }
0x1c: {  	p1 =	slt.u32 s9, $0xF7A;
	s5 =	simm.s32 @!p2 $0x0  }
0x1d: {  	s5 =	simm.s32 @p1 $0x1;
	p0 =	seq.s32 s7, s2  }
0x1e: {  	s7 =	smul.u32 @!p0 $0xF7A, s2;
	p2 =	seq.s32 @!p0 s5, $0x0  }
0x1f: {  	s9 =	smul.u32 $0xF7A, s1;
	s8 =	simm.s32 @!p0 $0x1BF5;
	p2 =	por !p2, p0  }
0x20: {  	[sflag:s8] =	ssyncset.s32 @!p0 $0xFFFFF086;
	s6 =	sadd.s32 @!p0 s3, s7;
	s7 =	simm.s32 @!p0 $0x108  }
0x21: {  	s3 =	sadd.s32 s3, s9;
	s6 =	sadd.s32 @!p0 $0x88, s6;
	s7 =	simm.s32 @p2 $0x1082  }
0x22: {  	[simem:s7], [sflag:s8] =	dma.local @!p0 [hbm:s6], $0xF7A  }
0x23: {  	s9 =	sor.u32 $0xD0000000, s2;
	s6 =	simm.s32 $0x108;
	_ =	swait.ge @!p0 [sflag:s8], $0x0  }
0x24: {  	s3 =	sadd.s32 $0x88, s3;
	s6 =	simm.s32 @!p1 $0x1082;
	[sflag:s4] =	ssyncset.s32 $0xFFFFF086  }
0x25: {  	[simem:s6], [sflag:s4] =	dma.local [hbm:s3], $0xF7A  }
0x26: {  	[smem:$0x3F9B] =	sst s1;
	(tag) =	ssettag s2;
	_ =	strace s9  }
0x27: {  	s1 =	sld [smem:$0x3FAB]  }
0x28: {  	s2 =	sld [smem:$0x3FAC]  }
0x29: {  	s4 =	sld [smem:$0x3FAE]  }
0x2a: {  	p0 =	seq.s32 s5, $0x0;
	s5 =	sld [smem:$0x3FAF]  }
0x2b: {  	s6 =	sld [smem:$0x3FB0]  }
0x2c: {  	s7 =	sld [smem:$0x3FB1]  }
0x2d: {  	s3 =	simm.s32 $0x108;
	s8 =	sld [smem:$0x3FB2]  }
0x2e: {  	s3 =	simm.s32 @!p0 $0x1082;
	s9 =	sld [smem:$0x3FB3]  }
0x2f: {  	lr =	sadd.s32 s0, s3;
	s0 =	sld [smem:$0x3FAA]  }
0x30: {  	s3 =	sld [smem:$0x3FAD]  }
0x31: {  	[smem:$0x3FB6] =	sst s10  }
0x32: {  	s10 =	sld [smem:$0x3FB4];
	_ =	sdelay $0x3  }
0x33: {  	p0 =	seq.s32 s10, $0x1;
	s10 =	sld [smem:$0x3FB6];
	_ =	sdelay $0x3  }
0x34: {  	[smem:$0x3FB6] =	sst s10  }
0x35: {  	s10 =	sld [smem:$0x3FB5];
	_ =	sdelay $0x3  }
0x36: {  	p1 =	seq.s32 s10, $0x1;
	s10 =	sld [smem:$0x3FB6];
	_ =	sdelay $0x3  }
0x37: {  	[smem:$0x3FB6] =	sst s10  }
0x38: {  	s10 =	sld [smem:$0x3FB7]  }
0x39: {  	_ = 	snop;
	(pc) =	sbr.ind lr, $3  }
0x3a: {  	_ = 	snop  }
0x3b: {  	_ = 	snop  }
0x3c: {  	p2 =	seq.s32 s10, $0x1;
	s10 =	sld [smem:$0x3FB6]  }
0x3d: {  	_ =	shalt  }
0x3e: {  	_ =	shalt  }
0x3f: {  	_ =	shalt  }
0x40: {  	_ =	shalt  }
0x41: {  	_ =	shalt  }
0x42: {  	_ =	shalt  }
0x43: {  	_ =	shalt  }
0x44: {  	_ =	shalt  }
0x45: {  	_ =	shalt  }
0x46: {  	_ =	shalt  }
0x47: {  	_ =	shalt  }
0x48: {  	_ =	shalt  }
0x49: {  	_ =	shalt  }
0x4a: {  	_ =	shalt  }
0x4b: {  	_ =	shalt  }
0x4c: {  	_ =	shalt  }
0x4d: {  	_ =	shalt  }
0x4e: {  	_ =	shalt  }
0x4f: {  	_ =	shalt  }
0x50: {  	_ =	shalt  }
0x51: {  	_ =	shalt  }
0x52: {  	_ =	shalt  }
0x53: {  	_ =	shalt  }
0x54: {  	_ =	shalt  }
0x55: {  	_ =	shalt  }
0x56: {  	_ =	shalt  }
0x57: {  	_ =	shalt  }
0x58: {  	_ =	shalt  }
0x59: {  	_ =	shalt  }
0x5a: {  	_ =	shalt  }
0x5b: {  	_ =	shalt  }
0x5c: {  	_ =	shalt  }
0x5d: {  	_ =	shalt  }
0x5e: {  	_ =	shalt  }
0x5f: {  	_ =	shalt  }
0x60: {  	_ =	shalt  }
0x61: {  	_ =	shalt  }
0x62: {  	_ =	shalt  }
0x63: {  	_ =	shalt  }
0x64: {  	_ =	shalt  }
0x65: {  	_ =	shalt  }
0x66: {  	_ =	shalt  }
0x67: {  	_ =	shalt  }
0x68: {  	_ =	shalt  }
0x69: {  	_ =	shalt  }
0x6a: {  	_ =	shalt  }
0x6b: {  	_ =	shalt  }
0x6c: {  	_ =	shalt  }
0x6d: {  	_ =	shalt  }
0x6e: {  	_ =	shalt  }
0x6f: {  	_ =	shalt  }
0x70: {  	_ =	shalt  }
0x71: {  	_ =	shalt  }
0x72: {  	_ =	shalt  }
0x73: {  	_ =	shalt  }
0x74: {  	_ =	shalt  }
0x75: {  	_ =	shalt  }
0x76: {  	_ =	shalt  }
0x77: {  	_ =	shalt  }
0x78: {  	_ =	shalt  }
0x79: {  	_ =	shalt  }
0x7a: {  	_ =	shalt  }
0x7b: {  	_ =	shalt  }
0x7c: {  	_ =	shalt  }
0x7d: {  	_ =	shalt  }
0x7e: {  	_ =	shalt  }
0x7f: {  	_ =	shalt  }
0x80: {  	_ =	shalt  }
0x81: {  	_ =	shalt  }
0x82: {  	_ =	shalt  }
0x83: {  	_ =	shalt  }
0x84: {  	_ =	shalt  }
0x85: {  	_ =	shalt  }
0x86: {  	_ =	shalt  }
0x87: {  	_ =	shalt  }
.Lfunc_end0:
.L_simem_size_0:
called_computation.2_lowered:
.L_overlay_start_0:
0x88: {  	s2 =	sld [smem:$0x3FD9]  }
0x89: {  	s3 =	sld [smem:$0x3FFE];
	_ =	sdelay $0x1  }
0x8a: {  	s1 =	srdreg.scid  }
0x8b: {  	s0 =	sand.u32 $0x1, s1  }
0x8c: {  	s17 =	sshll.u32 s0, $0xA;
	s2 =	sadd.s32 s3, s2  }
0x8d: {  	s2 =	sadd.s32 s2, s17  }
0x8e: {  	[smem:$0x3FC2] =	sst s2  }
0x8f: {  	_ = 	snop  }
0x90: {  	s2 =	sld [smem:$0x3FD0];
	(tm) =	ssettm $0x1  }
0x91: {  	s18 =	sld [smem:$0x3FFB];
	_ =	sdelay $0x3  }
0x92: {  	_ =	strace s18  }
0x93: {  	s3 =	sld [smem:$0x3FFC];
	_ =	sdelay $0x3  }
0x94: {  	_ =	strace s3  }
0x95: {  	s3 =	sld [smem:$0x3FFD];
	_ =	sdelay $0x3  }
0x96: {  	_ =	strace s3  }
0x97: {  	_ =	strace $0x8FFFFFFF  }
0x98: {  	s19 =	sld [smem:$0x3FDB];
	_ =	sdelay $0x1  }
0x99: {  	s4 =	simm.s32 $_scs_section_size  }
0x9a: {  	s5 =	simm.s32 $_size__tile_overlayer_lowered;
	s6 =	simm.s32 $_tile_overlayer_lowered  }
0x9b: {  	s22 =	simm.s32 $0x1BFF;
	s21 =	sshll.u32 s6, $0x1;
	s3 =	sadd.s32 s4, s19  }
0x9c: {  	s7 =	simm.s32 $0x0;
	s20 =	sshll.u32 s5, $0x1;
	s5 =	sadd.s32 s21, s3  }
0x9d: {  	[timem:s7], [sflag:s22] =	dma.local [hbm:s5], s20  }
0x9e: {  	_ =	swait.ge [sflag:s22], s20  }
0x9f: {  	s4 =	ssub.s32 $0x0, s20;
	[sflag:s22] =	ssyncset.done $0x0  }
0xa0: {  	[sflag:s22] =	ssyncadd.s32 s4;
	_ =	sdelay $0x1  }
0xa1: {  	s23 =	simm.s32 $0x1B8B  }
0xa2: {  	_ =	swait.ge [sflag:s23], $0x1  }
0xa3: {  	[sflag:s23] =	ssyncset.done $0x0  }
0xa4: {  	s25 =	simm.s32 $0x1B8E;
	s24 =	sld [smem:$0x3FFE];
	[sflag:s23] =	ssyncadd.s32 $0xFFFFFFFF  }
0xa5: {  	s26 =	simm.s32 $execute0_lowered;
	[smem:$0x3FD2] =	sst s25  }
0xa6: {  	s5 =	sshll.u32 s26, $0x1;
	_ =	strace $0x8000004C;
	[dreg:$0x1] =	wrdreg $0xFFFFFFFF  }
0xa7: {  	s28 =	simm.s32 $_size_execute0_lowered;
	s3 =	sadd.s32 s3, s5;
	[dreg:$0x0] =	wrdreg $0x0  }
0xa8: {  	s5 =	sshll.u32 s28, $0x1;
	[dreg:$0x2] =	wrdreg s3  }
0xa9: {  	[dreg:$0x3] =	wrdreg s5  }
0xaa: {  	[dreg:$0x4] =	wrdreg $0xC0  }
0xab: {  	_ =	task [dreg:s7], $0x5FFFF  }
0xac: {  	[dreg:$0x1] =	wrdreg $0xFFFFFFFF  }
0xad: {  	[dreg:$0x0] =	wrdreg $0x60  }
0xae: {  	[dreg:$0x2] =	wrdreg s24  }
0xaf: {  	[dreg:$0x3] =	wrdreg s2  }
0xb0: {  	[dreg:$0x4] =	wrdreg $0xA4500  }
0xb1: {  	[dreg:$0x5] =	wrdreg $0x9  }
0xb2: {  	_ =	task.clear_ibuf [dreg:s7], $0x6FFFF;
	_ =	strace $0x9000004C  }
0xb3: {  	s29 =	simm.s32 $0x9;
	_ =	strace $0x8000004E  }
0xb4: {  	_ =	swait.ge [sflag:s29], $0x1  }
0xb5: {  	[sflag:s29] =	ssyncadd.s32 $0xFFFFFFFF  }
0xb6: {  	_ =	strace $0x9000004E  }
0xb7: {  	_ =	sfence  }
0xb8: {  	s30 =	sld [smem:$0x0];
	_ =	sdelay $0x2  }
0xb9: {  	s31 =	sshll.u32 s1, $0xD;
	s1 =	sshrl.u32 s1, $0x2  }
0xba: {  	s3 =	sand.u32 $0x4000, s31;
	s1 =	sadd.s32 s1, s30  }
0xbb: {  	s0 =	sor.u32 s3, s0;
	s1 =	sshll.u32 s1, $0x11  }
0xbc: {  	s0 =	sor.u32 s1, s0  }
0xbd: {  	s0 =	sadd.s32 $0x8F2B, s0  }
0xbe: {  	[sflag:s0] =	ssyncadd.remote.s32 $0x1  }
0xbf: {  	_ =	sfence.sel $0xFFFF  }
0xc0: {  	[dreg:$0x0] =	wrdreg $0xFFFFFFFF;
	(pc) =	sbr.abs _section_cstart, $3  }
0xc1: {  	[dreg:$0x1] =	wrdreg $0xFFFFFFFF  }
0xc2: {  	_ =	task.clear_ibuf [dreg:s7], $0x2FFFF;
	_ =	strace $0x9FFFFFFF  }
0xc3: {  	(tm) =	ssettm $0x7FFFFFFF  }
tec
execute0_lowered:
.L_overlay_start_1:
0x0: {  	(tag) =	ssettag $0x1  }
0x1: {  	s2 =	rddreg [dreg:$0x0]  }
0x2: {  	s0 =	rddreg [dreg:$0x1]  }
0x3: {  	s1 =	rddreg [dreg:$0x2];
	s20 =	stileid.u32;
	s4 =	simm.s32 $0x0  }
0x4: {  	s18 =	srdreg.scid;
	s28 =	simm.s32 $0x1;
	s3 =	smul.u32 $0x1360, s20  }
0x5: {  	s29 =	simm.s32 $0x50;
	s30 =	simm.s32 $0xA360;
	s8 =	smul.u32 $0x4E400, s20  }
0x6: {  	s31 =	simm.s32 $0x6;
	[smem:$0x7FF] =	sst s4;
	s11 =	smul.u32 $0x9B000, s20  }
0x7: {  	s4 =	sand.u32 $0x1, s18;
	s6 =	sadd.s32 $0x832E00, s2;
	s14 =	smul.u32 $0x4E000, s20  }
0x8: {  	p1 =	seq.s32 s20, $0xF;
	p0 =	sne.s32 s20, $0x0;
	_ =	strace $0x8000004D  }
0x9: {  	s5 =	ssub.s32 $0x2, s4;
	s19 =	sshll.u32 s4, $0x8;
	s10 =	smul.u32 $0x1360000, s4  }
0xa: {  	s4 =	sshll.u32 s4, $0x5;
	s3 =	sshrl.u32 s3, $0x3;
	s7 =	sshrl.u32 s5, $0x1  }
0xb: {  	s21 =	sor.u32 s19, s8;
	s22 =	sshrl.u32 s8, $0x2;
	s16 =	sadd.s32 $0x2800, s11  }
0xc: {  	s17 =	sor.u32 s19, s14;
	s18 =	sshrl.u32 s14, $0x2;
	s3 =	sadd.s32 s3, s2  }
0xd: {  	s2 =	sadd.s32 $0x796A00, s2;
	s9 =	ssub.s32 s5, s7;
	s5 =	sadd.s32 s22, s1  }
0xe: {  	s7 =	sshrl.u32 s21, $0x3;
	s13 =	sadd.s32 s11, s10;
	s24 =	sadd.s32 s10, s16  }
0xf: {  	s17 =	sshrl.u32 s17, $0x3;
	s26 =	sadd.s32 s18, s1;
	s10 =	sadd.s32 $0x9B0000, s10  }
0x10: {  	s3 =	sadd.s32 $0x272200, s3;
	s7 =	sadd.s32 s2, s7;
	s12 =	sadd.s32 s4, s2  }
0x11: {  	s23 =	sshrl.u32 s13, $0x3;
	s25 =	sadd.s32 s0, s17;
	[dreg:$0xa] =	wrdreg s26  }
0x12: {  	s4 =	sadd.s32 s4, s0;
	s11 =	sadd.s32 s11, s10;
	s10 =	sadd.s32 s16, s10  }
0x13: {  	s21 =	smax.u32 s9, $0x1;
	s9 =	simm.s32 $0x0;
	[dreg:$0x4] =	wrdreg s3  }
0x14: {  	[dreg:$0x5] =	wrdreg s7;
	s7 =	sadd.s32 $0x125700, s1;
	s15 =	sadd.s32 $0x92B80, s12  }
0x15: {  	[dreg:$0x9] =	wrdreg s25;
	s3 =	sor.u32 $0x80, s19;
	s12 =	sadd.s32 $0x92B90, s12  }
0x16: {  	s16 =	sadd.s32 $0x9C000, s4;
	s11 =	sshrl.u32 s11, $0x3;
	[dreg:$0x11] =	wrdreg s21  }
0x17: {  	s10 =	sshrl.u32 s10, $0x3;
	s19 =	sadd.s32 $0x9C010, s4;
	[dreg:$0x6] =	wrdreg s15  }
0x18: {  	s4 =	simm.s32 $0xA400;
	s15 =	sadd.s32 s6, s23;
	[dreg:$0xb] =	wrdreg s12  }
0x19: {  	s8 =	sor.u32 s8, s3;
	[dreg:$0xc] =	wrdreg s16;
	s16 =	sadd.s32 $0x138000, s1  }
0x1a: {  	s17 =	sadd.s32 s6, s11;
	s18 =	sadd.s32 s6, s10;
	[dreg:$0x10] =	wrdreg s19  }
0x1b: {  	s22 =	sor.u32 s14, s3;
	s23 =	sadd.s32 $0x5000, s13;
	[dreg:$0x7] =	wrdreg s15  }
0x1c: {  	s14 =	simm.s32 $0x40;
	s3 =	simm.s32 $0x3;
	[dreg:$0xe] =	wrdreg s17  }
0x1d: {  	s15 =	sshrl.u32 s24, $0x3;
	s8 =	sshrl.u32 s8, $0x3;
	[dreg:$0xf] =	wrdreg s18  }
0x1e: {  	s24 =	sadd.s32 $0x9B5000, s13;
	s25 =	sshrl.u32 s23, $0x3;
	s13 =	simm.s32 $0x5  }
0x1f: {  	s15 =	sadd.s32 s6, s15;
	s2 =	sadd.s32 s2, s8;
	s26 =	sshrl.u32 s24, $0x3  }
.Ltmp0:
0x20: {  	s24 =	simm.s32 $0x7;
	[dreg:$0x8] =	wrdreg s15;
	(pc) =	sbr.rel .LBB2_1-.Ltmp0, $4  }
0x21: {  	s8 =	simm.s32 $0x2;
	[dreg:$0xd] =	wrdreg s2;
	s2 =	sshrl.u32 s22, $0x3  }
0x22: {  	s22 =	sadd.s32 s25, s6;
	s18 =	sadd.s32 s26, s6;
	s25 =	simm.s32 $0x1360  }
0x23: {  	s26 =	simm.s32 $0x3B60;
	s15 =	simm.s32 $0x10;
	s6 =	simm.s32 $0x6360  }
0x24: {  	v0 =	vimm.f32 $0.0e+00;
	s21 =	sadd.s32 s0, s2;
	s0 =	simm.s32 $0x4;
	s2 =	simm.s32 $0xA3B0  }
.LBB2_22:
0x25: {  	_ =	swait.ge [sflag:s31], $0x2800  }
0x26: {  	[sflag:s31] =	ssyncset.done $0x0  }
0x27: {  	[sflag:s31] =	ssyncadd.s32 $0xFFFFD800  }
0x28: {  	_ =	swait.ge [sflag:s0], $0x2800  }
0x29: {  	[sflag:s0] =	ssyncset.done $0x0  }
0x2a: {  	[sflag:s0] =	ssyncadd.s32 $0xFFFFD800  }
0x2b: {  	_ =	swait.ge [sflag:s13], $0x2800  }
0x2c: {  	[sflag:s13] =	ssyncset.done $0x0  }
0x2d: {  	[sflag:s13] =	ssyncadd.s32 $0xFFFFD800  }
0x2e: {  	[bflag:$0x0] =	sbarrier.arrive $0xFFFF  }
0x2f: {  	[hbm:s21@s14], [sflag:s10] =	dma.strided [spmem:s11@s15], $0x2700, s28, $0x10   }
0x30: {  	s12 =	simm.s32 @!p0 $0x1;
	_ =	swait.ge [sflag:s24], $0x2700  }
0x31: {  	s17 =	simm.s32 @!p0 $0x40;
	s19 =	simm.s32 @!p0 $0x10;
	[sflag:s24] =	ssyncset.done $0x0  }
0x32: {  	s11 =	sshrl.u32 @!p0 s16, $0x3;
	s20 =	rddreg [dreg:$0x10];
	[sflag:s24] =	ssyncadd.s32 $0xFFFFD900  }
0x33: {  	[hbm:s20@s17], [sflag:s10] =	dma.strided @!p0 [spmem:s11@s19], $0x100, s12, $0x10   }
0x34: {  	s10 =	simm.s32 @!p0 $0x7  }
0x35: {  	_ =	swait.ge @!p0 [sflag:s10], $0x100  }
0x36: {  	s9 =	sadd.s32 $0x1, s9;
	s23 =	rddreg [dreg:$0x11]  }
0x37: {  	p2 =	sne.s32 s9, s23  }
.Ltmp1:
0x38: {  	_ = 	snop;
	(pc) =	sbr.rel @!p2 .LBB2_23-.Ltmp1, $4  }
0x39: {  	[sflag:s10] =	ssyncset.done @!p0 $0x0  }
0x3a: {  	[sflag:s10] =	ssyncadd.s32 @!p0 $0xFFFFFF00  }
0x3b: {  	[bflag:$0x0] =	sbarrier.arrive $0xFFFF  }
0x3c: {  	s20 =	stileid.u32  }
.LBB2_1:
0x3d: {  	s10 =	simm.s32 $0x0;
	s11 =	rddreg [dreg:$0x4]  }
0x3e: {  	[tilespmem:s10], [sflag:$0x7] =	stream.linear.gather [hbm4b:s11+s10], $0x1360, $0x38;
	[tilespmem:$0x1DD50] =	vst v63  }
0x3f: {  	_ =	swait.ge [sflag:s24], $0x1360  }
0x40: {  	s23 =	sand.u32 $0x7FC0, s10;
	[sflag:s24] =	ssyncset.done $0x0  }
0x41: {  	s10 =	simm.s32 $0x40;
	s11 =	sshrl.u32 s23, $0x2;
	[sflag:s24] =	ssyncadd.s32 $0xFFFFECA0  }
.LBB2_2:
0x42: {  	p2 =	sne.s32 s10, $0x5FC0;
	[tilespmem:s11+$0x8B60] =	vst v0;
	s11 =	smov.u32 s10;
	s10 =	sadd.s32 $0x40, s10  }
.Ltmp2:
0x43: {  	(pc) =	sbr.rel @p2 .LBB2_2-.Ltmp2, $3  }
0x44: {  	_ =	sdelay $0x1  }
0x45: {  	s11 =	sand.u32 $0x7FC0, s11  }
0x46: {  	s11 =	sshrl.u32 s11, $0x2  }
0x47: {  	s10 =	sshrl.u32 @p1 s7, $0x3;
	s12 =	simm.s32 @p1 $0x1;
	[tilespmem:s11+$0x8B60] =	vst v0;
	s11 =	simm.s32 @p1 $0x10  }
0x48: {  	s17 =	simm.s32 @p1 $0x40;
	s19 =	simm.s32 @p1 $0x1FC7;
	s23 =	rddreg [dreg:$0x6]  }
0x49: {  	[spmem:s10@s11], [sflag:s19] =	dma.strided @p1 [hbm:s23@s17], $0x2620, s12, $0x10   }
0x4a: {  	s10 =	simm.s32 @p1 $0x7;
	s11 =	sshll.u32 @!p1 s20, $0x6  }
0x4b: {  	s12 =	simm.s32 @!p1 $0x1;
	s17 =	simm.s32 @!p1 $0x10;
	_ =	swait.ge @p1 [sflag:s10], $0x2620  }
0x4c: {  	s19 =	simm.s32 @!p1 $0x40;
	[sflag:s10] =	ssyncset.done @p1 $0x0;
	s23 =	rddreg [dreg:$0x5]  }
0x4d: {  	[sflag:s10] =	ssyncadd.s32 @p1 $0xFFFFD9E0;
	s10 =	sor.u32 @!p1 $0x1C07, s11;
	s11 =	sshrl.u32 @!p1 s5, $0x3  }
0x4e: {  	[spmem:s11@s17], [sflag:s10] =	dma.strided @!p1 [hbm:s23@s19], $0x2720, s12, $0x10   }
0x4f: {  	s10 =	simm.s32 @!p1 $0x7  }
0x50: {  	_ =	swait.ge @!p1 [sflag:s10], $0x2720  }
0x51: {  	[sflag:s10] =	ssyncset.done @!p1 $0x0  }
0x52: {  	[sflag:s10] =	ssyncadd.s32 @!p1 $0xFFFFD8E0  }
.Ltmp3:
0x53: {  	[bflag:$0x0] =	sbarrier.arrive $0xFFFF;
	(pc) =	sbr.rel .LBB2_4-.Ltmp3, $4  }
0x54: {  	s10 =	simm.s32 $0x0;
	s19 =	rddreg [dreg:$0x7]  }
0x55: {  	[tilespmem:s25], [sflag:$0x1] =	stream.linear.gather [hbm4b:s19+s10], $0x2800, $0x38;
	[tilespmem:$0x1DD50] =	vst v63  }
0x56: {  	s11 =	simm.s32 $0x20;
	s12 =	smov.u32 s22;
	s23 =	rddreg [dreg:$0x8]  }
0x57: {  	[tilespmem:s26], [sflag:$0x2] =	stream.linear.gather [hbm4b:s23+s10], $0x2800, $0x38;
	[tilespmem:$0x1DD50] =	vst v63  }
.LBB2_7:
0x58: {  	[tilespmem:$0xA360] =	vst v1  }
0x59: {  	v1 =	vld [tilespmem:s11+$0xFFFFFFF0];
	_ =	sdelay $0x4  }
0x5a: {  	[tilespmem:$0xA370] =	vst v1  }
0x5b: {  	v1 =	vld [tilespmem:s11+$0x0];
	_ =	sdelay $0x4  }
0x5c: {  	[tilespmem:$0xA380] =	vst v1  }
0x5d: {  	v1 =	vld [tilespmem:s11+$0x10];
	_ =	sdelay $0x4  }
0x5e: {  	[tilespmem:$0xA390] =	vst v1  }
0x5f: {  	v1 =	vld [tilespmem:s11+$0x20];
	_ =	sdelay $0x4  }
0x60: {  	p2 =	sgt.u32 s10, $0x3B;
	[tilespmem:$0xA3A0] =	vst v1  }
0x61: {  	p3 =	seq.s32 @!p2 s10, $0x0;
	_ =	swait.ge [sflag:s28], $0x2800  }
0x62: {  	p3 =	por p3, p2;
	[sflag:s28] =	ssyncset.done $0x0  }
0x63: {  	s17 =	simm.s32 @!p3 $0x6;
	[sflag:s28] =	ssyncadd.s32 $0xFFFFD800  }
0x64: {  	[spmem:s1] =	stream.indirect.scatter.add.f32 [tilespmem:s25], [sflag:$0x4], $0x80, s30, s29, $0xb8;
	[tilespmem:$0x1DD50] =	vst v63  }
0x65: {  	_ =	swait.ge @!p3 [sflag:s17], $0x2800  }
0x66: {  	[sflag:s17] =	ssyncset.done @!p3 $0x0  }
0x67: {  	s19 =	simm.s32 @!p2 $0x6360;
	[sflag:s17] =	ssyncadd.s32 @!p3 $0xFFFFD800;
	s17 =	simm.s32 @!p2 $0x0  }
0x68: {  	[tilespmem:s19], [sflag:$0x3] =	stream.linear.gather @!p2 [hbm4b:s12+s17], $0x2800, $0x38;
	[tilespmem:$0x1DD50] =	vst v63  }
.LBB2_9:
0x69: {  	s10 =	sadd.s32 $0x1, s10  }
0x6a: {  	p2 =	sne.s32 s10, $0x3E  }
.Ltmp4:
0x6b: {  	_ = 	snop;
	(pc) =	sbr.rel @!p2 .LBB2_10-.Ltmp4, $2  }
0x6c: {  	_ =	sdelay $0x2  }
0x6d: {  	s12 =	sadd.s32 $0x500, s12;
	s11 =	sadd.s32 $0x50, s11  }
.LBB2_4:
0x6e: {  	s17 =	smul.u32 $0xAB, s10;
	_ =	sdelay $0x1  }
0x6f: {  	s17 =	sshrl.u32 s17, $0x9  }
0x70: {  	s17 =	sand.u32 $0x7F, s17  }
0x71: {  	s17 =	smul.u32 $0x3, s17;
	_ =	sdelay $0x1  }
0x72: {  	s17 =	ssub.s32 s10, s17  }
0x73: {  	s17 =	sand.u32 $0xFF, s17  }
0x74: {  	p2 =	seq.s32 s17, $0x0  }
.Ltmp5:
0x75: {  	v1 =	vld [tilespmem:s11+$0xFFFFFFE0];
	(pc) =	sbr.rel @p2 .LBB2_7-.Ltmp5, $1  }
0x76: {  	_ =	sdelay $0x3  }
0x77: {  	p2 =	seq.s32 s17, $0x2  }
.Ltmp6:
0x78: {  	_ = 	snop;
	(pc) =	sbr.rel @!p2 .LBB2_6-.Ltmp6, $1  }
0x79: {  	_ =	sdelay $0x3  }
0x7a: {  	[tilespmem:$0xA400] =	vst v1  }
0x7b: {  	v1 =	vld [tilespmem:s11+$0xFFFFFFF0];
	_ =	sdelay $0x4  }
0x7c: {  	[tilespmem:$0xA410] =	vst v1  }
0x7d: {  	v1 =	vld [tilespmem:s11+$0x0];
	_ =	sdelay $0x4  }
0x7e: {  	[tilespmem:$0xA420] =	vst v1  }
0x7f: {  	v1 =	vld [tilespmem:s11+$0x10];
	_ =	sdelay $0x4  }
0x80: {  	[tilespmem:$0xA430] =	vst v1  }
0x81: {  	v1 =	vld [tilespmem:s11+$0x20];
	_ =	sdelay $0x4  }
0x82: {  	[tilespmem:$0xA440] =	vst v1  }
0x83: {  	p2 =	sgt.u32 s10, $0x3B;
	_ =	swait.ge [sflag:s3], $0x2800  }
0x84: {  	p3 =	seq.s32 @!p2 s10, $0x0;
	[sflag:s3] =	ssyncset.done $0x0  }
0x85: {  	p3 =	por p3, p2;
	[sflag:s3] =	ssyncadd.s32 $0xFFFFD800  }
0x86: {  	[spmem:s1] =	stream.indirect.scatter.add.f32 [tilespmem:s6], [sflag:$0x6], $0x80, s4, s29, $0xb8;
	[tilespmem:$0x1DD50] =	vst v63  }
.Ltmp7:
0x87: {  	s17 =	simm.s32 @!p3 $0x5;
	(pc) =	sbr.rel .LBB2_9-.Ltmp7, $4  }
0x88: {  	_ =	swait.ge @!p3 [sflag:s17], $0x2800  }
0x89: {  	[sflag:s17] =	ssyncset.done @!p3 $0x0  }
0x8a: {  	s19 =	simm.s32 @!p2 $0x3B60;
	[sflag:s17] =	ssyncadd.s32 @!p3 $0xFFFFD800;
	s17 =	simm.s32 @!p2 $0x0  }
0x8b: {  	[tilespmem:s19], [sflag:$0x2] =	stream.linear.gather @!p2 [hbm4b:s12+s17], $0x2800, $0x38;
	[tilespmem:$0x1DD50] =	vst v63  }
.LBB2_6:
0x8c: {  	[tilespmem:$0xA3B0] =	vst v1  }
0x8d: {  	v1 =	vld [tilespmem:s11+$0xFFFFFFF0];
	_ =	sdelay $0x4  }
0x8e: {  	[tilespmem:$0xA3C0] =	vst v1  }
0x8f: {  	v1 =	vld [tilespmem:s11+$0x0];
	_ =	sdelay $0x4  }
0x90: {  	[tilespmem:$0xA3D0] =	vst v1  }
0x91: {  	v1 =	vld [tilespmem:s11+$0x10];
	_ =	sdelay $0x4  }
0x92: {  	[tilespmem:$0xA3E0] =	vst v1  }
0x93: {  	v1 =	vld [tilespmem:s11+$0x20];
	_ =	sdelay $0x4  }
0x94: {  	[tilespmem:$0xA3F0] =	vst v1  }
0x95: {  	_ =	swait.ge [sflag:s8], $0x2800  }
0x96: {  	[sflag:s8] =	ssyncset.done $0x0  }
0x97: {  	p2 =	slt.u32 s10, $0x3C;
	[sflag:s8] =	ssyncadd.s32 $0xFFFFD800  }
0x98: {  	[spmem:s1] =	stream.indirect.scatter.add.f32 [tilespmem:s26], [sflag:$0x5], $0x80, s2, s29, $0xb8;
	[tilespmem:$0x1DD50] =	vst v63  }
.Ltmp8:
0x99: {  	s17 =	simm.s32 @p2 $0x4;
	(pc) =	sbr.rel .LBB2_9-.Ltmp8, $4  }
0x9a: {  	_ =	swait.ge @p2 [sflag:s17], $0x2800  }
0x9b: {  	[sflag:s17] =	ssyncset.done @p2 $0x0  }
0x9c: {  	s19 =	simm.s32 @p2 $0x1360;
	[sflag:s17] =	ssyncadd.s32 @p2 $0xFFFFD800;
	s17 =	simm.s32 @p2 $0x0  }
0x9d: {  	[tilespmem:s19], [sflag:$0x1] =	stream.linear.gather @p2 [hbm4b:s12+s17], $0x2800, $0x38;
	[tilespmem:$0x1DD50] =	vst v63  }
.LBB2_10:
0x9e: {  	_ =	swait.ge [sflag:s31], $0x2800  }
0x9f: {  	[sflag:s31] =	ssyncset.done $0x0  }
0xa0: {  	[sflag:s31] =	ssyncadd.s32 $0xFFFFD800  }
0xa1: {  	_ =	swait.ge [sflag:s0], $0x2800  }
0xa2: {  	[sflag:s0] =	ssyncset.done $0x0  }
0xa3: {  	[sflag:s0] =	ssyncadd.s32 $0xFFFFD800  }
0xa4: {  	_ =	swait.ge [sflag:s13], $0x2800  }
0xa5: {  	[sflag:s13] =	ssyncset.done $0x0  }
0xa6: {  	[sflag:s13] =	ssyncadd.s32 $0xFFFFD800  }
0xa7: {  	s10 =	sshll.u32 s20, $0x6;
	[bflag:$0x0] =	sbarrier.arrive $0xFFFF  }
0xa8: {  	s10 =	sor.u32 $0x1C07, s10;
	s11 =	rddreg [dreg:$0xa]  }
.Ltmp9:
0xa9: {  	s12 =	rddreg [dreg:$0x9];
	s11 =	sshrl.u32 s11, $0x3;
	(pc) =	sbr.rel @!p0 .LBB2_11-.Ltmp9, $4  }
0xaa: {  	[hbm:s12@s14], [sflag:s10] =	dma.strided [spmem:s11@s15], $0x2700, s28, $0x10   }
0xab: {  	_ =	swait.ge [sflag:s24], $0x2700  }
0xac: {  	[sflag:s24] =	ssyncset.done $0x0  }
0xad: {  	[sflag:s24] =	ssyncadd.s32 $0xFFFFD900  }
.Ltmp10:
0xae: {  	(pc) =	sbr.rel @!p1 .LBB2_13-.Ltmp10, $2  }
0xaf: {  	_ =	sdelay $0x1  }
0xb0: {  	[bflag:$0x0] =	sbarrier.arrive $0xFFFF;
	_ =	sdelay $0x1  }
.Ltmp11:
0xb1: {  	s12 =	sshrl.u32 s7, $0x3;
	s17 =	rddreg [dreg:$0xb];
	(pc) =	sbr.rel .LBB2_15-.Ltmp11, $4  }
0xb2: {  	[spmem:s12@s15], [sflag:s10] =	dma.strided [hbm:s17@s14], $0x2620, s28, $0x10   }
0xb3: {  	_ =	swait.ge [sflag:s24], $0x2620  }
0xb4: {  	[sflag:s24] =	ssyncset.done $0x0  }
0xb5: {  	[sflag:s24] =	ssyncadd.s32 $0xFFFFD9E0  }
.LBB2_11:
0xb6: {  	s12 =	sshrl.u32 s16, $0x3;
	s17 =	rddreg [dreg:$0xc]  }
0xb7: {  	[hbm:s17@s14], [sflag:s10] =	dma.strided [spmem:s12@s15], $0x100, s28, $0x10   }
0xb8: {  	_ =	swait.ge [sflag:s24], $0x100  }
0xb9: {  	[sflag:s24] =	ssyncset.done $0x0  }
0xba: {  	[sflag:s24] =	ssyncadd.s32 $0xFFFFFF00  }
0xbb: {  	[bflag:$0x0] =	sbarrier.arrive $0xFFFF  }
.LBB2_13:
0xbc: {  	s12 =	sshrl.u32 s5, $0x3;
	s17 =	rddreg [dreg:$0xd]  }
0xbd: {  	[spmem:s12@s15], [sflag:s10] =	dma.strided [hbm:s17@s14], $0x2720, s28, $0x10   }
0xbe: {  	_ =	swait.ge [sflag:s24], $0x2720  }
0xbf: {  	[sflag:s24] =	ssyncset.done $0x0  }
0xc0: {  	[sflag:s24] =	ssyncadd.s32 $0xFFFFD8E0  }
.LBB2_15:
0xc1: {  	[bflag:$0x0] =	sbarrier.arrive $0xFFFF  }
.Ltmp12:
0xc2: {  	s12 =	simm.s32 $0x0;
	s17 =	rddreg [dreg:$0xe];
	(pc) =	sbr.rel .LBB2_16-.Ltmp12, $4  }
0xc3: {  	[tilespmem:s25], [sflag:$0x1] =	stream.linear.gather [hbm4b:s17+s12], $0x2800, $0x38;
	[tilespmem:$0x1DD50] =	vst v63  }
0xc4: {  	s23 =	rddreg [dreg:$0xf]  }
0xc5: {  	[tilespmem:s26], [sflag:$0x2] =	stream.linear.gather [hbm4b:s23+s12], $0x2800, $0x38;
	[tilespmem:$0x1DD50] =	vst v63  }
0xc6: {  	s17 =	simm.s32 $0x20;
	s23 =	smov.u32 s18  }
.LBB2_19:
0xc7: {  	[tilespmem:$0xA360] =	vst v1  }
0xc8: {  	v1 =	vld [tilespmem:s17+$0xFFFFFFF0];
	_ =	sdelay $0x4  }
0xc9: {  	[tilespmem:$0xA370] =	vst v1  }
0xca: {  	v1 =	vld [tilespmem:s17+$0x0];
	_ =	sdelay $0x4  }
0xcb: {  	[tilespmem:$0xA380] =	vst v1  }
0xcc: {  	v1 =	vld [tilespmem:s17+$0x10];
	_ =	sdelay $0x4  }
0xcd: {  	[tilespmem:$0xA390] =	vst v1  }
0xce: {  	v1 =	vld [tilespmem:s17+$0x20];
	_ =	sdelay $0x4  }
0xcf: {  	p2 =	sgt.u32 s12, $0x3B;
	[tilespmem:$0xA3A0] =	vst v1  }
0xd0: {  	p3 =	seq.s32 @!p2 s12, $0x0;
	_ =	swait.ge [sflag:s28], $0x2800  }
0xd1: {  	p3 =	por p3, p2;
	[sflag:s28] =	ssyncset.done $0x0  }
0xd2: {  	s19 =	simm.s32 @!p3 $0x6;
	[sflag:s28] =	ssyncadd.s32 $0xFFFFD800  }
0xd3: {  	[spmem:s1] =	stream.indirect.scatter.add.f32 [tilespmem:s25], [sflag:$0x4], $0x80, s30, s29, $0xb8;
	[tilespmem:$0x1DD50] =	vst v63  }
0xd4: {  	_ =	swait.ge @!p3 [sflag:s19], $0x2800  }
0xd5: {  	[sflag:s19] =	ssyncset.done @!p3 $0x0  }
0xd6: {  	s20 =	simm.s32 @!p2 $0x6360;
	[sflag:s19] =	ssyncadd.s32 @!p3 $0xFFFFD800;
	s19 =	simm.s32 @!p2 $0x0  }
0xd7: {  	[tilespmem:s20], [sflag:$0x3] =	stream.linear.gather @!p2 [hbm4b:s23+s19], $0x2800, $0x38;
	[tilespmem:$0x1DD50] =	vst v63  }
.LBB2_21:
0xd8: {  	s12 =	sadd.s32 $0x1, s12  }
0xd9: {  	p2 =	sne.s32 s12, $0x3E  }
.Ltmp13:
0xda: {  	_ = 	snop;
	(pc) =	sbr.rel @!p2 .LBB2_22-.Ltmp13, $2  }
0xdb: {  	_ =	sdelay $0x2  }
0xdc: {  	s23 =	sadd.s32 $0x500, s23;
	s17 =	sadd.s32 $0x50, s17  }
.LBB2_16:
0xdd: {  	s19 =	smul.u32 $0xAB, s12;
	_ =	sdelay $0x1  }
0xde: {  	s19 =	sshrl.u32 s19, $0x9  }
0xdf: {  	s19 =	sand.u32 $0x7F, s19  }
0xe0: {  	s19 =	smul.u32 $0x3, s19;
	_ =	sdelay $0x1  }
0xe1: {  	s19 =	ssub.s32 s12, s19  }
0xe2: {  	s19 =	sand.u32 $0xFF, s19  }
0xe3: {  	p2 =	seq.s32 s19, $0x0  }
.Ltmp14:
0xe4: {  	v1 =	vld [tilespmem:s17+$0xFFFFFFE0];
	(pc) =	sbr.rel @p2 .LBB2_19-.Ltmp14, $1  }
0xe5: {  	_ =	sdelay $0x3  }
0xe6: {  	p2 =	seq.s32 s19, $0x2  }
.Ltmp15:
0xe7: {  	_ = 	snop;
	(pc) =	sbr.rel @!p2 .LBB2_18-.Ltmp15, $1  }
0xe8: {  	_ =	sdelay $0x3  }
0xe9: {  	[tilespmem:$0xA400] =	vst v1  }
0xea: {  	v1 =	vld [tilespmem:s17+$0xFFFFFFF0];
	_ =	sdelay $0x4  }
0xeb: {  	[tilespmem:$0xA410] =	vst v1  }
0xec: {  	v1 =	vld [tilespmem:s17+$0x0];
	_ =	sdelay $0x4  }
0xed: {  	[tilespmem:$0xA420] =	vst v1  }
0xee: {  	v1 =	vld [tilespmem:s17+$0x10];
	_ =	sdelay $0x4  }
0xef: {  	[tilespmem:$0xA430] =	vst v1  }
0xf0: {  	v1 =	vld [tilespmem:s17+$0x20];
	_ =	sdelay $0x4  }
0xf1: {  	[tilespmem:$0xA440] =	vst v1  }
0xf2: {  	p2 =	sgt.u32 s12, $0x3B;
	_ =	swait.ge [sflag:s3], $0x2800  }
0xf3: {  	p3 =	seq.s32 @!p2 s12, $0x0;
	[sflag:s3] =	ssyncset.done $0x0  }
0xf4: {  	p3 =	por p3, p2;
	[sflag:s3] =	ssyncadd.s32 $0xFFFFD800  }
0xf5: {  	[spmem:s1] =	stream.indirect.scatter.add.f32 [tilespmem:s6], [sflag:$0x6], $0x80, s4, s29, $0xb8;
	[tilespmem:$0x1DD50] =	vst v63  }
.Ltmp16:
0xf6: {  	s19 =	simm.s32 @!p3 $0x5;
	(pc) =	sbr.rel .LBB2_21-.Ltmp16, $4  }
0xf7: {  	_ =	swait.ge @!p3 [sflag:s19], $0x2800  }
0xf8: {  	[sflag:s19] =	ssyncset.done @!p3 $0x0  }
0xf9: {  	s20 =	simm.s32 @!p2 $0x3B60;
	[sflag:s19] =	ssyncadd.s32 @!p3 $0xFFFFD800;
	s19 =	simm.s32 @!p2 $0x0  }
0xfa: {  	[tilespmem:s20], [sflag:$0x2] =	stream.linear.gather @!p2 [hbm4b:s23+s19], $0x2800, $0x38;
	[tilespmem:$0x1DD50] =	vst v63  }
.LBB2_18:
0xfb: {  	[tilespmem:$0xA3B0] =	vst v1  }
0xfc: {  	v1 =	vld [tilespmem:s17+$0xFFFFFFF0];
	_ =	sdelay $0x4  }
0xfd: {  	[tilespmem:$0xA3C0] =	vst v1  }
0xfe: {  	v1 =	vld [tilespmem:s17+$0x0];
	_ =	sdelay $0x4  }
0xff: {  	[tilespmem:$0xA3D0] =	vst v1  }
0x100: {  	v1 =	vld [tilespmem:s17+$0x10];
	_ =	sdelay $0x4  }
0x101: {  	[tilespmem:$0xA3E0] =	vst v1  }
0x102: {  	v1 =	vld [tilespmem:s17+$0x20];
	_ =	sdelay $0x4  }
0x103: {  	[tilespmem:$0xA3F0] =	vst v1  }
0x104: {  	_ =	swait.ge [sflag:s8], $0x2800  }
0x105: {  	[sflag:s8] =	ssyncset.done $0x0  }
0x106: {  	p2 =	slt.u32 s12, $0x3C;
	[sflag:s8] =	ssyncadd.s32 $0xFFFFD800  }
0x107: {  	[spmem:s1] =	stream.indirect.scatter.add.f32 [tilespmem:s26], [sflag:$0x5], $0x80, s2, s29, $0xb8;
	[tilespmem:$0x1DD50] =	vst v63  }
.Ltmp17:
0x108: {  	s19 =	simm.s32 @p2 $0x4;
	(pc) =	sbr.rel .LBB2_21-.Ltmp17, $4  }
0x109: {  	_ =	swait.ge @p2 [sflag:s19], $0x2800  }
0x10a: {  	[sflag:s19] =	ssyncset.done @p2 $0x0  }
0x10b: {  	s20 =	simm.s32 @p2 $0x1360;
	[sflag:s19] =	ssyncadd.s32 @p2 $0xFFFFD800;
	s19 =	simm.s32 @p2 $0x0  }
0x10c: {  	[tilespmem:s20], [sflag:$0x1] =	stream.linear.gather @p2 [hbm4b:s23+s19], $0x2800, $0x38;
	[tilespmem:$0x1DD50] =	vst v63  }
.LBB2_23:
0x10d: {  	_ =	sfence.sel $0x180000  }
0x10e: {  	[bflag:$0x0] =	sbarrier.arrive $0xFFFF  }
0x10f: {  	_ =	strace $0x9000004D  }
0x110: {  	[bflag:$0x2] =	sbarrier.arrive $0xFFFF  }
0x111: {  	s0 =	rddreg [dreg:$0x3]  }
0x112: {  	s0 =	sadd.s32 @!p0 $0x100000, s0  }
0x113: {  	[sflag:s0] =	ssyncadd.tile.s32 @!p0 $0x1;
	_ =	shalt  }
.Lfunc_end2:
_tile_overlayer_lowered:
.L_overlay_start_2:
0x114: {  	(tag) =	ssettag $0x2  }
0x115: {  	s0 =	rddreg [dreg:$0x0];
	s2 =	stileid.u32  }
0x116: {  	s1 =	rddreg [dreg:$0x1];
	p0 =	sne.s32 s2, $0x0  }
0x117: {  	s3 =	rddreg [dreg:$0x2];
	[bflag:$0x3] =	sbarrier.arrive $0xFFFF;
	s2 =	simm.s32 @!p0 $0x1C07  }
0x118: {  	[timem:s3], [sflag:s2] =	dma.local @!p0 [hbm:s0], s1  }
0x119: {  	s0 =	simm.s32 @!p0 $0x7  }
0x11a: {  	_ =	swait.ge @!p0 [sflag:s0], s1  }
0x11b: {  	s1 =	ssub.s32 @!p0 $0x0, s1;
	[sflag:s0] =	ssyncset.done @!p0 $0x0  }
0x11c: {  	[sflag:s0] =	ssyncadd.s32 @!p0 s1  }
0x11d: {  	[bflag:$0x3] =	sbarrier.arrive $0xFFFF  }
0x11e: {  	_ =	shalt  }

// kernel: kernel.9.cloned.1.call-start
scs
__scs_entry_jumppad:
0x0: {  	(pc) =	sbr.rel $0x88, $3  }
0x1: {  	(tag) =	ssettag $0x0;
	lr =	simm.s32 $0x1  }
0x2: {  	[smem:$0x3F9B] =	sst lr;
	_ =	strace $0xD0000000  }
0x3: {  	_ = 	snop  }
0x4: {  	_ = 	snop  }
0x5: {  	_ = 	snop  }
0x6: {  	_ = 	snop  }
0x7: {  	_ = 	snop  }
__scs_overlays_trampoline_lowered:
0x8: {  	[smem:$0x3FAA] =	sst s0  }
0x9: {  	[smem:$0x3FAB] =	sst s1  }
0xa: {  	[smem:$0x3FAC] =	sst s2  }
0xb: {  	[smem:$0x3FAD] =	sst s3  }
0xc: {  	[smem:$0x3FAE] =	sst s4  }
0xd: {  	[smem:$0x3FAF] =	sst s5  }
0xe: {  	[smem:$0x3FB0] =	sst s6  }
0xf: {  	[smem:$0x3FB1] =	sst s7  }
0x10: {  	[smem:$0x3FB2] =	sst s8  }
0x11: {  	[smem:$0x3FB3] =	sst s9;
	s0 =	simm.s32 @!p0 $0x0  }
0x12: {  	s1 =	sld [smem:$0x3F99];
	s0 =	simm.s32 @p0 $0x1  }
0x13: {  	[smem:$0x3FB4] =	sst s0;
	s0 =	simm.s32 @!p1 $0x0  }
0x14: {  	s2 =	sld [smem:$0x3F98];
	s0 =	simm.s32 @p1 $0x1  }
0x15: {  	[smem:$0x3FB5] =	sst s0;
	s0 =	simm.s32 @!p2 $0x0  }
0x16: {  	s3 =	sld [smem:$0x3FDB];
	s0 =	simm.s32 @p2 $0x1  }
0x17: {  	s4 =	simm.s32 $0x1BF5;
	[smem:$0x3FB7] =	sst s0  }
0x18: {  	s0 =	sld [smem:$0x3F9A];
	_ =	swait.ge [sflag:s4], $0x0  }
0x19: {  	s7 =	sld [smem:$0x3F9B]  }
0x1a: {  	s8 =	sadd.s32 $0xFFFFE003, lr  }
0x1b: {  	s9 =	sadd.s32 $0xFFFFFEF7, lr;
	s5 =	simm.s32 $0xFFFFFFFF;
	p2 =	slt.u32 s8, $0xFFFFF086  }
0x1c: {  	p1 =	slt.u32 s9, $0xF7A;
	s5 =	simm.s32 @!p2 $0x0  }
0x1d: {  	s5 =	simm.s32 @p1 $0x1;
	p0 =	seq.s32 s7, s2  }
0x1e: {  	s7 =	smul.u32 @!p0 $0xF7A, s2;
	p2 =	seq.s32 @!p0 s5, $0x0  }
0x1f: {  	s9 =	smul.u32 $0xF7A, s1;
	s8 =	simm.s32 @!p0 $0x1BF5;
	p2 =	por !p2, p0  }
0x20: {  	[sflag:s8] =	ssyncset.s32 @!p0 $0xFFFFF086;
	s6 =	sadd.s32 @!p0 s3, s7;
	s7 =	simm.s32 @!p0 $0x108  }
0x21: {  	s3 =	sadd.s32 s3, s9;
	s6 =	sadd.s32 @!p0 $0x88, s6;
	s7 =	simm.s32 @p2 $0x1082  }
0x22: {  	[simem:s7], [sflag:s8] =	dma.local @!p0 [hbm:s6], $0xF7A  }
0x23: {  	s9 =	sor.u32 $0xD0000000, s2;
	s6 =	simm.s32 $0x108;
	_ =	swait.ge @!p0 [sflag:s8], $0x0  }
0x24: {  	s3 =	sadd.s32 $0x88, s3;
	s6 =	simm.s32 @!p1 $0x1082;
	[sflag:s4] =	ssyncset.s32 $0xFFFFF086  }
0x25: {  	[simem:s6], [sflag:s4] =	dma.local [hbm:s3], $0xF7A  }
0x26: {  	[smem:$0x3F9B] =	sst s1;
	(tag) =	ssettag s2;
	_ =	strace s9  }
0x27: {  	s1 =	sld [smem:$0x3FAB]  }
0x28: {  	s2 =	sld [smem:$0x3FAC]  }
0x29: {  	s4 =	sld [smem:$0x3FAE]  }
0x2a: {  	p0 =	seq.s32 s5, $0x0;
	s5 =	sld [smem:$0x3FAF]  }
0x2b: {  	s6 =	sld [smem:$0x3FB0]  }
0x2c: {  	s7 =	sld [smem:$0x3FB1]  }
0x2d: {  	s3 =	simm.s32 $0x108;
	s8 =	sld [smem:$0x3FB2]  }
0x2e: {  	s3 =	simm.s32 @!p0 $0x1082;
	s9 =	sld [smem:$0x3FB3]  }
0x2f: {  	lr =	sadd.s32 s0, s3;
	s0 =	sld [smem:$0x3FAA]  }
0x30: {  	s3 =	sld [smem:$0x3FAD]  }
0x31: {  	[smem:$0x3FB6] =	sst s10  }
0x32: {  	s10 =	sld [smem:$0x3FB4];
	_ =	sdelay $0x3  }
0x33: {  	p0 =	seq.s32 s10, $0x1;
	s10 =	sld [smem:$0x3FB6];
	_ =	sdelay $0x3  }
0x34: {  	[smem:$0x3FB6] =	sst s10  }
0x35: {  	s10 =	sld [smem:$0x3FB5];
	_ =	sdelay $0x3  }
0x36: {  	p1 =	seq.s32 s10, $0x1;
	s10 =	sld [smem:$0x3FB6];
	_ =	sdelay $0x3  }
0x37: {  	[smem:$0x3FB6] =	sst s10  }
0x38: {  	s10 =	sld [smem:$0x3FB7]  }
0x39: {  	_ = 	snop;
	(pc) =	sbr.ind lr, $3  }
0x3a: {  	_ = 	snop  }
0x3b: {  	_ = 	snop  }
0x3c: {  	p2 =	seq.s32 s10, $0x1;
	s10 =	sld [smem:$0x3FB6]  }
0x3d: {  	_ =	shalt  }
0x3e: {  	_ =	shalt  }
0x3f: {  	_ =	shalt  }
0x40: {  	_ =	shalt  }
0x41: {  	_ =	shalt  }
0x42: {  	_ =	shalt  }
0x43: {  	_ =	shalt  }
0x44: {  	_ =	shalt  }
0x45: {  	_ =	shalt  }
0x46: {  	_ =	shalt  }
0x47: {  	_ =	shalt  }
0x48: {  	_ =	shalt  }
0x49: {  	_ =	shalt  }
0x4a: {  	_ =	shalt  }
0x4b: {  	_ =	shalt  }
0x4c: {  	_ =	shalt  }
0x4d: {  	_ =	shalt  }
0x4e: {  	_ =	shalt  }
0x4f: {  	_ =	shalt  }
0x50: {  	_ =	shalt  }
0x51: {  	_ =	shalt  }
0x52: {  	_ =	shalt  }
0x53: {  	_ =	shalt  }
0x54: {  	_ =	shalt  }
0x55: {  	_ =	shalt  }
0x56: {  	_ =	shalt  }
0x57: {  	_ =	shalt  }
0x58: {  	_ =	shalt  }
0x59: {  	_ =	shalt  }
0x5a: {  	_ =	shalt  }
0x5b: {  	_ =	shalt  }
0x5c: {  	_ =	shalt  }
0x5d: {  	_ =	shalt  }
0x5e: {  	_ =	shalt  }
0x5f: {  	_ =	shalt  }
0x60: {  	_ =	shalt  }
0x61: {  	_ =	shalt  }
0x62: {  	_ =	shalt  }
0x63: {  	_ =	shalt  }
0x64: {  	_ =	shalt  }
0x65: {  	_ =	shalt  }
0x66: {  	_ =	shalt  }
0x67: {  	_ =	shalt  }
0x68: {  	_ =	shalt  }
0x69: {  	_ =	shalt  }
0x6a: {  	_ =	shalt  }
0x6b: {  	_ =	shalt  }
0x6c: {  	_ =	shalt  }
0x6d: {  	_ =	shalt  }
0x6e: {  	_ =	shalt  }
0x6f: {  	_ =	shalt  }
0x70: {  	_ =	shalt  }
0x71: {  	_ =	shalt  }
0x72: {  	_ =	shalt  }
0x73: {  	_ =	shalt  }
0x74: {  	_ =	shalt  }
0x75: {  	_ =	shalt  }
0x76: {  	_ =	shalt  }
0x77: {  	_ =	shalt  }
0x78: {  	_ =	shalt  }
0x79: {  	_ =	shalt  }
0x7a: {  	_ =	shalt  }
0x7b: {  	_ =	shalt  }
0x7c: {  	_ =	shalt  }
0x7d: {  	_ =	shalt  }
0x7e: {  	_ =	shalt  }
0x7f: {  	_ =	shalt  }
0x80: {  	_ =	shalt  }
0x81: {  	_ =	shalt  }
0x82: {  	_ =	shalt  }
0x83: {  	_ =	shalt  }
0x84: {  	_ =	shalt  }
0x85: {  	_ =	shalt  }
0x86: {  	_ =	shalt  }
0x87: {  	_ =	shalt  }
.Lfunc_end0:
.L_simem_size_0:
called_computation_lowered:
.L_overlay_start_0:
0x88: {  	s2 =	sld [smem:$0x3FD9]  }
0x89: {  	s3 =	sld [smem:$0x3FFE];
	_ =	sdelay $0x1  }
0x8a: {  	s1 =	srdreg.scid  }
0x8b: {  	s0 =	sand.u32 $0x1, s1  }
0x8c: {  	s17 =	sshll.u32 s0, $0xA;
	s2 =	sadd.s32 s3, s2  }
0x8d: {  	s2 =	sadd.s32 s2, s17  }
0x8e: {  	[smem:$0x3FC2] =	sst s2  }
0x8f: {  	_ = 	snop  }
0x90: {  	s2 =	sld [smem:$0x3FD0];
	(tm) =	ssettm $0x1  }
0x91: {  	s18 =	sld [smem:$0x3FFB];
	_ =	sdelay $0x3  }
0x92: {  	_ =	strace s18  }
0x93: {  	s3 =	sld [smem:$0x3FFC];
	_ =	sdelay $0x3  }
0x94: {  	_ =	strace s3  }
0x95: {  	s3 =	sld [smem:$0x3FFD];
	_ =	sdelay $0x3  }
0x96: {  	_ =	strace s3  }
0x97: {  	_ =	strace $0x8FFFFFFF  }
0x98: {  	s19 =	sld [smem:$0x3FDB];
	_ =	sdelay $0x1  }
0x99: {  	s4 =	simm.s32 $_scs_section_size  }
0x9a: {  	s5 =	simm.s32 $_size__tile_overlayer_lowered;
	s6 =	simm.s32 $_tile_overlayer_lowered  }
0x9b: {  	s22 =	simm.s32 $0x1BFF;
	s21 =	sshll.u32 s6, $0x1;
	s3 =	sadd.s32 s4, s19  }
0x9c: {  	s7 =	simm.s32 $0x0;
	s20 =	sshll.u32 s5, $0x1;
	s5 =	sadd.s32 s21, s3  }
0x9d: {  	[timem:s7], [sflag:s22] =	dma.local [hbm:s5], s20  }
0x9e: {  	_ =	swait.ge [sflag:s22], s20  }
0x9f: {  	s4 =	ssub.s32 $0x0, s20;
	[sflag:s22] =	ssyncset.done $0x0  }
0xa0: {  	[sflag:s22] =	ssyncadd.s32 s4;
	_ =	sdelay $0x1  }
0xa1: {  	s23 =	simm.s32 $0x1B8B  }
0xa2: {  	_ =	swait.ge [sflag:s23], $0x1  }
0xa3: {  	[sflag:s23] =	ssyncset.done $0x0  }
0xa4: {  	s25 =	simm.s32 $0x1B8E;
	s24 =	sld [smem:$0x3FFE];
	[sflag:s23] =	ssyncadd.s32 $0xFFFFFFFF  }
0xa5: {  	s26 =	simm.s32 $execute0_lowered;
	[smem:$0x3FD2] =	sst s25  }
0xa6: {  	s5 =	sshll.u32 s26, $0x1;
	_ =	strace $0x80000046;
	[dreg:$0x1] =	wrdreg $0xFFFFFFFF  }
0xa7: {  	s28 =	simm.s32 $_size_execute0_lowered;
	s3 =	sadd.s32 s3, s5;
	[dreg:$0x0] =	wrdreg $0x0  }
0xa8: {  	s5 =	sshll.u32 s28, $0x1;
	[dreg:$0x2] =	wrdreg s3  }
0xa9: {  	[dreg:$0x3] =	wrdreg s5  }
0xaa: {  	[dreg:$0x4] =	wrdreg $0xC0  }
0xab: {  	_ =	task [dreg:s7], $0x5FFFF  }
0xac: {  	[dreg:$0x1] =	wrdreg $0xFFFFFFFF  }
0xad: {  	[dreg:$0x0] =	wrdreg $0x60  }
0xae: {  	[dreg:$0x2] =	wrdreg s2  }
0xaf: {  	[dreg:$0x3] =	wrdreg s24  }
0xb0: {  	[dreg:$0x4] =	wrdreg $0x1B4480  }
0xb1: {  	[dreg:$0x5] =	wrdreg $0x9  }
0xb2: {  	_ =	task.clear_ibuf [dreg:s7], $0x6FFFF;
	_ =	strace $0x90000046  }
0xb3: {  	s29 =	simm.s32 $0x9;
	_ =	strace $0x80000048  }
0xb4: {  	_ =	swait.ge [sflag:s29], $0x1  }
0xb5: {  	[sflag:s29] =	ssyncadd.s32 $0xFFFFFFFF  }
0xb6: {  	_ =	strace $0x90000048  }
0xb7: {  	_ =	sfence  }
0xb8: {  	s30 =	sld [smem:$0x0];
	_ =	sdelay $0x2  }
0xb9: {  	s31 =	sshll.u32 s1, $0xD;
	s1 =	sshrl.u32 s1, $0x2  }
0xba: {  	s3 =	sand.u32 $0x4000, s31;
	s1 =	sadd.s32 s1, s30  }
0xbb: {  	s0 =	sor.u32 s3, s0;
	s1 =	sshll.u32 s1, $0x11  }
0xbc: {  	s0 =	sor.u32 s1, s0  }
0xbd: {  	s0 =	sadd.s32 $0x8F2B, s0  }
0xbe: {  	[sflag:s0] =	ssyncadd.remote.s32 $0x1  }
0xbf: {  	_ =	sfence.sel $0xFFFF  }
0xc0: {  	[dreg:$0x0] =	wrdreg $0xFFFFFFFF;
	(pc) =	sbr.abs _section_cstart, $3  }
0xc1: {  	[dreg:$0x1] =	wrdreg $0xFFFFFFFF  }
0xc2: {  	_ =	task.clear_ibuf [dreg:s7], $0x2FFFF;
	_ =	strace $0x9FFFFFFF  }
0xc3: {  	(tm) =	ssettm $0x7FFFFFFF  }
tec
execute0_lowered:
.L_overlay_start_1:
0x0: {  	(tag) =	ssettag $0x1  }
0x1: {  	s10 =	rddreg [dreg:$0x0]  }
0x2: {  	s5 =	rddreg [dreg:$0x1]  }
0x3: {  	s1 =	rddreg [dreg:$0x2]  }
0x4: {  	s0 =	rddreg [dreg:$0x3];
	s13 =	stileid.u32  }
0x5: {  	s3 =	srdreg.scid;
	s2 =	simm.s32 $0x0;
	s16 =	simm.s32 $0x1B440  }
0x6: {  	s17 =	simm.s32 $0x11600;
	s19 =	simm.s32 $0x1400;
	s20 =	simm.s32 $0x28000  }
0x7: {  	s21 =	simm.s32 $0x2800;
	s22 =	simm.s32 $0x4;
	s23 =	simm.s32 $0x0  }
0x8: {  	s6 =	smul.u32 $0x2800, s13;
	s4 =	sand.u32 $0x1, s3;
	[smem:$0x7FF] =	sst s2  }
0x9: {  	s14 =	sadd.s32 $0x280200, s5;
	p0 =	sne.s32 s13, $0x0;
	s13 =	simm.s32 $0x1  }
0xa: {  	s3 =	smul.u32 $0x13C0, s4;
	_ =	strace $0x80000047;
	s8 =	sshll.u32 s4, $0x3  }
0xb: {  	s11 =	ssub.s32 $0x2, s4;
	s12 =	smul.u32 $0xA0000, s4;
	s4 =	sadd.s32 $0x280000, s5  }
0xc: {  	s18 =	sshrl.u32 @!p0 s1, $0x3;
	s7 =	sshrl.u32 s6, $0x3;
	s8 =	sadd.s32 s8, s5  }
0xd: {  	s30 =	sshrl.u32 s11, $0x1;
	s7 =	sadd.s32 s7, s5;
	s9 =	sadd.s32 s3, s5  }
0xe: {  	s3 =	sadd.s32 $0x27EC00, s5;
	s15 =	ssub.s32 s11, s30;
	s5 =	sadd.s32 $0x279C00, s7  }
0xf: {  	s31 =	sadd.s32 s6, s12;
	s6 =	sadd.s32 $0x272400, s9;
	s7 =	sadd.s32 $0x272200, s8  }
0x10: {  	s11 =	sshrl.u32 s31, $0x3;
	s12 =	smax.u32 s15, $0x1;
	s15 =	simm.s32 $0x1B400  }
0x11: {  	s8 =	sadd.s32 s10, s11;
	s9 =	sadd.s32 s14, s11;
	s11 =	sadd.s32 $0x280, s11  }
0x12: {  	s10 =	sadd.s32 s10, s11;
	s11 =	sadd.s32 s14, s11;
	s14 =	simm.s32 $0x7800  }
.LBB2_1:
0x13: {  	[tilespmem:s2], [sflag:$0x1] =	stream.linear.gather [hbm4b:s5+s2], $0x2800, $0x38;
	[tilespmem:$0x1BE28] =	vst v63  }
0x14: {  	_ =	swait.ge [sflag:s13], $0x2800  }
0x15: {  	[sflag:s13] =	ssyncset.done $0x0  }
0x16: {  	[sflag:s13] =	ssyncadd.s32 $0xFFFFD800  }
0x17: {  	[tilespmem:s14], [sflag:$0x1] =	stream.linear.gather [hbm4b:s6+s2], $0x9E00, $0x38;
	[tilespmem:$0x1BE28] =	vst v63  }
0x18: {  	_ =	swait.ge [sflag:s13], $0x9E00  }
0x19: {  	[sflag:s13] =	ssyncset.done $0x0  }
0x1a: {  	[sflag:s13] =	ssyncadd.s32 $0xFFFF6200  }
0x1b: {  	[tilespmem:s15], [sflag:$0x1] =	stream.linear.gather [hbm4b:s7+s2], $0x40, $0x38;
	[tilespmem:$0x1BE28] =	vst v63  }
0x1c: {  	_ =	swait.ge [sflag:s13], $0x40  }
0x1d: {  	[sflag:s13] =	ssyncset.done $0x0  }
0x1e: {  	[sflag:s13] =	ssyncadd.s32 $0xFFFFFFC0  }
0x1f: {  	[tilespmem:s16], [sflag:$0x1] =	stream.linear.gather [hbm4b:s4+s2], $0x8, $0x38;
	[tilespmem:$0x1BE28] =	vst v63  }
0x20: {  	_ =	swait.ge [sflag:s13], $0x8  }
0x21: {  	[sflag:s13] =	ssyncset.done $0x0  }
0x22: {  	[sflag:s13] =	ssyncadd.s32 $0xFFFFFFF8  }
0x23: {  	[tilespmem:s17], [sflag:$0x1] =	stream.linear.gather [hbm4b:s3+s2], $0x9E00, $0x38;
	[tilespmem:$0x1BE28] =	vst v63  }
0x24: {  	_ =	swait.ge [sflag:s13], $0x9E00  }
0x25: {  	[sflag:s13] =	ssyncset.done $0x0  }
0x26: {  	s24 =	simm.s32 @!p0 $0x1C01;
	[sflag:s13] =	ssyncadd.s32 $0xFFFF6200  }
0x27: {  	[spmem:s18], [sflag:s24] =	dma.local @!p0 [hbm:s3], $0x13C0  }
0x28: {  	s24 =	simm.s32 @!p0 $0x1  }
0x29: {  	_ =	swait.ge @!p0 [sflag:s24], $0x13C0  }
0x2a: {  	[sflag:s24] =	ssyncset.done @!p0 $0x0  }
0x2b: {  	[sflag:s24] =	ssyncadd.s32 @!p0 $0xFFFFEC40  }
0x2c: {  	[bflag:$0x0] =	sbarrier.arrive $0xFFFF  }
0x2d: {  	[tilespmem:s21], [sflag:$0x1] =	stream.strided.gather [hbm4b:s8+s19], $0x5000, s20, s19, $0x38;
	[tilespmem:$0x1BE28] =	vst v63  }
0x2e: {  	_ =	swait.ge [sflag:s13], $0x5000  }
0x2f: {  	[sflag:s13] =	ssyncset.done $0x0  }
0x30: {  	s26 =	simm.s32 $0x0;
	[sflag:s13] =	ssyncadd.s32 $0xFFFFB000  }
0x31: {  	v0 =	vld [tilespmem:s26+$0x0];
	_ =	sdelay $0x6  }
0x32: {  	v2 =	vld [tilespmem:s26+$0x2800]  }
0x33: {  	v1 =	vld.idx.msk [tilespmem:v0+s14+$0x0], $0xffff;
	_ =	sdelay $0x4  }
0x34: {  	v1 =	vadd.f32 v1, v2;
	v2 =	vld [tilespmem:$0x1B400];
	_ =	sdelay $0x1  }
0x35: {  	v3 =	vmul.f32 $9.999999770e-03, v1  }
0x36: {  	vm0 =	vgt.f32 v1, $0.0e+00  }
0x37: {  	v1 =	vsel vm0, v1, v3  }
0x38: {  	v1 =	vsub.f32 v1, v2;
	_ =	sdelay $0x1  }
0x39: {  	v1 =	vmul.f32 $1.442695020e+00, v1;
	_ =	sdelay $0x1  }
0x3a: {  	(erf) = vpow2.f32 v1;
	_ =	sdelay $0x6  }
0x3b: {  	v1 =	vadd.s32 $0x2780, v0;
	_ =	sdelay $0x1  }
0x3c: {  	v2 =	vpop (erf)  }
0x3d: {  	[tilespmem:s26+$0x2800] =	vst v2  }
0x3e: {  	[tilespmem:v0+s17+$0x0] =	vst.idx.add.f32.msk $0xffff, v2  }
0x3f: {  	v2 =	vld.idx.msk [tilespmem:v1+s14+$0x0], $0xffff  }
0x40: {  	v3 =	vld [tilespmem:s26+$0x3C00];
	_ =	sdelay $0x4  }
0x41: {  	v2 =	vadd.f32 v2, v3;
	v3 =	vld [tilespmem:$0x1B410];
	_ =	sdelay $0x1  }
0x42: {  	v4 =	vmul.f32 $9.999999770e-03, v2  }
0x43: {  	vm13 =	vgt.f32 v2, $0.0e+00  }
0x44: {  	v2 =	vsel vm13, v2, v4  }
0x45: {  	v2 =	vsub.f32 v2, v3;
	_ =	sdelay $0x1  }
0x46: {  	v2 =	vmul.f32 $1.442695020e+00, v2;
	_ =	sdelay $0x1  }
0x47: {  	(erf) = vpow2.f32 v2;
	_ =	sdelay $0x6  }
0x48: {  	v2 =	vadd.s32 $0x4F00, v0;
	_ =	sdelay $0x1  }
0x49: {  	v3 =	vpop (erf)  }
0x4a: {  	[tilespmem:s26+$0x3C00] =	vst v3  }
0x4b: {  	[tilespmem:v1+s17+$0x0] =	vst.idx.add.f32.msk $0xffff, v3  }
0x4c: {  	v1 =	vld.idx.msk [tilespmem:v2+s14+$0x0], $0xffff  }
0x4d: {  	v3 =	vld [tilespmem:s26+$0x5000];
	_ =	sdelay $0x4  }
0x4e: {  	v1 =	vadd.f32 v1, v3;
	v3 =	vld [tilespmem:$0x1B420];
	_ =	sdelay $0x1  }
0x4f: {  	v63 =	vmul.f32 $9.999999770e-03, v1  }
0x50: {  	vm14 =	vgt.f32 v1, $0.0e+00  }
0x51: {  	v1 =	vsel vm14, v1, v63  }
0x52: {  	v1 =	vsub.f32 v1, v3;
	_ =	sdelay $0x1  }
0x53: {  	v1 =	vmul.f32 $1.442695020e+00, v1;
	_ =	sdelay $0x1  }
0x54: {  	(erf) = vpow2.f32 v1;
	_ =	sdelay $0x6  }
0x55: {  	v0 =	vadd.s32 $0x7680, v0;
	_ =	sdelay $0x1  }
0x56: {  	v1 =	vpop (erf)  }
0x57: {  	[tilespmem:s26+$0x5000] =	vst v1  }
0x58: {  	[tilespmem:v2+s17+$0x0] =	vst.idx.add.f32.msk $0xffff, v1  }
0x59: {  	v1 =	vld.idx.msk [tilespmem:v0+s14+$0x0], $0xffff  }
0x5a: {  	v2 =	vld [tilespmem:s26+$0x6400];
	_ =	sdelay $0x4  }
0x5b: {  	v3 =	vld [tilespmem:$0x1B430];
	v1 =	vadd.f32 v1, v2;
	_ =	sdelay $0x1  }
0x5c: {  	v2 =	vmul.f32 $9.999999770e-03, v1  }
0x5d: {  	vm15 =	vgt.f32 v1, $0.0e+00  }
0x5e: {  	v1 =	vsel vm15, v1, v2  }
0x5f: {  	v1 =	vsub.f32 v1, v3;
	_ =	sdelay $0x1  }
0x60: {  	v1 =	vmul.f32 $1.442695020e+00, v1;
	_ =	sdelay $0x1  }
0x61: {  	(erf) = vpow2.f32 v1;
	_ =	sdelay $0x8  }
0x62: {  	v1 =	vpop (erf)  }
0x63: {  	s25 =	simm.s32 $0x80;
	s24 =	simm.s32 $0x40;
	[tilespmem:s26+$0x6400] =	vst v1  }
.LBB2_2:
0x64: {  	p1 =	sne.s32 s25, $0x4FC0  }
0x65: {  	s26 =	sshra.s32 s24, $0x2;
	[tilespmem:v0+s17+$0x0] =	vst.idx.add.f32.msk $0xffff, v1;
	s24 =	smov.u32 s25;
	s25 =	sadd.s32 $0x40, s25  }
0x66: {  	v0 =	vld [tilespmem:s26+$0x0];
	_ =	sdelay $0x7  }
0x67: {  	v1 =	vld.idx.msk [tilespmem:v0+s14+$0x0], $0xffff  }
0x68: {  	v2 =	vld [tilespmem:s26+$0x2800];
	_ =	sdelay $0x4  }
0x69: {  	v1 =	vadd.f32 v1, v2;
	v2 =	vld [tilespmem:$0x1B400];
	_ =	sdelay $0x1  }
0x6a: {  	v3 =	vmul.f32 $9.999999770e-03, v1  }
0x6b: {  	vm0 =	vgt.f32 v1, $0.0e+00  }
0x6c: {  	v1 =	vsel vm0, v1, v3  }
0x6d: {  	v1 =	vsub.f32 v1, v2;
	_ =	sdelay $0x1  }
0x6e: {  	v1 =	vmul.f32 $1.442695020e+00, v1;
	_ =	sdelay $0x1  }
0x6f: {  	(erf) = vpow2.f32 v1;
	_ =	sdelay $0x6  }
0x70: {  	v1 =	vadd.s32 $0x2780, v0;
	_ =	sdelay $0x1  }
0x71: {  	v2 =	vpop (erf)  }
0x72: {  	[tilespmem:s26+$0x2800] =	vst v2  }
0x73: {  	[tilespmem:v0+s17+$0x0] =	vst.idx.add.f32.msk $0xffff, v2  }
0x74: {  	v2 =	vld.idx.msk [tilespmem:v1+s14+$0x0], $0xffff  }
0x75: {  	v3 =	vld [tilespmem:s26+$0x3C00];
	_ =	sdelay $0x4  }
0x76: {  	v2 =	vadd.f32 v2, v3;
	v3 =	vld [tilespmem:$0x1B410];
	_ =	sdelay $0x1  }
0x77: {  	v4 =	vmul.f32 $9.999999770e-03, v2  }
0x78: {  	vm0 =	vgt.f32 v2, $0.0e+00  }
0x79: {  	v2 =	vsel vm0, v2, v4  }
0x7a: {  	v2 =	vsub.f32 v2, v3;
	_ =	sdelay $0x1  }
0x7b: {  	v2 =	vmul.f32 $1.442695020e+00, v2;
	_ =	sdelay $0x1  }
0x7c: {  	(erf) = vpow2.f32 v2;
	_ =	sdelay $0x6  }
0x7d: {  	v2 =	vadd.s32 $0x4F00, v0;
	_ =	sdelay $0x1  }
0x7e: {  	v3 =	vpop (erf)  }
0x7f: {  	[tilespmem:s26+$0x3C00] =	vst v3  }
0x80: {  	[tilespmem:v1+s17+$0x0] =	vst.idx.add.f32.msk $0xffff, v3  }
0x81: {  	v1 =	vld.idx.msk [tilespmem:v2+s14+$0x0], $0xffff  }
0x82: {  	v3 =	vld [tilespmem:s26+$0x5000];
	_ =	sdelay $0x4  }
0x83: {  	v1 =	vadd.f32 v1, v3;
	v3 =	vld [tilespmem:$0x1B420];
	_ =	sdelay $0x1  }
0x84: {  	v4 =	vmul.f32 $9.999999770e-03, v1  }
0x85: {  	vm0 =	vgt.f32 v1, $0.0e+00  }
0x86: {  	v1 =	vsel vm0, v1, v4  }
0x87: {  	v1 =	vsub.f32 v1, v3;
	_ =	sdelay $0x1  }
0x88: {  	v1 =	vmul.f32 $1.442695020e+00, v1;
	_ =	sdelay $0x1  }
0x89: {  	(erf) = vpow2.f32 v1;
	_ =	sdelay $0x6  }
0x8a: {  	v0 =	vadd.s32 $0x7680, v0;
	_ =	sdelay $0x1  }
0x8b: {  	v1 =	vpop (erf)  }
0x8c: {  	[tilespmem:s26+$0x5000] =	vst v1  }
0x8d: {  	[tilespmem:v2+s17+$0x0] =	vst.idx.add.f32.msk $0xffff, v1  }
0x8e: {  	v1 =	vld.idx.msk [tilespmem:v0+s14+$0x0], $0xffff  }
0x8f: {  	v2 =	vld [tilespmem:s26+$0x6400]  }
0x90: {  	v3 =	vld [tilespmem:$0x1B430];
	_ =	sdelay $0x3  }
0x91: {  	v1 =	vadd.f32 v1, v2;
	_ =	sdelay $0x1  }
0x92: {  	v2 =	vmul.f32 $9.999999770e-03, v1  }
0x93: {  	vm0 =	vgt.f32 v1, $0.0e+00  }
0x94: {  	v1 =	vsel vm0, v1, v2  }
0x95: {  	v1 =	vsub.f32 v1, v3;
	_ =	sdelay $0x1  }
0x96: {  	v1 =	vmul.f32 $1.442695020e+00, v1;
	_ =	sdelay $0x1  }
0x97: {  	(erf) = vpow2.f32 v1;
	_ =	sdelay $0x5  }
.Ltmp0:
0x98: {  	(pc) =	sbr.rel @p1 .LBB2_2-.Ltmp0, $3  }
0x99: {  	_ =	sdelay $0x1  }
0x9a: {  	v1 =	vpop (erf)  }
0x9b: {  	[tilespmem:s26+$0x6400] =	vst v1  }
0x9c: {  	_ =	sdelay $0x3  }
0x9d: {  	s24 =	sshra.s32 s24, $0x2;
	[tilespmem:v0+s17+$0x0] =	vst.idx.add.f32.msk $0xffff, v1  }
0x9e: {  	v0 =	vld [tilespmem:s24+$0x0];
	_ =	sdelay $0x6  }
0x9f: {  	v2 =	vld [tilespmem:s24+$0x2800]  }
0xa0: {  	v1 =	vld.idx.msk [tilespmem:v0+s14+$0x0], $0xffff;
	_ =	sdelay $0x4  }
0xa1: {  	v1 =	vadd.f32 v1, v2;
	v2 =	vld [tilespmem:$0x1B400];
	_ =	sdelay $0x1  }
0xa2: {  	v3 =	vmul.f32 $9.999999770e-03, v1  }
0xa3: {  	vm0 =	vgt.f32 v1, $0.0e+00  }
0xa4: {  	v1 =	vsel vm0, v1, v3  }
0xa5: {  	v1 =	vsub.f32 v1, v2;
	_ =	sdelay $0x1  }
0xa6: {  	v1 =	vmul.f32 $1.442695020e+00, v1;
	_ =	sdelay $0x1  }
0xa7: {  	(erf) = vpow2.f32 v1;
	_ =	sdelay $0x6  }
0xa8: {  	v1 =	vadd.s32 $0x2780, v0;
	_ =	sdelay $0x1  }
0xa9: {  	v2 =	vpop (erf)  }
0xaa: {  	[tilespmem:s24+$0x2800] =	vst v2  }
0xab: {  	[tilespmem:v0+s17+$0x0] =	vst.idx.add.f32.msk $0xffff, v2  }
0xac: {  	v2 =	vld.idx.msk [tilespmem:v1+s14+$0x0], $0xffff  }
0xad: {  	v3 =	vld [tilespmem:s24+$0x3C00];
	_ =	sdelay $0x4  }
0xae: {  	v2 =	vadd.f32 v2, v3;
	v3 =	vld [tilespmem:$0x1B410];
	_ =	sdelay $0x1  }
0xaf: {  	v4 =	vmul.f32 $9.999999770e-03, v2  }
0xb0: {  	vm9 =	vgt.f32 v2, $0.0e+00  }
0xb1: {  	v2 =	vsel vm9, v2, v4  }
0xb2: {  	v2 =	vsub.f32 v2, v3;
	_ =	sdelay $0x1  }
0xb3: {  	v2 =	vmul.f32 $1.442695020e+00, v2;
	_ =	sdelay $0x1  }
0xb4: {  	(erf) = vpow2.f32 v2;
	_ =	sdelay $0x6  }
0xb5: {  	v2 =	vadd.s32 $0x4F00, v0;
	_ =	sdelay $0x1  }
0xb6: {  	v3 =	vpop (erf)  }
0xb7: {  	[tilespmem:s24+$0x3C00] =	vst v3  }
0xb8: {  	[tilespmem:v1+s17+$0x0] =	vst.idx.add.f32.msk $0xffff, v3  }
0xb9: {  	v1 =	vld.idx.msk [tilespmem:v2+s14+$0x0], $0xffff  }
0xba: {  	v3 =	vld [tilespmem:s24+$0x5000];
	_ =	sdelay $0x4  }
0xbb: {  	v1 =	vadd.f32 v1, v3;
	v3 =	vld [tilespmem:$0x1B420];
	_ =	sdelay $0x1  }
0xbc: {  	v61 =	vmul.f32 $9.999999770e-03, v1  }
0xbd: {  	vm10 =	vgt.f32 v1, $0.0e+00  }
0xbe: {  	v1 =	vsel vm10, v1, v61  }
0xbf: {  	v1 =	vsub.f32 v1, v3;
	_ =	sdelay $0x1  }
0xc0: {  	v1 =	vmul.f32 $1.442695020e+00, v1;
	_ =	sdelay $0x1  }
0xc1: {  	(erf) = vpow2.f32 v1;
	_ =	sdelay $0x6  }
0xc2: {  	v0 =	vadd.s32 $0x7680, v0;
	_ =	sdelay $0x1  }
0xc3: {  	v1 =	vpop (erf)  }
0xc4: {  	[tilespmem:s24+$0x5000] =	vst v1  }
0xc5: {  	[tilespmem:v2+s17+$0x0] =	vst.idx.add.f32.msk $0xffff, v1  }
0xc6: {  	v1 =	vld.idx.msk [tilespmem:v0+s14+$0x0], $0xffff  }
0xc7: {  	v2 =	vld [tilespmem:s24+$0x6400];
	_ =	sdelay $0x4  }
0xc8: {  	v3 =	vld [tilespmem:$0x1B430];
	v1 =	vadd.f32 v1, v2;
	_ =	sdelay $0x1  }
0xc9: {  	v2 =	vmul.f32 $9.999999770e-03, v1  }
0xca: {  	vm11 =	vgt.f32 v1, $0.0e+00  }
0xcb: {  	v1 =	vsel vm11, v1, v2  }
0xcc: {  	v1 =	vsub.f32 v1, v3;
	_ =	sdelay $0x1  }
0xcd: {  	v1 =	vmul.f32 $1.442695020e+00, v1;
	_ =	sdelay $0x1  }
0xce: {  	(erf) = vpow2.f32 v1;
	_ =	sdelay $0x8  }
0xcf: {  	v1 =	vpop (erf)  }
0xd0: {  	[tilespmem:s24+$0x6400] =	vst v1  }
0xd1: {  	[tilespmem:v0+s17+$0x0] =	vst.idx.add.f32.msk $0xffff, v1  }
0xd2: {  	[hbm4b:s9+s19] =	stream.strided.scatter [tilespmem:s21], [sflag:$0x1], $0x5000, s20, s19, $0x38;
	[tilespmem:$0x1BE28] =	vst v63  }
0xd3: {  	_ =	swait.ge [sflag:s13], $0x5000  }
0xd4: {  	[sflag:s13] =	ssyncset.done $0x0  }
0xd5: {  	[sflag:s13] =	ssyncadd.s32 $0xFFFFB000  }
0xd6: {  	[tilespmem:s21], [sflag:$0x1] =	stream.strided.gather [hbm4b:s10+s19], $0x5000, s20, s19, $0x38;
	[tilespmem:$0x1BE28] =	vst v63  }
0xd7: {  	_ =	swait.ge [sflag:s13], $0x5000  }
0xd8: {  	[sflag:s13] =	ssyncset.done $0x0  }
0xd9: {  	s26 =	simm.s32 $0x0;
	[sflag:s13] =	ssyncadd.s32 $0xFFFFB000  }
0xda: {  	v0 =	vld [tilespmem:s26+$0x1400];
	_ =	sdelay $0x6  }
0xdb: {  	v2 =	vld [tilespmem:s26+$0x2800]  }
0xdc: {  	v1 =	vld.idx.msk [tilespmem:v0+s14+$0x0], $0xffff;
	_ =	sdelay $0x4  }
0xdd: {  	v1 =	vadd.f32 v1, v2;
	v2 =	vld [tilespmem:$0x1B400];
	_ =	sdelay $0x1  }
0xde: {  	v3 =	vmul.f32 $9.999999770e-03, v1  }
0xdf: {  	vm12 =	vgt.f32 v1, $0.0e+00  }
0xe0: {  	v1 =	vsel vm12, v1, v3  }
0xe1: {  	v1 =	vsub.f32 v1, v2;
	_ =	sdelay $0x1  }
0xe2: {  	v1 =	vmul.f32 $1.442695020e+00, v1;
	_ =	sdelay $0x1  }
0xe3: {  	(erf) = vpow2.f32 v1;
	_ =	sdelay $0x6  }
0xe4: {  	v1 =	vadd.s32 $0x2780, v0;
	_ =	sdelay $0x1  }
0xe5: {  	v2 =	vpop (erf)  }
0xe6: {  	[tilespmem:s26+$0x2800] =	vst v2  }
0xe7: {  	[tilespmem:v0+s17+$0x0] =	vst.idx.add.f32.msk $0xffff, v2  }
0xe8: {  	v2 =	vld.idx.msk [tilespmem:v1+s14+$0x0], $0xffff  }
0xe9: {  	v3 =	vld [tilespmem:s26+$0x3C00];
	_ =	sdelay $0x4  }
0xea: {  	v2 =	vadd.f32 v2, v3;
	v3 =	vld [tilespmem:$0x1B410];
	_ =	sdelay $0x1  }
0xeb: {  	v62 =	vmul.f32 $9.999999770e-03, v2  }
0xec: {  	vm13 =	vgt.f32 v2, $0.0e+00  }
0xed: {  	v2 =	vsel vm13, v2, v62  }
0xee: {  	v2 =	vsub.f32 v2, v3;
	_ =	sdelay $0x1  }
0xef: {  	v2 =	vmul.f32 $1.442695020e+00, v2;
	_ =	sdelay $0x1  }
0xf0: {  	(erf) = vpow2.f32 v2;
	_ =	sdelay $0x6  }
0xf1: {  	v2 =	vadd.s32 $0x4F00, v0;
	_ =	sdelay $0x1  }
0xf2: {  	v3 =	vpop (erf)  }
0xf3: {  	[tilespmem:s26+$0x3C00] =	vst v3  }
0xf4: {  	[tilespmem:v1+s17+$0x0] =	vst.idx.add.f32.msk $0xffff, v3  }
0xf5: {  	v1 =	vld.idx.msk [tilespmem:v2+s14+$0x0], $0xffff  }
0xf6: {  	v3 =	vld [tilespmem:s26+$0x5000];
	_ =	sdelay $0x4  }
0xf7: {  	v1 =	vadd.f32 v1, v3;
	v3 =	vld [tilespmem:$0x1B420];
	_ =	sdelay $0x1  }
0xf8: {  	v63 =	vmul.f32 $9.999999770e-03, v1  }
0xf9: {  	vm14 =	vgt.f32 v1, $0.0e+00  }
0xfa: {  	v1 =	vsel vm14, v1, v63  }
0xfb: {  	v1 =	vsub.f32 v1, v3;
	_ =	sdelay $0x1  }
0xfc: {  	v1 =	vmul.f32 $1.442695020e+00, v1;
	_ =	sdelay $0x1  }
0xfd: {  	(erf) = vpow2.f32 v1;
	_ =	sdelay $0x6  }
0xfe: {  	v0 =	vadd.s32 $0x7680, v0;
	_ =	sdelay $0x1  }
0xff: {  	v1 =	vpop (erf)  }
0x100: {  	[tilespmem:s26+$0x5000] =	vst v1  }
0x101: {  	[tilespmem:v2+s17+$0x0] =	vst.idx.add.f32.msk $0xffff, v1  }
0x102: {  	v1 =	vld.idx.msk [tilespmem:v0+s14+$0x0], $0xffff  }
0x103: {  	v2 =	vld [tilespmem:s26+$0x6400];
	_ =	sdelay $0x4  }
0x104: {  	v3 =	vld [tilespmem:$0x1B430];
	v1 =	vadd.f32 v1, v2;
	_ =	sdelay $0x1  }
0x105: {  	v2 =	vmul.f32 $9.999999770e-03, v1  }
0x106: {  	vm15 =	vgt.f32 v1, $0.0e+00  }
0x107: {  	v1 =	vsel vm15, v1, v2  }
0x108: {  	v1 =	vsub.f32 v1, v3;
	_ =	sdelay $0x1  }
0x109: {  	v1 =	vmul.f32 $1.442695020e+00, v1;
	_ =	sdelay $0x1  }
0x10a: {  	(erf) = vpow2.f32 v1;
	_ =	sdelay $0x8  }
0x10b: {  	v1 =	vpop (erf)  }
0x10c: {  	s25 =	simm.s32 $0x80;
	s24 =	simm.s32 $0x40;
	[tilespmem:s26+$0x6400] =	vst v1  }
.LBB2_4:
0x10d: {  	p1 =	sne.s32 s25, $0x4FC0  }
0x10e: {  	s26 =	sshra.s32 s24, $0x2;
	[tilespmem:v0+s17+$0x0] =	vst.idx.add.f32.msk $0xffff, v1;
	s24 =	smov.u32 s25;
	s25 =	sadd.s32 $0x40, s25  }
0x10f: {  	v0 =	vld [tilespmem:s26+$0x1400];
	_ =	sdelay $0x7  }
0x110: {  	v1 =	vld.idx.msk [tilespmem:v0+s14+$0x0], $0xffff  }
0x111: {  	v2 =	vld [tilespmem:s26+$0x2800];
	_ =	sdelay $0x4  }
0x112: {  	v1 =	vadd.f32 v1, v2;
	v2 =	vld [tilespmem:$0x1B400];
	_ =	sdelay $0x1  }
0x113: {  	v3 =	vmul.f32 $9.999999770e-03, v1  }
0x114: {  	vm0 =	vgt.f32 v1, $0.0e+00  }
0x115: {  	v1 =	vsel vm0, v1, v3  }
0x116: {  	v1 =	vsub.f32 v1, v2;
	_ =	sdelay $0x1  }
0x117: {  	v1 =	vmul.f32 $1.442695020e+00, v1;
	_ =	sdelay $0x1  }
0x118: {  	(erf) = vpow2.f32 v1;
	_ =	sdelay $0x6  }
0x119: {  	v1 =	vadd.s32 $0x2780, v0;
	_ =	sdelay $0x1  }
0x11a: {  	v2 =	vpop (erf)  }
0x11b: {  	[tilespmem:s26+$0x2800] =	vst v2  }
0x11c: {  	[tilespmem:v0+s17+$0x0] =	vst.idx.add.f32.msk $0xffff, v2  }
0x11d: {  	v2 =	vld.idx.msk [tilespmem:v1+s14+$0x0], $0xffff  }
0x11e: {  	v3 =	vld [tilespmem:s26+$0x3C00];
	_ =	sdelay $0x4  }
0x11f: {  	v2 =	vadd.f32 v2, v3;
	v3 =	vld [tilespmem:$0x1B410];
	_ =	sdelay $0x1  }
0x120: {  	v4 =	vmul.f32 $9.999999770e-03, v2  }
0x121: {  	vm0 =	vgt.f32 v2, $0.0e+00  }
0x122: {  	v2 =	vsel vm0, v2, v4  }
0x123: {  	v2 =	vsub.f32 v2, v3;
	_ =	sdelay $0x1  }
0x124: {  	v2 =	vmul.f32 $1.442695020e+00, v2;
	_ =	sdelay $0x1  }
0x125: {  	(erf) = vpow2.f32 v2;
	_ =	sdelay $0x6  }
0x126: {  	v2 =	vadd.s32 $0x4F00, v0;
	_ =	sdelay $0x1  }
0x127: {  	v3 =	vpop (erf)  }
0x128: {  	[tilespmem:s26+$0x3C00] =	vst v3  }
0x129: {  	[tilespmem:v1+s17+$0x0] =	vst.idx.add.f32.msk $0xffff, v3  }
0x12a: {  	v1 =	vld.idx.msk [tilespmem:v2+s14+$0x0], $0xffff  }
0x12b: {  	v3 =	vld [tilespmem:s26+$0x5000];
	_ =	sdelay $0x4  }
0x12c: {  	v1 =	vadd.f32 v1, v3;
	v3 =	vld [tilespmem:$0x1B420];
	_ =	sdelay $0x1  }
0x12d: {  	v4 =	vmul.f32 $9.999999770e-03, v1  }
0x12e: {  	vm0 =	vgt.f32 v1, $0.0e+00  }
0x12f: {  	v1 =	vsel vm0, v1, v4  }
0x130: {  	v1 =	vsub.f32 v1, v3;
	_ =	sdelay $0x1  }
0x131: {  	v1 =	vmul.f32 $1.442695020e+00, v1;
	_ =	sdelay $0x1  }
0x132: {  	(erf) = vpow2.f32 v1;
	_ =	sdelay $0x6  }
0x133: {  	v0 =	vadd.s32 $0x7680, v0;
	_ =	sdelay $0x1  }
0x134: {  	v1 =	vpop (erf)  }
0x135: {  	[tilespmem:s26+$0x5000] =	vst v1  }
0x136: {  	[tilespmem:v2+s17+$0x0] =	vst.idx.add.f32.msk $0xffff, v1  }
0x137: {  	v1 =	vld.idx.msk [tilespmem:v0+s14+$0x0], $0xffff  }
0x138: {  	v2 =	vld [tilespmem:s26+$0x6400]  }
0x139: {  	v3 =	vld [tilespmem:$0x1B430];
	_ =	sdelay $0x3  }
0x13a: {  	v1 =	vadd.f32 v1, v2;
	_ =	sdelay $0x1  }
0x13b: {  	v2 =	vmul.f32 $9.999999770e-03, v1  }
0x13c: {  	vm0 =	vgt.f32 v1, $0.0e+00  }
0x13d: {  	v1 =	vsel vm0, v1, v2  }
0x13e: {  	v1 =	vsub.f32 v1, v3;
	_ =	sdelay $0x1  }
0x13f: {  	v1 =	vmul.f32 $1.442695020e+00, v1;
	_ =	sdelay $0x1  }
0x140: {  	(erf) = vpow2.f32 v1;
	_ =	sdelay $0x5  }
.Ltmp1:
0x141: {  	(pc) =	sbr.rel @p1 .LBB2_4-.Ltmp1, $3  }
0x142: {  	_ =	sdelay $0x1  }
0x143: {  	v1 =	vpop (erf)  }
0x144: {  	[tilespmem:s26+$0x6400] =	vst v1  }
0x145: {  	_ =	sdelay $0x3  }
0x146: {  	s24 =	sshra.s32 s24, $0x2;
	[tilespmem:v0+s17+$0x0] =	vst.idx.add.f32.msk $0xffff, v1  }
0x147: {  	v0 =	vld [tilespmem:s24+$0x1400];
	_ =	sdelay $0x6  }
0x148: {  	v2 =	vld [tilespmem:s24+$0x2800]  }
0x149: {  	v1 =	vld.idx.msk [tilespmem:v0+s14+$0x0], $0xffff;
	_ =	sdelay $0x4  }
0x14a: {  	v1 =	vadd.f32 v1, v2;
	v2 =	vld [tilespmem:$0x1B400];
	_ =	sdelay $0x1  }
0x14b: {  	v3 =	vmul.f32 $9.999999770e-03, v1  }
0x14c: {  	vm0 =	vgt.f32 v1, $0.0e+00  }
0x14d: {  	v1 =	vsel vm0, v1, v3  }
0x14e: {  	v1 =	vsub.f32 v1, v2;
	_ =	sdelay $0x1  }
0x14f: {  	v1 =	vmul.f32 $1.442695020e+00, v1;
	_ =	sdelay $0x1  }
0x150: {  	(erf) = vpow2.f32 v1;
	_ =	sdelay $0x6  }
0x151: {  	v1 =	vadd.s32 $0x2780, v0;
	_ =	sdelay $0x1  }
0x152: {  	v2 =	vpop (erf)  }
0x153: {  	[tilespmem:s24+$0x2800] =	vst v2  }
0x154: {  	[tilespmem:v0+s17+$0x0] =	vst.idx.add.f32.msk $0xffff, v2  }
0x155: {  	v2 =	vld.idx.msk [tilespmem:v1+s14+$0x0], $0xffff  }
0x156: {  	v3 =	vld [tilespmem:s24+$0x3C00];
	_ =	sdelay $0x4  }
0x157: {  	v2 =	vadd.f32 v2, v3;
	v3 =	vld [tilespmem:$0x1B410];
	_ =	sdelay $0x1  }
0x158: {  	v4 =	vmul.f32 $9.999999770e-03, v2  }
0x159: {  	vm13 =	vgt.f32 v2, $0.0e+00  }
0x15a: {  	v2 =	vsel vm13, v2, v4  }
0x15b: {  	v2 =	vsub.f32 v2, v3;
	_ =	sdelay $0x1  }
0x15c: {  	v2 =	vmul.f32 $1.442695020e+00, v2;
	_ =	sdelay $0x1  }
0x15d: {  	(erf) = vpow2.f32 v2;
	_ =	sdelay $0x6  }
0x15e: {  	v2 =	vadd.s32 $0x4F00, v0;
	_ =	sdelay $0x1  }
0x15f: {  	v3 =	vpop (erf)  }
0x160: {  	[tilespmem:s24+$0x3C00] =	vst v3  }
0x161: {  	[tilespmem:v1+s17+$0x0] =	vst.idx.add.f32.msk $0xffff, v3  }
0x162: {  	v1 =	vld.idx.msk [tilespmem:v2+s14+$0x0], $0xffff  }
0x163: {  	v3 =	vld [tilespmem:s24+$0x5000];
	_ =	sdelay $0x4  }
0x164: {  	v1 =	vadd.f32 v1, v3;
	v3 =	vld [tilespmem:$0x1B420];
	_ =	sdelay $0x1  }
0x165: {  	v63 =	vmul.f32 $9.999999770e-03, v1  }
0x166: {  	vm14 =	vgt.f32 v1, $0.0e+00  }
0x167: {  	v1 =	vsel vm14, v1, v63  }
0x168: {  	v1 =	vsub.f32 v1, v3;
	_ =	sdelay $0x1  }
0x169: {  	v1 =	vmul.f32 $1.442695020e+00, v1;
	_ =	sdelay $0x1  }
0x16a: {  	(erf) = vpow2.f32 v1;
	_ =	sdelay $0x6  }
0x16b: {  	v0 =	vadd.s32 $0x7680, v0;
	_ =	sdelay $0x1  }
0x16c: {  	v1 =	vpop (erf)  }
0x16d: {  	[tilespmem:s24+$0x5000] =	vst v1  }
0x16e: {  	[tilespmem:v2+s17+$0x0] =	vst.idx.add.f32.msk $0xffff, v1  }
0x16f: {  	v1 =	vld.idx.msk [tilespmem:v0+s14+$0x0], $0xffff  }
0x170: {  	v2 =	vld [tilespmem:s24+$0x6400];
	_ =	sdelay $0x4  }
0x171: {  	v3 =	vld [tilespmem:$0x1B430];
	v1 =	vadd.f32 v1, v2;
	_ =	sdelay $0x1  }
0x172: {  	v2 =	vmul.f32 $9.999999770e-03, v1  }
0x173: {  	vm15 =	vgt.f32 v1, $0.0e+00  }
0x174: {  	v1 =	vsel vm15, v1, v2  }
0x175: {  	v1 =	vsub.f32 v1, v3;
	_ =	sdelay $0x1  }
0x176: {  	v1 =	vmul.f32 $1.442695020e+00, v1;
	_ =	sdelay $0x1  }
0x177: {  	(erf) = vpow2.f32 v1;
	_ =	sdelay $0x8  }
0x178: {  	v1 =	vpop (erf)  }
0x179: {  	[tilespmem:s24+$0x6400] =	vst v1  }
0x17a: {  	[tilespmem:v0+s17+$0x0] =	vst.idx.add.f32.msk $0xffff, v1  }
0x17b: {  	[hbm4b:s11+s19] =	stream.strided.scatter [tilespmem:s21], [sflag:$0x1], $0x5000, s20, s19, $0x38;
	[tilespmem:$0x1BE28] =	vst v63  }
0x17c: {  	_ =	swait.ge [sflag:s13], $0x5000  }
0x17d: {  	[sflag:s13] =	ssyncset.done $0x0  }
0x17e: {  	[sflag:s13] =	ssyncadd.s32 $0xFFFFB000  }
0x17f: {  	[spmem:s1] =	stream.indirect.scatter.add.f32 [tilespmem:s17], [sflag:$0x1], $0x2780, s16, s22, $0xb8;
	[tilespmem:$0x1BE28] =	vst v63  }
0x180: {  	_ =	swait.ge [sflag:s13], $0x9E00  }
0x181: {  	[sflag:s13] =	ssyncset.done $0x0  }
0x182: {  	[sflag:s13] =	ssyncadd.s32 $0xFFFF6200  }
0x183: {  	[bflag:$0x0] =	sbarrier.arrive $0xFFFF  }
0x184: {  	[tilespmem:s14], [sflag:$0x1] =	stream.linear.gather [spmem:s1], $0x9E00, $0x38;
	[tilespmem:$0x1BE28] =	vst v63  }
0x185: {  	_ =	swait.ge [sflag:s13], $0x9E00  }
0x186: {  	[sflag:s13] =	ssyncset.done $0x0  }
0x187: {  	[sflag:s13] =	ssyncadd.s32 $0xFFFF6200  }
0x188: {  	[tilespmem:s21], [sflag:$0x1] =	stream.strided.gather [hbm4b:s9+s19], $0x5000, s20, s19, $0x38;
	[tilespmem:$0x1BE28] =	vst v63  }
0x189: {  	_ =	swait.ge [sflag:s13], $0x5000  }
0x18a: {  	[sflag:s13] =	ssyncset.done $0x0  }
0x18b: {  	s24 =	simm.s32 $0x0;
	[sflag:s13] =	ssyncadd.s32 $0xFFFFB000  }
0x18c: {  	v0 =	vld [tilespmem:s24+$0x0];
	_ =	sdelay $0x7  }
0x18d: {  	v1 =	vld.idx.msk [tilespmem:v0+s14+$0x0], $0xffff;
	_ =	sdelay $0x4  }
0x18e: {  	(erf) = vrcp.f32 v1;
	_ =	sdelay $0x4  }
0x18f: {  	v1 =	vld [tilespmem:s24+$0x2800];
	_ =	sdelay $0x2  }
0x190: {  	v2 =	vadd.s32 $0x2780, v0  }
0x191: {  	v3 =	vpop (erf)  }
0x192: {  	v1 =	vmul.f32 v3, v1;
	_ =	sdelay $0x1  }
0x193: {  	[tilespmem:s24+$0x2800] =	vst v1  }
0x194: {  	v1 =	vld.idx.msk [tilespmem:v2+s14+$0x0], $0xffff;
	_ =	sdelay $0x4  }
0x195: {  	(erf) = vrcp.f32 v1;
	_ =	sdelay $0x4  }
0x196: {  	v1 =	vld [tilespmem:s24+$0x3C00];
	_ =	sdelay $0x2  }
0x197: {  	v2 =	vadd.s32 $0x4F00, v0  }
0x198: {  	v3 =	vpop (erf)  }
0x199: {  	v1 =	vmul.f32 v3, v1;
	_ =	sdelay $0x1  }
0x19a: {  	[tilespmem:s24+$0x3C00] =	vst v1  }
0x19b: {  	v1 =	vld.idx.msk [tilespmem:v2+s14+$0x0], $0xffff;
	_ =	sdelay $0x4  }
0x19c: {  	(erf) = vrcp.f32 v1;
	_ =	sdelay $0x4  }
0x19d: {  	v1 =	vld [tilespmem:s24+$0x5000];
	_ =	sdelay $0x2  }
0x19e: {  	v0 =	vadd.s32 $0x7680, v0  }
0x19f: {  	v2 =	vpop (erf)  }
0x1a0: {  	v1 =	vmul.f32 v2, v1;
	_ =	sdelay $0x1  }
0x1a1: {  	[tilespmem:s24+$0x5000] =	vst v1  }
0x1a2: {  	v0 =	vld.idx.msk [tilespmem:v0+s14+$0x0], $0xffff;
	_ =	sdelay $0x4  }
0x1a3: {  	(erf) = vrcp.f32 v0;
	_ =	sdelay $0x2  }
0x1a4: {  	s26 =	simm.s32 $0x10  }
0x1a5: {  	s25 =	simm.s32 $0x80;
	v0 =	vld [tilespmem:s26+$0x0]  }
.LBB2_6:
0x1a6: {  	p1 =	sne.s32 s25, $0x4FC0;
	v1 =	vld [tilespmem:s24+$0x6400];
	_ =	sdelay $0x3  }
0x1a7: {  	v2 =	vpop (erf)  }
0x1a8: {  	v1 =	vmul.f32 v2, v1;
	_ =	sdelay $0x1  }
0x1a9: {  	[tilespmem:s24+$0x6400] =	vst v1;
	s24 =	smov.u32 s26  }
0x1aa: {  	v1 =	vld.idx.msk [tilespmem:v0+s14+$0x0], $0xffff;
	_ =	sdelay $0x5  }
0x1ab: {  	(erf) = vrcp.f32 v1;
	_ =	sdelay $0x4  }
0x1ac: {  	v1 =	vld [tilespmem:s24+$0x2800];
	_ =	sdelay $0x2  }
0x1ad: {  	v2 =	vadd.s32 $0x2780, v0  }
0x1ae: {  	v3 =	vpop (erf)  }
0x1af: {  	v1 =	vmul.f32 v3, v1;
	_ =	sdelay $0x1  }
0x1b0: {  	[tilespmem:s24+$0x2800] =	vst v1  }
0x1b1: {  	v1 =	vld.idx.msk [tilespmem:v2+s14+$0x0], $0xffff;
	_ =	sdelay $0x5  }
0x1b2: {  	(erf) = vrcp.f32 v1;
	_ =	sdelay $0x4  }
0x1b3: {  	v1 =	vld [tilespmem:s24+$0x3C00];
	_ =	sdelay $0x2  }
0x1b4: {  	v2 =	vadd.s32 $0x4F00, v0  }
0x1b5: {  	v3 =	vpop (erf)  }
0x1b6: {  	v1 =	vmul.f32 v3, v1;
	_ =	sdelay $0x1  }
0x1b7: {  	[tilespmem:s24+$0x3C00] =	vst v1  }
0x1b8: {  	v1 =	vld.idx.msk [tilespmem:v2+s14+$0x0], $0xffff;
	_ =	sdelay $0x5  }
0x1b9: {  	(erf) = vrcp.f32 v1;
	_ =	sdelay $0x4  }
0x1ba: {  	v1 =	vld [tilespmem:s24+$0x5000];
	_ =	sdelay $0x2  }
0x1bb: {  	v0 =	vadd.s32 $0x7680, v0  }
0x1bc: {  	v2 =	vpop (erf)  }
0x1bd: {  	v1 =	vmul.f32 v2, v1;
	_ =	sdelay $0x1  }
0x1be: {  	[tilespmem:s24+$0x5000] =	vst v1  }
0x1bf: {  	v0 =	vld.idx.msk [tilespmem:v0+s14+$0x0], $0xffff;
	_ =	sdelay $0x5  }
.Ltmp2:
0x1c0: {  	(erf) = vrcp.f32 v0;
	(pc) =	sbr.rel @p1 .LBB2_6-.Ltmp2, $3  }
0x1c1: {  	_ =	sdelay $0x1  }
0x1c2: {  	s26 =	sshra.s32 s25, $0x2  }
0x1c3: {  	s25 =	sadd.s32 $0x40, s25;
	v0 =	vld [tilespmem:s26+$0x0]  }
0x1c4: {  	v1 =	vld [tilespmem:s24+$0x6400];
	_ =	sdelay $0x3  }
0x1c5: {  	v2 =	vpop (erf)  }
0x1c6: {  	v1 =	vmul.f32 v2, v1;
	_ =	sdelay $0x1  }
0x1c7: {  	[tilespmem:s24+$0x6400] =	vst v1  }
0x1c8: {  	v1 =	vld.idx.msk [tilespmem:v0+s14+$0x0], $0xffff;
	_ =	sdelay $0x4  }
0x1c9: {  	(erf) = vrcp.f32 v1;
	_ =	sdelay $0x4  }
0x1ca: {  	v1 =	vld [tilespmem:s26+$0x2800];
	_ =	sdelay $0x2  }
0x1cb: {  	v2 =	vadd.s32 $0x2780, v0  }
0x1cc: {  	v3 =	vpop (erf)  }
0x1cd: {  	v1 =	vmul.f32 v3, v1;
	_ =	sdelay $0x1  }
0x1ce: {  	[tilespmem:s26+$0x2800] =	vst v1  }
0x1cf: {  	v1 =	vld.idx.msk [tilespmem:v2+s14+$0x0], $0xffff;
	_ =	sdelay $0x4  }
0x1d0: {  	(erf) = vrcp.f32 v1;
	_ =	sdelay $0x4  }
0x1d1: {  	v1 =	vld [tilespmem:s26+$0x3C00];
	_ =	sdelay $0x2  }
0x1d2: {  	v2 =	vadd.s32 $0x4F00, v0  }
0x1d3: {  	v3 =	vpop (erf)  }
0x1d4: {  	v1 =	vmul.f32 v3, v1;
	_ =	sdelay $0x1  }
0x1d5: {  	[tilespmem:s26+$0x3C00] =	vst v1  }
0x1d6: {  	v1 =	vld.idx.msk [tilespmem:v2+s14+$0x0], $0xffff;
	_ =	sdelay $0x4  }
0x1d7: {  	(erf) = vrcp.f32 v1;
	_ =	sdelay $0x4  }
0x1d8: {  	v1 =	vld [tilespmem:s26+$0x5000];
	_ =	sdelay $0x2  }
0x1d9: {  	v0 =	vadd.s32 $0x7680, v0  }
0x1da: {  	v2 =	vpop (erf)  }
0x1db: {  	v1 =	vmul.f32 v2, v1;
	_ =	sdelay $0x1  }
0x1dc: {  	[tilespmem:s26+$0x5000] =	vst v1  }
0x1dd: {  	v0 =	vld.idx.msk [tilespmem:v0+s14+$0x0], $0xffff;
	_ =	sdelay $0x4  }
0x1de: {  	(erf) = vrcp.f32 v0;
	_ =	sdelay $0x4  }
0x1df: {  	v0 =	vld [tilespmem:s26+$0x6400];
	_ =	sdelay $0x3  }
0x1e0: {  	v1 =	vpop (erf)  }
0x1e1: {  	v0 =	vmul.f32 v1, v0;
	_ =	sdelay $0x1  }
0x1e2: {  	[tilespmem:s26+$0x6400] =	vst v0  }
0x1e3: {  	[hbm4b:s9+s19] =	stream.strided.scatter [tilespmem:s21], [sflag:$0x1], $0x5000, s20, s19, $0x38;
	[tilespmem:$0x1BE28] =	vst v63  }
0x1e4: {  	_ =	swait.ge [sflag:s13], $0x5000  }
0x1e5: {  	[sflag:s13] =	ssyncset.done $0x0  }
0x1e6: {  	[sflag:s13] =	ssyncadd.s32 $0xFFFFB000  }
0x1e7: {  	[tilespmem:s21], [sflag:$0x1] =	stream.strided.gather [hbm4b:s11+s19], $0x5000, s20, s19, $0x38;
	[tilespmem:$0x1BE28] =	vst v63  }
0x1e8: {  	_ =	swait.ge [sflag:s13], $0x5000  }
0x1e9: {  	[sflag:s13] =	ssyncset.done $0x0  }
0x1ea: {  	s24 =	simm.s32 $0x0;
	[sflag:s13] =	ssyncadd.s32 $0xFFFFB000  }
0x1eb: {  	v0 =	vld [tilespmem:s24+$0x1400];
	_ =	sdelay $0x7  }
0x1ec: {  	v1 =	vld.idx.msk [tilespmem:v0+s14+$0x0], $0xffff;
	_ =	sdelay $0x4  }
0x1ed: {  	(erf) = vrcp.f32 v1;
	_ =	sdelay $0x4  }
0x1ee: {  	v1 =	vld [tilespmem:s24+$0x2800];
	_ =	sdelay $0x2  }
0x1ef: {  	v2 =	vadd.s32 $0x2780, v0  }
0x1f0: {  	v3 =	vpop (erf)  }
0x1f1: {  	v1 =	vmul.f32 v3, v1;
	_ =	sdelay $0x1  }
0x1f2: {  	[tilespmem:s24+$0x2800] =	vst v1  }
0x1f3: {  	v1 =	vld.idx.msk [tilespmem:v2+s14+$0x0], $0xffff;
	_ =	sdelay $0x4  }
0x1f4: {  	(erf) = vrcp.f32 v1;
	_ =	sdelay $0x4  }
0x1f5: {  	v1 =	vld [tilespmem:s24+$0x3C00];
	_ =	sdelay $0x2  }
0x1f6: {  	v2 =	vadd.s32 $0x4F00, v0  }
0x1f7: {  	v3 =	vpop (erf)  }
0x1f8: {  	v1 =	vmul.f32 v3, v1;
	_ =	sdelay $0x1  }
0x1f9: {  	[tilespmem:s24+$0x3C00] =	vst v1  }
0x1fa: {  	v1 =	vld.idx.msk [tilespmem:v2+s14+$0x0], $0xffff;
	_ =	sdelay $0x4  }
0x1fb: {  	(erf) = vrcp.f32 v1;
	_ =	sdelay $0x4  }
0x1fc: {  	v1 =	vld [tilespmem:s24+$0x5000];
	_ =	sdelay $0x2  }
0x1fd: {  	v0 =	vadd.s32 $0x7680, v0  }
0x1fe: {  	v2 =	vpop (erf)  }
0x1ff: {  	v1 =	vmul.f32 v2, v1;
	_ =	sdelay $0x1  }
0x200: {  	[tilespmem:s24+$0x5000] =	vst v1  }
0x201: {  	v0 =	vld.idx.msk [tilespmem:v0+s14+$0x0], $0xffff;
	_ =	sdelay $0x4  }
0x202: {  	(erf) = vrcp.f32 v0;
	_ =	sdelay $0x2  }
0x203: {  	s26 =	simm.s32 $0x10  }
0x204: {  	s25 =	simm.s32 $0x80;
	v0 =	vld [tilespmem:s26+$0x1400]  }
.LBB2_8:
0x205: {  	p1 =	sne.s32 s25, $0x4FC0;
	v1 =	vld [tilespmem:s24+$0x6400];
	_ =	sdelay $0x3  }
0x206: {  	v2 =	vpop (erf)  }
0x207: {  	v1 =	vmul.f32 v2, v1;
	_ =	sdelay $0x1  }
0x208: {  	[tilespmem:s24+$0x6400] =	vst v1;
	s24 =	smov.u32 s26  }
0x209: {  	v1 =	vld.idx.msk [tilespmem:v0+s14+$0x0], $0xffff;
	_ =	sdelay $0x5  }
0x20a: {  	(erf) = vrcp.f32 v1;
	_ =	sdelay $0x4  }
0x20b: {  	v1 =	vld [tilespmem:s24+$0x2800];
	_ =	sdelay $0x2  }
0x20c: {  	v2 =	vadd.s32 $0x2780, v0  }
0x20d: {  	v3 =	vpop (erf)  }
0x20e: {  	v1 =	vmul.f32 v3, v1;
	_ =	sdelay $0x1  }
0x20f: {  	[tilespmem:s24+$0x2800] =	vst v1  }
0x210: {  	v1 =	vld.idx.msk [tilespmem:v2+s14+$0x0], $0xffff;
	_ =	sdelay $0x5  }
0x211: {  	(erf) = vrcp.f32 v1;
	_ =	sdelay $0x4  }
0x212: {  	v1 =	vld [tilespmem:s24+$0x3C00];
	_ =	sdelay $0x2  }
0x213: {  	v2 =	vadd.s32 $0x4F00, v0  }
0x214: {  	v3 =	vpop (erf)  }
0x215: {  	v1 =	vmul.f32 v3, v1;
	_ =	sdelay $0x1  }
0x216: {  	[tilespmem:s24+$0x3C00] =	vst v1  }
0x217: {  	v1 =	vld.idx.msk [tilespmem:v2+s14+$0x0], $0xffff;
	_ =	sdelay $0x5  }
0x218: {  	(erf) = vrcp.f32 v1;
	_ =	sdelay $0x4  }
0x219: {  	v1 =	vld [tilespmem:s24+$0x5000];
	_ =	sdelay $0x2  }
0x21a: {  	v0 =	vadd.s32 $0x7680, v0  }
0x21b: {  	v2 =	vpop (erf)  }
0x21c: {  	v1 =	vmul.f32 v2, v1;
	_ =	sdelay $0x1  }
0x21d: {  	[tilespmem:s24+$0x5000] =	vst v1  }
0x21e: {  	v0 =	vld.idx.msk [tilespmem:v0+s14+$0x0], $0xffff;
	_ =	sdelay $0x5  }
.Ltmp3:
0x21f: {  	(erf) = vrcp.f32 v0;
	(pc) =	sbr.rel @p1 .LBB2_8-.Ltmp3, $3  }
0x220: {  	_ =	sdelay $0x1  }
0x221: {  	s26 =	sshra.s32 s25, $0x2  }
0x222: {  	s25 =	sadd.s32 $0x40, s25;
	v0 =	vld [tilespmem:s26+$0x1400]  }
0x223: {  	v1 =	vld [tilespmem:s24+$0x6400];
	_ =	sdelay $0x3  }
0x224: {  	v2 =	vpop (erf)  }
0x225: {  	v1 =	vmul.f32 v2, v1;
	_ =	sdelay $0x1  }
0x226: {  	[tilespmem:s24+$0x6400] =	vst v1  }
0x227: {  	v1 =	vld.idx.msk [tilespmem:v0+s14+$0x0], $0xffff;
	_ =	sdelay $0x4  }
0x228: {  	(erf) = vrcp.f32 v1;
	_ =	sdelay $0x4  }
0x229: {  	v54 =	vld [tilespmem:s26+$0x2800];
	_ =	sdelay $0x2  }
0x22a: {  	v55 =	vadd.s32 $0x2780, v0  }
0x22b: {  	v3 =	vpop (erf)  }
0x22c: {  	v1 =	vmul.f32 v3, v54;
	_ =	sdelay $0x1  }
0x22d: {  	[tilespmem:s26+$0x2800] =	vst v1  }
0x22e: {  	v1 =	vld.idx.msk [tilespmem:v55+s14+$0x0], $0xffff;
	_ =	sdelay $0x4  }
0x22f: {  	(erf) = vrcp.f32 v1;
	_ =	sdelay $0x4  }
0x230: {  	v56 =	vld [tilespmem:s26+$0x3C00];
	_ =	sdelay $0x2  }
0x231: {  	v57 =	vadd.s32 $0x4F00, v0  }
0x232: {  	v58 =	vpop (erf)  }
0x233: {  	v1 =	vmul.f32 v58, v56;
	_ =	sdelay $0x1  }
0x234: {  	[tilespmem:s26+$0x3C00] =	vst v1  }
0x235: {  	v1 =	vld.idx.msk [tilespmem:v57+s14+$0x0], $0xffff;
	_ =	sdelay $0x4  }
0x236: {  	(erf) = vrcp.f32 v1;
	_ =	sdelay $0x4  }
0x237: {  	v59 =	vld [tilespmem:s26+$0x5000];
	_ =	sdelay $0x2  }
0x238: {  	v60 =	vadd.s32 $0x7680, v0  }
0x239: {  	v61 =	vpop (erf)  }
0x23a: {  	v1 =	vmul.f32 v61, v59;
	_ =	sdelay $0x1  }
0x23b: {  	[tilespmem:s26+$0x5000] =	vst v1  }
0x23c: {  	v0 =	vld.idx.msk [tilespmem:v60+s14+$0x0], $0xffff;
	_ =	sdelay $0x4  }
0x23d: {  	(erf) = vrcp.f32 v0;
	_ =	sdelay $0x4  }
0x23e: {  	v62 =	vld [tilespmem:s26+$0x6400];
	_ =	sdelay $0x3  }
0x23f: {  	v63 =	vpop (erf)  }
0x240: {  	s23 =	sadd.s32 $0x1, s23;
	v0 =	vmul.f32 v63, v62  }
0x241: {  	p1 =	sne.s32 s23, s12  }
.Ltmp4:
0x242: {  	[tilespmem:s26+$0x6400] =	vst v0;
	(pc) =	sbr.rel @p1 .LBB2_1-.Ltmp4, $4  }
0x243: {  	[hbm4b:s11+s19] =	stream.strided.scatter [tilespmem:s21], [sflag:$0x1], $0x5000, s20, s19, $0x38;
	[tilespmem:$0x1BE28] =	vst v63  }
0x244: {  	_ =	swait.ge [sflag:s13], $0x5000  }
0x245: {  	[sflag:s13] =	ssyncset.done $0x0  }
0x246: {  	[sflag:s13] =	ssyncadd.s32 $0xFFFFB000  }
0x247: {  	_ =	sfence.sel $0x180000  }
0x248: {  	[bflag:$0x0] =	sbarrier.arrive $0xFFFF  }
0x249: {  	_ =	strace $0x90000047  }
0x24a: {  	s0 =	sadd.s32 @!p0 $0x100000, s0;
	[bflag:$0x2] =	sbarrier.arrive $0xFFFF  }
0x24b: {  	[sflag:s0] =	ssyncadd.tile.s32 @!p0 $0x1;
	_ =	shalt  }
.Lfunc_end2:
_tile_overlayer_lowered:
.L_overlay_start_2:
0x24c: {  	(tag) =	ssettag $0x2  }
0x24d: {  	s0 =	rddreg [dreg:$0x0];
	s2 =	stileid.u32  }
0x24e: {  	s1 =	rddreg [dreg:$0x1];
	p0 =	sne.s32 s2, $0x0  }
0x24f: {  	s3 =	rddreg [dreg:$0x2];
	[bflag:$0x3] =	sbarrier.arrive $0xFFFF;
	s2 =	simm.s32 @!p0 $0x1C01  }
0x250: {  	[timem:s3], [sflag:s2] =	dma.local @!p0 [hbm:s0], s1  }
0x251: {  	s0 =	simm.s32 @!p0 $0x1  }
0x252: {  	_ =	swait.ge @!p0 [sflag:s0], s1  }
0x253: {  	s1 =	ssub.s32 @!p0 $0x0, s1;
	[sflag:s0] =	ssyncset.done @!p0 $0x0  }
0x254: {  	[sflag:s0] =	ssyncadd.s32 @!p0 s1  }
0x255: {  	[bflag:$0x3] =	sbarrier.arrive $0xFFFF  }
0x256: {  	_ =	shalt  }

</sc_bundles>
